<compile_context>
chip_gen: v7x
topology: tpu7x:2x2x1
jax: 0.10.2.dev20260603
libtpu: 0.0.44.dev20260713+nightly
codegen_flags: <defaults>
</compile_context>

<pallas_src>
import functools

import numpy as np
import jax
import jax.numpy as jnp
from jax import lax
from jax.experimental import pallas as pl
from jax.experimental.pallas import tpu as pltpu
from jax.experimental.pallas import tpu_sc as plsc


@functools.lru_cache(maxsize=None)
def _pe_tables_np(S, D, NQ):
    NR = S // NQ
    d = np.arange(D, dtype=np.float64)
    w = np.power(10000.0, -(d - d % 2) / np.float32(D))
    even = (np.arange(D) % 2) == 0
    a = (np.arange(NQ, dtype=np.float64)[:, None] * NR) * w[None, :]
    b = np.arange(NR, dtype=np.float64)[:, None] * w[None, :]
    p1 = np.where(even[None, :], np.sin(a), np.cos(a))
    p2 = np.where(even[None, :], np.cos(a), -np.sin(a))
    q1 = np.cos(b)
    q2 = np.sin(b)
    return (p1.astype(np.float32), p2.astype(np.float32),
            q1.astype(np.float32), q2.astype(np.float32))


def _pe_runtime(S, D, sequences):
    NQ = 32
    p1, p2, q1, q2 = (jnp.asarray(t) for t in _pe_tables_np(S, D, NQ))
    zero = (sequences[0, 0] * 0).astype(jnp.float32)
    pe3 = ((p1[:, None, :] + zero) * q1[None, :, :]
           + p2[:, None, :] * q2[None, :, :])
    return pe3.reshape(S, D)


def _sc_info():
    try:
        info = plsc.get_sparse_core_info()
        return info.num_cores, info.num_subcores
    except Exception:
        return 2, 16


@functools.lru_cache(maxsize=None)
def _build(B, S, V, D):
    NC, NS = _sc_info()
    NW = NC * NS
    assert S % NW == 0
    P = S // NW
    CP = 32
    C = 16
    NB = 5
    AHEAD = NB - 1
    assert P % CP == 0 and CP % C == 0
    NWIN = P // CP
    HP = CP // C
    NCHUNK = NWIN * B * HP
    assert D % 16 == 0
    KV = D // 16
    scale = float(np.sqrt(np.float32(D)))

    def coords(j):
        w0, t = divmod(j, B * HP)
        b, h = divmod(t, HP)
        return w0, b, h

    mesh = plsc.VectorSubcoreMesh(core_axis_name="c", subcore_axis_name="s")

    @functools.partial(
        pl.kernel,
        out_type=jax.ShapeDtypeStruct((B * S, D), jnp.float32),
        mesh=mesh,
        scratch_types=[
            pltpu.VMEM((B, P), jnp.int32),
            pltpu.VMEM((NB, C, D), jnp.float32),
            pltpu.VMEM((CP, D), jnp.float32),
            pltpu.SemaphoreType.DMA((NB,)),
            pltpu.SemaphoreType.DMA((NB,)),
            pltpu.SemaphoreType.DMA,
        ],
    )
    def emb_kernel(seq_hbm, table_hbm, pe_hbm, out_hbm,
                   idx_v, buf, pebuf, gsem, ssem, psem):
        wid = lax.axis_index("s") * NC + lax.axis_index("c")
        wpos = wid * P

        for b in range(B):
            pltpu.sync_copy(seq_hbm.at[b, pl.ds(wpos, P)], idx_v.at[b])

        def issue_pe(w0):
            return pltpu.async_copy(
                pe_hbm.at[pl.ds(wpos + w0 * CP, CP)], pebuf, psem)

        def issue_gather(j):
            w0, b, h = coords(j)
            p = j % NB
            return pltpu.async_copy(
                table_hbm.at[idx_v.at[b, pl.ds(w0 * CP + h * C, C)]],
                buf.at[p], gsem.at[p])

        def compute(j):
            w0, b, h = coords(j)
            p = j % NB

            @plsc.parallel_loop(0, C)
            def _rows(r):
                @plsc.parallel_loop(0, KV, unroll=16)
                def _cols(k):
                    buf[p, r, pl.ds(k * 16, 16)] = (
                        buf[p, r, pl.ds(k * 16, 16)] * scale
                        + pebuf[h * C + r, pl.ds(k * 16, 16)])

        def issue_store(j):
            w0, b, h = coords(j)
            p = j % NB
            return pltpu.async_copy(
                buf.at[p],
                out_hbm.at[pl.ds(b * S + wpos + w0 * CP + h * C, C)],
                ssem.at[p])

        pe_wait = issue_pe(0)
        gats = {j: issue_gather(j) for j in range(AHEAD)}
        stores = {}
        for j in range(NCHUNK):
            w0, _, _ = coords(j)
            if pe_wait is not None and (j == 0 or coords(j - 1)[0] != w0):
                pe_wait.wait()
                pe_wait = None
            gats.pop(j).wait()
            compute(j)
            if j + 1 < NCHUNK and coords(j + 1)[0] != w0:
                pe_wait = issue_pe(w0 + 1)
            stores[j] = issue_store(j)
            nj = j + AHEAD
            if nj < NCHUNK:
                if nj - NB in stores:
                    stores.pop(nj - NB).wait()
                gats[nj] = issue_gather(nj)
        for st in stores.values():
            st.wait()

    return emb_kernel


def kernel(sequences, table):
    B, S = sequences.shape
    V, D = table.shape
    pe = _pe_runtime(S, D, sequences)
    emb_kernel = _build(B, S, V, D)
    out = emb_kernel(sequences.astype(jnp.int32), table, pe)
    return out.reshape(B, S, D)

# --- scband reference (transcript-rebuilt; emitter-appended) ---
"""Pipeline reference for scband-embedding-layer-4750233829968 (READ-ONLY COPY).

The authoritative reference and input builder live on the scoring server;
editing this copy changes nothing except your own understanding.
"""

import jax, jax.numpy as jnp
import numpy as np

VOCAB = 100000
D_MODEL = 1024
B = 4
S = 2048


def positional_encoding(max_len, d_model):
    pos = np.expand_dims(np.arange(0, max_len), axis=1).astype(np.float64)
    index = np.expand_dims(np.arange(0, d_model), axis=0).astype(np.float64)
    pe = pos / np.power(10000, (index - index % 2) / np.float32(d_model))
    pe[:, 0::2] = np.sin(pe[:, 0::2])
    pe[:, 1::2] = np.cos(pe[:, 1::2])
    pe = np.expand_dims(pe, axis=0)
    return jnp.asarray(pe, dtype=jnp.float32)


def setup_inputs(seed: int = 0):
    key = jax.random.key(seed)
    k1, k2 = jax.random.split(key)
    sequences = jax.random.randint(k1, (B, S), 0, VOCAB)
    table = jax.random.normal(k2, (VOCAB, D_MODEL), dtype=jnp.float32) * 0.02
    return {"sequences": sequences, "table": table}


def reference(sequences, table):
    d_model = table.shape[1]
    # embedding lookup scaled by sqrt(d_model)
    emb = jnp.take(table, sequences, axis=0) * jnp.sqrt(jnp.asarray(d_model, dtype=jnp.float32))
    # add sinusoidal positional encoding over the sequence dimension
    pe = positional_encoding(sequences.shape[1], d_model)
    return emb + pe

if __name__ == "__main__":
    import jax
    _d = setup_inputs()
    print(jax.jit(kernel)(*tuple(_d.values())))

</pallas_src>

<mosaic_0001>
#map = affine_map<(d0, d1) -> (0, 0)>
module attributes {stable_mosaic.version = 14 : i64} {
  func.func @emb_kernel(%arg0: i32, %arg1: i32, %arg2: memref<4x2048xi32, #tpu.memory_space<hbm>>, %arg3: memref<100000x1024xf32, #tpu.memory_space<hbm>>, %arg4: memref<2048x1024xf32, #tpu.memory_space<hbm>>, %arg5: memref<8192x1024xf32, #tpu.memory_space<hbm>>, %arg6: memref<4x64xi32, #tpu.memory_space<vmem>>, %arg7: memref<5x16x1024xf32, #tpu.memory_space<vmem>>, %arg8: memref<32x1024xf32, #tpu.memory_space<vmem>>, %arg9: memref<5x!tpu.dma_semaphore, #tpu.memory_space<semaphore_mem>>, %arg10: memref<5x!tpu.dma_semaphore, #tpu.memory_space<semaphore_mem>>, %arg11: memref<!tpu.dma_semaphore, #tpu.memory_space<semaphore_mem>>) attributes {dimension_semantics = [#tpu.dimension_semantics<core_parallel>, #tpu.dimension_semantics<subcore_parallel>], iteration_bounds = array<i64: 2, 16>, scalar_prefetch = 0 : i64, scratch_operands = 6 : i64, tpu.core_type = #tpu.core_type<sc_vector_subcore>, window_params = [{transform_indices = #map}, {transform_indices = #map}, {transform_indices = #map}, {transform_indices = #map}]} {
    %mul3A = arith.constant 2 : i32
    %mul3A_0 = arith.muli %arg1, %mul3A : i32
    %add3A = arith.addi %mul3A_0, %arg0 : i32
    %mul3A_1 = arith.constant 64 : i32
    %mul3A_2 = arith.muli %add3A, %mul3A_1 : i32
    %run_scoped3A = arith.constant 0 : i32
    %run_scoped3A_3 = arith.constant 0 : i32
    "tpu.region"() ({
      %run_scoped3A_1163 = tpu.sem_alloc : memref<!tpu.dma_semaphore, #tpu.memory_space<semaphore_mem>>
      %dma_start3A_1164 = arith.constant 0 : i32
      %dma_start3A_1165 = tpu.memref_slice %arg6[%run_scoped3A_3, %dma_start3A_1164] : memref<4x64xi32, #tpu.memory_space<vmem>> -> memref<1x64xi32, #tpu.memory_space<vmem>>
      %dma_start3A_1166 = tpu.memref_squeeze %dma_start3A_1165 : memref<1x64xi32, #tpu.memory_space<vmem>> -> memref<64xi32, #tpu.memory_space<vmem>>
      %dma_start3A_1167 = tpu.memref_slice %arg2[%run_scoped3A, %mul3A_2] : memref<4x2048xi32, #tpu.memory_space<hbm>> -> memref<1x64xi32, #tpu.memory_space<hbm>>
      %dma_start3A_1168 = tpu.memref_squeeze %dma_start3A_1167 : memref<1x64xi32, #tpu.memory_space<hbm>> -> memref<64xi32, #tpu.memory_space<hbm>>
      %dma_start3A_1169 = arith.constant 0 : i32
      %dma_start3A_1170 = tpu.memref_slice %arg6[%run_scoped3A_3, %dma_start3A_1169] : memref<4x64xi32, #tpu.memory_space<vmem>> -> memref<1x64xi32, #tpu.memory_space<vmem>>
      %dma_start3A_1171 = tpu.memref_squeeze %dma_start3A_1170 : memref<1x64xi32, #tpu.memory_space<vmem>> -> memref<64xi32, #tpu.memory_space<vmem>>
      %dma_start3A_1172 = tpu.memref_slice %arg2[%run_scoped3A, %mul3A_2] : memref<4x2048xi32, #tpu.memory_space<hbm>> -> memref<1x64xi32, #tpu.memory_space<hbm>>
      %dma_start3A_1173 = tpu.memref_squeeze %dma_start3A_1172 : memref<1x64xi32, #tpu.memory_space<hbm>> -> memref<64xi32, #tpu.memory_space<hbm>>
      tpu.enqueue_dma source(%dma_start3A_1173 : memref<64xi32, #tpu.memory_space<hbm>>) target(%dma_start3A_1171 : memref<64xi32, #tpu.memory_space<vmem>>) target_semaphore(%run_scoped3A_1163 : memref<!tpu.dma_semaphore, #tpu.memory_space<semaphore_mem>>)
      %dma_wait3A_1174 = arith.constant 0 : i32
      %dma_wait3A_1175 = tpu.memref_slice %arg6[%run_scoped3A_3, %dma_wait3A_1174] : memref<4x64xi32, #tpu.memory_space<vmem>> -> memref<1x64xi32, #tpu.memory_space<vmem>>
      %dma_wait3A_1176 = tpu.memref_squeeze %dma_wait3A_1175 : memref<1x64xi32, #tpu.memory_space<vmem>> -> memref<64xi32, #tpu.memory_space<vmem>>
      %dma_wait3A_1177 = tpu.memref_slice %arg2[%run_scoped3A, %mul3A_2] : memref<4x2048xi32, #tpu.memory_space<hbm>> -> memref<1x64xi32, #tpu.memory_space<hbm>>
      %dma_wait3A_1178 = tpu.memref_squeeze %dma_wait3A_1177 : memref<1x64xi32, #tpu.memory_space<hbm>> -> memref<64xi32, #tpu.memory_space<hbm>>
      %dma_wait3A_1179 = arith.constant 0 : i32
      %dma_wait3A_1180 = tpu.memref_slice %arg6[%run_scoped3A_3, %dma_wait3A_1179] : memref<4x64xi32, #tpu.memory_space<vmem>> -> memref<1x64xi32, #tpu.memory_space<vmem>>
      %dma_wait3A_1181 = tpu.memref_squeeze %dma_wait3A_1180 : memref<1x64xi32, #tpu.memory_space<vmem>> -> memref<64xi32, #tpu.memory_space<vmem>>
      %dma_wait3A_1182 = tpu.memref_slice %arg2[%run_scoped3A, %mul3A_2] : memref<4x2048xi32, #tpu.memory_space<hbm>> -> memref<1x64xi32, #tpu.memory_space<hbm>>
      %dma_wait3A_1183 = tpu.memref_squeeze %dma_wait3A_1182 : memref<1x64xi32, #tpu.memory_space<hbm>> -> memref<64xi32, #tpu.memory_space<hbm>>
      tpu.wait_dma2 semaphore(%run_scoped3A_1163 : memref<!tpu.dma_semaphore, #tpu.memory_space<semaphore_mem>>) src(%dma_wait3A_1183 : memref<64xi32, #tpu.memory_space<hbm>>) dst(%dma_wait3A_1181 : memref<64xi32, #tpu.memory_space<vmem>>)
      tpu.yield
    }) : () -> ()
    %run_scoped3A_4 = arith.constant 1 : i32
    %run_scoped3A_5 = arith.constant 1 : i32
    "tpu.region"() ({
      %run_scoped3A_1163 = tpu.sem_alloc : memref<!tpu.dma_semaphore, #tpu.memory_space<semaphore_mem>>
      %dma_start3A_1164 = arith.constant 0 : i32
      %dma_start3A_1165 = tpu.memref_slice %arg6[%run_scoped3A_5, %dma_start3A_1164] : memref<4x64xi32, #tpu.memory_space<vmem>> -> memref<1x64xi32, #tpu.memory_space<vmem>>
      %dma_start3A_1166 = tpu.memref_squeeze %dma_start3A_1165 : memref<1x64xi32, #tpu.memory_space<vmem>> -> memref<64xi32, #tpu.memory_space<vmem>>
      %dma_start3A_1167 = tpu.memref_slice %arg2[%run_scoped3A_4, %mul3A_2] : memref<4x2048xi32, #tpu.memory_space<hbm>> -> memref<1x64xi32, #tpu.memory_space<hbm>>
      %dma_start3A_1168 = tpu.memref_squeeze %dma_start3A_1167 : memref<1x64xi32, #tpu.memory_space<hbm>> -> memref<64xi32, #tpu.memory_space<hbm>>
      %dma_start3A_1169 = arith.constant 0 : i32
      %dma_start3A_1170 = tpu.memref_slice %arg6[%run_scoped3A_5, %dma_start3A_1169] : memref<4x64xi32, #tpu.memory_space<vmem>> -> memref<1x64xi32, #tpu.memory_space<vmem>>
      %dma_start3A_1171 = tpu.memref_squeeze %dma_start3A_1170 : memref<1x64xi32, #tpu.memory_space<vmem>> -> memref<64xi32, #tpu.memory_space<vmem>>
      %dma_start3A_1172 = tpu.memref_slice %arg2[%run_scoped3A_4, %mul3A_2] : memref<4x2048xi32, #tpu.memory_space<hbm>> -> memref<1x64xi32, #tpu.memory_space<hbm>>
      %dma_start3A_1173 = tpu.memref_squeeze %dma_start3A_1172 : memref<1x64xi32, #tpu.memory_space<hbm>> -> memref<64xi32, #tpu.memory_space<hbm>>
      tpu.enqueue_dma source(%dma_start3A_1173 : memref<64xi32, #tpu.memory_space<hbm>>) target(%dma_start3A_1171 : memref<64xi32, #tpu.memory_space<vmem>>) target_semaphore(%run_scoped3A_1163 : memref<!tpu.dma_semaphore, #tpu.memory_space<semaphore_mem>>)
      %dma_wait3A_1174 = arith.constant 0 : i32
      %dma_wait3A_1175 = tpu.memref_slice %arg6[%run_scoped3A_5, %dma_wait3A_1174] : memref<4x64xi32, #tpu.memory_space<vmem>> -> memref<1x64xi32, #tpu.memory_space<vmem>>
      %dma_wait3A_1176 = tpu.memref_squeeze %dma_wait3A_1175 : memref<1x64xi32, #tpu.memory_space<vmem>> -> memref<64xi32, #tpu.memory_space<vmem>>
      %dma_wait3A_1177 = tpu.memref_slice %arg2[%run_scoped3A_4, %mul3A_2] : memref<4x2048xi32, #tpu.memory_space<hbm>> -> memref<1x64xi32, #tpu.memory_space<hbm>>
      %dma_wait3A_1178 = tpu.memref_squeeze %dma_wait3A_1177 : memref<1x64xi32, #tpu.memory_space<hbm>> -> memref<64xi32, #tpu.memory_space<hbm>>
      %dma_wait3A_1179 = arith.constant 0 : i32
      %dma_wait3A_1180 = tpu.memref_slice %arg6[%run_scoped3A_5, %dma_wait3A_1179] : memref<4x64xi32, #tpu.memory_space<vmem>> -> memref<1x64xi32, #tpu.memory_space<vmem>>
      %dma_wait3A_1181 = tpu.memref_squeeze %dma_wait3A_1180 : memref<1x64xi32, #tpu.memory_space<vmem>> -> memref<64xi32, #tpu.memory_space<vmem>>
      %dma_wait3A_1182 = tpu.memref_slice %arg2[%run_scoped3A_4, %mul3A_2] : memref<4x2048xi32, #tpu.memory_space<hbm>> -> memref<1x64xi32, #tpu.memory_space<hbm>>
      %dma_wait3A_1183 = tpu.memref_squeeze %dma_wait3A_1182 : memref<1x64xi32, #tpu.memory_space<hbm>> -> memref<64xi32, #tpu.memory_space<hbm>>
      tpu.wait_dma2 semaphore(%run_scoped3A_1163 : memref<!tpu.dma_semaphore, #tpu.memory_space<semaphore_mem>>) src(%dma_wait3A_1183 : memref<64xi32, #tpu.memory_space<hbm>>) dst(%dma_wait3A_1181 : memref<64xi32, #tpu.memory_space<vmem>>)
      tpu.yield
    }) : () -> ()
    %run_scoped3A_6 = arith.constant 2 : i32
    %run_scoped3A_7 = arith.constant 2 : i32
    "tpu.region"() ({
      %run_scoped3A_1163 = tpu.sem_alloc : memref<!tpu.dma_semaphore, #tpu.memory_space<semaphore_mem>>
      %dma_start3A_1164 = arith.constant 0 : i32
      %dma_start3A_1165 = tpu.memref_slice %arg6[%run_scoped3A_7, %dma_start3A_1164] : memref<4x64xi32, #tpu.memory_space<vmem>> -> memref<1x64xi32, #tpu.memory_space<vmem>>
      %dma_start3A_1166 = tpu.memref_squeeze %dma_start3A_1165 : memref<1x64xi32, #tpu.memory_space<vmem>> -> memref<64xi32, #tpu.memory_space<vmem>>
      %dma_start3A_1167 = tpu.memref_slice %arg2[%run_scoped3A_6, %mul3A_2] : memref<4x2048xi32, #tpu.memory_space<hbm>> -> memref<1x64xi32, #tpu.memory_space<hbm>>
      %dma_start3A_1168 = tpu.memref_squeeze %dma_start3A_1167 : memref<1x64xi32, #tpu.memory_space<hbm>> -> memref<64xi32, #tpu.memory_space<hbm>>
      %dma_start3A_1169 = arith.constant 0 : i32
      %dma_start3A_1170 = tpu.memref_slice %arg6[%run_scoped3A_7, %dma_start3A_1169] : memref<4x64xi32, #tpu.memory_space<vmem>> -> memref<1x64xi32, #tpu.memory_space<vmem>>
      %dma_start3A_1171 = tpu.memref_squeeze %dma_start3A_1170 : memref<1x64xi32, #tpu.memory_space<vmem>> -> memref<64xi32, #tpu.memory_space<vmem>>
      %dma_start3A_1172 = tpu.memref_slice %arg2[%run_scoped3A_6, %mul3A_2] : memref<4x2048xi32, #tpu.memory_space<hbm>> -> memref<1x64xi32, #tpu.memory_space<hbm>>
      %dma_start3A_1173 = tpu.memref_squeeze %dma_start3A_1172 : memref<1x64xi32, #tpu.memory_space<hbm>> -> memref<64xi32, #tpu.memory_space<hbm>>
      tpu.enqueue_dma source(%dma_start3A_1173 : memref<64xi32, #tpu.memory_space<hbm>>) target(%dma_start3A_1171 : memref<64xi32, #tpu.memory_space<vmem>>) target_semaphore(%run_scoped3A_1163 : memref<!tpu.dma_semaphore, #tpu.memory_space<semaphore_mem>>)
      %dma_wait3A_1174 = arith.constant 0 : i32
      %dma_wait3A_1175 = tpu.memref_slice %arg6[%run_scoped3A_7, %dma_wait3A_1174] : memref<4x64xi32, #tpu.memory_space<vmem>> -> memref<1x64xi32, #tpu.memory_space<vmem>>
      %dma_wait3A_1176 = tpu.memref_squeeze %dma_wait3A_1175 : memref<1x64xi32, #tpu.memory_space<vmem>> -> memref<64xi32, #tpu.memory_space<vmem>>
      %dma_wait3A_1177 = tpu.memref_slice %arg2[%run_scoped3A_6, %mul3A_2] : memref<4x2048xi32, #tpu.memory_space<hbm>> -> memref<1x64xi32, #tpu.memory_space<hbm>>
      %dma_wait3A_1178 = tpu.memref_squeeze %dma_wait3A_1177 : memref<1x64xi32, #tpu.memory_space<hbm>> -> memref<64xi32, #tpu.memory_space<hbm>>
      %dma_wait3A_1179 = arith.constant 0 : i32
      %dma_wait3A_1180 = tpu.memref_slice %arg6[%run_scoped3A_7, %dma_wait3A_1179] : memref<4x64xi32, #tpu.memory_space<vmem>> -> memref<1x64xi32, #tpu.memory_space<vmem>>
      %dma_wait3A_1181 = tpu.memref_squeeze %dma_wait3A_1180 : memref<1x64xi32, #tpu.memory_space<vmem>> -> memref<64xi32, #tpu.memory_space<vmem>>
      %dma_wait3A_1182 = tpu.memref_slice %arg2[%run_scoped3A_6, %mul3A_2] : memref<4x2048xi32, #tpu.memory_space<hbm>> -> memref<1x64xi32, #tpu.memory_space<hbm>>
      %dma_wait3A_1183 = tpu.memref_squeeze %dma_wait3A_1182 : memref<1x64xi32, #tpu.memory_space<hbm>> -> memref<64xi32, #tpu.memory_space<hbm>>
      tpu.wait_dma2 semaphore(%run_scoped3A_1163 : memref<!tpu.dma_semaphore, #tpu.memory_space<semaphore_mem>>) src(%dma_wait3A_1183 : memref<64xi32, #tpu.memory_space<hbm>>) dst(%dma_wait3A_1181 : memref<64xi32, #tpu.memory_space<vmem>>)
      tpu.yield
    }) : () -> ()
    %run_scoped3A_8 = arith.constant 3 : i32
    %run_scoped3A_9 = arith.constant 3 : i32
    "tpu.region"() ({
      %run_scoped3A_1163 = tpu.sem_alloc : memref<!tpu.dma_semaphore, #tpu.memory_space<semaphore_mem>>
      %dma_start3A_1164 = arith.constant 0 : i32
      %dma_start3A_1165 = tpu.memref_slice %arg6[%run_scoped3A_9, %dma_start3A_1164] : memref<4x64xi32, #tpu.memory_space<vmem>> -> memref<1x64xi32, #tpu.memory_space<vmem>>
      %dma_start3A_1166 = tpu.memref_squeeze %dma_start3A_1165 : memref<1x64xi32, #tpu.memory_space<vmem>> -> memref<64xi32, #tpu.memory_space<vmem>>
      %dma_start3A_1167 = tpu.memref_slice %arg2[%run_scoped3A_8, %mul3A_2] : memref<4x2048xi32, #tpu.memory_space<hbm>> -> memref<1x64xi32, #tpu.memory_space<hbm>>
      %dma_start3A_1168 = tpu.memref_squeeze %dma_start3A_1167 : memref<1x64xi32, #tpu.memory_space<hbm>> -> memref<64xi32, #tpu.memory_space<hbm>>
      %dma_start3A_1169 = arith.constant 0 : i32
      %dma_start3A_1170 = tpu.memref_slice %arg6[%run_scoped3A_9, %dma_start3A_1169] : memref<4x64xi32, #tpu.memory_space<vmem>> -> memref<1x64xi32, #tpu.memory_space<vmem>>
      %dma_start3A_1171 = tpu.memref_squeeze %dma_start3A_1170 : memref<1x64xi32, #tpu.memory_space<vmem>> -> memref<64xi32, #tpu.memory_space<vmem>>
      %dma_start3A_1172 = tpu.memref_slice %arg2[%run_scoped3A_8, %mul3A_2] : memref<4x2048xi32, #tpu.memory_space<hbm>> -> memref<1x64xi32, #tpu.memory_space<hbm>>
      %dma_start3A_1173 = tpu.memref_squeeze %dma_start3A_1172 : memref<1x64xi32, #tpu.memory_space<hbm>> -> memref<64xi32, #tpu.memory_space<hbm>>
      tpu.enqueue_dma source(%dma_start3A_1173 : memref<64xi32, #tpu.memory_space<hbm>>) target(%dma_start3A_1171 : memref<64xi32, #tpu.memory_space<vmem>>) target_semaphore(%run_scoped3A_1163 : memref<!tpu.dma_semaphore, #tpu.memory_space<semaphore_mem>>)
      %dma_wait3A_1174 = arith.constant 0 : i32
      %dma_wait3A_1175 = tpu.memref_slice %arg6[%run_scoped3A_9, %dma_wait3A_1174] : memref<4x64xi32, #tpu.memory_space<vmem>> -> memref<1x64xi32, #tpu.memory_space<vmem>>
      %dma_wait3A_1176 = tpu.memref_squeeze %dma_wait3A_1175 : memref<1x64xi32, #tpu.memory_space<vmem>> -> memref<64xi32, #tpu.memory_space<vmem>>
      %dma_wait3A_1177 = tpu.memref_slice %arg2[%run_scoped3A_8, %mul3A_2] : memref<4x2048xi32, #tpu.memory_space<hbm>> -> memref<1x64xi32, #tpu.memory_space<hbm>>
      %dma_wait3A_1178 = tpu.memref_squeeze %dma_wait3A_1177 : memref<1x64xi32, #tpu.memory_space<hbm>> -> memref<64xi32, #tpu.memory_space<hbm>>
      %dma_wait3A_1179 = arith.constant 0 : i32
      %dma_wait3A_1180 = tpu.memref_slice %arg6[%run_scoped3A_9, %dma_wait3A_1179] : memref<4x64xi32, #tpu.memory_space<vmem>> -> memref<1x64xi32, #tpu.memory_space<vmem>>
      %dma_wait3A_1181 = tpu.memref_squeeze %dma_wait3A_1180 : memref<1x64xi32, #tpu.memory_space<vmem>> -> memref<64xi32, #tpu.memory_space<vmem>>
      %dma_wait3A_1182 = tpu.memref_slice %arg2[%run_scoped3A_8, %mul3A_2] : memref<4x2048xi32, #tpu.memory_space<hbm>> -> memref<1x64xi32, #tpu.memory_space<hbm>>
      %dma_wait3A_1183 = tpu.memref_squeeze %dma_wait3A_1182 : memref<1x64xi32, #tpu.memory_space<hbm>> -> memref<64xi32, #tpu.memory_space<hbm>>
      tpu.wait_dma2 semaphore(%run_scoped3A_1163 : memref<!tpu.dma_semaphore, #tpu.memory_space<semaphore_mem>>) src(%dma_wait3A_1183 : memref<64xi32, #tpu.memory_space<hbm>>) dst(%dma_wait3A_1181 : memref<64xi32, #tpu.memory_space<vmem>>)
      tpu.yield
    }) : () -> ()
    %add3A_10 = arith.constant 0 : i32
    %add3A_11 = arith.addi %mul3A_2, %add3A_10 : i32
    %dma_start3A = arith.constant 0 : i32
    %dma_start3A_12 = tpu.memref_slice %arg4[%add3A_11, %dma_start3A] : memref<2048x1024xf32, #tpu.memory_space<hbm>> -> memref<32x1024xf32, #tpu.memory_space<hbm>>
    %dma_start3A_13 = arith.constant 0 : i32
    %dma_start3A_14 = tpu.memref_slice %arg4[%add3A_11, %dma_start3A_13] : memref<2048x1024xf32, #tpu.memory_space<hbm>> -> memref<32x1024xf32, #tpu.memory_space<hbm>>
    tpu.enqueue_dma source(%dma_start3A_14 : memref<32x1024xf32, #tpu.memory_space<hbm>>) target(%arg8 : memref<32x1024xf32, #tpu.memory_space<vmem>>) target_semaphore(%arg11 : memref<!tpu.dma_semaphore, #tpu.memory_space<semaphore_mem>>)
    %dma_start3A_15 = arith.constant 0 : i32
    %dma_start3A_16 = arith.constant 0 : i32
    %dma_start3A_17 = arith.constant 0 : i32
    %dma_start3A_18 = arith.constant 0 : i32
    %dma_start3A_19 = arith.constant 0 : i32
    %dma_start3A_20 = tpu.memref_slice %arg7[%dma_start3A_16, %dma_start3A_18, %dma_start3A_19] : memref<5x16x1024xf32, #tpu.memory_space<vmem>> -> memref<1x16x1024xf32, #tpu.memory_space<vmem>>
    %dma_start3A_21 = tpu.memref_squeeze %dma_start3A_20 : memref<1x16x1024xf32, #tpu.memory_space<vmem>> -> memref<16x1024xf32, #tpu.memory_space<vmem>>
    %dma_start3A_22 = arith.constant 0 : i32
    %dma_start3A_23 = tpu.memref_slice %arg6[%dma_start3A_15, %dma_start3A_22] : memref<4x64xi32, #tpu.memory_space<vmem>> -> memref<1x16xi32, #tpu.memory_space<vmem>>
    %dma_start3A_24 = tpu.memref_squeeze %dma_start3A_23 : memref<1x16xi32, #tpu.memory_space<vmem>> -> memref<16xi32, #tpu.memory_space<vmem>>
    %dma_start3A_25 = arith.constant 0 : i32
    %dma_start3A_26 = arith.constant 0 : i32
    %dma_start3A_27 = tpu.memref_slice %arg3[%dma_start3A_25, %dma_start3A_26] : memref<100000x1024xf32, #tpu.memory_space<hbm>> -> memref<100000x1024xf32, #tpu.memory_space<hbm>>
    %dma_start3A_28 = tpu.memref_slice %arg9[%dma_start3A_17] : memref<5x!tpu.dma_semaphore, #tpu.memory_space<semaphore_mem>> -> memref<1x!tpu.dma_semaphore, #tpu.memory_space<semaphore_mem>>
    %dma_start3A_29 = tpu.memref_squeeze %dma_start3A_28 : memref<1x!tpu.dma_semaphore, #tpu.memory_space<semaphore_mem>> -> memref<!tpu.dma_semaphore, #tpu.memory_space<semaphore_mem>>
    tpu.enqueue_indirect_dma source(%dma_start3A_27 : memref<100000x1024xf32, #tpu.memory_space<hbm>>) target(%dma_start3A_21 : memref<16x1024xf32, #tpu.memory_space<vmem>>) offsets(%dma_start3A_24 : memref<16xi32, #tpu.memory_space<vmem>>) semaphore(%dma_start3A_29 : memref<!tpu.dma_semaphore, #tpu.memory_space<semaphore_mem>>)
    %dma_start3A_30 = arith.constant 0 : i32
    %dma_start3A_31 = arith.constant 1 : i32
    %dma_start3A_32 = arith.constant 1 : i32
    %dma_start3A_33 = arith.constant 0 : i32
    %dma_start3A_34 = arith.constant 0 : i32
    %dma_start3A_35 = tpu.memref_slice %arg7[%dma_start3A_31, %dma_start3A_33, %dma_start3A_34] : memref<5x16x1024xf32, #tpu.memory_space<vmem>> -> memref<1x16x1024xf32, #tpu.memory_space<vmem>>
    %dma_start3A_36 = tpu.memref_squeeze %dma_start3A_35 : memref<1x16x1024xf32, #tpu.memory_space<vmem>> -> memref<16x1024xf32, #tpu.memory_space<vmem>>
    %dma_start3A_37 = arith.constant 16 : i32
    %dma_start3A_38 = tpu.memref_slice %arg6[%dma_start3A_30, %dma_start3A_37] : memref<4x64xi32, #tpu.memory_space<vmem>> -> memref<1x16xi32, #tpu.memory_space<vmem>>
    %dma_start3A_39 = tpu.memref_squeeze %dma_start3A_38 : memref<1x16xi32, #tpu.memory_space<vmem>> -> memref<16xi32, #tpu.memory_space<vmem>>
    %dma_start3A_40 = arith.constant 0 : i32
    %dma_start3A_41 = arith.constant 0 : i32
    %dma_start3A_42 = tpu.memref_slice %arg3[%dma_start3A_40, %dma_start3A_41] : memref<100000x1024xf32, #tpu.memory_space<hbm>> -> memref<100000x1024xf32, #tpu.memory_space<hbm>>
    %dma_start3A_43 = tpu.memref_slice %arg9[%dma_start3A_32] : memref<5x!tpu.dma_semaphore, #tpu.memory_space<semaphore_mem>> -> memref<1x!tpu.dma_semaphore, #tpu.memory_space<semaphore_mem>>
    %dma_start3A_44 = tpu.memref_squeeze %dma_start3A_43 : memref<1x!tpu.dma_semaphore, #tpu.memory_space<semaphore_mem>> -> memref<!tpu.dma_semaphore, #tpu.memory_space<semaphore_mem>>
    tpu.enqueue_indirect_dma source(%dma_start3A_42 : memref<100000x1024xf32, #tpu.memory_space<hbm>>) target(%dma_start3A_36 : memref<16x1024xf32, #tpu.memory_space<vmem>>) offsets(%dma_start3A_39 : memref<16xi32, #tpu.memory_space<vmem>>) semaphore(%dma_start3A_44 : memref<!tpu.dma_semaphore, #tpu.memory_space<semaphore_mem>>)
    %dma_start3A_45 = arith.constant 1 : i32
    %dma_start3A_46 = arith.constant 2 : i32
    %dma_start3A_47 = arith.constant 2 : i32
    %dma_start3A_48 = arith.constant 0 : i32
    %dma_start3A_49 = arith.constant 0 : i32
    %dma_start3A_50 = tpu.memref_slice %arg7[%dma_start3A_46, %dma_start3A_48, %dma_start3A_49] : memref<5x16x1024xf32, #tpu.memory_space<vmem>> -> memref<1x16x1024xf32, #tpu.memory_space<vmem>>
    %dma_start3A_51 = tpu.memref_squeeze %dma_start3A_50 : memref<1x16x1024xf32, #tpu.memory_space<vmem>> -> memref<16x1024xf32, #tpu.memory_space<vmem>>
    %dma_start3A_52 = arith.constant 0 : i32
    %dma_start3A_53 = tpu.memref_slice %arg6[%dma_start3A_45, %dma_start3A_52] : memref<4x64xi32, #tpu.memory_space<vmem>> -> memref<1x16xi32, #tpu.memory_space<vmem>>
    %dma_start3A_54 = tpu.memref_squeeze %dma_start3A_53 : memref<1x16xi32, #tpu.memory_space<vmem>> -> memref<16xi32, #tpu.memory_space<vmem>>
    %dma_start3A_55 = arith.constant 0 : i32
    %dma_start3A_56 = arith.constant 0 : i32
    %dma_start3A_57 = tpu.memref_slice %arg3[%dma_start3A_55, %dma_start3A_56] : memref<100000x1024xf32, #tpu.memory_space<hbm>> -> memref<100000x1024xf32, #tpu.memory_space<hbm>>
    %dma_start3A_58 = tpu.memref_slice %arg9[%dma_start3A_47] : memref<5x!tpu.dma_semaphore, #tpu.memory_space<semaphore_mem>> -> memref<1x!tpu.dma_semaphore, #tpu.memory_space<semaphore_mem>>
    %dma_start3A_59 = tpu.memref_squeeze %dma_start3A_58 : memref<1x!tpu.dma_semaphore, #tpu.memory_space<semaphore_mem>> -> memref<!tpu.dma_semaphore, #tpu.memory_space<semaphore_mem>>
    tpu.enqueue_indirect_dma source(%dma_start3A_57 : memref<100000x1024xf32, #tpu.memory_space<hbm>>) target(%dma_start3A_51 : memref<16x1024xf32, #tpu.memory_space<vmem>>) offsets(%dma_start3A_54 : memref<16xi32, #tpu.memory_space<vmem>>) semaphore(%dma_start3A_59 : memref<!tpu.dma_semaphore, #tpu.memory_space<semaphore_mem>>)
    %dma_start3A_60 = arith.constant 1 : i32
    %dma_start3A_61 = arith.constant 3 : i32
    %dma_start3A_62 = arith.constant 3 : i32
    %dma_start3A_63 = arith.constant 0 : i32
    %dma_start3A_64 = arith.constant 0 : i32
    %dma_start3A_65 = tpu.memref_slice %arg7[%dma_start3A_61, %dma_start3A_63, %dma_start3A_64] : memref<5x16x1024xf32, #tpu.memory_space<vmem>> -> memref<1x16x1024xf32, #tpu.memory_space<vmem>>
    %dma_start3A_66 = tpu.memref_squeeze %dma_start3A_65 : memref<1x16x1024xf32, #tpu.memory_space<vmem>> -> memref<16x1024xf32, #tpu.memory_space<vmem>>
    %dma_start3A_67 = arith.constant 16 : i32
    %dma_start3A_68 = tpu.memref_slice %arg6[%dma_start3A_60, %dma_start3A_67] : memref<4x64xi32, #tpu.memory_space<vmem>> -> memref<1x16xi32, #tpu.memory_space<vmem>>
    %dma_start3A_69 = tpu.memref_squeeze %dma_start3A_68 : memref<1x16xi32, #tpu.memory_space<vmem>> -> memref<16xi32, #tpu.memory_space<vmem>>
    %dma_start3A_70 = arith.constant 0 : i32
    %dma_start3A_71 = arith.constant 0 : i32
    %dma_start3A_72 = tpu.memref_slice %arg3[%dma_start3A_70, %dma_start3A_71] : memref<100000x1024xf32, #tpu.memory_space<hbm>> -> memref<100000x1024xf32, #tpu.memory_space<hbm>>
    %dma_start3A_73 = tpu.memref_slice %arg9[%dma_start3A_62] : memref<5x!tpu.dma_semaphore, #tpu.memory_space<semaphore_mem>> -> memref<1x!tpu.dma_semaphore, #tpu.memory_space<semaphore_mem>>
    %dma_start3A_74 = tpu.memref_squeeze %dma_start3A_73 : memref<1x!tpu.dma_semaphore, #tpu.memory_space<semaphore_mem>> -> memref<!tpu.dma_semaphore, #tpu.memory_space<semaphore_mem>>
    tpu.enqueue_indirect_dma source(%dma_start3A_72 : memref<100000x1024xf32, #tpu.memory_space<hbm>>) target(%dma_start3A_66 : memref<16x1024xf32, #tpu.memory_space<vmem>>) offsets(%dma_start3A_69 : memref<16xi32, #tpu.memory_space<vmem>>) semaphore(%dma_start3A_74 : memref<!tpu.dma_semaphore, #tpu.memory_space<semaphore_mem>>)
    %dma_wait3A = arith.constant 0 : i32
    %dma_wait3A_75 = tpu.memref_slice %arg4[%add3A_11, %dma_wait3A] : memref<2048x1024xf32, #tpu.memory_space<hbm>> -> memref<32x1024xf32, #tpu.memory_space<hbm>>
    %dma_wait3A_76 = arith.constant 0 : i32
    %dma_wait3A_77 = tpu.memref_slice %arg4[%add3A_11, %dma_wait3A_76] : memref<2048x1024xf32, #tpu.memory_space<hbm>> -> memref<32x1024xf32, #tpu.memory_space<hbm>>
    tpu.wait_dma2 semaphore(%arg11 : memref<!tpu.dma_semaphore, #tpu.memory_space<semaphore_mem>>) src(%dma_wait3A_77 : memref<32x1024xf32, #tpu.memory_space<hbm>>) dst(%arg8 : memref<32x1024xf32, #tpu.memory_space<vmem>>)
    %dma_wait3A_78 = arith.constant 0 : i32
    %dma_wait3A_79 = arith.constant 0 : i32
    %dma_wait3A_80 = arith.constant 0 : i32
    %dma_wait3A_81 = arith.constant 0 : i32
    %dma_wait3A_82 = arith.constant 0 : i32
    %dma_wait3A_83 = tpu.memref_slice %arg7[%dma_wait3A_79, %dma_wait3A_81, %dma_wait3A_82] : memref<5x16x1024xf32, #tpu.memory_space<vmem>> -> memref<1x16x1024xf32, #tpu.memory_space<vmem>>
    %dma_wait3A_84 = tpu.memref_squeeze %dma_wait3A_83 : memref<1x16x1024xf32, #tpu.memory_space<vmem>> -> memref<16x1024xf32, #tpu.memory_space<vmem>>
    %dma_wait3A_85 = arith.constant 0 : i32
    %dma_wait3A_86 = tpu.memref_slice %arg6[%dma_wait3A_78, %dma_wait3A_85] : memref<4x64xi32, #tpu.memory_space<vmem>> -> memref<1x16xi32, #tpu.memory_space<vmem>>
    %dma_wait3A_87 = tpu.memref_squeeze %dma_wait3A_86 : memref<1x16xi32, #tpu.memory_space<vmem>> -> memref<16xi32, #tpu.memory_space<vmem>>
    %dma_wait3A_88 = arith.constant 0 : i32
    %dma_wait3A_89 = arith.constant 0 : i32
    %dma_wait3A_90 = tpu.memref_slice %arg3[%dma_wait3A_88, %dma_wait3A_89] : memref<100000x1024xf32, #tpu.memory_space<hbm>> -> memref<100000x1024xf32, #tpu.memory_space<hbm>>
    %dma_wait3A_91 = tpu.memref_slice %arg9[%dma_wait3A_80] : memref<5x!tpu.dma_semaphore, #tpu.memory_space<semaphore_mem>> -> memref<1x!tpu.dma_semaphore, #tpu.memory_space<semaphore_mem>>
    %dma_wait3A_92 = tpu.memref_squeeze %dma_wait3A_91 : memref<1x!tpu.dma_semaphore, #tpu.memory_space<semaphore_mem>> -> memref<!tpu.dma_semaphore, #tpu.memory_space<semaphore_mem>>
    tpu.wait_indirect_dma semaphore(%dma_wait3A_92 : memref<!tpu.dma_semaphore, #tpu.memory_space<semaphore_mem>>) src(%dma_wait3A_90 : memref<100000x1024xf32, #tpu.memory_space<hbm>>) dst(%dma_wait3A_84 : memref<16x1024xf32, #tpu.memory_space<vmem>>)
    %parallel_loop3A = arith.constant 0 : i32
    %parallel_loop3A_93 = arith.constant 16 : i32
    %parallel_loop3A_94 = arith.constant 1 : i32
    scf.for %parallel_loop3A_1163 = %parallel_loop3A to %parallel_loop3A_93 step %parallel_loop3A_94  : i32 {
      %parallel_loop3A_1164 = arith.constant 0 : i32
      %parallel_loop3A_1165 = arith.constant 64 : i32
      %parallel_loop3A_1166 = arith.constant 1 : i32
      scf.for %parallel_loop3A_1167 = %parallel_loop3A_1164 to %parallel_loop3A_1165 step %parallel_loop3A_1166  : i32 {
        %parallel_loop3A_1168 = arith.constant 16 : i32
        %parallel_loop3A_1169 = arith.muli %parallel_loop3A_1167, %parallel_loop3A_1168 : i32
        %parallel_loop3A_1170 = arith.constant 0 : i32
        %parallel_loop3A_1171 = arith.index_cast %parallel_loop3A_1170 : i32 to index
        %parallel_loop3A_1172 = arith.index_cast %parallel_loop3A_1163 : i32 to index
        %parallel_loop3A_1173 = arith.index_cast %parallel_loop3A_1169 : i32 to index
        %parallel_loop3A_1174 = tpu.vector_load %arg7[%parallel_loop3A_1171, %parallel_loop3A_1172, %parallel_loop3A_1173] {strides = array<i32>} : memref<5x16x1024xf32, #tpu.memory_space<vmem>>, vector<1x1x16xf32>,
        %parallel_loop3A_1175 = vector.shape_cast %parallel_loop3A_1174 : vector<1x1x16xf32> to vector<16xf32>
        %parallel_loop3A_1176 = arith.constant 3.200000e+01 : f32
        %parallel_loop3A_1177 = vector.broadcast %parallel_loop3A_1176 : f32 to vector<16xf32>
        %parallel_loop3A_1178 = arith.mulf %parallel_loop3A_1175, %parallel_loop3A_1177 : vector<16xf32>
        %parallel_loop3A_1179 = arith.constant 0 : i32
        %parallel_loop3A_1180 = arith.addi %parallel_loop3A_1179, %parallel_loop3A_1163 : i32
        %parallel_loop3A_1181 = arith.constant 16 : i32
        %parallel_loop3A_1182 = arith.muli %parallel_loop3A_1167, %parallel_loop3A_1181 : i32
        %parallel_loop3A_1183 = arith.index_cast %parallel_loop3A_1180 : i32 to index
        %parallel_loop3A_1184 = arith.index_cast %parallel_loop3A_1182 : i32 to index
        %parallel_loop3A_1185 = tpu.vector_load %arg8[%parallel_loop3A_1183, %parallel_loop3A_1184] {strides = array<i32>} : memref<32x1024xf32, #tpu.memory_space<vmem>>, vector<1x16xf32>,
        %parallel_loop3A_1186 = vector.shape_cast %parallel_loop3A_1185 : vector<1x16xf32> to vector<16xf32>
        %parallel_loop3A_1187 = arith.addf %parallel_loop3A_1178, %parallel_loop3A_1186 : vector<16xf32>
        %parallel_loop3A_1188 = arith.constant 16 : i32
        %parallel_loop3A_1189 = arith.muli %parallel_loop3A_1167, %parallel_loop3A_1188 : i32
        %parallel_loop3A_1190 = arith.constant 0 : i32
        %parallel_loop3A_1191 = arith.index_cast %parallel_loop3A_1190 : i32 to index
        %parallel_loop3A_1192 = arith.index_cast %parallel_loop3A_1163 : i32 to index
        %parallel_loop3A_1193 = arith.index_cast %parallel_loop3A_1189 : i32 to index
        %parallel_loop3A_1194 = tpu.vector_load %arg7[%parallel_loop3A_1191, %parallel_loop3A_1192, %parallel_loop3A_1193] {strides = array<i32>} : memref<5x16x1024xf32, #tpu.memory_space<vmem>>, vector<1x1x16xf32>,
        %parallel_loop3A_1195 = vector.shape_cast %parallel_loop3A_1194 : vector<1x1x16xf32> to vector<16xf32>
        %parallel_loop3A_1196 = vector.shape_cast %parallel_loop3A_1187 : vector<16xf32> to vector<1x1x16xf32>
        tpu.vector_store %arg7[%parallel_loop3A_1191, %parallel_loop3A_1192, %parallel_loop3A_1193], %parallel_loop3A_1196 {strides = array<i32>} : memref<5x16x1024xf32, #tpu.memory_space<vmem>>, vector<1x1x16xf32>,
      } {sc.loop_unroll_factor = 16 : i64, sc.parallel_access}
    } {sc.loop_unroll_factor = 1 : i64, sc.parallel_access}
    %add3A_95 = arith.constant 0 : i32
    %add3A_96 = arith.addi %add3A_95, %mul3A_2 : i32
    %add3A_97 = arith.constant 0 : i32
    %add3A_98 = arith.addi %add3A_96, %add3A_97 : i32
    %add3A_99 = arith.constant 0 : i32
    %add3A_100 = arith.addi %add3A_98, %add3A_99 : i32
    %dma_start3A_101 = arith.constant 0 : i32
    %dma_start3A_102 = arith.constant 0 : i32
    %dma_start3A_103 = arith.constant 0 : i32
    %dma_start3A_104 = arith.constant 0 : i32
    %dma_start3A_105 = tpu.memref_slice %arg7[%dma_start3A_101, %dma_start3A_103, %dma_start3A_104] : memref<5x16x1024xf32, #tpu.memory_space<vmem>> -> memref<1x16x1024xf32, #tpu.memory_space<vmem>>
    %dma_start3A_106 = tpu.memref_squeeze %dma_start3A_105 : memref<1x16x1024xf32, #tpu.memory_space<vmem>> -> memref<16x1024xf32, #tpu.memory_space<vmem>>
    %dma_start3A_107 = arith.constant 0 : i32
    %dma_start3A_108 = tpu.memref_slice %arg5[%add3A_100, %dma_start3A_107] : memref<8192x1024xf32, #tpu.memory_space<hbm>> -> memref<16x1024xf32, #tpu.memory_space<hbm>>
    %dma_start3A_109 = tpu.memref_slice %arg10[%dma_start3A_102] : memref<5x!tpu.dma_semaphore, #tpu.memory_space<semaphore_mem>> -> memref<1x!tpu.dma_semaphore, #tpu.memory_space<semaphore_mem>>
    %dma_start3A_110 = tpu.memref_squeeze %dma_start3A_109 : memref<1x!tpu.dma_semaphore, #tpu.memory_space<semaphore_mem>> -> memref<!tpu.dma_semaphore, #tpu.memory_space<semaphore_mem>>
    %dma_start3A_111 = arith.constant 0 : i32
    %dma_start3A_112 = tpu.memref_slice %arg5[%add3A_100, %dma_start3A_111] : memref<8192x1024xf32, #tpu.memory_space<hbm>> -> memref<16x1024xf32, #tpu.memory_space<hbm>>
    %dma_start3A_113 = arith.constant 0 : i32
    %dma_start3A_114 = arith.constant 0 : i32
    %dma_start3A_115 = tpu.memref_slice %arg7[%dma_start3A_101, %dma_start3A_113, %dma_start3A_114] : memref<5x16x1024xf32, #tpu.memory_space<vmem>> -> memref<1x16x1024xf32, #tpu.memory_space<vmem>>
    %dma_start3A_116 = tpu.memref_squeeze %dma_start3A_115 : memref<1x16x1024xf32, #tpu.memory_space<vmem>> -> memref<16x1024xf32, #tpu.memory_space<vmem>>
    tpu.enqueue_dma source(%dma_start3A_116 : memref<16x1024xf32, #tpu.memory_space<vmem>>) target(%dma_start3A_112 : memref<16x1024xf32, #tpu.memory_space<hbm>>) target_semaphore(%dma_start3A_110 : memref<!tpu.dma_semaphore, #tpu.memory_space<semaphore_mem>>)
    %dma_start3A_117 = arith.constant 2 : i32
    %dma_start3A_118 = arith.constant 4 : i32
    %dma_start3A_119 = arith.constant 4 : i32
    %dma_start3A_120 = arith.constant 0 : i32
    %dma_start3A_121 = arith.constant 0 : i32
    %dma_start3A_122 = tpu.memref_slice %arg7[%dma_start3A_118, %dma_start3A_120, %dma_start3A_121] : memref<5x16x1024xf32, #tpu.memory_space<vmem>> -> memref<1x16x1024xf32, #tpu.memory_space<vmem>>
    %dma_start3A_123 = tpu.memref_squeeze %dma_start3A_122 : memref<1x16x1024xf32, #tpu.memory_space<vmem>> -> memref<16x1024xf32, #tpu.memory_space<vmem>>
    %dma_start3A_124 = arith.constant 0 : i32
    %dma_start3A_125 = tpu.memref_slice %arg6[%dma_start3A_117, %dma_start3A_124] : memref<4x64xi32, #tpu.memory_space<vmem>> -> memref<1x16xi32, #tpu.memory_space<vmem>>
    %dma_start3A_126 = tpu.memref_squeeze %dma_start3A_125 : memref<1x16xi32, #tpu.memory_space<vmem>> -> memref<16xi32, #tpu.memory_space<vmem>>
    %dma_start3A_127 = arith.constant 0 : i32
    %dma_start3A_128 = arith.constant 0 : i32
    %dma_start3A_129 = tpu.memref_slice %arg3[%dma_start3A_127, %dma_start3A_128] : memref<100000x1024xf32, #tpu.memory_space<hbm>> -> memref<100000x1024xf32, #tpu.memory_space<hbm>>
    %dma_start3A_130 = tpu.memref_slice %arg9[%dma_start3A_119] : memref<5x!tpu.dma_semaphore, #tpu.memory_space<semaphore_mem>> -> memref<1x!tpu.dma_semaphore, #tpu.memory_space<semaphore_mem>>
    %dma_start3A_131 = tpu.memref_squeeze %dma_start3A_130 : memref<1x!tpu.dma_semaphore, #tpu.memory_space<semaphore_mem>> -> memref<!tpu.dma_semaphore, #tpu.memory_space<semaphore_mem>>
    tpu.enqueue_indirect_dma source(%dma_start3A_129 : memref<100000x1024xf32, #tpu.memory_space<hbm>>) target(%dma_start3A_123 : memref<16x1024xf32, #tpu.memory_space<vmem>>) offsets(%dma_start3A_126 : memref<16xi32, #tpu.memory_space<vmem>>) semaphore(%dma_start3A_131 : memref<!tpu.dma_semaphore, #tpu.memory_space<semaphore_mem>>)
    %dma_wait3A_132 = arith.constant 0 : i32
    %dma_wait3A_133 = arith.constant 1 : i32
    %dma_wait3A_134 = arith.constant 1 : i32
    %dma_wait3A_135 = arith.constant 0 : i32
    %dma_wait3A_136 = arith.constant 0 : i32
    %dma_wait3A_137 = tpu.memref_slice %arg7[%dma_wait3A_133, %dma_wait3A_135, %dma_wait3A_136] : memref<5x16x1024xf32, #tpu.memory_space<vmem>> -> memref<1x16x1024xf32, #tpu.memory_space<vmem>>
    %dma_wait3A_138 = tpu.memref_squeeze %dma_wait3A_137 : memref<1x16x1024xf32, #tpu.memory_space<vmem>> -> memref<16x1024xf32, #tpu.memory_space<vmem>>
    %dma_wait3A_139 = arith.constant 16 : i32
    %dma_wait3A_140 = tpu.memref_slice %arg6[%dma_wait3A_132, %dma_wait3A_139] : memref<4x64xi32, #tpu.memory_space<vmem>> -> memref<1x16xi32, #tpu.memory_space<vmem>>
    %dma_wait3A_141 = tpu.memref_squeeze %dma_wait3A_140 : memref<1x16xi32, #tpu.memory_space<vmem>> -> memref<16xi32, #tpu.memory_space<vmem>>
    %dma_wait3A_142 = arith.constant 0 : i32
    %dma_wait3A_143 = arith.constant 0 : i32
    %dma_wait3A_144 = tpu.memref_slice %arg3[%dma_wait3A_142, %dma_wait3A_143] : memref<100000x1024xf32, #tpu.memory_space<hbm>> -> memref<100000x1024xf32, #tpu.memory_space<hbm>>
    %dma_wait3A_145 = tpu.memref_slice %arg9[%dma_wait3A_134] : memref<5x!tpu.dma_semaphore, #tpu.memory_space<semaphore_mem>> -> memref<1x!tpu.dma_semaphore, #tpu.memory_space<semaphore_mem>>
    %dma_wait3A_146 = tpu.memref_squeeze %dma_wait3A_145 : memref<1x!tpu.dma_semaphore, #tpu.memory_space<semaphore_mem>> -> memref<!tpu.dma_semaphore, #tpu.memory_space<semaphore_mem>>
    tpu.wait_indirect_dma semaphore(%dma_wait3A_146 : memref<!tpu.dma_semaphore, #tpu.memory_space<semaphore_mem>>) src(%dma_wait3A_144 : memref<100000x1024xf32, #tpu.memory_space<hbm>>) dst(%dma_wait3A_138 : memref<16x1024xf32, #tpu.memory_space<vmem>>)
    %parallel_loop3A_147 = arith.constant 0 : i32
    %parallel_loop3A_148 = arith.constant 16 : i32
    %parallel_loop3A_149 = arith.constant 1 : i32
    scf.for %parallel_loop3A_1163 = %parallel_loop3A_147 to %parallel_loop3A_148 step %parallel_loop3A_149  : i32 {
      %parallel_loop3A_1164 = arith.constant 0 : i32
      %parallel_loop3A_1165 = arith.constant 64 : i32
      %parallel_loop3A_1166 = arith.constant 1 : i32
      scf.for %parallel_loop3A_1167 = %parallel_loop3A_1164 to %parallel_loop3A_1165 step %parallel_loop3A_1166  : i32 {
        %parallel_loop3A_1168 = arith.constant 16 : i32
        %parallel_loop3A_1169 = arith.muli %parallel_loop3A_1167, %parallel_loop3A_1168 : i32
        %parallel_loop3A_1170 = arith.constant 1 : i32
        %parallel_loop3A_1171 = arith.index_cast %parallel_loop3A_1170 : i32 to index
        %parallel_loop3A_1172 = arith.index_cast %parallel_loop3A_1163 : i32 to index
        %parallel_loop3A_1173 = arith.index_cast %parallel_loop3A_1169 : i32 to index
        %parallel_loop3A_1174 = tpu.vector_load %arg7[%parallel_loop3A_1171, %parallel_loop3A_1172, %parallel_loop3A_1173] {strides = array<i32>} : memref<5x16x1024xf32, #tpu.memory_space<vmem>>, vector<1x1x16xf32>,
        %parallel_loop3A_1175 = vector.shape_cast %parallel_loop3A_1174 : vector<1x1x16xf32> to vector<16xf32>
        %parallel_loop3A_1176 = arith.constant 3.200000e+01 : f32
        %parallel_loop3A_1177 = vector.broadcast %parallel_loop3A_1176 : f32 to vector<16xf32>
        %parallel_loop3A_1178 = arith.mulf %parallel_loop3A_1175, %parallel_loop3A_1177 : vector<16xf32>
        %parallel_loop3A_1179 = arith.constant 16 : i32
        %parallel_loop3A_1180 = arith.addi %parallel_loop3A_1179, %parallel_loop3A_1163 : i32
        %parallel_loop3A_1181 = arith.constant 16 : i32
        %parallel_loop3A_1182 = arith.muli %parallel_loop3A_1167, %parallel_loop3A_1181 : i32
        %parallel_loop3A_1183 = arith.index_cast %parallel_loop3A_1180 : i32 to index
        %parallel_loop3A_1184 = arith.index_cast %parallel_loop3A_1182 : i32 to index
        %parallel_loop3A_1185 = tpu.vector_load %arg8[%parallel_loop3A_1183, %parallel_loop3A_1184] {strides = array<i32>} : memref<32x1024xf32, #tpu.memory_space<vmem>>, vector<1x16xf32>,
        %parallel_loop3A_1186 = vector.shape_cast %parallel_loop3A_1185 : vector<1x16xf32> to vector<16xf32>
        %parallel_loop3A_1187 = arith.addf %parallel_loop3A_1178, %parallel_loop3A_1186 : vector<16xf32>
        %parallel_loop3A_1188 = arith.constant 16 : i32
        %parallel_loop3A_1189 = arith.muli %parallel_loop3A_1167, %parallel_loop3A_1188 : i32
        %parallel_loop3A_1190 = arith.constant 1 : i32
        %parallel_loop3A_1191 = arith.index_cast %parallel_loop3A_1190 : i32 to index
        %parallel_loop3A_1192 = arith.index_cast %parallel_loop3A_1163 : i32 to index
        %parallel_loop3A_1193 = arith.index_cast %parallel_loop3A_1189 : i32 to index
        %parallel_loop3A_1194 = tpu.vector_load %arg7[%parallel_loop3A_1191, %parallel_loop3A_1192, %parallel_loop3A_1193] {strides = array<i32>} : memref<5x16x1024xf32, #tpu.memory_space<vmem>>, vector<1x1x16xf32>,
        %parallel_loop3A_1195 = vector.shape_cast %parallel_loop3A_1194 : vector<1x1x16xf32> to vector<16xf32>
        %parallel_loop3A_1196 = vector.shape_cast %parallel_loop3A_1187 : vector<16xf32> to vector<1x1x16xf32>
        tpu.vector_store %arg7[%parallel_loop3A_1191, %parallel_loop3A_1192, %parallel_loop3A_1193], %parallel_loop3A_1196 {strides = array<i32>} : memref<5x16x1024xf32, #tpu.memory_space<vmem>>, vector<1x1x16xf32>,
      } {sc.loop_unroll_factor = 16 : i64, sc.parallel_access}
    } {sc.loop_unroll_factor = 1 : i64, sc.parallel_access}
    %add3A_150 = arith.constant 0 : i32
    %add3A_151 = arith.addi %add3A_150, %mul3A_2 : i32
    %add3A_152 = arith.constant 0 : i32
    %add3A_153 = arith.addi %add3A_151, %add3A_152 : i32
    %add3A_154 = arith.constant 16 : i32
    %add3A_155 = arith.addi %add3A_153, %add3A_154 : i32
    %dma_start3A_156 = arith.constant 1 : i32
    %dma_start3A_157 = arith.constant 1 : i32
    %dma_start3A_158 = arith.constant 0 : i32
    %dma_start3A_159 = arith.constant 0 : i32
    %dma_start3A_160 = tpu.memref_slice %arg7[%dma_start3A_156, %dma_start3A_158, %dma_start3A_159] : memref<5x16x1024xf32, #tpu.memory_space<vmem>> -> memref<1x16x1024xf32, #tpu.memory_space<vmem>>
    %dma_start3A_161 = tpu.memref_squeeze %dma_start3A_160 : memref<1x16x1024xf32, #tpu.memory_space<vmem>> -> memref<16x1024xf32, #tpu.memory_space<vmem>>
    %dma_start3A_162 = arith.constant 0 : i32
    %dma_start3A_163 = tpu.memref_slice %arg5[%add3A_155, %dma_start3A_162] : memref<8192x1024xf32, #tpu.memory_space<hbm>> -> memref<16x1024xf32, #tpu.memory_space<hbm>>
    %dma_start3A_164 = tpu.memref_slice %arg10[%dma_start3A_157] : memref<5x!tpu.dma_semaphore, #tpu.memory_space<semaphore_mem>> -> memref<1x!tpu.dma_semaphore, #tpu.memory_space<semaphore_mem>>
    %dma_start3A_165 = tpu.memref_squeeze %dma_start3A_164 : memref<1x!tpu.dma_semaphore, #tpu.memory_space<semaphore_mem>> -> memref<!tpu.dma_semaphore, #tpu.memory_space<semaphore_mem>>
    %dma_start3A_166 = arith.constant 0 : i32
    %dma_start3A_167 = tpu.memref_slice %arg5[%add3A_155, %dma_start3A_166] : memref<8192x1024xf32, #tpu.memory_space<hbm>> -> memref<16x1024xf32, #tpu.memory_space<hbm>>
    %dma_start3A_168 = arith.constant 0 : i32
    %dma_start3A_169 = arith.constant 0 : i32
    %dma_start3A_170 = tpu.memref_slice %arg7[%dma_start3A_156, %dma_start3A_168, %dma_start3A_169] : memref<5x16x1024xf32, #tpu.memory_space<vmem>> -> memref<1x16x1024xf32, #tpu.memory_space<vmem>>
    %dma_start3A_171 = tpu.memref_squeeze %dma_start3A_170 : memref<1x16x1024xf32, #tpu.memory_space<vmem>> -> memref<16x1024xf32, #tpu.memory_space<vmem>>
    tpu.enqueue_dma source(%dma_start3A_171 : memref<16x1024xf32, #tpu.memory_space<vmem>>) target(%dma_start3A_167 : memref<16x1024xf32, #tpu.memory_space<hbm>>) target_semaphore(%dma_start3A_165 : memref<!tpu.dma_semaphore, #tpu.memory_space<semaphore_mem>>)
    %dma_wait3A_172 = arith.constant 0 : i32
    %dma_wait3A_173 = arith.constant 0 : i32
    %dma_wait3A_174 = arith.constant 0 : i32
    %dma_wait3A_175 = arith.constant 0 : i32
    %dma_wait3A_176 = tpu.memref_slice %arg7[%dma_wait3A_172, %dma_wait3A_174, %dma_wait3A_175] : memref<5x16x1024xf32, #tpu.memory_space<vmem>> -> memref<1x16x1024xf32, #tpu.memory_space<vmem>>
    %dma_wait3A_177 = tpu.memref_squeeze %dma_wait3A_176 : memref<1x16x1024xf32, #tpu.memory_space<vmem>> -> memref<16x1024xf32, #tpu.memory_space<vmem>>
    %dma_wait3A_178 = arith.constant 0 : i32
    %dma_wait3A_179 = tpu.memref_slice %arg5[%add3A_100, %dma_wait3A_178] : memref<8192x1024xf32, #tpu.memory_space<hbm>> -> memref<16x1024xf32, #tpu.memory_space<hbm>>
    %dma_wait3A_180 = tpu.memref_slice %arg10[%dma_wait3A_173] : memref<5x!tpu.dma_semaphore, #tpu.memory_space<semaphore_mem>> -> memref<1x!tpu.dma_semaphore, #tpu.memory_space<semaphore_mem>>
    %dma_wait3A_181 = tpu.memref_squeeze %dma_wait3A_180 : memref<1x!tpu.dma_semaphore, #tpu.memory_space<semaphore_mem>> -> memref<!tpu.dma_semaphore, #tpu.memory_space<semaphore_mem>>
    %dma_wait3A_182 = arith.constant 0 : i32
    %dma_wait3A_183 = tpu.memref_slice %arg5[%add3A_100, %dma_wait3A_182] : memref<8192x1024xf32, #tpu.memory_space<hbm>> -> memref<16x1024xf32, #tpu.memory_space<hbm>>
    %dma_wait3A_184 = arith.constant 0 : i32
    %dma_wait3A_185 = arith.constant 0 : i32
    %dma_wait3A_186 = tpu.memref_slice %arg7[%dma_wait3A_172, %dma_wait3A_184, %dma_wait3A_185] : memref<5x16x1024xf32, #tpu.memory_space<vmem>> -> memref<1x16x1024xf32, #tpu.memory_space<vmem>>
    %dma_wait3A_187 = tpu.memref_squeeze %dma_wait3A_186 : memref<1x16x1024xf32, #tpu.memory_space<vmem>> -> memref<16x1024xf32, #tpu.memory_space<vmem>>
    tpu.wait_dma2 semaphore(%dma_wait3A_181 : memref<!tpu.dma_semaphore, #tpu.memory_space<semaphore_mem>>) src(%dma_wait3A_187 : memref<16x1024xf32, #tpu.memory_space<vmem>>) dst(%dma_wait3A_183 : memref<16x1024xf32, #tpu.memory_space<hbm>>)
    %dma_start3A_188 = arith.constant 2 : i32
    %dma_start3A_189 = arith.constant 0 : i32
    %dma_start3A_190 = arith.constant 0 : i32
    %dma_start3A_191 = arith.constant 0 : i32
    %dma_start3A_192 = arith.constant 0 : i32
    %dma_start3A_193 = tpu.memref_slice %arg7[%dma_start3A_189, %dma_start3A_191, %dma_start3A_192] : memref<5x16x1024xf32, #tpu.memory_space<vmem>> -> memref<1x16x1024xf32, #tpu.memory_space<vmem>>
    %dma_start3A_194 = tpu.memref_squeeze %dma_start3A_193 : memref<1x16x1024xf32, #tpu.memory_space<vmem>> -> memref<16x1024xf32, #tpu.memory_space<vmem>>
    %dma_start3A_195 = arith.constant 16 : i32
    %dma_start3A_196 = tpu.memref_slice %arg6[%dma_start3A_188, %dma_start3A_195] : memref<4x64xi32, #tpu.memory_space<vmem>> -> memref<1x16xi32, #tpu.memory_space<vmem>>
    %dma_start3A_197 = tpu.memref_squeeze %dma_start3A_196 : memref<1x16xi32, #tpu.memory_space<vmem>> -> memref<16xi32, #tpu.memory_space<vmem>>
    %dma_start3A_198 = arith.constant 0 : i32
    %dma_start3A_199 = arith.constant 0 : i32
    %dma_start3A_200 = tpu.memref_slice %arg3[%dma_start3A_198, %dma_start3A_199] : memref<100000x1024xf32, #tpu.memory_space<hbm>> -> memref<100000x1024xf32, #tpu.memory_space<hbm>>
    %dma_start3A_201 = tpu.memref_slice %arg9[%dma_start3A_190] : memref<5x!tpu.dma_semaphore, #tpu.memory_space<semaphore_mem>> -> memref<1x!tpu.dma_semaphore, #tpu.memory_space<semaphore_mem>>
    %dma_start3A_202 = tpu.memref_squeeze %dma_start3A_201 : memref<1x!tpu.dma_semaphore, #tpu.memory_space<semaphore_mem>> -> memref<!tpu.dma_semaphore, #tpu.memory_space<semaphore_mem>>
    tpu.enqueue_indirect_dma source(%dma_start3A_200 : memref<100000x1024xf32, #tpu.memory_space<hbm>>) target(%dma_start3A_194 : memref<16x1024xf32, #tpu.memory_space<vmem>>) offsets(%dma_start3A_197 : memref<16xi32, #tpu.memory_space<vmem>>) semaphore(%dma_start3A_202 : memref<!tpu.dma_semaphore, #tpu.memory_space<semaphore_mem>>)
    %dma_wait3A_203 = arith.constant 1 : i32
    %dma_wait3A_204 = arith.constant 2 : i32
    %dma_wait3A_205 = arith.constant 2 : i32
    %dma_wait3A_206 = arith.constant 0 : i32
    %dma_wait3A_207 = arith.constant 0 : i32
    %dma_wait3A_208 = tpu.memref_slice %arg7[%dma_wait3A_204, %dma_wait3A_206, %dma_wait3A_207] : memref<5x16x1024xf32, #tpu.memory_space<vmem>> -> memref<1x16x1024xf32, #tpu.memory_space<vmem>>
    %dma_wait3A_209 = tpu.memref_squeeze %dma_wait3A_208 : memref<1x16x1024xf32, #tpu.memory_space<vmem>> -> memref<16x1024xf32, #tpu.memory_space<vmem>>
    %dma_wait3A_210 = arith.constant 0 : i32
    %dma_wait3A_211 = tpu.memref_slice %arg6[%dma_wait3A_203, %dma_wait3A_210] : memref<4x64xi32, #tpu.memory_space<vmem>> -> memref<1x16xi32, #tpu.memory_space<vmem>>
    %dma_wait3A_212 = tpu.memref_squeeze %dma_wait3A_211 : memref<1x16xi32, #tpu.memory_space<vmem>> -> memref<16xi32, #tpu.memory_space<vmem>>
    %dma_wait3A_213 = arith.constant 0 : i32
    %dma_wait3A_214 = arith.constant 0 : i32
    %dma_wait3A_215 = tpu.memref_slice %arg3[%dma_wait3A_213, %dma_wait3A_214] : memref<100000x1024xf32, #tpu.memory_space<hbm>> -> memref<100000x1024xf32, #tpu.memory_space<hbm>>
    %dma_wait3A_216 = tpu.memref_slice %arg9[%dma_wait3A_205] : memref<5x!tpu.dma_semaphore, #tpu.memory_space<semaphore_mem>> -> memref<1x!tpu.dma_semaphore, #tpu.memory_space<semaphore_mem>>
    %dma_wait3A_217 = tpu.memref_squeeze %dma_wait3A_216 : memref<1x!tpu.dma_semaphore, #tpu.memory_space<semaphore_mem>> -> memref<!tpu.dma_semaphore, #tpu.memory_space<semaphore_mem>>
    tpu.wait_indirect_dma semaphore(%dma_wait3A_217 : memref<!tpu.dma_semaphore, #tpu.memory_space<semaphore_mem>>) src(%dma_wait3A_215 : memref<100000x1024xf32, #tpu.memory_space<hbm>>) dst(%dma_wait3A_209 : memref<16x1024xf32, #tpu.memory_space<vmem>>)
    %parallel_loop3A_218 = arith.constant 0 : i32
    %parallel_loop3A_219 = arith.constant 16 : i32
    %parallel_loop3A_220 = arith.constant 1 : i32
    scf.for %parallel_loop3A_1163 = %parallel_loop3A_218 to %parallel_loop3A_219 step %parallel_loop3A_220  : i32 {
      %parallel_loop3A_1164 = arith.constant 0 : i32
      %parallel_loop3A_1165 = arith.constant 64 : i32
      %parallel_loop3A_1166 = arith.constant 1 : i32
      scf.for %parallel_loop3A_1167 = %parallel_loop3A_1164 to %parallel_loop3A_1165 step %parallel_loop3A_1166  : i32 {
        %parallel_loop3A_1168 = arith.constant 16 : i32
        %parallel_loop3A_1169 = arith.muli %parallel_loop3A_1167, %parallel_loop3A_1168 : i32
        %parallel_loop3A_1170 = arith.constant 2 : i32
        %parallel_loop3A_1171 = arith.index_cast %parallel_loop3A_1170 : i32 to index
        %parallel_loop3A_1172 = arith.index_cast %parallel_loop3A_1163 : i32 to index
        %parallel_loop3A_1173 = arith.index_cast %parallel_loop3A_1169 : i32 to index
        %parallel_loop3A_1174 = tpu.vector_load %arg7[%parallel_loop3A_1171, %parallel_loop3A_1172, %parallel_loop3A_1173] {strides = array<i32>} : memref<5x16x1024xf32, #tpu.memory_space<vmem>>, vector<1x1x16xf32>,
        %parallel_loop3A_1175 = vector.shape_cast %parallel_loop3A_1174 : vector<1x1x16xf32> to vector<16xf32>
        %parallel_loop3A_1176 = arith.constant 3.200000e+01 : f32
        %parallel_loop3A_1177 = vector.broadcast %parallel_loop3A_1176 : f32 to vector<16xf32>
        %parallel_loop3A_1178 = arith.mulf %parallel_loop3A_1175, %parallel_loop3A_1177 : vector<16xf32>
        %parallel_loop3A_1179 = arith.constant 0 : i32
        %parallel_loop3A_1180 = arith.addi %parallel_loop3A_1179, %parallel_loop3A_1163 : i32
        %parallel_loop3A_1181 = arith.constant 16 : i32
        %parallel_loop3A_1182 = arith.muli %parallel_loop3A_1167, %parallel_loop3A_1181 : i32
        %parallel_loop3A_1183 = arith.index_cast %parallel_loop3A_1180 : i32 to index
        %parallel_loop3A_1184 = arith.index_cast %parallel_loop3A_1182 : i32 to index
        %parallel_loop3A_1185 = tpu.vector_load %arg8[%parallel_loop3A_1183, %parallel_loop3A_1184] {strides = array<i32>} : memref<32x1024xf32, #tpu.memory_space<vmem>>, vector<1x16xf32>,
        %parallel_loop3A_1186 = vector.shape_cast %parallel_loop3A_1185 : vector<1x16xf32> to vector<16xf32>
        %parallel_loop3A_1187 = arith.addf %parallel_loop3A_1178, %parallel_loop3A_1186 : vector<16xf32>
        %parallel_loop3A_1188 = arith.constant 16 : i32
        %parallel_loop3A_1189 = arith.muli %parallel_loop3A_1167, %parallel_loop3A_1188 : i32
        %parallel_loop3A_1190 = arith.constant 2 : i32
        %parallel_loop3A_1191 = arith.index_cast %parallel_loop3A_1190 : i32 to index
        %parallel_loop3A_1192 = arith.index_cast %parallel_loop3A_1163 : i32 to index
        %parallel_loop3A_1193 = arith.index_cast %parallel_loop3A_1189 : i32 to index
        %parallel_loop3A_1194 = tpu.vector_load %arg7[%parallel_loop3A_1191, %parallel_loop3A_1192, %parallel_loop3A_1193] {strides = array<i32>} : memref<5x16x1024xf32, #tpu.memory_space<vmem>>, vector<1x1x16xf32>,
        %parallel_loop3A_1195 = vector.shape_cast %parallel_loop3A_1194 : vector<1x1x16xf32> to vector<16xf32>
        %parallel_loop3A_1196 = vector.shape_cast %parallel_loop3A_1187 : vector<16xf32> to vector<1x1x16xf32>
        tpu.vector_store %arg7[%parallel_loop3A_1191, %parallel_loop3A_1192, %parallel_loop3A_1193], %parallel_loop3A_1196 {strides = array<i32>} : memref<5x16x1024xf32, #tpu.memory_space<vmem>>, vector<1x1x16xf32>,
      } {sc.loop_unroll_factor = 16 : i64, sc.parallel_access}
    } {sc.loop_unroll_factor = 1 : i64, sc.parallel_access}
    %add3A_221 = arith.constant 2048 : i32
    %add3A_222 = arith.addi %add3A_221, %mul3A_2 : i32
    %add3A_223 = arith.constant 0 : i32
    %add3A_224 = arith.addi %add3A_222, %add3A_223 : i32
    %add3A_225 = arith.constant 0 : i32
    %add3A_226 = arith.addi %add3A_224, %add3A_225 : i32
    %dma_start3A_227 = arith.constant 2 : i32
    %dma_start3A_228 = arith.constant 2 : i32
    %dma_start3A_229 = arith.constant 0 : i32
    %dma_start3A_230 = arith.constant 0 : i32
    %dma_start3A_231 = tpu.memref_slice %arg7[%dma_start3A_227, %dma_start3A_229, %dma_start3A_230] : memref<5x16x1024xf32, #tpu.memory_space<vmem>> -> memref<1x16x1024xf32, #tpu.memory_space<vmem>>
    %dma_start3A_232 = tpu.memref_squeeze %dma_start3A_231 : memref<1x16x1024xf32, #tpu.memory_space<vmem>> -> memref<16x1024xf32, #tpu.memory_space<vmem>>
    %dma_start3A_233 = arith.constant 0 : i32
    %dma_start3A_234 = tpu.memref_slice %arg5[%add3A_226, %dma_start3A_233] : memref<8192x1024xf32, #tpu.memory_space<hbm>> -> memref<16x1024xf32, #tpu.memory_space<hbm>>
    %dma_start3A_235 = tpu.memref_slice %arg10[%dma_start3A_228] : memref<5x!tpu.dma_semaphore, #tpu.memory_space<semaphore_mem>> -> memref<1x!tpu.dma_semaphore, #tpu.memory_space<semaphore_mem>>
    %dma_start3A_236 = tpu.memref_squeeze %dma_start3A_235 : memref<1x!tpu.dma_semaphore, #tpu.memory_space<semaphore_mem>> -> memref<!tpu.dma_semaphore, #tpu.memory_space<semaphore_mem>>
    %dma_start3A_237 = arith.constant 0 : i32
    %dma_start3A_238 = tpu.memref_slice %arg5[%add3A_226, %dma_start3A_237] : memref<8192x1024xf32, #tpu.memory_space<hbm>> -> memref<16x1024xf32, #tpu.memory_space<hbm>>
    %dma_start3A_239 = arith.constant 0 : i32
    %dma_start3A_240 = arith.constant 0 : i32
    %dma_start3A_241 = tpu.memref_slice %arg7[%dma_start3A_227, %dma_start3A_239, %dma_start3A_240] : memref<5x16x1024xf32, #tpu.memory_space<vmem>> -> memref<1x16x1024xf32, #tpu.memory_space<vmem>>
    %dma_start3A_242 = tpu.memref_squeeze %dma_start3A_241 : memref<1x16x1024xf32, #tpu.memory_space<vmem>> -> memref<16x1024xf32, #tpu.memory_space<vmem>>
    tpu.enqueue_dma source(%dma_start3A_242 : memref<16x1024xf32, #tpu.memory_space<vmem>>) target(%dma_start3A_238 : memref<16x1024xf32, #tpu.memory_space<hbm>>) target_semaphore(%dma_start3A_236 : memref<!tpu.dma_semaphore, #tpu.memory_space<semaphore_mem>>)
    %dma_wait3A_243 = arith.constant 1 : i32
    %dma_wait3A_244 = arith.constant 1 : i32
    %dma_wait3A_245 = arith.constant 0 : i32
    %dma_wait3A_246 = arith.constant 0 : i32
    %dma_wait3A_247 = tpu.memref_slice %arg7[%dma_wait3A_243, %dma_wait3A_245, %dma_wait3A_246] : memref<5x16x1024xf32, #tpu.memory_space<vmem>> -> memref<1x16x1024xf32, #tpu.memory_space<vmem>>
    %dma_wait3A_248 = tpu.memref_squeeze %dma_wait3A_247 : memref<1x16x1024xf32, #tpu.memory_space<vmem>> -> memref<16x1024xf32, #tpu.memory_space<vmem>>
    %dma_wait3A_249 = arith.constant 0 : i32
    %dma_wait3A_250 = tpu.memref_slice %arg5[%add3A_155, %dma_wait3A_249] : memref<8192x1024xf32, #tpu.memory_space<hbm>> -> memref<16x1024xf32, #tpu.memory_space<hbm>>
    %dma_wait3A_251 = tpu.memref_slice %arg10[%dma_wait3A_244] : memref<5x!tpu.dma_semaphore, #tpu.memory_space<semaphore_mem>> -> memref<1x!tpu.dma_semaphore, #tpu.memory_space<semaphore_mem>>
    %dma_wait3A_252 = tpu.memref_squeeze %dma_wait3A_251 : memref<1x!tpu.dma_semaphore, #tpu.memory_space<semaphore_mem>> -> memref<!tpu.dma_semaphore, #tpu.memory_space<semaphore_mem>>
    %dma_wait3A_253 = arith.constant 0 : i32
    %dma_wait3A_254 = tpu.memref_slice %arg5[%add3A_155, %dma_wait3A_253] : memref<8192x1024xf32, #tpu.memory_space<hbm>> -> memref<16x1024xf32, #tpu.memory_space<hbm>>
    %dma_wait3A_255 = arith.constant 0 : i32
    %dma_wait3A_256 = arith.constant 0 : i32
    %dma_wait3A_257 = tpu.memref_slice %arg7[%dma_wait3A_243, %dma_wait3A_255, %dma_wait3A_256] : memref<5x16x1024xf32, #tpu.memory_space<vmem>> -> memref<1x16x1024xf32, #tpu.memory_space<vmem>>
    %dma_wait3A_258 = tpu.memref_squeeze %dma_wait3A_257 : memref<1x16x1024xf32, #tpu.memory_space<vmem>> -> memref<16x1024xf32, #tpu.memory_space<vmem>>
    tpu.wait_dma2 semaphore(%dma_wait3A_252 : memref<!tpu.dma_semaphore, #tpu.memory_space<semaphore_mem>>) src(%dma_wait3A_258 : memref<16x1024xf32, #tpu.memory_space<vmem>>) dst(%dma_wait3A_254 : memref<16x1024xf32, #tpu.memory_space<hbm>>)
    %dma_start3A_259 = arith.constant 3 : i32
    %dma_start3A_260 = arith.constant 1 : i32
    %dma_start3A_261 = arith.constant 1 : i32
    %dma_start3A_262 = arith.constant 0 : i32
    %dma_start3A_263 = arith.constant 0 : i32
    %dma_start3A_264 = tpu.memref_slice %arg7[%dma_start3A_260, %dma_start3A_262, %dma_start3A_263] : memref<5x16x1024xf32, #tpu.memory_space<vmem>> -> memref<1x16x1024xf32, #tpu.memory_space<vmem>>
    %dma_start3A_265 = tpu.memref_squeeze %dma_start3A_264 : memref<1x16x1024xf32, #tpu.memory_space<vmem>> -> memref<16x1024xf32, #tpu.memory_space<vmem>>
    %dma_start3A_266 = arith.constant 0 : i32
    %dma_start3A_267 = tpu.memref_slice %arg6[%dma_start3A_259, %dma_start3A_266] : memref<4x64xi32, #tpu.memory_space<vmem>> -> memref<1x16xi32, #tpu.memory_space<vmem>>
    %dma_start3A_268 = tpu.memref_squeeze %dma_start3A_267 : memref<1x16xi32, #tpu.memory_space<vmem>> -> memref<16xi32, #tpu.memory_space<vmem>>
    %dma_start3A_269 = arith.constant 0 : i32
    %dma_start3A_270 = arith.constant 0 : i32
    %dma_start3A_271 = tpu.memref_slice %arg3[%dma_start3A_269, %dma_start3A_270] : memref<100000x1024xf32, #tpu.memory_space<hbm>> -> memref<100000x1024xf32, #tpu.memory_space<hbm>>
    %dma_start3A_272 = tpu.memref_slice %arg9[%dma_start3A_261] : memref<5x!tpu.dma_semaphore, #tpu.memory_space<semaphore_mem>> -> memref<1x!tpu.dma_semaphore, #tpu.memory_space<semaphore_mem>>
    %dma_start3A_273 = tpu.memref_squeeze %dma_start3A_272 : memref<1x!tpu.dma_semaphore, #tpu.memory_space<semaphore_mem>> -> memref<!tpu.dma_semaphore, #tpu.memory_space<semaphore_mem>>
    tpu.enqueue_indirect_dma source(%dma_start3A_271 : memref<100000x1024xf32, #tpu.memory_space<hbm>>) target(%dma_start3A_265 : memref<16x1024xf32, #tpu.memory_space<vmem>>) offsets(%dma_start3A_268 : memref<16xi32, #tpu.memory_space<vmem>>) semaphore(%dma_start3A_273 : memref<!tpu.dma_semaphore, #tpu.memory_space<semaphore_mem>>)
    %dma_wait3A_274 = arith.constant 1 : i32
    %dma_wait3A_275 = arith.constant 3 : i32
    %dma_wait3A_276 = arith.constant 3 : i32
    %dma_wait3A_277 = arith.constant 0 : i32
    %dma_wait3A_278 = arith.constant 0 : i32
    %dma_wait3A_279 = tpu.memref_slice %arg7[%dma_wait3A_275, %dma_wait3A_277, %dma_wait3A_278] : memref<5x16x1024xf32, #tpu.memory_space<vmem>> -> memref<1x16x1024xf32, #tpu.memory_space<vmem>>
    %dma_wait3A_280 = tpu.memref_squeeze %dma_wait3A_279 : memref<1x16x1024xf32, #tpu.memory_space<vmem>> -> memref<16x1024xf32, #tpu.memory_space<vmem>>
    %dma_wait3A_281 = arith.constant 16 : i32
    %dma_wait3A_282 = tpu.memref_slice %arg6[%dma_wait3A_274, %dma_wait3A_281] : memref<4x64xi32, #tpu.memory_space<vmem>> -> memref<1x16xi32, #tpu.memory_space<vmem>>
    %dma_wait3A_283 = tpu.memref_squeeze %dma_wait3A_282 : memref<1x16xi32, #tpu.memory_space<vmem>> -> memref<16xi32, #tpu.memory_space<vmem>>
    %dma_wait3A_284 = arith.constant 0 : i32
    %dma_wait3A_285 = arith.constant 0 : i32
    %dma_wait3A_286 = tpu.memref_slice %arg3[%dma_wait3A_284, %dma_wait3A_285] : memref<100000x1024xf32, #tpu.memory_space<hbm>> -> memref<100000x1024xf32, #tpu.memory_space<hbm>>
    %dma_wait3A_287 = tpu.memref_slice %arg9[%dma_wait3A_276] : memref<5x!tpu.dma_semaphore, #tpu.memory_space<semaphore_mem>> -> memref<1x!tpu.dma_semaphore, #tpu.memory_space<semaphore_mem>>
    %dma_wait3A_288 = tpu.memref_squeeze %dma_wait3A_287 : memref<1x!tpu.dma_semaphore, #tpu.memory_space<semaphore_mem>> -> memref<!tpu.dma_semaphore, #tpu.memory_space<semaphore_mem>>
    tpu.wait_indirect_dma semaphore(%dma_wait3A_288 : memref<!tpu.dma_semaphore, #tpu.memory_space<semaphore_mem>>) src(%dma_wait3A_286 : memref<100000x1024xf32, #tpu.memory_space<hbm>>) dst(%dma_wait3A_280 : memref<16x1024xf32, #tpu.memory_space<vmem>>)
    %parallel_loop3A_289 = arith.constant 0 : i32
    %parallel_loop3A_290 = arith.constant 16 : i32
    %parallel_loop3A_291 = arith.constant 1 : i32
    scf.for %parallel_loop3A_1163 = %parallel_loop3A_289 to %parallel_loop3A_290 step %parallel_loop3A_291  : i32 {
      %parallel_loop3A_1164 = arith.constant 0 : i32
      %parallel_loop3A_1165 = arith.constant 64 : i32
      %parallel_loop3A_1166 = arith.constant 1 : i32
      scf.for %parallel_loop3A_1167 = %parallel_loop3A_1164 to %parallel_loop3A_1165 step %parallel_loop3A_1166  : i32 {
        %parallel_loop3A_1168 = arith.constant 16 : i32
        %parallel_loop3A_1169 = arith.muli %parallel_loop3A_1167, %parallel_loop3A_1168 : i32
        %parallel_loop3A_1170 = arith.constant 3 : i32
        %parallel_loop3A_1171 = arith.index_cast %parallel_loop3A_1170 : i32 to index
        %parallel_loop3A_1172 = arith.index_cast %parallel_loop3A_1163 : i32 to index
        %parallel_loop3A_1173 = arith.index_cast %parallel_loop3A_1169 : i32 to index
        %parallel_loop3A_1174 = tpu.vector_load %arg7[%parallel_loop3A_1171, %parallel_loop3A_1172, %parallel_loop3A_1173] {strides = array<i32>} : memref<5x16x1024xf32, #tpu.memory_space<vmem>>, vector<1x1x16xf32>,
        %parallel_loop3A_1175 = vector.shape_cast %parallel_loop3A_1174 : vector<1x1x16xf32> to vector<16xf32>
        %parallel_loop3A_1176 = arith.constant 3.200000e+01 : f32
        %parallel_loop3A_1177 = vector.broadcast %parallel_loop3A_1176 : f32 to vector<16xf32>
        %parallel_loop3A_1178 = arith.mulf %parallel_loop3A_1175, %parallel_loop3A_1177 : vector<16xf32>
        %parallel_loop3A_1179 = arith.constant 16 : i32
        %parallel_loop3A_1180 = arith.addi %parallel_loop3A_1179, %parallel_loop3A_1163 : i32
        %parallel_loop3A_1181 = arith.constant 16 : i32
        %parallel_loop3A_1182 = arith.muli %parallel_loop3A_1167, %parallel_loop3A_1181 : i32
        %parallel_loop3A_1183 = arith.index_cast %parallel_loop3A_1180 : i32 to index
        %parallel_loop3A_1184 = arith.index_cast %parallel_loop3A_1182 : i32 to index
        %parallel_loop3A_1185 = tpu.vector_load %arg8[%parallel_loop3A_1183, %parallel_loop3A_1184] {strides = array<i32>} : memref<32x1024xf32, #tpu.memory_space<vmem>>, vector<1x16xf32>,
        %parallel_loop3A_1186 = vector.shape_cast %parallel_loop3A_1185 : vector<1x16xf32> to vector<16xf32>
        %parallel_loop3A_1187 = arith.addf %parallel_loop3A_1178, %parallel_loop3A_1186 : vector<16xf32>
        %parallel_loop3A_1188 = arith.constant 16 : i32
        %parallel_loop3A_1189 = arith.muli %parallel_loop3A_1167, %parallel_loop3A_1188 : i32
        %parallel_loop3A_1190 = arith.constant 3 : i32
        %parallel_loop3A_1191 = arith.index_cast %parallel_loop3A_1190 : i32 to index
        %parallel_loop3A_1192 = arith.index_cast %parallel_loop3A_1163 : i32 to index
        %parallel_loop3A_1193 = arith.index_cast %parallel_loop3A_1189 : i32 to index
        %parallel_loop3A_1194 = tpu.vector_load %arg7[%parallel_loop3A_1191, %parallel_loop3A_1192, %parallel_loop3A_1193] {strides = array<i32>} : memref<5x16x1024xf32, #tpu.memory_space<vmem>>, vector<1x1x16xf32>,
        %parallel_loop3A_1195 = vector.shape_cast %parallel_loop3A_1194 : vector<1x1x16xf32> to vector<16xf32>
        %parallel_loop3A_1196 = vector.shape_cast %parallel_loop3A_1187 : vector<16xf32> to vector<1x1x16xf32>
        tpu.vector_store %arg7[%parallel_loop3A_1191, %parallel_loop3A_1192, %parallel_loop3A_1193], %parallel_loop3A_1196 {strides = array<i32>} : memref<5x16x1024xf32, #tpu.memory_space<vmem>>, vector<1x1x16xf32>,
      } {sc.loop_unroll_factor = 16 : i64, sc.parallel_access}
    } {sc.loop_unroll_factor = 1 : i64, sc.parallel_access}
    %add3A_292 = arith.constant 2048 : i32
    %add3A_293 = arith.addi %add3A_292, %mul3A_2 : i32
    %add3A_294 = arith.constant 0 : i32
    %add3A_295 = arith.addi %add3A_293, %add3A_294 : i32
    %add3A_296 = arith.constant 16 : i32
    %add3A_297 = arith.addi %add3A_295, %add3A_296 : i32
    %dma_start3A_298 = arith.constant 3 : i32
    %dma_start3A_299 = arith.constant 3 : i32
    %dma_start3A_300 = arith.constant 0 : i32
    %dma_start3A_301 = arith.constant 0 : i32
    %dma_start3A_302 = tpu.memref_slice %arg7[%dma_start3A_298, %dma_start3A_300, %dma_start3A_301] : memref<5x16x1024xf32, #tpu.memory_space<vmem>> -> memref<1x16x1024xf32, #tpu.memory_space<vmem>>
    %dma_start3A_303 = tpu.memref_squeeze %dma_start3A_302 : memref<1x16x1024xf32, #tpu.memory_space<vmem>> -> memref<16x1024xf32, #tpu.memory_space<vmem>>
    %dma_start3A_304 = arith.constant 0 : i32
    %dma_start3A_305 = tpu.memref_slice %arg5[%add3A_297, %dma_start3A_304] : memref<8192x1024xf32, #tpu.memory_space<hbm>> -> memref<16x1024xf32, #tpu.memory_space<hbm>>
    %dma_start3A_306 = tpu.memref_slice %arg10[%dma_start3A_299] : memref<5x!tpu.dma_semaphore, #tpu.memory_space<semaphore_mem>> -> memref<1x!tpu.dma_semaphore, #tpu.memory_space<semaphore_mem>>
    %dma_start3A_307 = tpu.memref_squeeze %dma_start3A_306 : memref<1x!tpu.dma_semaphore, #tpu.memory_space<semaphore_mem>> -> memref<!tpu.dma_semaphore, #tpu.memory_space<semaphore_mem>>
    %dma_start3A_308 = arith.constant 0 : i32
    %dma_start3A_309 = tpu.memref_slice %arg5[%add3A_297, %dma_start3A_308] : memref<8192x1024xf32, #tpu.memory_space<hbm>> -> memref<16x1024xf32, #tpu.memory_space<hbm>>
    %dma_start3A_310 = arith.constant 0 : i32
    %dma_start3A_311 = arith.constant 0 : i32
    %dma_start3A_312 = tpu.memref_slice %arg7[%dma_start3A_298, %dma_start3A_310, %dma_start3A_311] : memref<5x16x1024xf32, #tpu.memory_space<vmem>> -> memref<1x16x1024xf32, #tpu.memory_space<vmem>>
    %dma_start3A_313 = tpu.memref_squeeze %dma_start3A_312 : memref<1x16x1024xf32, #tpu.memory_space<vmem>> -> memref<16x1024xf32, #tpu.memory_space<vmem>>
    tpu.enqueue_dma source(%dma_start3A_313 : memref<16x1024xf32, #tpu.memory_space<vmem>>) target(%dma_start3A_309 : memref<16x1024xf32, #tpu.memory_space<hbm>>) target_semaphore(%dma_start3A_307 : memref<!tpu.dma_semaphore, #tpu.memory_space<semaphore_mem>>)
    %dma_wait3A_314 = arith.constant 2 : i32
    %dma_wait3A_315 = arith.constant 2 : i32
    %dma_wait3A_316 = arith.constant 0 : i32
    %dma_wait3A_317 = arith.constant 0 : i32
    %dma_wait3A_318 = tpu.memref_slice %arg7[%dma_wait3A_314, %dma_wait3A_316, %dma_wait3A_317] : memref<5x16x1024xf32, #tpu.memory_space<vmem>> -> memref<1x16x1024xf32, #tpu.memory_space<vmem>>
    %dma_wait3A_319 = tpu.memref_squeeze %dma_wait3A_318 : memref<1x16x1024xf32, #tpu.memory_space<vmem>> -> memref<16x1024xf32, #tpu.memory_space<vmem>>
    %dma_wait3A_320 = arith.constant 0 : i32
    %dma_wait3A_321 = tpu.memref_slice %arg5[%add3A_226, %dma_wait3A_320] : memref<8192x1024xf32, #tpu.memory_space<hbm>> -> memref<16x1024xf32, #tpu.memory_space<hbm>>
    %dma_wait3A_322 = tpu.memref_slice %arg10[%dma_wait3A_315] : memref<5x!tpu.dma_semaphore, #tpu.memory_space<semaphore_mem>> -> memref<1x!tpu.dma_semaphore, #tpu.memory_space<semaphore_mem>>
    %dma_wait3A_323 = tpu.memref_squeeze %dma_wait3A_322 : memref<1x!tpu.dma_semaphore, #tpu.memory_space<semaphore_mem>> -> memref<!tpu.dma_semaphore, #tpu.memory_space<semaphore_mem>>
    %dma_wait3A_324 = arith.constant 0 : i32
    %dma_wait3A_325 = tpu.memref_slice %arg5[%add3A_226, %dma_wait3A_324] : memref<8192x1024xf32, #tpu.memory_space<hbm>> -> memref<16x1024xf32, #tpu.memory_space<hbm>>
    %dma_wait3A_326 = arith.constant 0 : i32
    %dma_wait3A_327 = arith.constant 0 : i32
    %dma_wait3A_328 = tpu.memref_slice %arg7[%dma_wait3A_314, %dma_wait3A_326, %dma_wait3A_327] : memref<5x16x1024xf32, #tpu.memory_space<vmem>> -> memref<1x16x1024xf32, #tpu.memory_space<vmem>>
    %dma_wait3A_329 = tpu.memref_squeeze %dma_wait3A_328 : memref<1x16x1024xf32, #tpu.memory_space<vmem>> -> memref<16x1024xf32, #tpu.memory_space<vmem>>
    tpu.wait_dma2 semaphore(%dma_wait3A_323 : memref<!tpu.dma_semaphore, #tpu.memory_space<semaphore_mem>>) src(%dma_wait3A_329 : memref<16x1024xf32, #tpu.memory_space<vmem>>) dst(%dma_wait3A_325 : memref<16x1024xf32, #tpu.memory_space<hbm>>)
    %dma_start3A_330 = arith.constant 3 : i32
    %dma_start3A_331 = arith.constant 2 : i32
    %dma_start3A_332 = arith.constant 2 : i32
    %dma_start3A_333 = arith.constant 0 : i32
    %dma_start3A_334 = arith.constant 0 : i32
    %dma_start3A_335 = tpu.memref_slice %arg7[%dma_start3A_331, %dma_start3A_333, %dma_start3A_334] : memref<5x16x1024xf32, #tpu.memory_space<vmem>> -> memref<1x16x1024xf32, #tpu.memory_space<vmem>>
    %dma_start3A_336 = tpu.memref_squeeze %dma_start3A_335 : memref<1x16x1024xf32, #tpu.memory_space<vmem>> -> memref<16x1024xf32, #tpu.memory_space<vmem>>
    %dma_start3A_337 = arith.constant 16 : i32
    %dma_start3A_338 = tpu.memref_slice %arg6[%dma_start3A_330, %dma_start3A_337] : memref<4x64xi32, #tpu.memory_space<vmem>> -> memref<1x16xi32, #tpu.memory_space<vmem>>
    %dma_start3A_339 = tpu.memref_squeeze %dma_start3A_338 : memref<1x16xi32, #tpu.memory_space<vmem>> -> memref<16xi32, #tpu.memory_space<vmem>>
    %dma_start3A_340 = arith.constant 0 : i32
    %dma_start3A_341 = arith.constant 0 : i32
    %dma_start3A_342 = tpu.memref_slice %arg3[%dma_start3A_340, %dma_start3A_341] : memref<100000x1024xf32, #tpu.memory_space<hbm>> -> memref<100000x1024xf32, #tpu.memory_space<hbm>>
    %dma_start3A_343 = tpu.memref_slice %arg9[%dma_start3A_332] : memref<5x!tpu.dma_semaphore, #tpu.memory_space<semaphore_mem>> -> memref<1x!tpu.dma_semaphore, #tpu.memory_space<semaphore_mem>>
    %dma_start3A_344 = tpu.memref_squeeze %dma_start3A_343 : memref<1x!tpu.dma_semaphore, #tpu.memory_space<semaphore_mem>> -> memref<!tpu.dma_semaphore, #tpu.memory_space<semaphore_mem>>
    tpu.enqueue_indirect_dma source(%dma_start3A_342 : memref<100000x1024xf32, #tpu.memory_space<hbm>>) target(%dma_start3A_336 : memref<16x1024xf32, #tpu.memory_space<vmem>>) offsets(%dma_start3A_339 : memref<16xi32, #tpu.memory_space<vmem>>) semaphore(%dma_start3A_344 : memref<!tpu.dma_semaphore, #tpu.memory_space<semaphore_mem>>)
    %dma_wait3A_345 = arith.constant 2 : i32
    %dma_wait3A_346 = arith.constant 4 : i32
    %dma_wait3A_347 = arith.constant 4 : i32
    %dma_wait3A_348 = arith.constant 0 : i32
    %dma_wait3A_349 = arith.constant 0 : i32
    %dma_wait3A_350 = tpu.memref_slice %arg7[%dma_wait3A_346, %dma_wait3A_348, %dma_wait3A_349] : memref<5x16x1024xf32, #tpu.memory_space<vmem>> -> memref<1x16x1024xf32, #tpu.memory_space<vmem>>
    %dma_wait3A_351 = tpu.memref_squeeze %dma_wait3A_350 : memref<1x16x1024xf32, #tpu.memory_space<vmem>> -> memref<16x1024xf32, #tpu.memory_space<vmem>>
    %dma_wait3A_352 = arith.constant 0 : i32
    %dma_wait3A_353 = tpu.memref_slice %arg6[%dma_wait3A_345, %dma_wait3A_352] : memref<4x64xi32, #tpu.memory_space<vmem>> -> memref<1x16xi32, #tpu.memory_space<vmem>>
    %dma_wait3A_354 = tpu.memref_squeeze %dma_wait3A_353 : memref<1x16xi32, #tpu.memory_space<vmem>> -> memref<16xi32, #tpu.memory_space<vmem>>
    %dma_wait3A_355 = arith.constant 0 : i32
    %dma_wait3A_356 = arith.constant 0 : i32
    %dma_wait3A_357 = tpu.memref_slice %arg3[%dma_wait3A_355, %dma_wait3A_356] : memref<100000x1024xf32, #tpu.memory_space<hbm>> -> memref<100000x1024xf32, #tpu.memory_space<hbm>>
    %dma_wait3A_358 = tpu.memref_slice %arg9[%dma_wait3A_347] : memref<5x!tpu.dma_semaphore, #tpu.memory_space<semaphore_mem>> -> memref<1x!tpu.dma_semaphore, #tpu.memory_space<semaphore_mem>>
    %dma_wait3A_359 = tpu.memref_squeeze %dma_wait3A_358 : memref<1x!tpu.dma_semaphore, #tpu.memory_space<semaphore_mem>> -> memref<!tpu.dma_semaphore, #tpu.memory_space<semaphore_mem>>
    tpu.wait_indirect_dma semaphore(%dma_wait3A_359 : memref<!tpu.dma_semaphore, #tpu.memory_space<semaphore_mem>>) src(%dma_wait3A_357 : memref<100000x1024xf32, #tpu.memory_space<hbm>>) dst(%dma_wait3A_351 : memref<16x1024xf32, #tpu.memory_space<vmem>>)
    %parallel_loop3A_360 = arith.constant 0 : i32
    %parallel_loop3A_361 = arith.constant 16 : i32
    %parallel_loop3A_362 = arith.constant 1 : i32
    scf.for %parallel_loop3A_1163 = %parallel_loop3A_360 to %parallel_loop3A_361 step %parallel_loop3A_362  : i32 {
      %parallel_loop3A_1164 = arith.constant 0 : i32
      %parallel_loop3A_1165 = arith.constant 64 : i32
      %parallel_loop3A_1166 = arith.constant 1 : i32
      scf.for %parallel_loop3A_1167 = %parallel_loop3A_1164 to %parallel_loop3A_1165 step %parallel_loop3A_1166  : i32 {
        %parallel_loop3A_1168 = arith.constant 16 : i32
        %parallel_loop3A_1169 = arith.muli %parallel_loop3A_1167, %parallel_loop3A_1168 : i32
        %parallel_loop3A_1170 = arith.constant 4 : i32
        %parallel_loop3A_1171 = arith.index_cast %parallel_loop3A_1170 : i32 to index
        %parallel_loop3A_1172 = arith.index_cast %parallel_loop3A_1163 : i32 to index
        %parallel_loop3A_1173 = arith.index_cast %parallel_loop3A_1169 : i32 to index
        %parallel_loop3A_1174 = tpu.vector_load %arg7[%parallel_loop3A_1171, %parallel_loop3A_1172, %parallel_loop3A_1173] {strides = array<i32>} : memref<5x16x1024xf32, #tpu.memory_space<vmem>>, vector<1x1x16xf32>,
        %parallel_loop3A_1175 = vector.shape_cast %parallel_loop3A_1174 : vector<1x1x16xf32> to vector<16xf32>
        %parallel_loop3A_1176 = arith.constant 3.200000e+01 : f32
        %parallel_loop3A_1177 = vector.broadcast %parallel_loop3A_1176 : f32 to vector<16xf32>
        %parallel_loop3A_1178 = arith.mulf %parallel_loop3A_1175, %parallel_loop3A_1177 : vector<16xf32>
        %parallel_loop3A_1179 = arith.constant 0 : i32
        %parallel_loop3A_1180 = arith.addi %parallel_loop3A_1179, %parallel_loop3A_1163 : i32
        %parallel_loop3A_1181 = arith.constant 16 : i32
        %parallel_loop3A_1182 = arith.muli %parallel_loop3A_1167, %parallel_loop3A_1181 : i32
        %parallel_loop3A_1183 = arith.index_cast %parallel_loop3A_1180 : i32 to index
        %parallel_loop3A_1184 = arith.index_cast %parallel_loop3A_1182 : i32 to index
        %parallel_loop3A_1185 = tpu.vector_load %arg8[%parallel_loop3A_1183, %parallel_loop3A_1184] {strides = array<i32>} : memref<32x1024xf32, #tpu.memory_space<vmem>>, vector<1x16xf32>,
        %parallel_loop3A_1186 = vector.shape_cast %parallel_loop3A_1185 : vector<1x16xf32> to vector<16xf32>
        %parallel_loop3A_1187 = arith.addf %parallel_loop3A_1178, %parallel_loop3A_1186 : vector<16xf32>
        %parallel_loop3A_1188 = arith.constant 16 : i32
        %parallel_loop3A_1189 = arith.muli %parallel_loop3A_1167, %parallel_loop3A_1188 : i32
        %parallel_loop3A_1190 = arith.constant 4 : i32
        %parallel_loop3A_1191 = arith.index_cast %parallel_loop3A_1190 : i32 to index
        %parallel_loop3A_1192 = arith.index_cast %parallel_loop3A_1163 : i32 to index
        %parallel_loop3A_1193 = arith.index_cast %parallel_loop3A_1189 : i32 to index
        %parallel_loop3A_1194 = tpu.vector_load %arg7[%parallel_loop3A_1191, %parallel_loop3A_1192, %parallel_loop3A_1193] {strides = array<i32>} : memref<5x16x1024xf32, #tpu.memory_space<vmem>>, vector<1x1x16xf32>,
        %parallel_loop3A_1195 = vector.shape_cast %parallel_loop3A_1194 : vector<1x1x16xf32> to vector<16xf32>
        %parallel_loop3A_1196 = vector.shape_cast %parallel_loop3A_1187 : vector<16xf32> to vector<1x1x16xf32>
        tpu.vector_store %arg7[%parallel_loop3A_1191, %parallel_loop3A_1192, %parallel_loop3A_1193], %parallel_loop3A_1196 {strides = array<i32>} : memref<5x16x1024xf32, #tpu.memory_space<vmem>>, vector<1x1x16xf32>,
      } {sc.loop_unroll_factor = 16 : i64, sc.parallel_access}
    } {sc.loop_unroll_factor = 1 : i64, sc.parallel_access}
    %add3A_363 = arith.constant 4096 : i32
    %add3A_364 = arith.addi %add3A_363, %mul3A_2 : i32
    %add3A_365 = arith.constant 0 : i32
    %add3A_366 = arith.addi %add3A_364, %add3A_365 : i32
    %add3A_367 = arith.constant 0 : i32
    %add3A_368 = arith.addi %add3A_366, %add3A_367 : i32
    %dma_start3A_369 = arith.constant 4 : i32
    %dma_start3A_370 = arith.constant 4 : i32
    %dma_start3A_371 = arith.constant 0 : i32
    %dma_start3A_372 = arith.constant 0 : i32
    %dma_start3A_373 = tpu.memref_slice %arg7[%dma_start3A_369, %dma_start3A_371, %dma_start3A_372] : memref<5x16x1024xf32, #tpu.memory_space<vmem>> -> memref<1x16x1024xf32, #tpu.memory_space<vmem>>
    %dma_start3A_374 = tpu.memref_squeeze %dma_start3A_373 : memref<1x16x1024xf32, #tpu.memory_space<vmem>> -> memref<16x1024xf32, #tpu.memory_space<vmem>>
    %dma_start3A_375 = arith.constant 0 : i32
    %dma_start3A_376 = tpu.memref_slice %arg5[%add3A_368, %dma_start3A_375] : memref<8192x1024xf32, #tpu.memory_space<hbm>> -> memref<16x1024xf32, #tpu.memory_space<hbm>>
    %dma_start3A_377 = tpu.memref_slice %arg10[%dma_start3A_370] : memref<5x!tpu.dma_semaphore, #tpu.memory_space<semaphore_mem>> -> memref<1x!tpu.dma_semaphore, #tpu.memory_space<semaphore_mem>>
    %dma_start3A_378 = tpu.memref_squeeze %dma_start3A_377 : memref<1x!tpu.dma_semaphore, #tpu.memory_space<semaphore_mem>> -> memref<!tpu.dma_semaphore, #tpu.memory_space<semaphore_mem>>
    %dma_start3A_379 = arith.constant 0 : i32
    %dma_start3A_380 = tpu.memref_slice %arg5[%add3A_368, %dma_start3A_379] : memref<8192x1024xf32, #tpu.memory_space<hbm>> -> memref<16x1024xf32, #tpu.memory_space<hbm>>
    %dma_start3A_381 = arith.constant 0 : i32
    %dma_start3A_382 = arith.constant 0 : i32
    %dma_start3A_383 = tpu.memref_slice %arg7[%dma_start3A_369, %dma_start3A_381, %dma_start3A_382] : memref<5x16x1024xf32, #tpu.memory_space<vmem>> -> memref<1x16x1024xf32, #tpu.memory_space<vmem>>
    %dma_start3A_384 = tpu.memref_squeeze %dma_start3A_383 : memref<1x16x1024xf32, #tpu.memory_space<vmem>> -> memref<16x1024xf32, #tpu.memory_space<vmem>>
    tpu.enqueue_dma source(%dma_start3A_384 : memref<16x1024xf32, #tpu.memory_space<vmem>>) target(%dma_start3A_380 : memref<16x1024xf32, #tpu.memory_space<hbm>>) target_semaphore(%dma_start3A_378 : memref<!tpu.dma_semaphore, #tpu.memory_space<semaphore_mem>>)
    %dma_wait3A_385 = arith.constant 3 : i32
    %dma_wait3A_386 = arith.constant 3 : i32
    %dma_wait3A_387 = arith.constant 0 : i32
    %dma_wait3A_388 = arith.constant 0 : i32
    %dma_wait3A_389 = tpu.memref_slice %arg7[%dma_wait3A_385, %dma_wait3A_387, %dma_wait3A_388] : memref<5x16x1024xf32, #tpu.memory_space<vmem>> -> memref<1x16x1024xf32, #tpu.memory_space<vmem>>
    %dma_wait3A_390 = tpu.memref_squeeze %dma_wait3A_389 : memref<1x16x1024xf32, #tpu.memory_space<vmem>> -> memref<16x1024xf32, #tpu.memory_space<vmem>>
    %dma_wait3A_391 = arith.constant 0 : i32
    %dma_wait3A_392 = tpu.memref_slice %arg5[%add3A_297, %dma_wait3A_391] : memref<8192x1024xf32, #tpu.memory_space<hbm>> -> memref<16x1024xf32, #tpu.memory_space<hbm>>
    %dma_wait3A_393 = tpu.memref_slice %arg10[%dma_wait3A_386] : memref<5x!tpu.dma_semaphore, #tpu.memory_space<semaphore_mem>> -> memref<1x!tpu.dma_semaphore, #tpu.memory_space<semaphore_mem>>
    %dma_wait3A_394 = tpu.memref_squeeze %dma_wait3A_393 : memref<1x!tpu.dma_semaphore, #tpu.memory_space<semaphore_mem>> -> memref<!tpu.dma_semaphore, #tpu.memory_space<semaphore_mem>>
    %dma_wait3A_395 = arith.constant 0 : i32
    %dma_wait3A_396 = tpu.memref_slice %arg5[%add3A_297, %dma_wait3A_395] : memref<8192x1024xf32, #tpu.memory_space<hbm>> -> memref<16x1024xf32, #tpu.memory_space<hbm>>
    %dma_wait3A_397 = arith.constant 0 : i32
    %dma_wait3A_398 = arith.constant 0 : i32
    %dma_wait3A_399 = tpu.memref_slice %arg7[%dma_wait3A_385, %dma_wait3A_397, %dma_wait3A_398] : memref<5x16x1024xf32, #tpu.memory_space<vmem>> -> memref<1x16x1024xf32, #tpu.memory_space<vmem>>
    %dma_wait3A_400 = tpu.memref_squeeze %dma_wait3A_399 : memref<1x16x1024xf32, #tpu.memory_space<vmem>> -> memref<16x1024xf32, #tpu.memory_space<vmem>>
    tpu.wait_dma2 semaphore(%dma_wait3A_394 : memref<!tpu.dma_semaphore, #tpu.memory_space<semaphore_mem>>) src(%dma_wait3A_400 : memref<16x1024xf32, #tpu.memory_space<vmem>>) dst(%dma_wait3A_396 : memref<16x1024xf32, #tpu.memory_space<hbm>>)
    %dma_start3A_401 = arith.constant 0 : i32
    %dma_start3A_402 = arith.constant 3 : i32
    %dma_start3A_403 = arith.constant 3 : i32
    %dma_start3A_404 = arith.constant 0 : i32
    %dma_start3A_405 = arith.constant 0 : i32
    %dma_start3A_406 = tpu.memref_slice %arg7[%dma_start3A_402, %dma_start3A_404, %dma_start3A_405] : memref<5x16x1024xf32, #tpu.memory_space<vmem>> -> memref<1x16x1024xf32, #tpu.memory_space<vmem>>
    %dma_start3A_407 = tpu.memref_squeeze %dma_start3A_406 : memref<1x16x1024xf32, #tpu.memory_space<vmem>> -> memref<16x1024xf32, #tpu.memory_space<vmem>>
    %dma_start3A_408 = arith.constant 32 : i32
    %dma_start3A_409 = tpu.memref_slice %arg6[%dma_start3A_401, %dma_start3A_408] : memref<4x64xi32, #tpu.memory_space<vmem>> -> memref<1x16xi32, #tpu.memory_space<vmem>>
    %dma_start3A_410 = tpu.memref_squeeze %dma_start3A_409 : memref<1x16xi32, #tpu.memory_space<vmem>> -> memref<16xi32, #tpu.memory_space<vmem>>
    %dma_start3A_411 = arith.constant 0 : i32
    %dma_start3A_412 = arith.constant 0 : i32
    %dma_start3A_413 = tpu.memref_slice %arg3[%dma_start3A_411, %dma_start3A_412] : memref<100000x1024xf32, #tpu.memory_space<hbm>> -> memref<100000x1024xf32, #tpu.memory_space<hbm>>
    %dma_start3A_414 = tpu.memref_slice %arg9[%dma_start3A_403] : memref<5x!tpu.dma_semaphore, #tpu.memory_space<semaphore_mem>> -> memref<1x!tpu.dma_semaphore, #tpu.memory_space<semaphore_mem>>
    %dma_start3A_415 = tpu.memref_squeeze %dma_start3A_414 : memref<1x!tpu.dma_semaphore, #tpu.memory_space<semaphore_mem>> -> memref<!tpu.dma_semaphore, #tpu.memory_space<semaphore_mem>>
    tpu.enqueue_indirect_dma source(%dma_start3A_413 : memref<100000x1024xf32, #tpu.memory_space<hbm>>) target(%dma_start3A_407 : memref<16x1024xf32, #tpu.memory_space<vmem>>) offsets(%dma_start3A_410 : memref<16xi32, #tpu.memory_space<vmem>>) semaphore(%dma_start3A_415 : memref<!tpu.dma_semaphore, #tpu.memory_space<semaphore_mem>>)
    %dma_wait3A_416 = arith.constant 2 : i32
    %dma_wait3A_417 = arith.constant 0 : i32
    %dma_wait3A_418 = arith.constant 0 : i32
    %dma_wait3A_419 = arith.constant 0 : i32
    %dma_wait3A_420 = arith.constant 0 : i32
    %dma_wait3A_421 = tpu.memref_slice %arg7[%dma_wait3A_417, %dma_wait3A_419, %dma_wait3A_420] : memref<5x16x1024xf32, #tpu.memory_space<vmem>> -> memref<1x16x1024xf32, #tpu.memory_space<vmem>>
    %dma_wait3A_422 = tpu.memref_squeeze %dma_wait3A_421 : memref<1x16x1024xf32, #tpu.memory_space<vmem>> -> memref<16x1024xf32, #tpu.memory_space<vmem>>
    %dma_wait3A_423 = arith.constant 16 : i32
    %dma_wait3A_424 = tpu.memref_slice %arg6[%dma_wait3A_416, %dma_wait3A_423] : memref<4x64xi32, #tpu.memory_space<vmem>> -> memref<1x16xi32, #tpu.memory_space<vmem>>
    %dma_wait3A_425 = tpu.memref_squeeze %dma_wait3A_424 : memref<1x16xi32, #tpu.memory_space<vmem>> -> memref<16xi32, #tpu.memory_space<vmem>>
    %dma_wait3A_426 = arith.constant 0 : i32
    %dma_wait3A_427 = arith.constant 0 : i32
    %dma_wait3A_428 = tpu.memref_slice %arg3[%dma_wait3A_426, %dma_wait3A_427] : memref<100000x1024xf32, #tpu.memory_space<hbm>> -> memref<100000x1024xf32, #tpu.memory_space<hbm>>
    %dma_wait3A_429 = tpu.memref_slice %arg9[%dma_wait3A_418] : memref<5x!tpu.dma_semaphore, #tpu.memory_space<semaphore_mem>> -> memref<1x!tpu.dma_semaphore, #tpu.memory_space<semaphore_mem>>
    %dma_wait3A_430 = tpu.memref_squeeze %dma_wait3A_429 : memref<1x!tpu.dma_semaphore, #tpu.memory_space<semaphore_mem>> -> memref<!tpu.dma_semaphore, #tpu.memory_space<semaphore_mem>>
    tpu.wait_indirect_dma semaphore(%dma_wait3A_430 : memref<!tpu.dma_semaphore, #tpu.memory_space<semaphore_mem>>) src(%dma_wait3A_428 : memref<100000x1024xf32, #tpu.memory_space<hbm>>) dst(%dma_wait3A_422 : memref<16x1024xf32, #tpu.memory_space<vmem>>)
    %parallel_loop3A_431 = arith.constant 0 : i32
    %parallel_loop3A_432 = arith.constant 16 : i32
    %parallel_loop3A_433 = arith.constant 1 : i32
    scf.for %parallel_loop3A_1163 = %parallel_loop3A_431 to %parallel_loop3A_432 step %parallel_loop3A_433  : i32 {
      %parallel_loop3A_1164 = arith.constant 0 : i32
      %parallel_loop3A_1165 = arith.constant 64 : i32
      %parallel_loop3A_1166 = arith.constant 1 : i32
      scf.for %parallel_loop3A_1167 = %parallel_loop3A_1164 to %parallel_loop3A_1165 step %parallel_loop3A_1166  : i32 {
        %parallel_loop3A_1168 = arith.constant 16 : i32
        %parallel_loop3A_1169 = arith.muli %parallel_loop3A_1167, %parallel_loop3A_1168 : i32
        %parallel_loop3A_1170 = arith.constant 0 : i32
        %parallel_loop3A_1171 = arith.index_cast %parallel_loop3A_1170 : i32 to index
        %parallel_loop3A_1172 = arith.index_cast %parallel_loop3A_1163 : i32 to index
        %parallel_loop3A_1173 = arith.index_cast %parallel_loop3A_1169 : i32 to index
        %parallel_loop3A_1174 = tpu.vector_load %arg7[%parallel_loop3A_1171, %parallel_loop3A_1172, %parallel_loop3A_1173] {strides = array<i32>} : memref<5x16x1024xf32, #tpu.memory_space<vmem>>, vector<1x1x16xf32>,
        %parallel_loop3A_1175 = vector.shape_cast %parallel_loop3A_1174 : vector<1x1x16xf32> to vector<16xf32>
        %parallel_loop3A_1176 = arith.constant 3.200000e+01 : f32
        %parallel_loop3A_1177 = vector.broadcast %parallel_loop3A_1176 : f32 to vector<16xf32>
        %parallel_loop3A_1178 = arith.mulf %parallel_loop3A_1175, %parallel_loop3A_1177 : vector<16xf32>
        %parallel_loop3A_1179 = arith.constant 16 : i32
        %parallel_loop3A_1180 = arith.addi %parallel_loop3A_1179, %parallel_loop3A_1163 : i32
        %parallel_loop3A_1181 = arith.constant 16 : i32
        %parallel_loop3A_1182 = arith.muli %parallel_loop3A_1167, %parallel_loop3A_1181 : i32
        %parallel_loop3A_1183 = arith.index_cast %parallel_loop3A_1180 : i32 to index
        %parallel_loop3A_1184 = arith.index_cast %parallel_loop3A_1182 : i32 to index
        %parallel_loop3A_1185 = tpu.vector_load %arg8[%parallel_loop3A_1183, %parallel_loop3A_1184] {strides = array<i32>} : memref<32x1024xf32, #tpu.memory_space<vmem>>, vector<1x16xf32>,
        %parallel_loop3A_1186 = vector.shape_cast %parallel_loop3A_1185 : vector<1x16xf32> to vector<16xf32>
        %parallel_loop3A_1187 = arith.addf %parallel_loop3A_1178, %parallel_loop3A_1186 : vector<16xf32>
        %parallel_loop3A_1188 = arith.constant 16 : i32
        %parallel_loop3A_1189 = arith.muli %parallel_loop3A_1167, %parallel_loop3A_1188 : i32
        %parallel_loop3A_1190 = arith.constant 0 : i32
        %parallel_loop3A_1191 = arith.index_cast %parallel_loop3A_1190 : i32 to index
        %parallel_loop3A_1192 = arith.index_cast %parallel_loop3A_1163 : i32 to index
        %parallel_loop3A_1193 = arith.index_cast %parallel_loop3A_1189 : i32 to index
        %parallel_loop3A_1194 = tpu.vector_load %arg7[%parallel_loop3A_1191, %parallel_loop3A_1192, %parallel_loop3A_1193] {strides = array<i32>} : memref<5x16x1024xf32, #tpu.memory_space<vmem>>, vector<1x1x16xf32>,
        %parallel_loop3A_1195 = vector.shape_cast %parallel_loop3A_1194 : vector<1x1x16xf32> to vector<16xf32>
        %parallel_loop3A_1196 = vector.shape_cast %parallel_loop3A_1187 : vector<16xf32> to vector<1x1x16xf32>
        tpu.vector_store %arg7[%parallel_loop3A_1191, %parallel_loop3A_1192, %parallel_loop3A_1193], %parallel_loop3A_1196 {strides = array<i32>} : memref<5x16x1024xf32, #tpu.memory_space<vmem>>, vector<1x1x16xf32>,
      } {sc.loop_unroll_factor = 16 : i64, sc.parallel_access}
    } {sc.loop_unroll_factor = 1 : i64, sc.parallel_access}
    %add3A_434 = arith.constant 4096 : i32
    %add3A_435 = arith.addi %add3A_434, %mul3A_2 : i32
    %add3A_436 = arith.constant 0 : i32
    %add3A_437 = arith.addi %add3A_435, %add3A_436 : i32
    %add3A_438 = arith.constant 16 : i32
    %add3A_439 = arith.addi %add3A_437, %add3A_438 : i32
    %dma_start3A_440 = arith.constant 0 : i32
    %dma_start3A_441 = arith.constant 0 : i32
    %dma_start3A_442 = arith.constant 0 : i32
    %dma_start3A_443 = arith.constant 0 : i32
    %dma_start3A_444 = tpu.memref_slice %arg7[%dma_start3A_440, %dma_start3A_442, %dma_start3A_443] : memref<5x16x1024xf32, #tpu.memory_space<vmem>> -> memref<1x16x1024xf32, #tpu.memory_space<vmem>>
    %dma_start3A_445 = tpu.memref_squeeze %dma_start3A_444 : memref<1x16x1024xf32, #tpu.memory_space<vmem>> -> memref<16x1024xf32, #tpu.memory_space<vmem>>
    %dma_start3A_446 = arith.constant 0 : i32
    %dma_start3A_447 = tpu.memref_slice %arg5[%add3A_439, %dma_start3A_446] : memref<8192x1024xf32, #tpu.memory_space<hbm>> -> memref<16x1024xf32, #tpu.memory_space<hbm>>
    %dma_start3A_448 = tpu.memref_slice %arg10[%dma_start3A_441] : memref<5x!tpu.dma_semaphore, #tpu.memory_space<semaphore_mem>> -> memref<1x!tpu.dma_semaphore, #tpu.memory_space<semaphore_mem>>
    %dma_start3A_449 = tpu.memref_squeeze %dma_start3A_448 : memref<1x!tpu.dma_semaphore, #tpu.memory_space<semaphore_mem>> -> memref<!tpu.dma_semaphore, #tpu.memory_space<semaphore_mem>>
    %dma_start3A_450 = arith.constant 0 : i32
    %dma_start3A_451 = tpu.memref_slice %arg5[%add3A_439, %dma_start3A_450] : memref<8192x1024xf32, #tpu.memory_space<hbm>> -> memref<16x1024xf32, #tpu.memory_space<hbm>>
    %dma_start3A_452 = arith.constant 0 : i32
    %dma_start3A_453 = arith.constant 0 : i32
    %dma_start3A_454 = tpu.memref_slice %arg7[%dma_start3A_440, %dma_start3A_452, %dma_start3A_453] : memref<5x16x1024xf32, #tpu.memory_space<vmem>> -> memref<1x16x1024xf32, #tpu.memory_space<vmem>>
    %dma_start3A_455 = tpu.memref_squeeze %dma_start3A_454 : memref<1x16x1024xf32, #tpu.memory_space<vmem>> -> memref<16x1024xf32, #tpu.memory_space<vmem>>
    tpu.enqueue_dma source(%dma_start3A_455 : memref<16x1024xf32, #tpu.memory_space<vmem>>) target(%dma_start3A_451 : memref<16x1024xf32, #tpu.memory_space<hbm>>) target_semaphore(%dma_start3A_449 : memref<!tpu.dma_semaphore, #tpu.memory_space<semaphore_mem>>)
    %dma_wait3A_456 = arith.constant 4 : i32
    %dma_wait3A_457 = arith.constant 4 : i32
    %dma_wait3A_458 = arith.constant 0 : i32
    %dma_wait3A_459 = arith.constant 0 : i32
    %dma_wait3A_460 = tpu.memref_slice %arg7[%dma_wait3A_456, %dma_wait3A_458, %dma_wait3A_459] : memref<5x16x1024xf32, #tpu.memory_space<vmem>> -> memref<1x16x1024xf32, #tpu.memory_space<vmem>>
    %dma_wait3A_461 = tpu.memref_squeeze %dma_wait3A_460 : memref<1x16x1024xf32, #tpu.memory_space<vmem>> -> memref<16x1024xf32, #tpu.memory_space<vmem>>
    %dma_wait3A_462 = arith.constant 0 : i32
    %dma_wait3A_463 = tpu.memref_slice %arg5[%add3A_368, %dma_wait3A_462] : memref<8192x1024xf32, #tpu.memory_space<hbm>> -> memref<16x1024xf32, #tpu.memory_space<hbm>>
    %dma_wait3A_464 = tpu.memref_slice %arg10[%dma_wait3A_457] : memref<5x!tpu.dma_semaphore, #tpu.memory_space<semaphore_mem>> -> memref<1x!tpu.dma_semaphore, #tpu.memory_space<semaphore_mem>>
    %dma_wait3A_465 = tpu.memref_squeeze %dma_wait3A_464 : memref<1x!tpu.dma_semaphore, #tpu.memory_space<semaphore_mem>> -> memref<!tpu.dma_semaphore, #tpu.memory_space<semaphore_mem>>
    %dma_wait3A_466 = arith.constant 0 : i32
    %dma_wait3A_467 = tpu.memref_slice %arg5[%add3A_368, %dma_wait3A_466] : memref<8192x1024xf32, #tpu.memory_space<hbm>> -> memref<16x1024xf32, #tpu.memory_space<hbm>>
    %dma_wait3A_468 = arith.constant 0 : i32
    %dma_wait3A_469 = arith.constant 0 : i32
    %dma_wait3A_470 = tpu.memref_slice %arg7[%dma_wait3A_456, %dma_wait3A_468, %dma_wait3A_469] : memref<5x16x1024xf32, #tpu.memory_space<vmem>> -> memref<1x16x1024xf32, #tpu.memory_space<vmem>>
    %dma_wait3A_471 = tpu.memref_squeeze %dma_wait3A_470 : memref<1x16x1024xf32, #tpu.memory_space<vmem>> -> memref<16x1024xf32, #tpu.memory_space<vmem>>
    tpu.wait_dma2 semaphore(%dma_wait3A_465 : memref<!tpu.dma_semaphore, #tpu.memory_space<semaphore_mem>>) src(%dma_wait3A_471 : memref<16x1024xf32, #tpu.memory_space<vmem>>) dst(%dma_wait3A_467 : memref<16x1024xf32, #tpu.memory_space<hbm>>)
    %dma_start3A_472 = arith.constant 0 : i32
    %dma_start3A_473 = arith.constant 4 : i32
    %dma_start3A_474 = arith.constant 4 : i32
    %dma_start3A_475 = arith.constant 0 : i32
    %dma_start3A_476 = arith.constant 0 : i32
    %dma_start3A_477 = tpu.memref_slice %arg7[%dma_start3A_473, %dma_start3A_475, %dma_start3A_476] : memref<5x16x1024xf32, #tpu.memory_space<vmem>> -> memref<1x16x1024xf32, #tpu.memory_space<vmem>>
    %dma_start3A_478 = tpu.memref_squeeze %dma_start3A_477 : memref<1x16x1024xf32, #tpu.memory_space<vmem>> -> memref<16x1024xf32, #tpu.memory_space<vmem>>
    %dma_start3A_479 = arith.constant 48 : i32
    %dma_start3A_480 = tpu.memref_slice %arg6[%dma_start3A_472, %dma_start3A_479] : memref<4x64xi32, #tpu.memory_space<vmem>> -> memref<1x16xi32, #tpu.memory_space<vmem>>
    %dma_start3A_481 = tpu.memref_squeeze %dma_start3A_480 : memref<1x16xi32, #tpu.memory_space<vmem>> -> memref<16xi32, #tpu.memory_space<vmem>>
    %dma_start3A_482 = arith.constant 0 : i32
    %dma_start3A_483 = arith.constant 0 : i32
    %dma_start3A_484 = tpu.memref_slice %arg3[%dma_start3A_482, %dma_start3A_483] : memref<100000x1024xf32, #tpu.memory_space<hbm>> -> memref<100000x1024xf32, #tpu.memory_space<hbm>>
    %dma_start3A_485 = tpu.memref_slice %arg9[%dma_start3A_474] : memref<5x!tpu.dma_semaphore, #tpu.memory_space<semaphore_mem>> -> memref<1x!tpu.dma_semaphore, #tpu.memory_space<semaphore_mem>>
    %dma_start3A_486 = tpu.memref_squeeze %dma_start3A_485 : memref<1x!tpu.dma_semaphore, #tpu.memory_space<semaphore_mem>> -> memref<!tpu.dma_semaphore, #tpu.memory_space<semaphore_mem>>
    tpu.enqueue_indirect_dma source(%dma_start3A_484 : memref<100000x1024xf32, #tpu.memory_space<hbm>>) target(%dma_start3A_478 : memref<16x1024xf32, #tpu.memory_space<vmem>>) offsets(%dma_start3A_481 : memref<16xi32, #tpu.memory_space<vmem>>) semaphore(%dma_start3A_486 : memref<!tpu.dma_semaphore, #tpu.memory_space<semaphore_mem>>)
    %dma_wait3A_487 = arith.constant 3 : i32
    %dma_wait3A_488 = arith.constant 1 : i32
    %dma_wait3A_489 = arith.constant 1 : i32
    %dma_wait3A_490 = arith.constant 0 : i32
    %dma_wait3A_491 = arith.constant 0 : i32
    %dma_wait3A_492 = tpu.memref_slice %arg7[%dma_wait3A_488, %dma_wait3A_490, %dma_wait3A_491] : memref<5x16x1024xf32, #tpu.memory_space<vmem>> -> memref<1x16x1024xf32, #tpu.memory_space<vmem>>
    %dma_wait3A_493 = tpu.memref_squeeze %dma_wait3A_492 : memref<1x16x1024xf32, #tpu.memory_space<vmem>> -> memref<16x1024xf32, #tpu.memory_space<vmem>>
    %dma_wait3A_494 = arith.constant 0 : i32
    %dma_wait3A_495 = tpu.memref_slice %arg6[%dma_wait3A_487, %dma_wait3A_494] : memref<4x64xi32, #tpu.memory_space<vmem>> -> memref<1x16xi32, #tpu.memory_space<vmem>>
    %dma_wait3A_496 = tpu.memref_squeeze %dma_wait3A_495 : memref<1x16xi32, #tpu.memory_space<vmem>> -> memref<16xi32, #tpu.memory_space<vmem>>
    %dma_wait3A_497 = arith.constant 0 : i32
    %dma_wait3A_498 = arith.constant 0 : i32
    %dma_wait3A_499 = tpu.memref_slice %arg3[%dma_wait3A_497, %dma_wait3A_498] : memref<100000x1024xf32, #tpu.memory_space<hbm>> -> memref<100000x1024xf32, #tpu.memory_space<hbm>>
    %dma_wait3A_500 = tpu.memref_slice %arg9[%dma_wait3A_489] : memref<5x!tpu.dma_semaphore, #tpu.memory_space<semaphore_mem>> -> memref<1x!tpu.dma_semaphore, #tpu.memory_space<semaphore_mem>>
    %dma_wait3A_501 = tpu.memref_squeeze %dma_wait3A_500 : memref<1x!tpu.dma_semaphore, #tpu.memory_space<semaphore_mem>> -> memref<!tpu.dma_semaphore, #tpu.memory_space<semaphore_mem>>
    tpu.wait_indirect_dma semaphore(%dma_wait3A_501 : memref<!tpu.dma_semaphore, #tpu.memory_space<semaphore_mem>>) src(%dma_wait3A_499 : memref<100000x1024xf32, #tpu.memory_space<hbm>>) dst(%dma_wait3A_493 : memref<16x1024xf32, #tpu.memory_space<vmem>>)
    %parallel_loop3A_502 = arith.constant 0 : i32
    %parallel_loop3A_503 = arith.constant 16 : i32
    %parallel_loop3A_504 = arith.constant 1 : i32
    scf.for %parallel_loop3A_1163 = %parallel_loop3A_502 to %parallel_loop3A_503 step %parallel_loop3A_504  : i32 {
      %parallel_loop3A_1164 = arith.constant 0 : i32
      %parallel_loop3A_1165 = arith.constant 64 : i32
      %parallel_loop3A_1166 = arith.constant 1 : i32
      scf.for %parallel_loop3A_1167 = %parallel_loop3A_1164 to %parallel_loop3A_1165 step %parallel_loop3A_1166  : i32 {
        %parallel_loop3A_1168 = arith.constant 16 : i32
        %parallel_loop3A_1169 = arith.muli %parallel_loop3A_1167, %parallel_loop3A_1168 : i32
        %parallel_loop3A_1170 = arith.constant 1 : i32
        %parallel_loop3A_1171 = arith.index_cast %parallel_loop3A_1170 : i32 to index
        %parallel_loop3A_1172 = arith.index_cast %parallel_loop3A_1163 : i32 to index
        %parallel_loop3A_1173 = arith.index_cast %parallel_loop3A_1169 : i32 to index
        %parallel_loop3A_1174 = tpu.vector_load %arg7[%parallel_loop3A_1171, %parallel_loop3A_1172, %parallel_loop3A_1173] {strides = array<i32>} : memref<5x16x1024xf32, #tpu.memory_space<vmem>>, vector<1x1x16xf32>,
        %parallel_loop3A_1175 = vector.shape_cast %parallel_loop3A_1174 : vector<1x1x16xf32> to vector<16xf32>
        %parallel_loop3A_1176 = arith.constant 3.200000e+01 : f32
        %parallel_loop3A_1177 = vector.broadcast %parallel_loop3A_1176 : f32 to vector<16xf32>
        %parallel_loop3A_1178 = arith.mulf %parallel_loop3A_1175, %parallel_loop3A_1177 : vector<16xf32>
        %parallel_loop3A_1179 = arith.constant 0 : i32
        %parallel_loop3A_1180 = arith.addi %parallel_loop3A_1179, %parallel_loop3A_1163 : i32
        %parallel_loop3A_1181 = arith.constant 16 : i32
        %parallel_loop3A_1182 = arith.muli %parallel_loop3A_1167, %parallel_loop3A_1181 : i32
        %parallel_loop3A_1183 = arith.index_cast %parallel_loop3A_1180 : i32 to index
        %parallel_loop3A_1184 = arith.index_cast %parallel_loop3A_1182 : i32 to index
        %parallel_loop3A_1185 = tpu.vector_load %arg8[%parallel_loop3A_1183, %parallel_loop3A_1184] {strides = array<i32>} : memref<32x1024xf32, #tpu.memory_space<vmem>>, vector<1x16xf32>,
        %parallel_loop3A_1186 = vector.shape_cast %parallel_loop3A_1185 : vector<1x16xf32> to vector<16xf32>
        %parallel_loop3A_1187 = arith.addf %parallel_loop3A_1178, %parallel_loop3A_1186 : vector<16xf32>
        %parallel_loop3A_1188 = arith.constant 16 : i32
        %parallel_loop3A_1189 = arith.muli %parallel_loop3A_1167, %parallel_loop3A_1188 : i32
        %parallel_loop3A_1190 = arith.constant 1 : i32
        %parallel_loop3A_1191 = arith.index_cast %parallel_loop3A_1190 : i32 to index
        %parallel_loop3A_1192 = arith.index_cast %parallel_loop3A_1163 : i32 to index
        %parallel_loop3A_1193 = arith.index_cast %parallel_loop3A_1189 : i32 to index
        %parallel_loop3A_1194 = tpu.vector_load %arg7[%parallel_loop3A_1191, %parallel_loop3A_1192, %parallel_loop3A_1193] {strides = array<i32>} : memref<5x16x1024xf32, #tpu.memory_space<vmem>>, vector<1x1x16xf32>,
        %parallel_loop3A_1195 = vector.shape_cast %parallel_loop3A_1194 : vector<1x1x16xf32> to vector<16xf32>
        %parallel_loop3A_1196 = vector.shape_cast %parallel_loop3A_1187 : vector<16xf32> to vector<1x1x16xf32>
        tpu.vector_store %arg7[%parallel_loop3A_1191, %parallel_loop3A_1192, %parallel_loop3A_1193], %parallel_loop3A_1196 {strides = array<i32>} : memref<5x16x1024xf32, #tpu.memory_space<vmem>>, vector<1x1x16xf32>,
      } {sc.loop_unroll_factor = 16 : i64, sc.parallel_access}
    } {sc.loop_unroll_factor = 1 : i64, sc.parallel_access}
    %add3A_505 = arith.constant 6144 : i32
    %add3A_506 = arith.addi %add3A_505, %mul3A_2 : i32
    %add3A_507 = arith.constant 0 : i32
    %add3A_508 = arith.addi %add3A_506, %add3A_507 : i32
    %add3A_509 = arith.constant 0 : i32
    %add3A_510 = arith.addi %add3A_508, %add3A_509 : i32
    %dma_start3A_511 = arith.constant 1 : i32
    %dma_start3A_512 = arith.constant 1 : i32
    %dma_start3A_513 = arith.constant 0 : i32
    %dma_start3A_514 = arith.constant 0 : i32
    %dma_start3A_515 = tpu.memref_slice %arg7[%dma_start3A_511, %dma_start3A_513, %dma_start3A_514] : memref<5x16x1024xf32, #tpu.memory_space<vmem>> -> memref<1x16x1024xf32, #tpu.memory_space<vmem>>
    %dma_start3A_516 = tpu.memref_squeeze %dma_start3A_515 : memref<1x16x1024xf32, #tpu.memory_space<vmem>> -> memref<16x1024xf32, #tpu.memory_space<vmem>>
    %dma_start3A_517 = arith.constant 0 : i32
    %dma_start3A_518 = tpu.memref_slice %arg5[%add3A_510, %dma_start3A_517] : memref<8192x1024xf32, #tpu.memory_space<hbm>> -> memref<16x1024xf32, #tpu.memory_space<hbm>>
    %dma_start3A_519 = tpu.memref_slice %arg10[%dma_start3A_512] : memref<5x!tpu.dma_semaphore, #tpu.memory_space<semaphore_mem>> -> memref<1x!tpu.dma_semaphore, #tpu.memory_space<semaphore_mem>>
    %dma_start3A_520 = tpu.memref_squeeze %dma_start3A_519 : memref<1x!tpu.dma_semaphore, #tpu.memory_space<semaphore_mem>> -> memref<!tpu.dma_semaphore, #tpu.memory_space<semaphore_mem>>
    %dma_start3A_521 = arith.constant 0 : i32
    %dma_start3A_522 = tpu.memref_slice %arg5[%add3A_510, %dma_start3A_521] : memref<8192x1024xf32, #tpu.memory_space<hbm>> -> memref<16x1024xf32, #tpu.memory_space<hbm>>
    %dma_start3A_523 = arith.constant 0 : i32
    %dma_start3A_524 = arith.constant 0 : i32
    %dma_start3A_525 = tpu.memref_slice %arg7[%dma_start3A_511, %dma_start3A_523, %dma_start3A_524] : memref<5x16x1024xf32, #tpu.memory_space<vmem>> -> memref<1x16x1024xf32, #tpu.memory_space<vmem>>
    %dma_start3A_526 = tpu.memref_squeeze %dma_start3A_525 : memref<1x16x1024xf32, #tpu.memory_space<vmem>> -> memref<16x1024xf32, #tpu.memory_space<vmem>>
    tpu.enqueue_dma source(%dma_start3A_526 : memref<16x1024xf32, #tpu.memory_space<vmem>>) target(%dma_start3A_522 : memref<16x1024xf32, #tpu.memory_space<hbm>>) target_semaphore(%dma_start3A_520 : memref<!tpu.dma_semaphore, #tpu.memory_space<semaphore_mem>>)
    %dma_wait3A_527 = arith.constant 0 : i32
    %dma_wait3A_528 = arith.constant 0 : i32
    %dma_wait3A_529 = arith.constant 0 : i32
    %dma_wait3A_530 = arith.constant 0 : i32
    %dma_wait3A_531 = tpu.memref_slice %arg7[%dma_wait3A_527, %dma_wait3A_529, %dma_wait3A_530] : memref<5x16x1024xf32, #tpu.memory_space<vmem>> -> memref<1x16x1024xf32, #tpu.memory_space<vmem>>
    %dma_wait3A_532 = tpu.memref_squeeze %dma_wait3A_531 : memref<1x16x1024xf32, #tpu.memory_space<vmem>> -> memref<16x1024xf32, #tpu.memory_space<vmem>>
    %dma_wait3A_533 = arith.constant 0 : i32
    %dma_wait3A_534 = tpu.memref_slice %arg5[%add3A_439, %dma_wait3A_533] : memref<8192x1024xf32, #tpu.memory_space<hbm>> -> memref<16x1024xf32, #tpu.memory_space<hbm>>
    %dma_wait3A_535 = tpu.memref_slice %arg10[%dma_wait3A_528] : memref<5x!tpu.dma_semaphore, #tpu.memory_space<semaphore_mem>> -> memref<1x!tpu.dma_semaphore, #tpu.memory_space<semaphore_mem>>
    %dma_wait3A_536 = tpu.memref_squeeze %dma_wait3A_535 : memref<1x!tpu.dma_semaphore, #tpu.memory_space<semaphore_mem>> -> memref<!tpu.dma_semaphore, #tpu.memory_space<semaphore_mem>>
    %dma_wait3A_537 = arith.constant 0 : i32
    %dma_wait3A_538 = tpu.memref_slice %arg5[%add3A_439, %dma_wait3A_537] : memref<8192x1024xf32, #tpu.memory_space<hbm>> -> memref<16x1024xf32, #tpu.memory_space<hbm>>
    %dma_wait3A_539 = arith.constant 0 : i32
    %dma_wait3A_540 = arith.constant 0 : i32
    %dma_wait3A_541 = tpu.memref_slice %arg7[%dma_wait3A_527, %dma_wait3A_539, %dma_wait3A_540] : memref<5x16x1024xf32, #tpu.memory_space<vmem>> -> memref<1x16x1024xf32, #tpu.memory_space<vmem>>
    %dma_wait3A_542 = tpu.memref_squeeze %dma_wait3A_541 : memref<1x16x1024xf32, #tpu.memory_space<vmem>> -> memref<16x1024xf32, #tpu.memory_space<vmem>>
    tpu.wait_dma2 semaphore(%dma_wait3A_536 : memref<!tpu.dma_semaphore, #tpu.memory_space<semaphore_mem>>) src(%dma_wait3A_542 : memref<16x1024xf32, #tpu.memory_space<vmem>>) dst(%dma_wait3A_538 : memref<16x1024xf32, #tpu.memory_space<hbm>>)
    %dma_start3A_543 = arith.constant 1 : i32
    %dma_start3A_544 = arith.constant 0 : i32
    %dma_start3A_545 = arith.constant 0 : i32
    %dma_start3A_546 = arith.constant 0 : i32
    %dma_start3A_547 = arith.constant 0 : i32
    %dma_start3A_548 = tpu.memref_slice %arg7[%dma_start3A_544, %dma_start3A_546, %dma_start3A_547] : memref<5x16x1024xf32, #tpu.memory_space<vmem>> -> memref<1x16x1024xf32, #tpu.memory_space<vmem>>
    %dma_start3A_549 = tpu.memref_squeeze %dma_start3A_548 : memref<1x16x1024xf32, #tpu.memory_space<vmem>> -> memref<16x1024xf32, #tpu.memory_space<vmem>>
    %dma_start3A_550 = arith.constant 32 : i32
    %dma_start3A_551 = tpu.memref_slice %arg6[%dma_start3A_543, %dma_start3A_550] : memref<4x64xi32, #tpu.memory_space<vmem>> -> memref<1x16xi32, #tpu.memory_space<vmem>>
    %dma_start3A_552 = tpu.memref_squeeze %dma_start3A_551 : memref<1x16xi32, #tpu.memory_space<vmem>> -> memref<16xi32, #tpu.memory_space<vmem>>
    %dma_start3A_553 = arith.constant 0 : i32
    %dma_start3A_554 = arith.constant 0 : i32
    %dma_start3A_555 = tpu.memref_slice %arg3[%dma_start3A_553, %dma_start3A_554] : memref<100000x1024xf32, #tpu.memory_space<hbm>> -> memref<100000x1024xf32, #tpu.memory_space<hbm>>
    %dma_start3A_556 = tpu.memref_slice %arg9[%dma_start3A_545] : memref<5x!tpu.dma_semaphore, #tpu.memory_space<semaphore_mem>> -> memref<1x!tpu.dma_semaphore, #tpu.memory_space<semaphore_mem>>
    %dma_start3A_557 = tpu.memref_squeeze %dma_start3A_556 : memref<1x!tpu.dma_semaphore, #tpu.memory_space<semaphore_mem>> -> memref<!tpu.dma_semaphore, #tpu.memory_space<semaphore_mem>>
    tpu.enqueue_indirect_dma source(%dma_start3A_555 : memref<100000x1024xf32, #tpu.memory_space<hbm>>) target(%dma_start3A_549 : memref<16x1024xf32, #tpu.memory_space<vmem>>) offsets(%dma_start3A_552 : memref<16xi32, #tpu.memory_space<vmem>>) semaphore(%dma_start3A_557 : memref<!tpu.dma_semaphore, #tpu.memory_space<semaphore_mem>>)
    %dma_wait3A_558 = arith.constant 3 : i32
    %dma_wait3A_559 = arith.constant 2 : i32
    %dma_wait3A_560 = arith.constant 2 : i32
    %dma_wait3A_561 = arith.constant 0 : i32
    %dma_wait3A_562 = arith.constant 0 : i32
    %dma_wait3A_563 = tpu.memref_slice %arg7[%dma_wait3A_559, %dma_wait3A_561, %dma_wait3A_562] : memref<5x16x1024xf32, #tpu.memory_space<vmem>> -> memref<1x16x1024xf32, #tpu.memory_space<vmem>>
    %dma_wait3A_564 = tpu.memref_squeeze %dma_wait3A_563 : memref<1x16x1024xf32, #tpu.memory_space<vmem>> -> memref<16x1024xf32, #tpu.memory_space<vmem>>
    %dma_wait3A_565 = arith.constant 16 : i32
    %dma_wait3A_566 = tpu.memref_slice %arg6[%dma_wait3A_558, %dma_wait3A_565] : memref<4x64xi32, #tpu.memory_space<vmem>> -> memref<1x16xi32, #tpu.memory_space<vmem>>
    %dma_wait3A_567 = tpu.memref_squeeze %dma_wait3A_566 : memref<1x16xi32, #tpu.memory_space<vmem>> -> memref<16xi32, #tpu.memory_space<vmem>>
    %dma_wait3A_568 = arith.constant 0 : i32
    %dma_wait3A_569 = arith.constant 0 : i32
    %dma_wait3A_570 = tpu.memref_slice %arg3[%dma_wait3A_568, %dma_wait3A_569] : memref<100000x1024xf32, #tpu.memory_space<hbm>> -> memref<100000x1024xf32, #tpu.memory_space<hbm>>
    %dma_wait3A_571 = tpu.memref_slice %arg9[%dma_wait3A_560] : memref<5x!tpu.dma_semaphore, #tpu.memory_space<semaphore_mem>> -> memref<1x!tpu.dma_semaphore, #tpu.memory_space<semaphore_mem>>
    %dma_wait3A_572 = tpu.memref_squeeze %dma_wait3A_571 : memref<1x!tpu.dma_semaphore, #tpu.memory_space<semaphore_mem>> -> memref<!tpu.dma_semaphore, #tpu.memory_space<semaphore_mem>>
    tpu.wait_indirect_dma semaphore(%dma_wait3A_572 : memref<!tpu.dma_semaphore, #tpu.memory_space<semaphore_mem>>) src(%dma_wait3A_570 : memref<100000x1024xf32, #tpu.memory_space<hbm>>) dst(%dma_wait3A_564 : memref<16x1024xf32, #tpu.memory_space<vmem>>)
    %parallel_loop3A_573 = arith.constant 0 : i32
    %parallel_loop3A_574 = arith.constant 16 : i32
    %parallel_loop3A_575 = arith.constant 1 : i32
    scf.for %parallel_loop3A_1163 = %parallel_loop3A_573 to %parallel_loop3A_574 step %parallel_loop3A_575  : i32 {
      %parallel_loop3A_1164 = arith.constant 0 : i32
      %parallel_loop3A_1165 = arith.constant 64 : i32
      %parallel_loop3A_1166 = arith.constant 1 : i32
      scf.for %parallel_loop3A_1167 = %parallel_loop3A_1164 to %parallel_loop3A_1165 step %parallel_loop3A_1166  : i32 {
        %parallel_loop3A_1168 = arith.constant 16 : i32
        %parallel_loop3A_1169 = arith.muli %parallel_loop3A_1167, %parallel_loop3A_1168 : i32
        %parallel_loop3A_1170 = arith.constant 2 : i32
        %parallel_loop3A_1171 = arith.index_cast %parallel_loop3A_1170 : i32 to index
        %parallel_loop3A_1172 = arith.index_cast %parallel_loop3A_1163 : i32 to index
        %parallel_loop3A_1173 = arith.index_cast %parallel_loop3A_1169 : i32 to index
        %parallel_loop3A_1174 = tpu.vector_load %arg7[%parallel_loop3A_1171, %parallel_loop3A_1172, %parallel_loop3A_1173] {strides = array<i32>} : memref<5x16x1024xf32, #tpu.memory_space<vmem>>, vector<1x1x16xf32>,
        %parallel_loop3A_1175 = vector.shape_cast %parallel_loop3A_1174 : vector<1x1x16xf32> to vector<16xf32>
        %parallel_loop3A_1176 = arith.constant 3.200000e+01 : f32
        %parallel_loop3A_1177 = vector.broadcast %parallel_loop3A_1176 : f32 to vector<16xf32>
        %parallel_loop3A_1178 = arith.mulf %parallel_loop3A_1175, %parallel_loop3A_1177 : vector<16xf32>
        %parallel_loop3A_1179 = arith.constant 16 : i32
        %parallel_loop3A_1180 = arith.addi %parallel_loop3A_1179, %parallel_loop3A_1163 : i32
        %parallel_loop3A_1181 = arith.constant 16 : i32
        %parallel_loop3A_1182 = arith.muli %parallel_loop3A_1167, %parallel_loop3A_1181 : i32
        %parallel_loop3A_1183 = arith.index_cast %parallel_loop3A_1180 : i32 to index
        %parallel_loop3A_1184 = arith.index_cast %parallel_loop3A_1182 : i32 to index
        %parallel_loop3A_1185 = tpu.vector_load %arg8[%parallel_loop3A_1183, %parallel_loop3A_1184] {strides = array<i32>} : memref<32x1024xf32, #tpu.memory_space<vmem>>, vector<1x16xf32>,
        %parallel_loop3A_1186 = vector.shape_cast %parallel_loop3A_1185 : vector<1x16xf32> to vector<16xf32>
        %parallel_loop3A_1187 = arith.addf %parallel_loop3A_1178, %parallel_loop3A_1186 : vector<16xf32>
        %parallel_loop3A_1188 = arith.constant 16 : i32
        %parallel_loop3A_1189 = arith.muli %parallel_loop3A_1167, %parallel_loop3A_1188 : i32
        %parallel_loop3A_1190 = arith.constant 2 : i32
        %parallel_loop3A_1191 = arith.index_cast %parallel_loop3A_1190 : i32 to index
        %parallel_loop3A_1192 = arith.index_cast %parallel_loop3A_1163 : i32 to index
        %parallel_loop3A_1193 = arith.index_cast %parallel_loop3A_1189 : i32 to index
        %parallel_loop3A_1194 = tpu.vector_load %arg7[%parallel_loop3A_1191, %parallel_loop3A_1192, %parallel_loop3A_1193] {strides = array<i32>} : memref<5x16x1024xf32, #tpu.memory_space<vmem>>, vector<1x1x16xf32>,
        %parallel_loop3A_1195 = vector.shape_cast %parallel_loop3A_1194 : vector<1x1x16xf32> to vector<16xf32>
        %parallel_loop3A_1196 = vector.shape_cast %parallel_loop3A_1187 : vector<16xf32> to vector<1x1x16xf32>
        tpu.vector_store %arg7[%parallel_loop3A_1191, %parallel_loop3A_1192, %parallel_loop3A_1193], %parallel_loop3A_1196 {strides = array<i32>} : memref<5x16x1024xf32, #tpu.memory_space<vmem>>, vector<1x1x16xf32>,
      } {sc.loop_unroll_factor = 16 : i64, sc.parallel_access}
    } {sc.loop_unroll_factor = 1 : i64, sc.parallel_access}
    %add3A_576 = arith.constant 32 : i32
    %add3A_577 = arith.addi %mul3A_2, %add3A_576 : i32
    %dma_start3A_578 = arith.constant 0 : i32
    %dma_start3A_579 = tpu.memref_slice %arg4[%add3A_577, %dma_start3A_578] : memref<2048x1024xf32, #tpu.memory_space<hbm>> -> memref<32x1024xf32, #tpu.memory_space<hbm>>
    %dma_start3A_580 = arith.constant 0 : i32
    %dma_start3A_581 = tpu.memref_slice %arg4[%add3A_577, %dma_start3A_580] : memref<2048x1024xf32, #tpu.memory_space<hbm>> -> memref<32x1024xf32, #tpu.memory_space<hbm>>
    tpu.enqueue_dma source(%dma_start3A_581 : memref<32x1024xf32, #tpu.memory_space<hbm>>) target(%arg8 : memref<32x1024xf32, #tpu.memory_space<vmem>>) target_semaphore(%arg11 : memref<!tpu.dma_semaphore, #tpu.memory_space<semaphore_mem>>)
    %add3A_582 = arith.constant 6144 : i32
    %add3A_583 = arith.addi %add3A_582, %mul3A_2 : i32
    %add3A_584 = arith.constant 0 : i32
    %add3A_585 = arith.addi %add3A_583, %add3A_584 : i32
    %add3A_586 = arith.constant 16 : i32
    %add3A_587 = arith.addi %add3A_585, %add3A_586 : i32
    %dma_start3A_588 = arith.constant 2 : i32
    %dma_start3A_589 = arith.constant 2 : i32
    %dma_start3A_590 = arith.constant 0 : i32
    %dma_start3A_591 = arith.constant 0 : i32
    %dma_start3A_592 = tpu.memref_slice %arg7[%dma_start3A_588, %dma_start3A_590, %dma_start3A_591] : memref<5x16x1024xf32, #tpu.memory_space<vmem>> -> memref<1x16x1024xf32, #tpu.memory_space<vmem>>
    %dma_start3A_593 = tpu.memref_squeeze %dma_start3A_592 : memref<1x16x1024xf32, #tpu.memory_space<vmem>> -> memref<16x1024xf32, #tpu.memory_space<vmem>>
    %dma_start3A_594 = arith.constant 0 : i32
    %dma_start3A_595 = tpu.memref_slice %arg5[%add3A_587, %dma_start3A_594] : memref<8192x1024xf32, #tpu.memory_space<hbm>> -> memref<16x1024xf32, #tpu.memory_space<hbm>>
    %dma_start3A_596 = tpu.memref_slice %arg10[%dma_start3A_589] : memref<5x!tpu.dma_semaphore, #tpu.memory_space<semaphore_mem>> -> memref<1x!tpu.dma_semaphore, #tpu.memory_space<semaphore_mem>>
    %dma_start3A_597 = tpu.memref_squeeze %dma_start3A_596 : memref<1x!tpu.dma_semaphore, #tpu.memory_space<semaphore_mem>> -> memref<!tpu.dma_semaphore, #tpu.memory_space<semaphore_mem>>
    %dma_start3A_598 = arith.constant 0 : i32
    %dma_start3A_599 = tpu.memref_slice %arg5[%add3A_587, %dma_start3A_598] : memref<8192x1024xf32, #tpu.memory_space<hbm>> -> memref<16x1024xf32, #tpu.memory_space<hbm>>
    %dma_start3A_600 = arith.constant 0 : i32
    %dma_start3A_601 = arith.constant 0 : i32
    %dma_start3A_602 = tpu.memref_slice %arg7[%dma_start3A_588, %dma_start3A_600, %dma_start3A_601] : memref<5x16x1024xf32, #tpu.memory_space<vmem>> -> memref<1x16x1024xf32, #tpu.memory_space<vmem>>
    %dma_start3A_603 = tpu.memref_squeeze %dma_start3A_602 : memref<1x16x1024xf32, #tpu.memory_space<vmem>> -> memref<16x1024xf32, #tpu.memory_space<vmem>>
    tpu.enqueue_dma source(%dma_start3A_603 : memref<16x1024xf32, #tpu.memory_space<vmem>>) target(%dma_start3A_599 : memref<16x1024xf32, #tpu.memory_space<hbm>>) target_semaphore(%dma_start3A_597 : memref<!tpu.dma_semaphore, #tpu.memory_space<semaphore_mem>>)
    %dma_wait3A_604 = arith.constant 1 : i32
    %dma_wait3A_605 = arith.constant 1 : i32
    %dma_wait3A_606 = arith.constant 0 : i32
    %dma_wait3A_607 = arith.constant 0 : i32
    %dma_wait3A_608 = tpu.memref_slice %arg7[%dma_wait3A_604, %dma_wait3A_606, %dma_wait3A_607] : memref<5x16x1024xf32, #tpu.memory_space<vmem>> -> memref<1x16x1024xf32, #tpu.memory_space<vmem>>
    %dma_wait3A_609 = tpu.memref_squeeze %dma_wait3A_608 : memref<1x16x1024xf32, #tpu.memory_space<vmem>> -> memref<16x1024xf32, #tpu.memory_space<vmem>>
    %dma_wait3A_610 = arith.constant 0 : i32
    %dma_wait3A_611 = tpu.memref_slice %arg5[%add3A_510, %dma_wait3A_610] : memref<8192x1024xf32, #tpu.memory_space<hbm>> -> memref<16x1024xf32, #tpu.memory_space<hbm>>
    %dma_wait3A_612 = tpu.memref_slice %arg10[%dma_wait3A_605] : memref<5x!tpu.dma_semaphore, #tpu.memory_space<semaphore_mem>> -> memref<1x!tpu.dma_semaphore, #tpu.memory_space<semaphore_mem>>
    %dma_wait3A_613 = tpu.memref_squeeze %dma_wait3A_612 : memref<1x!tpu.dma_semaphore, #tpu.memory_space<semaphore_mem>> -> memref<!tpu.dma_semaphore, #tpu.memory_space<semaphore_mem>>
    %dma_wait3A_614 = arith.constant 0 : i32
    %dma_wait3A_615 = tpu.memref_slice %arg5[%add3A_510, %dma_wait3A_614] : memref<8192x1024xf32, #tpu.memory_space<hbm>> -> memref<16x1024xf32, #tpu.memory_space<hbm>>
    %dma_wait3A_616 = arith.constant 0 : i32
    %dma_wait3A_617 = arith.constant 0 : i32
    %dma_wait3A_618 = tpu.memref_slice %arg7[%dma_wait3A_604, %dma_wait3A_616, %dma_wait3A_617] : memref<5x16x1024xf32, #tpu.memory_space<vmem>> -> memref<1x16x1024xf32, #tpu.memory_space<vmem>>
    %dma_wait3A_619 = tpu.memref_squeeze %dma_wait3A_618 : memref<1x16x1024xf32, #tpu.memory_space<vmem>> -> memref<16x1024xf32, #tpu.memory_space<vmem>>
    tpu.wait_dma2 semaphore(%dma_wait3A_613 : memref<!tpu.dma_semaphore, #tpu.memory_space<semaphore_mem>>) src(%dma_wait3A_619 : memref<16x1024xf32, #tpu.memory_space<vmem>>) dst(%dma_wait3A_615 : memref<16x1024xf32, #tpu.memory_space<hbm>>)
    %dma_start3A_620 = arith.constant 1 : i32
    %dma_start3A_621 = arith.constant 1 : i32
    %dma_start3A_622 = arith.constant 1 : i32
    %dma_start3A_623 = arith.constant 0 : i32
    %dma_start3A_624 = arith.constant 0 : i32
    %dma_start3A_625 = tpu.memref_slice %arg7[%dma_start3A_621, %dma_start3A_623, %dma_start3A_624] : memref<5x16x1024xf32, #tpu.memory_space<vmem>> -> memref<1x16x1024xf32, #tpu.memory_space<vmem>>
    %dma_start3A_626 = tpu.memref_squeeze %dma_start3A_625 : memref<1x16x1024xf32, #tpu.memory_space<vmem>> -> memref<16x1024xf32, #tpu.memory_space<vmem>>
    %dma_start3A_627 = arith.constant 48 : i32
    %dma_start3A_628 = tpu.memref_slice %arg6[%dma_start3A_620, %dma_start3A_627] : memref<4x64xi32, #tpu.memory_space<vmem>> -> memref<1x16xi32, #tpu.memory_space<vmem>>
    %dma_start3A_629 = tpu.memref_squeeze %dma_start3A_628 : memref<1x16xi32, #tpu.memory_space<vmem>> -> memref<16xi32, #tpu.memory_space<vmem>>
    %dma_start3A_630 = arith.constant 0 : i32
    %dma_start3A_631 = arith.constant 0 : i32
    %dma_start3A_632 = tpu.memref_slice %arg3[%dma_start3A_630, %dma_start3A_631] : memref<100000x1024xf32, #tpu.memory_space<hbm>> -> memref<100000x1024xf32, #tpu.memory_space<hbm>>
    %dma_start3A_633 = tpu.memref_slice %arg9[%dma_start3A_622] : memref<5x!tpu.dma_semaphore, #tpu.memory_space<semaphore_mem>> -> memref<1x!tpu.dma_semaphore, #tpu.memory_space<semaphore_mem>>
    %dma_start3A_634 = tpu.memref_squeeze %dma_start3A_633 : memref<1x!tpu.dma_semaphore, #tpu.memory_space<semaphore_mem>> -> memref<!tpu.dma_semaphore, #tpu.memory_space<semaphore_mem>>
    tpu.enqueue_indirect_dma source(%dma_start3A_632 : memref<100000x1024xf32, #tpu.memory_space<hbm>>) target(%dma_start3A_626 : memref<16x1024xf32, #tpu.memory_space<vmem>>) offsets(%dma_start3A_629 : memref<16xi32, #tpu.memory_space<vmem>>) semaphore(%dma_start3A_634 : memref<!tpu.dma_semaphore, #tpu.memory_space<semaphore_mem>>)
    %dma_wait3A_635 = arith.constant 0 : i32
    %dma_wait3A_636 = tpu.memref_slice %arg4[%add3A_577, %dma_wait3A_635] : memref<2048x1024xf32, #tpu.memory_space<hbm>> -> memref<32x1024xf32, #tpu.memory_space<hbm>>
    %dma_wait3A_637 = arith.constant 0 : i32
    %dma_wait3A_638 = tpu.memref_slice %arg4[%add3A_577, %dma_wait3A_637] : memref<2048x1024xf32, #tpu.memory_space<hbm>> -> memref<32x1024xf32, #tpu.memory_space<hbm>>
    tpu.wait_dma2 semaphore(%arg11 : memref<!tpu.dma_semaphore, #tpu.memory_space<semaphore_mem>>) src(%dma_wait3A_638 : memref<32x1024xf32, #tpu.memory_space<hbm>>) dst(%arg8 : memref<32x1024xf32, #tpu.memory_space<vmem>>)
    %dma_wait3A_639 = arith.constant 0 : i32
    %dma_wait3A_640 = arith.constant 3 : i32
    %dma_wait3A_641 = arith.constant 3 : i32
    %dma_wait3A_642 = arith.constant 0 : i32
    %dma_wait3A_643 = arith.constant 0 : i32
    %dma_wait3A_644 = tpu.memref_slice %arg7[%dma_wait3A_640, %dma_wait3A_642, %dma_wait3A_643] : memref<5x16x1024xf32, #tpu.memory_space<vmem>> -> memref<1x16x1024xf32, #tpu.memory_space<vmem>>
    %dma_wait3A_645 = tpu.memref_squeeze %dma_wait3A_644 : memref<1x16x1024xf32, #tpu.memory_space<vmem>> -> memref<16x1024xf32, #tpu.memory_space<vmem>>
    %dma_wait3A_646 = arith.constant 32 : i32
    %dma_wait3A_647 = tpu.memref_slice %arg6[%dma_wait3A_639, %dma_wait3A_646] : memref<4x64xi32, #tpu.memory_space<vmem>> -> memref<1x16xi32, #tpu.memory_space<vmem>>
    %dma_wait3A_648 = tpu.memref_squeeze %dma_wait3A_647 : memref<1x16xi32, #tpu.memory_space<vmem>> -> memref<16xi32, #tpu.memory_space<vmem>>
    %dma_wait3A_649 = arith.constant 0 : i32
    %dma_wait3A_650 = arith.constant 0 : i32
    %dma_wait3A_651 = tpu.memref_slice %arg3[%dma_wait3A_649, %dma_wait3A_650] : memref<100000x1024xf32, #tpu.memory_space<hbm>> -> memref<100000x1024xf32, #tpu.memory_space<hbm>>
    %dma_wait3A_652 = tpu.memref_slice %arg9[%dma_wait3A_641] : memref<5x!tpu.dma_semaphore, #tpu.memory_space<semaphore_mem>> -> memref<1x!tpu.dma_semaphore, #tpu.memory_space<semaphore_mem>>
    %dma_wait3A_653 = tpu.memref_squeeze %dma_wait3A_652 : memref<1x!tpu.dma_semaphore, #tpu.memory_space<semaphore_mem>> -> memref<!tpu.dma_semaphore, #tpu.memory_space<semaphore_mem>>
    tpu.wait_indirect_dma semaphore(%dma_wait3A_653 : memref<!tpu.dma_semaphore, #tpu.memory_space<semaphore_mem>>) src(%dma_wait3A_651 : memref<100000x1024xf32, #tpu.memory_space<hbm>>) dst(%dma_wait3A_645 : memref<16x1024xf32, #tpu.memory_space<vmem>>)
    %parallel_loop3A_654 = arith.constant 0 : i32
    %parallel_loop3A_655 = arith.constant 16 : i32
    %parallel_loop3A_656 = arith.constant 1 : i32
    scf.for %parallel_loop3A_1163 = %parallel_loop3A_654 to %parallel_loop3A_655 step %parallel_loop3A_656  : i32 {
      %parallel_loop3A_1164 = arith.constant 0 : i32
      %parallel_loop3A_1165 = arith.constant 64 : i32
      %parallel_loop3A_1166 = arith.constant 1 : i32
      scf.for %parallel_loop3A_1167 = %parallel_loop3A_1164 to %parallel_loop3A_1165 step %parallel_loop3A_1166  : i32 {
        %parallel_loop3A_1168 = arith.constant 16 : i32
        %parallel_loop3A_1169 = arith.muli %parallel_loop3A_1167, %parallel_loop3A_1168 : i32
        %parallel_loop3A_1170 = arith.constant 3 : i32
        %parallel_loop3A_1171 = arith.index_cast %parallel_loop3A_1170 : i32 to index
        %parallel_loop3A_1172 = arith.index_cast %parallel_loop3A_1163 : i32 to index
        %parallel_loop3A_1173 = arith.index_cast %parallel_loop3A_1169 : i32 to index
        %parallel_loop3A_1174 = tpu.vector_load %arg7[%parallel_loop3A_1171, %parallel_loop3A_1172, %parallel_loop3A_1173] {strides = array<i32>} : memref<5x16x1024xf32, #tpu.memory_space<vmem>>, vector<1x1x16xf32>,
        %parallel_loop3A_1175 = vector.shape_cast %parallel_loop3A_1174 : vector<1x1x16xf32> to vector<16xf32>
        %parallel_loop3A_1176 = arith.constant 3.200000e+01 : f32
        %parallel_loop3A_1177 = vector.broadcast %parallel_loop3A_1176 : f32 to vector<16xf32>
        %parallel_loop3A_1178 = arith.mulf %parallel_loop3A_1175, %parallel_loop3A_1177 : vector<16xf32>
        %parallel_loop3A_1179 = arith.constant 0 : i32
        %parallel_loop3A_1180 = arith.addi %parallel_loop3A_1179, %parallel_loop3A_1163 : i32
        %parallel_loop3A_1181 = arith.constant 16 : i32
        %parallel_loop3A_1182 = arith.muli %parallel_loop3A_1167, %parallel_loop3A_1181 : i32
        %parallel_loop3A_1183 = arith.index_cast %parallel_loop3A_1180 : i32 to index
        %parallel_loop3A_1184 = arith.index_cast %parallel_loop3A_1182 : i32 to index
        %parallel_loop3A_1185 = tpu.vector_load %arg8[%parallel_loop3A_1183, %parallel_loop3A_1184] {strides = array<i32>} : memref<32x1024xf32, #tpu.memory_space<vmem>>, vector<1x16xf32>,
        %parallel_loop3A_1186 = vector.shape_cast %parallel_loop3A_1185 : vector<1x16xf32> to vector<16xf32>
        %parallel_loop3A_1187 = arith.addf %parallel_loop3A_1178, %parallel_loop3A_1186 : vector<16xf32>
        %parallel_loop3A_1188 = arith.constant 16 : i32
        %parallel_loop3A_1189 = arith.muli %parallel_loop3A_1167, %parallel_loop3A_1188 : i32
        %parallel_loop3A_1190 = arith.constant 3 : i32
        %parallel_loop3A_1191 = arith.index_cast %parallel_loop3A_1190 : i32 to index
        %parallel_loop3A_1192 = arith.index_cast %parallel_loop3A_1163 : i32 to index
        %parallel_loop3A_1193 = arith.index_cast %parallel_loop3A_1189 : i32 to index
        %parallel_loop3A_1194 = tpu.vector_load %arg7[%parallel_loop3A_1191, %parallel_loop3A_1192, %parallel_loop3A_1193] {strides = array<i32>} : memref<5x16x1024xf32, #tpu.memory_space<vmem>>, vector<1x1x16xf32>,
        %parallel_loop3A_1195 = vector.shape_cast %parallel_loop3A_1194 : vector<1x1x16xf32> to vector<16xf32>
        %parallel_loop3A_1196 = vector.shape_cast %parallel_loop3A_1187 : vector<16xf32> to vector<1x1x16xf32>
        tpu.vector_store %arg7[%parallel_loop3A_1191, %parallel_loop3A_1192, %parallel_loop3A_1193], %parallel_loop3A_1196 {strides = array<i32>} : memref<5x16x1024xf32, #tpu.memory_space<vmem>>, vector<1x1x16xf32>,
      } {sc.loop_unroll_factor = 16 : i64, sc.parallel_access}
    } {sc.loop_unroll_factor = 1 : i64, sc.parallel_access}
    %add3A_657 = arith.constant 0 : i32
    %add3A_658 = arith.addi %add3A_657, %mul3A_2 : i32
    %add3A_659 = arith.constant 32 : i32
    %add3A_660 = arith.addi %add3A_658, %add3A_659 : i32
    %add3A_661 = arith.constant 0 : i32
    %add3A_662 = arith.addi %add3A_660, %add3A_661 : i32
    %dma_start3A_663 = arith.constant 3 : i32
    %dma_start3A_664 = arith.constant 3 : i32
    %dma_start3A_665 = arith.constant 0 : i32
    %dma_start3A_666 = arith.constant 0 : i32
    %dma_start3A_667 = tpu.memref_slice %arg7[%dma_start3A_663, %dma_start3A_665, %dma_start3A_666] : memref<5x16x1024xf32, #tpu.memory_space<vmem>> -> memref<1x16x1024xf32, #tpu.memory_space<vmem>>
    %dma_start3A_668 = tpu.memref_squeeze %dma_start3A_667 : memref<1x16x1024xf32, #tpu.memory_space<vmem>> -> memref<16x1024xf32, #tpu.memory_space<vmem>>
    %dma_start3A_669 = arith.constant 0 : i32
    %dma_start3A_670 = tpu.memref_slice %arg5[%add3A_662, %dma_start3A_669] : memref<8192x1024xf32, #tpu.memory_space<hbm>> -> memref<16x1024xf32, #tpu.memory_space<hbm>>
    %dma_start3A_671 = tpu.memref_slice %arg10[%dma_start3A_664] : memref<5x!tpu.dma_semaphore, #tpu.memory_space<semaphore_mem>> -> memref<1x!tpu.dma_semaphore, #tpu.memory_space<semaphore_mem>>
    %dma_start3A_672 = tpu.memref_squeeze %dma_start3A_671 : memref<1x!tpu.dma_semaphore, #tpu.memory_space<semaphore_mem>> -> memref<!tpu.dma_semaphore, #tpu.memory_space<semaphore_mem>>
    %dma_start3A_673 = arith.constant 0 : i32
    %dma_start3A_674 = tpu.memref_slice %arg5[%add3A_662, %dma_start3A_673] : memref<8192x1024xf32, #tpu.memory_space<hbm>> -> memref<16x1024xf32, #tpu.memory_space<hbm>>
    %dma_start3A_675 = arith.constant 0 : i32
    %dma_start3A_676 = arith.constant 0 : i32
    %dma_start3A_677 = tpu.memref_slice %arg7[%dma_start3A_663, %dma_start3A_675, %dma_start3A_676] : memref<5x16x1024xf32, #tpu.memory_space<vmem>> -> memref<1x16x1024xf32, #tpu.memory_space<vmem>>
    %dma_start3A_678 = tpu.memref_squeeze %dma_start3A_677 : memref<1x16x1024xf32, #tpu.memory_space<vmem>> -> memref<16x1024xf32, #tpu.memory_space<vmem>>
    tpu.enqueue_dma source(%dma_start3A_678 : memref<16x1024xf32, #tpu.memory_space<vmem>>) target(%dma_start3A_674 : memref<16x1024xf32, #tpu.memory_space<hbm>>) target_semaphore(%dma_start3A_672 : memref<!tpu.dma_semaphore, #tpu.memory_space<semaphore_mem>>)
    %dma_wait3A_679 = arith.constant 2 : i32
    %dma_wait3A_680 = arith.constant 2 : i32
    %dma_wait3A_681 = arith.constant 0 : i32
    %dma_wait3A_682 = arith.constant 0 : i32
    %dma_wait3A_683 = tpu.memref_slice %arg7[%dma_wait3A_679, %dma_wait3A_681, %dma_wait3A_682] : memref<5x16x1024xf32, #tpu.memory_space<vmem>> -> memref<1x16x1024xf32, #tpu.memory_space<vmem>>
    %dma_wait3A_684 = tpu.memref_squeeze %dma_wait3A_683 : memref<1x16x1024xf32, #tpu.memory_space<vmem>> -> memref<16x1024xf32, #tpu.memory_space<vmem>>
    %dma_wait3A_685 = arith.constant 0 : i32
    %dma_wait3A_686 = tpu.memref_slice %arg5[%add3A_587, %dma_wait3A_685] : memref<8192x1024xf32, #tpu.memory_space<hbm>> -> memref<16x1024xf32, #tpu.memory_space<hbm>>
    %dma_wait3A_687 = tpu.memref_slice %arg10[%dma_wait3A_680] : memref<5x!tpu.dma_semaphore, #tpu.memory_space<semaphore_mem>> -> memref<1x!tpu.dma_semaphore, #tpu.memory_space<semaphore_mem>>
    %dma_wait3A_688 = tpu.memref_squeeze %dma_wait3A_687 : memref<1x!tpu.dma_semaphore, #tpu.memory_space<semaphore_mem>> -> memref<!tpu.dma_semaphore, #tpu.memory_space<semaphore_mem>>
    %dma_wait3A_689 = arith.constant 0 : i32
    %dma_wait3A_690 = tpu.memref_slice %arg5[%add3A_587, %dma_wait3A_689] : memref<8192x1024xf32, #tpu.memory_space<hbm>> -> memref<16x1024xf32, #tpu.memory_space<hbm>>
    %dma_wait3A_691 = arith.constant 0 : i32
    %dma_wait3A_692 = arith.constant 0 : i32
    %dma_wait3A_693 = tpu.memref_slice %arg7[%dma_wait3A_679, %dma_wait3A_691, %dma_wait3A_692] : memref<5x16x1024xf32, #tpu.memory_space<vmem>> -> memref<1x16x1024xf32, #tpu.memory_space<vmem>>
    %dma_wait3A_694 = tpu.memref_squeeze %dma_wait3A_693 : memref<1x16x1024xf32, #tpu.memory_space<vmem>> -> memref<16x1024xf32, #tpu.memory_space<vmem>>
    tpu.wait_dma2 semaphore(%dma_wait3A_688 : memref<!tpu.dma_semaphore, #tpu.memory_space<semaphore_mem>>) src(%dma_wait3A_694 : memref<16x1024xf32, #tpu.memory_space<vmem>>) dst(%dma_wait3A_690 : memref<16x1024xf32, #tpu.memory_space<hbm>>)
    %dma_start3A_695 = arith.constant 2 : i32
    %dma_start3A_696 = arith.constant 2 : i32
    %dma_start3A_697 = arith.constant 2 : i32
    %dma_start3A_698 = arith.constant 0 : i32
    %dma_start3A_699 = arith.constant 0 : i32
    %dma_start3A_700 = tpu.memref_slice %arg7[%dma_start3A_696, %dma_start3A_698, %dma_start3A_699] : memref<5x16x1024xf32, #tpu.memory_space<vmem>> -> memref<1x16x1024xf32, #tpu.memory_space<vmem>>
    %dma_start3A_701 = tpu.memref_squeeze %dma_start3A_700 : memref<1x16x1024xf32, #tpu.memory_space<vmem>> -> memref<16x1024xf32, #tpu.memory_space<vmem>>
    %dma_start3A_702 = arith.constant 32 : i32
    %dma_start3A_703 = tpu.memref_slice %arg6[%dma_start3A_695, %dma_start3A_702] : memref<4x64xi32, #tpu.memory_space<vmem>> -> memref<1x16xi32, #tpu.memory_space<vmem>>
    %dma_start3A_704 = tpu.memref_squeeze %dma_start3A_703 : memref<1x16xi32, #tpu.memory_space<vmem>> -> memref<16xi32, #tpu.memory_space<vmem>>
    %dma_start3A_705 = arith.constant 0 : i32
    %dma_start3A_706 = arith.constant 0 : i32
    %dma_start3A_707 = tpu.memref_slice %arg3[%dma_start3A_705, %dma_start3A_706] : memref<100000x1024xf32, #tpu.memory_space<hbm>> -> memref<100000x1024xf32, #tpu.memory_space<hbm>>
    %dma_start3A_708 = tpu.memref_slice %arg9[%dma_start3A_697] : memref<5x!tpu.dma_semaphore, #tpu.memory_space<semaphore_mem>> -> memref<1x!tpu.dma_semaphore, #tpu.memory_space<semaphore_mem>>
    %dma_start3A_709 = tpu.memref_squeeze %dma_start3A_708 : memref<1x!tpu.dma_semaphore, #tpu.memory_space<semaphore_mem>> -> memref<!tpu.dma_semaphore, #tpu.memory_space<semaphore_mem>>
    tpu.enqueue_indirect_dma source(%dma_start3A_707 : memref<100000x1024xf32, #tpu.memory_space<hbm>>) target(%dma_start3A_701 : memref<16x1024xf32, #tpu.memory_space<vmem>>) offsets(%dma_start3A_704 : memref<16xi32, #tpu.memory_space<vmem>>) semaphore(%dma_start3A_709 : memref<!tpu.dma_semaphore, #tpu.memory_space<semaphore_mem>>)
    %dma_wait3A_710 = arith.constant 0 : i32
    %dma_wait3A_711 = arith.constant 4 : i32
    %dma_wait3A_712 = arith.constant 4 : i32
    %dma_wait3A_713 = arith.constant 0 : i32
    %dma_wait3A_714 = arith.constant 0 : i32
    %dma_wait3A_715 = tpu.memref_slice %arg7[%dma_wait3A_711, %dma_wait3A_713, %dma_wait3A_714] : memref<5x16x1024xf32, #tpu.memory_space<vmem>> -> memref<1x16x1024xf32, #tpu.memory_space<vmem>>
    %dma_wait3A_716 = tpu.memref_squeeze %dma_wait3A_715 : memref<1x16x1024xf32, #tpu.memory_space<vmem>> -> memref<16x1024xf32, #tpu.memory_space<vmem>>
    %dma_wait3A_717 = arith.constant 48 : i32
    %dma_wait3A_718 = tpu.memref_slice %arg6[%dma_wait3A_710, %dma_wait3A_717] : memref<4x64xi32, #tpu.memory_space<vmem>> -> memref<1x16xi32, #tpu.memory_space<vmem>>
    %dma_wait3A_719 = tpu.memref_squeeze %dma_wait3A_718 : memref<1x16xi32, #tpu.memory_space<vmem>> -> memref<16xi32, #tpu.memory_space<vmem>>
    %dma_wait3A_720 = arith.constant 0 : i32
    %dma_wait3A_721 = arith.constant 0 : i32
    %dma_wait3A_722 = tpu.memref_slice %arg3[%dma_wait3A_720, %dma_wait3A_721] : memref<100000x1024xf32, #tpu.memory_space<hbm>> -> memref<100000x1024xf32, #tpu.memory_space<hbm>>
    %dma_wait3A_723 = tpu.memref_slice %arg9[%dma_wait3A_712] : memref<5x!tpu.dma_semaphore, #tpu.memory_space<semaphore_mem>> -> memref<1x!tpu.dma_semaphore, #tpu.memory_space<semaphore_mem>>
    %dma_wait3A_724 = tpu.memref_squeeze %dma_wait3A_723 : memref<1x!tpu.dma_semaphore, #tpu.memory_space<semaphore_mem>> -> memref<!tpu.dma_semaphore, #tpu.memory_space<semaphore_mem>>
    tpu.wait_indirect_dma semaphore(%dma_wait3A_724 : memref<!tpu.dma_semaphore, #tpu.memory_space<semaphore_mem>>) src(%dma_wait3A_722 : memref<100000x1024xf32, #tpu.memory_space<hbm>>) dst(%dma_wait3A_716 : memref<16x1024xf32, #tpu.memory_space<vmem>>)
    %parallel_loop3A_725 = arith.constant 0 : i32
    %parallel_loop3A_726 = arith.constant 16 : i32
    %parallel_loop3A_727 = arith.constant 1 : i32
    scf.for %parallel_loop3A_1163 = %parallel_loop3A_725 to %parallel_loop3A_726 step %parallel_loop3A_727  : i32 {
      %parallel_loop3A_1164 = arith.constant 0 : i32
      %parallel_loop3A_1165 = arith.constant 64 : i32
      %parallel_loop3A_1166 = arith.constant 1 : i32
      scf.for %parallel_loop3A_1167 = %parallel_loop3A_1164 to %parallel_loop3A_1165 step %parallel_loop3A_1166  : i32 {
        %parallel_loop3A_1168 = arith.constant 16 : i32
        %parallel_loop3A_1169 = arith.muli %parallel_loop3A_1167, %parallel_loop3A_1168 : i32
        %parallel_loop3A_1170 = arith.constant 4 : i32
        %parallel_loop3A_1171 = arith.index_cast %parallel_loop3A_1170 : i32 to index
        %parallel_loop3A_1172 = arith.index_cast %parallel_loop3A_1163 : i32 to index
        %parallel_loop3A_1173 = arith.index_cast %parallel_loop3A_1169 : i32 to index
        %parallel_loop3A_1174 = tpu.vector_load %arg7[%parallel_loop3A_1171, %parallel_loop3A_1172, %parallel_loop3A_1173] {strides = array<i32>} : memref<5x16x1024xf32, #tpu.memory_space<vmem>>, vector<1x1x16xf32>,
        %parallel_loop3A_1175 = vector.shape_cast %parallel_loop3A_1174 : vector<1x1x16xf32> to vector<16xf32>
        %parallel_loop3A_1176 = arith.constant 3.200000e+01 : f32
        %parallel_loop3A_1177 = vector.broadcast %parallel_loop3A_1176 : f32 to vector<16xf32>
        %parallel_loop3A_1178 = arith.mulf %parallel_loop3A_1175, %parallel_loop3A_1177 : vector<16xf32>
        %parallel_loop3A_1179 = arith.constant 16 : i32
        %parallel_loop3A_1180 = arith.addi %parallel_loop3A_1179, %parallel_loop3A_1163 : i32
        %parallel_loop3A_1181 = arith.constant 16 : i32
        %parallel_loop3A_1182 = arith.muli %parallel_loop3A_1167, %parallel_loop3A_1181 : i32
        %parallel_loop3A_1183 = arith.index_cast %parallel_loop3A_1180 : i32 to index
        %parallel_loop3A_1184 = arith.index_cast %parallel_loop3A_1182 : i32 to index
        %parallel_loop3A_1185 = tpu.vector_load %arg8[%parallel_loop3A_1183, %parallel_loop3A_1184] {strides = array<i32>} : memref<32x1024xf32, #tpu.memory_space<vmem>>, vector<1x16xf32>,
        %parallel_loop3A_1186 = vector.shape_cast %parallel_loop3A_1185 : vector<1x16xf32> to vector<16xf32>
        %parallel_loop3A_1187 = arith.addf %parallel_loop3A_1178, %parallel_loop3A_1186 : vector<16xf32>
        %parallel_loop3A_1188 = arith.constant 16 : i32
        %parallel_loop3A_1189 = arith.muli %parallel_loop3A_1167, %parallel_loop3A_1188 : i32
        %parallel_loop3A_1190 = arith.constant 4 : i32
        %parallel_loop3A_1191 = arith.index_cast %parallel_loop3A_1190 : i32 to index
        %parallel_loop3A_1192 = arith.index_cast %parallel_loop3A_1163 : i32 to index
        %parallel_loop3A_1193 = arith.index_cast %parallel_loop3A_1189 : i32 to index
        %parallel_loop3A_1194 = tpu.vector_load %arg7[%parallel_loop3A_1191, %parallel_loop3A_1192, %parallel_loop3A_1193] {strides = array<i32>} : memref<5x16x1024xf32, #tpu.memory_space<vmem>>, vector<1x1x16xf32>,
        %parallel_loop3A_1195 = vector.shape_cast %parallel_loop3A_1194 : vector<1x1x16xf32> to vector<16xf32>
        %parallel_loop3A_1196 = vector.shape_cast %parallel_loop3A_1187 : vector<16xf32> to vector<1x1x16xf32>
        tpu.vector_store %arg7[%parallel_loop3A_1191, %parallel_loop3A_1192, %parallel_loop3A_1193], %parallel_loop3A_1196 {strides = array<i32>} : memref<5x16x1024xf32, #tpu.memory_space<vmem>>, vector<1x1x16xf32>,
      } {sc.loop_unroll_factor = 16 : i64, sc.parallel_access}
    } {sc.loop_unroll_factor = 1 : i64, sc.parallel_access}
    %add3A_728 = arith.constant 0 : i32
    %add3A_729 = arith.addi %add3A_728, %mul3A_2 : i32
    %add3A_730 = arith.constant 32 : i32
    %add3A_731 = arith.addi %add3A_729, %add3A_730 : i32
    %add3A_732 = arith.constant 16 : i32
    %add3A_733 = arith.addi %add3A_731, %add3A_732 : i32
    %dma_start3A_734 = arith.constant 4 : i32
    %dma_start3A_735 = arith.constant 4 : i32
    %dma_start3A_736 = arith.constant 0 : i32
    %dma_start3A_737 = arith.constant 0 : i32
    %dma_start3A_738 = tpu.memref_slice %arg7[%dma_start3A_734, %dma_start3A_736, %dma_start3A_737] : memref<5x16x1024xf32, #tpu.memory_space<vmem>> -> memref<1x16x1024xf32, #tpu.memory_space<vmem>>
    %dma_start3A_739 = tpu.memref_squeeze %dma_start3A_738 : memref<1x16x1024xf32, #tpu.memory_space<vmem>> -> memref<16x1024xf32, #tpu.memory_space<vmem>>
    %dma_start3A_740 = arith.constant 0 : i32
    %dma_start3A_741 = tpu.memref_slice %arg5[%add3A_733, %dma_start3A_740] : memref<8192x1024xf32, #tpu.memory_space<hbm>> -> memref<16x1024xf32, #tpu.memory_space<hbm>>
    %dma_start3A_742 = tpu.memref_slice %arg10[%dma_start3A_735] : memref<5x!tpu.dma_semaphore, #tpu.memory_space<semaphore_mem>> -> memref<1x!tpu.dma_semaphore, #tpu.memory_space<semaphore_mem>>
    %dma_start3A_743 = tpu.memref_squeeze %dma_start3A_742 : memref<1x!tpu.dma_semaphore, #tpu.memory_space<semaphore_mem>> -> memref<!tpu.dma_semaphore, #tpu.memory_space<semaphore_mem>>
    %dma_start3A_744 = arith.constant 0 : i32
    %dma_start3A_745 = tpu.memref_slice %arg5[%add3A_733, %dma_start3A_744] : memref<8192x1024xf32, #tpu.memory_space<hbm>> -> memref<16x1024xf32, #tpu.memory_space<hbm>>
    %dma_start3A_746 = arith.constant 0 : i32
    %dma_start3A_747 = arith.constant 0 : i32
    %dma_start3A_748 = tpu.memref_slice %arg7[%dma_start3A_734, %dma_start3A_746, %dma_start3A_747] : memref<5x16x1024xf32, #tpu.memory_space<vmem>> -> memref<1x16x1024xf32, #tpu.memory_space<vmem>>
    %dma_start3A_749 = tpu.memref_squeeze %dma_start3A_748 : memref<1x16x1024xf32, #tpu.memory_space<vmem>> -> memref<16x1024xf32, #tpu.memory_space<vmem>>
    tpu.enqueue_dma source(%dma_start3A_749 : memref<16x1024xf32, #tpu.memory_space<vmem>>) target(%dma_start3A_745 : memref<16x1024xf32, #tpu.memory_space<hbm>>) target_semaphore(%dma_start3A_743 : memref<!tpu.dma_semaphore, #tpu.memory_space<semaphore_mem>>)
    %dma_wait3A_750 = arith.constant 3 : i32
    %dma_wait3A_751 = arith.constant 3 : i32
    %dma_wait3A_752 = arith.constant 0 : i32
    %dma_wait3A_753 = arith.constant 0 : i32
    %dma_wait3A_754 = tpu.memref_slice %arg7[%dma_wait3A_750, %dma_wait3A_752, %dma_wait3A_753] : memref<5x16x1024xf32, #tpu.memory_space<vmem>> -> memref<1x16x1024xf32, #tpu.memory_space<vmem>>
    %dma_wait3A_755 = tpu.memref_squeeze %dma_wait3A_754 : memref<1x16x1024xf32, #tpu.memory_space<vmem>> -> memref<16x1024xf32, #tpu.memory_space<vmem>>
    %dma_wait3A_756 = arith.constant 0 : i32
    %dma_wait3A_757 = tpu.memref_slice %arg5[%add3A_662, %dma_wait3A_756] : memref<8192x1024xf32, #tpu.memory_space<hbm>> -> memref<16x1024xf32, #tpu.memory_space<hbm>>
    %dma_wait3A_758 = tpu.memref_slice %arg10[%dma_wait3A_751] : memref<5x!tpu.dma_semaphore, #tpu.memory_space<semaphore_mem>> -> memref<1x!tpu.dma_semaphore, #tpu.memory_space<semaphore_mem>>
    %dma_wait3A_759 = tpu.memref_squeeze %dma_wait3A_758 : memref<1x!tpu.dma_semaphore, #tpu.memory_space<semaphore_mem>> -> memref<!tpu.dma_semaphore, #tpu.memory_space<semaphore_mem>>
    %dma_wait3A_760 = arith.constant 0 : i32
    %dma_wait3A_761 = tpu.memref_slice %arg5[%add3A_662, %dma_wait3A_760] : memref<8192x1024xf32, #tpu.memory_space<hbm>> -> memref<16x1024xf32, #tpu.memory_space<hbm>>
    %dma_wait3A_762 = arith.constant 0 : i32
    %dma_wait3A_763 = arith.constant 0 : i32
    %dma_wait3A_764 = tpu.memref_slice %arg7[%dma_wait3A_750, %dma_wait3A_762, %dma_wait3A_763] : memref<5x16x1024xf32, #tpu.memory_space<vmem>> -> memref<1x16x1024xf32, #tpu.memory_space<vmem>>
    %dma_wait3A_765 = tpu.memref_squeeze %dma_wait3A_764 : memref<1x16x1024xf32, #tpu.memory_space<vmem>> -> memref<16x1024xf32, #tpu.memory_space<vmem>>
    tpu.wait_dma2 semaphore(%dma_wait3A_759 : memref<!tpu.dma_semaphore, #tpu.memory_space<semaphore_mem>>) src(%dma_wait3A_765 : memref<16x1024xf32, #tpu.memory_space<vmem>>) dst(%dma_wait3A_761 : memref<16x1024xf32, #tpu.memory_space<hbm>>)
    %dma_start3A_766 = arith.constant 2 : i32
    %dma_start3A_767 = arith.constant 3 : i32
    %dma_start3A_768 = arith.constant 3 : i32
    %dma_start3A_769 = arith.constant 0 : i32
    %dma_start3A_770 = arith.constant 0 : i32
    %dma_start3A_771 = tpu.memref_slice %arg7[%dma_start3A_767, %dma_start3A_769, %dma_start3A_770] : memref<5x16x1024xf32, #tpu.memory_space<vmem>> -> memref<1x16x1024xf32, #tpu.memory_space<vmem>>
    %dma_start3A_772 = tpu.memref_squeeze %dma_start3A_771 : memref<1x16x1024xf32, #tpu.memory_space<vmem>> -> memref<16x1024xf32, #tpu.memory_space<vmem>>
    %dma_start3A_773 = arith.constant 48 : i32
    %dma_start3A_774 = tpu.memref_slice %arg6[%dma_start3A_766, %dma_start3A_773] : memref<4x64xi32, #tpu.memory_space<vmem>> -> memref<1x16xi32, #tpu.memory_space<vmem>>
    %dma_start3A_775 = tpu.memref_squeeze %dma_start3A_774 : memref<1x16xi32, #tpu.memory_space<vmem>> -> memref<16xi32, #tpu.memory_space<vmem>>
    %dma_start3A_776 = arith.constant 0 : i32
    %dma_start3A_777 = arith.constant 0 : i32
    %dma_start3A_778 = tpu.memref_slice %arg3[%dma_start3A_776, %dma_start3A_777] : memref<100000x1024xf32, #tpu.memory_space<hbm>> -> memref<100000x1024xf32, #tpu.memory_space<hbm>>
    %dma_start3A_779 = tpu.memref_slice %arg9[%dma_start3A_768] : memref<5x!tpu.dma_semaphore, #tpu.memory_space<semaphore_mem>> -> memref<1x!tpu.dma_semaphore, #tpu.memory_space<semaphore_mem>>
    %dma_start3A_780 = tpu.memref_squeeze %dma_start3A_779 : memref<1x!tpu.dma_semaphore, #tpu.memory_space<semaphore_mem>> -> memref<!tpu.dma_semaphore, #tpu.memory_space<semaphore_mem>>
    tpu.enqueue_indirect_dma source(%dma_start3A_778 : memref<100000x1024xf32, #tpu.memory_space<hbm>>) target(%dma_start3A_772 : memref<16x1024xf32, #tpu.memory_space<vmem>>) offsets(%dma_start3A_775 : memref<16xi32, #tpu.memory_space<vmem>>) semaphore(%dma_start3A_780 : memref<!tpu.dma_semaphore, #tpu.memory_space<semaphore_mem>>)
    %dma_wait3A_781 = arith.constant 1 : i32
    %dma_wait3A_782 = arith.constant 0 : i32
    %dma_wait3A_783 = arith.constant 0 : i32
    %dma_wait3A_784 = arith.constant 0 : i32
    %dma_wait3A_785 = arith.constant 0 : i32
    %dma_wait3A_786 = tpu.memref_slice %arg7[%dma_wait3A_782, %dma_wait3A_784, %dma_wait3A_785] : memref<5x16x1024xf32, #tpu.memory_space<vmem>> -> memref<1x16x1024xf32, #tpu.memory_space<vmem>>
    %dma_wait3A_787 = tpu.memref_squeeze %dma_wait3A_786 : memref<1x16x1024xf32, #tpu.memory_space<vmem>> -> memref<16x1024xf32, #tpu.memory_space<vmem>>
    %dma_wait3A_788 = arith.constant 32 : i32
    %dma_wait3A_789 = tpu.memref_slice %arg6[%dma_wait3A_781, %dma_wait3A_788] : memref<4x64xi32, #tpu.memory_space<vmem>> -> memref<1x16xi32, #tpu.memory_space<vmem>>
    %dma_wait3A_790 = tpu.memref_squeeze %dma_wait3A_789 : memref<1x16xi32, #tpu.memory_space<vmem>> -> memref<16xi32, #tpu.memory_space<vmem>>
    %dma_wait3A_791 = arith.constant 0 : i32
    %dma_wait3A_792 = arith.constant 0 : i32
    %dma_wait3A_793 = tpu.memref_slice %arg3[%dma_wait3A_791, %dma_wait3A_792] : memref<100000x1024xf32, #tpu.memory_space<hbm>> -> memref<100000x1024xf32, #tpu.memory_space<hbm>>
    %dma_wait3A_794 = tpu.memref_slice %arg9[%dma_wait3A_783] : memref<5x!tpu.dma_semaphore, #tpu.memory_space<semaphore_mem>> -> memref<1x!tpu.dma_semaphore, #tpu.memory_space<semaphore_mem>>
    %dma_wait3A_795 = tpu.memref_squeeze %dma_wait3A_794 : memref<1x!tpu.dma_semaphore, #tpu.memory_space<semaphore_mem>> -> memref<!tpu.dma_semaphore, #tpu.memory_space<semaphore_mem>>
    tpu.wait_indirect_dma semaphore(%dma_wait3A_795 : memref<!tpu.dma_semaphore, #tpu.memory_space<semaphore_mem>>) src(%dma_wait3A_793 : memref<100000x1024xf32, #tpu.memory_space<hbm>>) dst(%dma_wait3A_787 : memref<16x1024xf32, #tpu.memory_space<vmem>>)
    %parallel_loop3A_796 = arith.constant 0 : i32
    %parallel_loop3A_797 = arith.constant 16 : i32
    %parallel_loop3A_798 = arith.constant 1 : i32
    scf.for %parallel_loop3A_1163 = %parallel_loop3A_796 to %parallel_loop3A_797 step %parallel_loop3A_798  : i32 {
      %parallel_loop3A_1164 = arith.constant 0 : i32
      %parallel_loop3A_1165 = arith.constant 64 : i32
      %parallel_loop3A_1166 = arith.constant 1 : i32
      scf.for %parallel_loop3A_1167 = %parallel_loop3A_1164 to %parallel_loop3A_1165 step %parallel_loop3A_1166  : i32 {
        %parallel_loop3A_1168 = arith.constant 16 : i32
        %parallel_loop3A_1169 = arith.muli %parallel_loop3A_1167, %parallel_loop3A_1168 : i32
        %parallel_loop3A_1170 = arith.constant 0 : i32
        %parallel_loop3A_1171 = arith.index_cast %parallel_loop3A_1170 : i32 to index
        %parallel_loop3A_1172 = arith.index_cast %parallel_loop3A_1163 : i32 to index
        %parallel_loop3A_1173 = arith.index_cast %parallel_loop3A_1169 : i32 to index
        %parallel_loop3A_1174 = tpu.vector_load %arg7[%parallel_loop3A_1171, %parallel_loop3A_1172, %parallel_loop3A_1173] {strides = array<i32>} : memref<5x16x1024xf32, #tpu.memory_space<vmem>>, vector<1x1x16xf32>,
        %parallel_loop3A_1175 = vector.shape_cast %parallel_loop3A_1174 : vector<1x1x16xf32> to vector<16xf32>
        %parallel_loop3A_1176 = arith.constant 3.200000e+01 : f32
        %parallel_loop3A_1177 = vector.broadcast %parallel_loop3A_1176 : f32 to vector<16xf32>
        %parallel_loop3A_1178 = arith.mulf %parallel_loop3A_1175, %parallel_loop3A_1177 : vector<16xf32>
        %parallel_loop3A_1179 = arith.constant 0 : i32
        %parallel_loop3A_1180 = arith.addi %parallel_loop3A_1179, %parallel_loop3A_1163 : i32
        %parallel_loop3A_1181 = arith.constant 16 : i32
        %parallel_loop3A_1182 = arith.muli %parallel_loop3A_1167, %parallel_loop3A_1181 : i32
        %parallel_loop3A_1183 = arith.index_cast %parallel_loop3A_1180 : i32 to index
        %parallel_loop3A_1184 = arith.index_cast %parallel_loop3A_1182 : i32 to index
        %parallel_loop3A_1185 = tpu.vector_load %arg8[%parallel_loop3A_1183, %parallel_loop3A_1184] {strides = array<i32>} : memref<32x1024xf32, #tpu.memory_space<vmem>>, vector<1x16xf32>,
        %parallel_loop3A_1186 = vector.shape_cast %parallel_loop3A_1185 : vector<1x16xf32> to vector<16xf32>
        %parallel_loop3A_1187 = arith.addf %parallel_loop3A_1178, %parallel_loop3A_1186 : vector<16xf32>
        %parallel_loop3A_1188 = arith.constant 16 : i32
        %parallel_loop3A_1189 = arith.muli %parallel_loop3A_1167, %parallel_loop3A_1188 : i32
        %parallel_loop3A_1190 = arith.constant 0 : i32
        %parallel_loop3A_1191 = arith.index_cast %parallel_loop3A_1190 : i32 to index
        %parallel_loop3A_1192 = arith.index_cast %parallel_loop3A_1163 : i32 to index
        %parallel_loop3A_1193 = arith.index_cast %parallel_loop3A_1189 : i32 to index
        %parallel_loop3A_1194 = tpu.vector_load %arg7[%parallel_loop3A_1191, %parallel_loop3A_1192, %parallel_loop3A_1193] {strides = array<i32>} : memref<5x16x1024xf32, #tpu.memory_space<vmem>>, vector<1x1x16xf32>,
        %parallel_loop3A_1195 = vector.shape_cast %parallel_loop3A_1194 : vector<1x1x16xf32> to vector<16xf32>
        %parallel_loop3A_1196 = vector.shape_cast %parallel_loop3A_1187 : vector<16xf32> to vector<1x1x16xf32>
        tpu.vector_store %arg7[%parallel_loop3A_1191, %parallel_loop3A_1192, %parallel_loop3A_1193], %parallel_loop3A_1196 {strides = array<i32>} : memref<5x16x1024xf32, #tpu.memory_space<vmem>>, vector<1x1x16xf32>,
      } {sc.loop_unroll_factor = 16 : i64, sc.parallel_access}
    } {sc.loop_unroll_factor = 1 : i64, sc.parallel_access}
    %add3A_799 = arith.constant 2048 : i32
    %add3A_800 = arith.addi %add3A_799, %mul3A_2 : i32
    %add3A_801 = arith.constant 32 : i32
    %add3A_802 = arith.addi %add3A_800, %add3A_801 : i32
    %add3A_803 = arith.constant 0 : i32
    %add3A_804 = arith.addi %add3A_802, %add3A_803 : i32
    %dma_start3A_805 = arith.constant 0 : i32
    %dma_start3A_806 = arith.constant 0 : i32
    %dma_start3A_807 = arith.constant 0 : i32
    %dma_start3A_808 = arith.constant 0 : i32
    %dma_start3A_809 = tpu.memref_slice %arg7[%dma_start3A_805, %dma_start3A_807, %dma_start3A_808] : memref<5x16x1024xf32, #tpu.memory_space<vmem>> -> memref<1x16x1024xf32, #tpu.memory_space<vmem>>
    %dma_start3A_810 = tpu.memref_squeeze %dma_start3A_809 : memref<1x16x1024xf32, #tpu.memory_space<vmem>> -> memref<16x1024xf32, #tpu.memory_space<vmem>>
    %dma_start3A_811 = arith.constant 0 : i32
    %dma_start3A_812 = tpu.memref_slice %arg5[%add3A_804, %dma_start3A_811] : memref<8192x1024xf32, #tpu.memory_space<hbm>> -> memref<16x1024xf32, #tpu.memory_space<hbm>>
    %dma_start3A_813 = tpu.memref_slice %arg10[%dma_start3A_806] : memref<5x!tpu.dma_semaphore, #tpu.memory_space<semaphore_mem>> -> memref<1x!tpu.dma_semaphore, #tpu.memory_space<semaphore_mem>>
    %dma_start3A_814 = tpu.memref_squeeze %dma_start3A_813 : memref<1x!tpu.dma_semaphore, #tpu.memory_space<semaphore_mem>> -> memref<!tpu.dma_semaphore, #tpu.memory_space<semaphore_mem>>
    %dma_start3A_815 = arith.constant 0 : i32
    %dma_start3A_816 = tpu.memref_slice %arg5[%add3A_804, %dma_start3A_815] : memref<8192x1024xf32, #tpu.memory_space<hbm>> -> memref<16x1024xf32, #tpu.memory_space<hbm>>
    %dma_start3A_817 = arith.constant 0 : i32
    %dma_start3A_818 = arith.constant 0 : i32
    %dma_start3A_819 = tpu.memref_slice %arg7[%dma_start3A_805, %dma_start3A_817, %dma_start3A_818] : memref<5x16x1024xf32, #tpu.memory_space<vmem>> -> memref<1x16x1024xf32, #tpu.memory_space<vmem>>
    %dma_start3A_820 = tpu.memref_squeeze %dma_start3A_819 : memref<1x16x1024xf32, #tpu.memory_space<vmem>> -> memref<16x1024xf32, #tpu.memory_space<vmem>>
    tpu.enqueue_dma source(%dma_start3A_820 : memref<16x1024xf32, #tpu.memory_space<vmem>>) target(%dma_start3A_816 : memref<16x1024xf32, #tpu.memory_space<hbm>>) target_semaphore(%dma_start3A_814 : memref<!tpu.dma_semaphore, #tpu.memory_space<semaphore_mem>>)
    %dma_wait3A_821 = arith.constant 4 : i32
    %dma_wait3A_822 = arith.constant 4 : i32
    %dma_wait3A_823 = arith.constant 0 : i32
    %dma_wait3A_824 = arith.constant 0 : i32
    %dma_wait3A_825 = tpu.memref_slice %arg7[%dma_wait3A_821, %dma_wait3A_823, %dma_wait3A_824] : memref<5x16x1024xf32, #tpu.memory_space<vmem>> -> memref<1x16x1024xf32, #tpu.memory_space<vmem>>
    %dma_wait3A_826 = tpu.memref_squeeze %dma_wait3A_825 : memref<1x16x1024xf32, #tpu.memory_space<vmem>> -> memref<16x1024xf32, #tpu.memory_space<vmem>>
    %dma_wait3A_827 = arith.constant 0 : i32
    %dma_wait3A_828 = tpu.memref_slice %arg5[%add3A_733, %dma_wait3A_827] : memref<8192x1024xf32, #tpu.memory_space<hbm>> -> memref<16x1024xf32, #tpu.memory_space<hbm>>
    %dma_wait3A_829 = tpu.memref_slice %arg10[%dma_wait3A_822] : memref<5x!tpu.dma_semaphore, #tpu.memory_space<semaphore_mem>> -> memref<1x!tpu.dma_semaphore, #tpu.memory_space<semaphore_mem>>
    %dma_wait3A_830 = tpu.memref_squeeze %dma_wait3A_829 : memref<1x!tpu.dma_semaphore, #tpu.memory_space<semaphore_mem>> -> memref<!tpu.dma_semaphore, #tpu.memory_space<semaphore_mem>>
    %dma_wait3A_831 = arith.constant 0 : i32
    %dma_wait3A_832 = tpu.memref_slice %arg5[%add3A_733, %dma_wait3A_831] : memref<8192x1024xf32, #tpu.memory_space<hbm>> -> memref<16x1024xf32, #tpu.memory_space<hbm>>
    %dma_wait3A_833 = arith.constant 0 : i32
    %dma_wait3A_834 = arith.constant 0 : i32
    %dma_wait3A_835 = tpu.memref_slice %arg7[%dma_wait3A_821, %dma_wait3A_833, %dma_wait3A_834] : memref<5x16x1024xf32, #tpu.memory_space<vmem>> -> memref<1x16x1024xf32, #tpu.memory_space<vmem>>
    %dma_wait3A_836 = tpu.memref_squeeze %dma_wait3A_835 : memref<1x16x1024xf32, #tpu.memory_space<vmem>> -> memref<16x1024xf32, #tpu.memory_space<vmem>>
    tpu.wait_dma2 semaphore(%dma_wait3A_830 : memref<!tpu.dma_semaphore, #tpu.memory_space<semaphore_mem>>) src(%dma_wait3A_836 : memref<16x1024xf32, #tpu.memory_space<vmem>>) dst(%dma_wait3A_832 : memref<16x1024xf32, #tpu.memory_space<hbm>>)
    %dma_start3A_837 = arith.constant 3 : i32
    %dma_start3A_838 = arith.constant 4 : i32
    %dma_start3A_839 = arith.constant 4 : i32
    %dma_start3A_840 = arith.constant 0 : i32
    %dma_start3A_841 = arith.constant 0 : i32
    %dma_start3A_842 = tpu.memref_slice %arg7[%dma_start3A_838, %dma_start3A_840, %dma_start3A_841] : memref<5x16x1024xf32, #tpu.memory_space<vmem>> -> memref<1x16x1024xf32, #tpu.memory_space<vmem>>
    %dma_start3A_843 = tpu.memref_squeeze %dma_start3A_842 : memref<1x16x1024xf32, #tpu.memory_space<vmem>> -> memref<16x1024xf32, #tpu.memory_space<vmem>>
    %dma_start3A_844 = arith.constant 32 : i32
    %dma_start3A_845 = tpu.memref_slice %arg6[%dma_start3A_837, %dma_start3A_844] : memref<4x64xi32, #tpu.memory_space<vmem>> -> memref<1x16xi32, #tpu.memory_space<vmem>>
    %dma_start3A_846 = tpu.memref_squeeze %dma_start3A_845 : memref<1x16xi32, #tpu.memory_space<vmem>> -> memref<16xi32, #tpu.memory_space<vmem>>
    %dma_start3A_847 = arith.constant 0 : i32
    %dma_start3A_848 = arith.constant 0 : i32
    %dma_start3A_849 = tpu.memref_slice %arg3[%dma_start3A_847, %dma_start3A_848] : memref<100000x1024xf32, #tpu.memory_space<hbm>> -> memref<100000x1024xf32, #tpu.memory_space<hbm>>
    %dma_start3A_850 = tpu.memref_slice %arg9[%dma_start3A_839] : memref<5x!tpu.dma_semaphore, #tpu.memory_space<semaphore_mem>> -> memref<1x!tpu.dma_semaphore, #tpu.memory_space<semaphore_mem>>
    %dma_start3A_851 = tpu.memref_squeeze %dma_start3A_850 : memref<1x!tpu.dma_semaphore, #tpu.memory_space<semaphore_mem>> -> memref<!tpu.dma_semaphore, #tpu.memory_space<semaphore_mem>>
    tpu.enqueue_indirect_dma source(%dma_start3A_849 : memref<100000x1024xf32, #tpu.memory_space<hbm>>) target(%dma_start3A_843 : memref<16x1024xf32, #tpu.memory_space<vmem>>) offsets(%dma_start3A_846 : memref<16xi32, #tpu.memory_space<vmem>>) semaphore(%dma_start3A_851 : memref<!tpu.dma_semaphore, #tpu.memory_space<semaphore_mem>>)
    %dma_wait3A_852 = arith.constant 1 : i32
    %dma_wait3A_853 = arith.constant 1 : i32
    %dma_wait3A_854 = arith.constant 1 : i32
    %dma_wait3A_855 = arith.constant 0 : i32
    %dma_wait3A_856 = arith.constant 0 : i32
    %dma_wait3A_857 = tpu.memref_slice %arg7[%dma_wait3A_853, %dma_wait3A_855, %dma_wait3A_856] : memref<5x16x1024xf32, #tpu.memory_space<vmem>> -> memref<1x16x1024xf32, #tpu.memory_space<vmem>>
    %dma_wait3A_858 = tpu.memref_squeeze %dma_wait3A_857 : memref<1x16x1024xf32, #tpu.memory_space<vmem>> -> memref<16x1024xf32, #tpu.memory_space<vmem>>
    %dma_wait3A_859 = arith.constant 48 : i32
    %dma_wait3A_860 = tpu.memref_slice %arg6[%dma_wait3A_852, %dma_wait3A_859] : memref<4x64xi32, #tpu.memory_space<vmem>> -> memref<1x16xi32, #tpu.memory_space<vmem>>
    %dma_wait3A_861 = tpu.memref_squeeze %dma_wait3A_860 : memref<1x16xi32, #tpu.memory_space<vmem>> -> memref<16xi32, #tpu.memory_space<vmem>>
    %dma_wait3A_862 = arith.constant 0 : i32
    %dma_wait3A_863 = arith.constant 0 : i32
    %dma_wait3A_864 = tpu.memref_slice %arg3[%dma_wait3A_862, %dma_wait3A_863] : memref<100000x1024xf32, #tpu.memory_space<hbm>> -> memref<100000x1024xf32, #tpu.memory_space<hbm>>
    %dma_wait3A_865 = tpu.memref_slice %arg9[%dma_wait3A_854] : memref<5x!tpu.dma_semaphore, #tpu.memory_space<semaphore_mem>> -> memref<1x!tpu.dma_semaphore, #tpu.memory_space<semaphore_mem>>
    %dma_wait3A_866 = tpu.memref_squeeze %dma_wait3A_865 : memref<1x!tpu.dma_semaphore, #tpu.memory_space<semaphore_mem>> -> memref<!tpu.dma_semaphore, #tpu.memory_space<semaphore_mem>>
    tpu.wait_indirect_dma semaphore(%dma_wait3A_866 : memref<!tpu.dma_semaphore, #tpu.memory_space<semaphore_mem>>) src(%dma_wait3A_864 : memref<100000x1024xf32, #tpu.memory_space<hbm>>) dst(%dma_wait3A_858 : memref<16x1024xf32, #tpu.memory_space<vmem>>)
    %parallel_loop3A_867 = arith.constant 0 : i32
    %parallel_loop3A_868 = arith.constant 16 : i32
    %parallel_loop3A_869 = arith.constant 1 : i32
    scf.for %parallel_loop3A_1163 = %parallel_loop3A_867 to %parallel_loop3A_868 step %parallel_loop3A_869  : i32 {
      %parallel_loop3A_1164 = arith.constant 0 : i32
      %parallel_loop3A_1165 = arith.constant 64 : i32
      %parallel_loop3A_1166 = arith.constant 1 : i32
      scf.for %parallel_loop3A_1167 = %parallel_loop3A_1164 to %parallel_loop3A_1165 step %parallel_loop3A_1166  : i32 {
        %parallel_loop3A_1168 = arith.constant 16 : i32
        %parallel_loop3A_1169 = arith.muli %parallel_loop3A_1167, %parallel_loop3A_1168 : i32
        %parallel_loop3A_1170 = arith.constant 1 : i32
        %parallel_loop3A_1171 = arith.index_cast %parallel_loop3A_1170 : i32 to index
        %parallel_loop3A_1172 = arith.index_cast %parallel_loop3A_1163 : i32 to index
        %parallel_loop3A_1173 = arith.index_cast %parallel_loop3A_1169 : i32 to index
        %parallel_loop3A_1174 = tpu.vector_load %arg7[%parallel_loop3A_1171, %parallel_loop3A_1172, %parallel_loop3A_1173] {strides = array<i32>} : memref<5x16x1024xf32, #tpu.memory_space<vmem>>, vector<1x1x16xf32>,
        %parallel_loop3A_1175 = vector.shape_cast %parallel_loop3A_1174 : vector<1x1x16xf32> to vector<16xf32>
        %parallel_loop3A_1176 = arith.constant 3.200000e+01 : f32
        %parallel_loop3A_1177 = vector.broadcast %parallel_loop3A_1176 : f32 to vector<16xf32>
        %parallel_loop3A_1178 = arith.mulf %parallel_loop3A_1175, %parallel_loop3A_1177 : vector<16xf32>
        %parallel_loop3A_1179 = arith.constant 16 : i32
        %parallel_loop3A_1180 = arith.addi %parallel_loop3A_1179, %parallel_loop3A_1163 : i32
        %parallel_loop3A_1181 = arith.constant 16 : i32
        %parallel_loop3A_1182 = arith.muli %parallel_loop3A_1167, %parallel_loop3A_1181 : i32
        %parallel_loop3A_1183 = arith.index_cast %parallel_loop3A_1180 : i32 to index
        %parallel_loop3A_1184 = arith.index_cast %parallel_loop3A_1182 : i32 to index
        %parallel_loop3A_1185 = tpu.vector_load %arg8[%parallel_loop3A_1183, %parallel_loop3A_1184] {strides = array<i32>} : memref<32x1024xf32, #tpu.memory_space<vmem>>, vector<1x16xf32>,
        %parallel_loop3A_1186 = vector.shape_cast %parallel_loop3A_1185 : vector<1x16xf32> to vector<16xf32>
        %parallel_loop3A_1187 = arith.addf %parallel_loop3A_1178, %parallel_loop3A_1186 : vector<16xf32>
        %parallel_loop3A_1188 = arith.constant 16 : i32
        %parallel_loop3A_1189 = arith.muli %parallel_loop3A_1167, %parallel_loop3A_1188 : i32
        %parallel_loop3A_1190 = arith.constant 1 : i32
        %parallel_loop3A_1191 = arith.index_cast %parallel_loop3A_1190 : i32 to index
        %parallel_loop3A_1192 = arith.index_cast %parallel_loop3A_1163 : i32 to index
        %parallel_loop3A_1193 = arith.index_cast %parallel_loop3A_1189 : i32 to index
        %parallel_loop3A_1194 = tpu.vector_load %arg7[%parallel_loop3A_1191, %parallel_loop3A_1192, %parallel_loop3A_1193] {strides = array<i32>} : memref<5x16x1024xf32, #tpu.memory_space<vmem>>, vector<1x1x16xf32>,
        %parallel_loop3A_1195 = vector.shape_cast %parallel_loop3A_1194 : vector<1x1x16xf32> to vector<16xf32>
        %parallel_loop3A_1196 = vector.shape_cast %parallel_loop3A_1187 : vector<16xf32> to vector<1x1x16xf32>
        tpu.vector_store %arg7[%parallel_loop3A_1191, %parallel_loop3A_1192, %parallel_loop3A_1193], %parallel_loop3A_1196 {strides = array<i32>} : memref<5x16x1024xf32, #tpu.memory_space<vmem>>, vector<1x1x16xf32>,
      } {sc.loop_unroll_factor = 16 : i64, sc.parallel_access}
    } {sc.loop_unroll_factor = 1 : i64, sc.parallel_access}
    %add3A_870 = arith.constant 2048 : i32
    %add3A_871 = arith.addi %add3A_870, %mul3A_2 : i32
    %add3A_872 = arith.constant 32 : i32
    %add3A_873 = arith.addi %add3A_871, %add3A_872 : i32
    %add3A_874 = arith.constant 16 : i32
    %add3A_875 = arith.addi %add3A_873, %add3A_874 : i32
    %dma_start3A_876 = arith.constant 1 : i32
    %dma_start3A_877 = arith.constant 1 : i32
    %dma_start3A_878 = arith.constant 0 : i32
    %dma_start3A_879 = arith.constant 0 : i32
    %dma_start3A_880 = tpu.memref_slice %arg7[%dma_start3A_876, %dma_start3A_878, %dma_start3A_879] : memref<5x16x1024xf32, #tpu.memory_space<vmem>> -> memref<1x16x1024xf32, #tpu.memory_space<vmem>>
    %dma_start3A_881 = tpu.memref_squeeze %dma_start3A_880 : memref<1x16x1024xf32, #tpu.memory_space<vmem>> -> memref<16x1024xf32, #tpu.memory_space<vmem>>
    %dma_start3A_882 = arith.constant 0 : i32
    %dma_start3A_883 = tpu.memref_slice %arg5[%add3A_875, %dma_start3A_882] : memref<8192x1024xf32, #tpu.memory_space<hbm>> -> memref<16x1024xf32, #tpu.memory_space<hbm>>
    %dma_start3A_884 = tpu.memref_slice %arg10[%dma_start3A_877] : memref<5x!tpu.dma_semaphore, #tpu.memory_space<semaphore_mem>> -> memref<1x!tpu.dma_semaphore, #tpu.memory_space<semaphore_mem>>
    %dma_start3A_885 = tpu.memref_squeeze %dma_start3A_884 : memref<1x!tpu.dma_semaphore, #tpu.memory_space<semaphore_mem>> -> memref<!tpu.dma_semaphore, #tpu.memory_space<semaphore_mem>>
    %dma_start3A_886 = arith.constant 0 : i32
    %dma_start3A_887 = tpu.memref_slice %arg5[%add3A_875, %dma_start3A_886] : memref<8192x1024xf32, #tpu.memory_space<hbm>> -> memref<16x1024xf32, #tpu.memory_space<hbm>>
    %dma_start3A_888 = arith.constant 0 : i32
    %dma_start3A_889 = arith.constant 0 : i32
    %dma_start3A_890 = tpu.memref_slice %arg7[%dma_start3A_876, %dma_start3A_888, %dma_start3A_889] : memref<5x16x1024xf32, #tpu.memory_space<vmem>> -> memref<1x16x1024xf32, #tpu.memory_space<vmem>>
    %dma_start3A_891 = tpu.memref_squeeze %dma_start3A_890 : memref<1x16x1024xf32, #tpu.memory_space<vmem>> -> memref<16x1024xf32, #tpu.memory_space<vmem>>
    tpu.enqueue_dma source(%dma_start3A_891 : memref<16x1024xf32, #tpu.memory_space<vmem>>) target(%dma_start3A_887 : memref<16x1024xf32, #tpu.memory_space<hbm>>) target_semaphore(%dma_start3A_885 : memref<!tpu.dma_semaphore, #tpu.memory_space<semaphore_mem>>)
    %dma_wait3A_892 = arith.constant 0 : i32
    %dma_wait3A_893 = arith.constant 0 : i32
    %dma_wait3A_894 = arith.constant 0 : i32
    %dma_wait3A_895 = arith.constant 0 : i32
    %dma_wait3A_896 = tpu.memref_slice %arg7[%dma_wait3A_892, %dma_wait3A_894, %dma_wait3A_895] : memref<5x16x1024xf32, #tpu.memory_space<vmem>> -> memref<1x16x1024xf32, #tpu.memory_space<vmem>>
    %dma_wait3A_897 = tpu.memref_squeeze %dma_wait3A_896 : memref<1x16x1024xf32, #tpu.memory_space<vmem>> -> memref<16x1024xf32, #tpu.memory_space<vmem>>
    %dma_wait3A_898 = arith.constant 0 : i32
    %dma_wait3A_899 = tpu.memref_slice %arg5[%add3A_804, %dma_wait3A_898] : memref<8192x1024xf32, #tpu.memory_space<hbm>> -> memref<16x1024xf32, #tpu.memory_space<hbm>>
    %dma_wait3A_900 = tpu.memref_slice %arg10[%dma_wait3A_893] : memref<5x!tpu.dma_semaphore, #tpu.memory_space<semaphore_mem>> -> memref<1x!tpu.dma_semaphore, #tpu.memory_space<semaphore_mem>>
    %dma_wait3A_901 = tpu.memref_squeeze %dma_wait3A_900 : memref<1x!tpu.dma_semaphore, #tpu.memory_space<semaphore_mem>> -> memref<!tpu.dma_semaphore, #tpu.memory_space<semaphore_mem>>
    %dma_wait3A_902 = arith.constant 0 : i32
    %dma_wait3A_903 = tpu.memref_slice %arg5[%add3A_804, %dma_wait3A_902] : memref<8192x1024xf32, #tpu.memory_space<hbm>> -> memref<16x1024xf32, #tpu.memory_space<hbm>>
    %dma_wait3A_904 = arith.constant 0 : i32
    %dma_wait3A_905 = arith.constant 0 : i32
    %dma_wait3A_906 = tpu.memref_slice %arg7[%dma_wait3A_892, %dma_wait3A_904, %dma_wait3A_905] : memref<5x16x1024xf32, #tpu.memory_space<vmem>> -> memref<1x16x1024xf32, #tpu.memory_space<vmem>>
    %dma_wait3A_907 = tpu.memref_squeeze %dma_wait3A_906 : memref<1x16x1024xf32, #tpu.memory_space<vmem>> -> memref<16x1024xf32, #tpu.memory_space<vmem>>
    tpu.wait_dma2 semaphore(%dma_wait3A_901 : memref<!tpu.dma_semaphore, #tpu.memory_space<semaphore_mem>>) src(%dma_wait3A_907 : memref<16x1024xf32, #tpu.memory_space<vmem>>) dst(%dma_wait3A_903 : memref<16x1024xf32, #tpu.memory_space<hbm>>)
    %dma_start3A_908 = arith.constant 3 : i32
    %dma_start3A_909 = arith.constant 0 : i32
    %dma_start3A_910 = arith.constant 0 : i32
    %dma_start3A_911 = arith.constant 0 : i32
    %dma_start3A_912 = arith.constant 0 : i32
    %dma_start3A_913 = tpu.memref_slice %arg7[%dma_start3A_909, %dma_start3A_911, %dma_start3A_912] : memref<5x16x1024xf32, #tpu.memory_space<vmem>> -> memref<1x16x1024xf32, #tpu.memory_space<vmem>>
    %dma_start3A_914 = tpu.memref_squeeze %dma_start3A_913 : memref<1x16x1024xf32, #tpu.memory_space<vmem>> -> memref<16x1024xf32, #tpu.memory_space<vmem>>
    %dma_start3A_915 = arith.constant 48 : i32
    %dma_start3A_916 = tpu.memref_slice %arg6[%dma_start3A_908, %dma_start3A_915] : memref<4x64xi32, #tpu.memory_space<vmem>> -> memref<1x16xi32, #tpu.memory_space<vmem>>
    %dma_start3A_917 = tpu.memref_squeeze %dma_start3A_916 : memref<1x16xi32, #tpu.memory_space<vmem>> -> memref<16xi32, #tpu.memory_space<vmem>>
    %dma_start3A_918 = arith.constant 0 : i32
    %dma_start3A_919 = arith.constant 0 : i32
    %dma_start3A_920 = tpu.memref_slice %arg3[%dma_start3A_918, %dma_start3A_919] : memref<100000x1024xf32, #tpu.memory_space<hbm>> -> memref<100000x1024xf32, #tpu.memory_space<hbm>>
    %dma_start3A_921 = tpu.memref_slice %arg9[%dma_start3A_910] : memref<5x!tpu.dma_semaphore, #tpu.memory_space<semaphore_mem>> -> memref<1x!tpu.dma_semaphore, #tpu.memory_space<semaphore_mem>>
    %dma_start3A_922 = tpu.memref_squeeze %dma_start3A_921 : memref<1x!tpu.dma_semaphore, #tpu.memory_space<semaphore_mem>> -> memref<!tpu.dma_semaphore, #tpu.memory_space<semaphore_mem>>
    tpu.enqueue_indirect_dma source(%dma_start3A_920 : memref<100000x1024xf32, #tpu.memory_space<hbm>>) target(%dma_start3A_914 : memref<16x1024xf32, #tpu.memory_space<vmem>>) offsets(%dma_start3A_917 : memref<16xi32, #tpu.memory_space<vmem>>) semaphore(%dma_start3A_922 : memref<!tpu.dma_semaphore, #tpu.memory_space<semaphore_mem>>)
    %dma_wait3A_923 = arith.constant 2 : i32
    %dma_wait3A_924 = arith.constant 2 : i32
    %dma_wait3A_925 = arith.constant 2 : i32
    %dma_wait3A_926 = arith.constant 0 : i32
    %dma_wait3A_927 = arith.constant 0 : i32
    %dma_wait3A_928 = tpu.memref_slice %arg7[%dma_wait3A_924, %dma_wait3A_926, %dma_wait3A_927] : memref<5x16x1024xf32, #tpu.memory_space<vmem>> -> memref<1x16x1024xf32, #tpu.memory_space<vmem>>
    %dma_wait3A_929 = tpu.memref_squeeze %dma_wait3A_928 : memref<1x16x1024xf32, #tpu.memory_space<vmem>> -> memref<16x1024xf32, #tpu.memory_space<vmem>>
    %dma_wait3A_930 = arith.constant 32 : i32
    %dma_wait3A_931 = tpu.memref_slice %arg6[%dma_wait3A_923, %dma_wait3A_930] : memref<4x64xi32, #tpu.memory_space<vmem>> -> memref<1x16xi32, #tpu.memory_space<vmem>>
    %dma_wait3A_932 = tpu.memref_squeeze %dma_wait3A_931 : memref<1x16xi32, #tpu.memory_space<vmem>> -> memref<16xi32, #tpu.memory_space<vmem>>
    %dma_wait3A_933 = arith.constant 0 : i32
    %dma_wait3A_934 = arith.constant 0 : i32
    %dma_wait3A_935 = tpu.memref_slice %arg3[%dma_wait3A_933, %dma_wait3A_934] : memref<100000x1024xf32, #tpu.memory_space<hbm>> -> memref<100000x1024xf32, #tpu.memory_space<hbm>>
    %dma_wait3A_936 = tpu.memref_slice %arg9[%dma_wait3A_925] : memref<5x!tpu.dma_semaphore, #tpu.memory_space<semaphore_mem>> -> memref<1x!tpu.dma_semaphore, #tpu.memory_space<semaphore_mem>>
    %dma_wait3A_937 = tpu.memref_squeeze %dma_wait3A_936 : memref<1x!tpu.dma_semaphore, #tpu.memory_space<semaphore_mem>> -> memref<!tpu.dma_semaphore, #tpu.memory_space<semaphore_mem>>
    tpu.wait_indirect_dma semaphore(%dma_wait3A_937 : memref<!tpu.dma_semaphore, #tpu.memory_space<semaphore_mem>>) src(%dma_wait3A_935 : memref<100000x1024xf32, #tpu.memory_space<hbm>>) dst(%dma_wait3A_929 : memref<16x1024xf32, #tpu.memory_space<vmem>>)
    %parallel_loop3A_938 = arith.constant 0 : i32
    %parallel_loop3A_939 = arith.constant 16 : i32
    %parallel_loop3A_940 = arith.constant 1 : i32
    scf.for %parallel_loop3A_1163 = %parallel_loop3A_938 to %parallel_loop3A_939 step %parallel_loop3A_940  : i32 {
      %parallel_loop3A_1164 = arith.constant 0 : i32
      %parallel_loop3A_1165 = arith.constant 64 : i32
      %parallel_loop3A_1166 = arith.constant 1 : i32
      scf.for %parallel_loop3A_1167 = %parallel_loop3A_1164 to %parallel_loop3A_1165 step %parallel_loop3A_1166  : i32 {
        %parallel_loop3A_1168 = arith.constant 16 : i32
        %parallel_loop3A_1169 = arith.muli %parallel_loop3A_1167, %parallel_loop3A_1168 : i32
        %parallel_loop3A_1170 = arith.constant 2 : i32
        %parallel_loop3A_1171 = arith.index_cast %parallel_loop3A_1170 : i32 to index
        %parallel_loop3A_1172 = arith.index_cast %parallel_loop3A_1163 : i32 to index
        %parallel_loop3A_1173 = arith.index_cast %parallel_loop3A_1169 : i32 to index
        %parallel_loop3A_1174 = tpu.vector_load %arg7[%parallel_loop3A_1171, %parallel_loop3A_1172, %parallel_loop3A_1173] {strides = array<i32>} : memref<5x16x1024xf32, #tpu.memory_space<vmem>>, vector<1x1x16xf32>,
        %parallel_loop3A_1175 = vector.shape_cast %parallel_loop3A_1174 : vector<1x1x16xf32> to vector<16xf32>
        %parallel_loop3A_1176 = arith.constant 3.200000e+01 : f32
        %parallel_loop3A_1177 = vector.broadcast %parallel_loop3A_1176 : f32 to vector<16xf32>
        %parallel_loop3A_1178 = arith.mulf %parallel_loop3A_1175, %parallel_loop3A_1177 : vector<16xf32>
        %parallel_loop3A_1179 = arith.constant 0 : i32
        %parallel_loop3A_1180 = arith.addi %parallel_loop3A_1179, %parallel_loop3A_1163 : i32
        %parallel_loop3A_1181 = arith.constant 16 : i32
        %parallel_loop3A_1182 = arith.muli %parallel_loop3A_1167, %parallel_loop3A_1181 : i32
        %parallel_loop3A_1183 = arith.index_cast %parallel_loop3A_1180 : i32 to index
        %parallel_loop3A_1184 = arith.index_cast %parallel_loop3A_1182 : i32 to index
        %parallel_loop3A_1185 = tpu.vector_load %arg8[%parallel_loop3A_1183, %parallel_loop3A_1184] {strides = array<i32>} : memref<32x1024xf32, #tpu.memory_space<vmem>>, vector<1x16xf32>,
        %parallel_loop3A_1186 = vector.shape_cast %parallel_loop3A_1185 : vector<1x16xf32> to vector<16xf32>
        %parallel_loop3A_1187 = arith.addf %parallel_loop3A_1178, %parallel_loop3A_1186 : vector<16xf32>
        %parallel_loop3A_1188 = arith.constant 16 : i32
        %parallel_loop3A_1189 = arith.muli %parallel_loop3A_1167, %parallel_loop3A_1188 : i32
        %parallel_loop3A_1190 = arith.constant 2 : i32
        %parallel_loop3A_1191 = arith.index_cast %parallel_loop3A_1190 : i32 to index
        %parallel_loop3A_1192 = arith.index_cast %parallel_loop3A_1163 : i32 to index
        %parallel_loop3A_1193 = arith.index_cast %parallel_loop3A_1189 : i32 to index
        %parallel_loop3A_1194 = tpu.vector_load %arg7[%parallel_loop3A_1191, %parallel_loop3A_1192, %parallel_loop3A_1193] {strides = array<i32>} : memref<5x16x1024xf32, #tpu.memory_space<vmem>>, vector<1x1x16xf32>,
        %parallel_loop3A_1195 = vector.shape_cast %parallel_loop3A_1194 : vector<1x1x16xf32> to vector<16xf32>
        %parallel_loop3A_1196 = vector.shape_cast %parallel_loop3A_1187 : vector<16xf32> to vector<1x1x16xf32>
        tpu.vector_store %arg7[%parallel_loop3A_1191, %parallel_loop3A_1192, %parallel_loop3A_1193], %parallel_loop3A_1196 {strides = array<i32>} : memref<5x16x1024xf32, #tpu.memory_space<vmem>>, vector<1x1x16xf32>,
      } {sc.loop_unroll_factor = 16 : i64, sc.parallel_access}
    } {sc.loop_unroll_factor = 1 : i64, sc.parallel_access}
    %add3A_941 = arith.constant 4096 : i32
    %add3A_942 = arith.addi %add3A_941, %mul3A_2 : i32
    %add3A_943 = arith.constant 32 : i32
    %add3A_944 = arith.addi %add3A_942, %add3A_943 : i32
    %add3A_945 = arith.constant 0 : i32
    %add3A_946 = arith.addi %add3A_944, %add3A_945 : i32
    %dma_start3A_947 = arith.constant 2 : i32
    %dma_start3A_948 = arith.constant 2 : i32
    %dma_start3A_949 = arith.constant 0 : i32
    %dma_start3A_950 = arith.constant 0 : i32
    %dma_start3A_951 = tpu.memref_slice %arg7[%dma_start3A_947, %dma_start3A_949, %dma_start3A_950] : memref<5x16x1024xf32, #tpu.memory_space<vmem>> -> memref<1x16x1024xf32, #tpu.memory_space<vmem>>
    %dma_start3A_952 = tpu.memref_squeeze %dma_start3A_951 : memref<1x16x1024xf32, #tpu.memory_space<vmem>> -> memref<16x1024xf32, #tpu.memory_space<vmem>>
    %dma_start3A_953 = arith.constant 0 : i32
    %dma_start3A_954 = tpu.memref_slice %arg5[%add3A_946, %dma_start3A_953] : memref<8192x1024xf32, #tpu.memory_space<hbm>> -> memref<16x1024xf32, #tpu.memory_space<hbm>>
    %dma_start3A_955 = tpu.memref_slice %arg10[%dma_start3A_948] : memref<5x!tpu.dma_semaphore, #tpu.memory_space<semaphore_mem>> -> memref<1x!tpu.dma_semaphore, #tpu.memory_space<semaphore_mem>>
    %dma_start3A_956 = tpu.memref_squeeze %dma_start3A_955 : memref<1x!tpu.dma_semaphore, #tpu.memory_space<semaphore_mem>> -> memref<!tpu.dma_semaphore, #tpu.memory_space<semaphore_mem>>
    %dma_start3A_957 = arith.constant 0 : i32
    %dma_start3A_958 = tpu.memref_slice %arg5[%add3A_946, %dma_start3A_957] : memref<8192x1024xf32, #tpu.memory_space<hbm>> -> memref<16x1024xf32, #tpu.memory_space<hbm>>
    %dma_start3A_959 = arith.constant 0 : i32
    %dma_start3A_960 = arith.constant 0 : i32
    %dma_start3A_961 = tpu.memref_slice %arg7[%dma_start3A_947, %dma_start3A_959, %dma_start3A_960] : memref<5x16x1024xf32, #tpu.memory_space<vmem>> -> memref<1x16x1024xf32, #tpu.memory_space<vmem>>
    %dma_start3A_962 = tpu.memref_squeeze %dma_start3A_961 : memref<1x16x1024xf32, #tpu.memory_space<vmem>> -> memref<16x1024xf32, #tpu.memory_space<vmem>>
    tpu.enqueue_dma source(%dma_start3A_962 : memref<16x1024xf32, #tpu.memory_space<vmem>>) target(%dma_start3A_958 : memref<16x1024xf32, #tpu.memory_space<hbm>>) target_semaphore(%dma_start3A_956 : memref<!tpu.dma_semaphore, #tpu.memory_space<semaphore_mem>>)
    %dma_wait3A_963 = arith.constant 2 : i32
    %dma_wait3A_964 = arith.constant 3 : i32
    %dma_wait3A_965 = arith.constant 3 : i32
    %dma_wait3A_966 = arith.constant 0 : i32
    %dma_wait3A_967 = arith.constant 0 : i32
    %dma_wait3A_968 = tpu.memref_slice %arg7[%dma_wait3A_964, %dma_wait3A_966, %dma_wait3A_967] : memref<5x16x1024xf32, #tpu.memory_space<vmem>> -> memref<1x16x1024xf32, #tpu.memory_space<vmem>>
    %dma_wait3A_969 = tpu.memref_squeeze %dma_wait3A_968 : memref<1x16x1024xf32, #tpu.memory_space<vmem>> -> memref<16x1024xf32, #tpu.memory_space<vmem>>
    %dma_wait3A_970 = arith.constant 48 : i32
    %dma_wait3A_971 = tpu.memref_slice %arg6[%dma_wait3A_963, %dma_wait3A_970] : memref<4x64xi32, #tpu.memory_space<vmem>> -> memref<1x16xi32, #tpu.memory_space<vmem>>
    %dma_wait3A_972 = tpu.memref_squeeze %dma_wait3A_971 : memref<1x16xi32, #tpu.memory_space<vmem>> -> memref<16xi32, #tpu.memory_space<vmem>>
    %dma_wait3A_973 = arith.constant 0 : i32
    %dma_wait3A_974 = arith.constant 0 : i32
    %dma_wait3A_975 = tpu.memref_slice %arg3[%dma_wait3A_973, %dma_wait3A_974] : memref<100000x1024xf32, #tpu.memory_space<hbm>> -> memref<100000x1024xf32, #tpu.memory_space<hbm>>
    %dma_wait3A_976 = tpu.memref_slice %arg9[%dma_wait3A_965] : memref<5x!tpu.dma_semaphore, #tpu.memory_space<semaphore_mem>> -> memref<1x!tpu.dma_semaphore, #tpu.memory_space<semaphore_mem>>
    %dma_wait3A_977 = tpu.memref_squeeze %dma_wait3A_976 : memref<1x!tpu.dma_semaphore, #tpu.memory_space<semaphore_mem>> -> memref<!tpu.dma_semaphore, #tpu.memory_space<semaphore_mem>>
    tpu.wait_indirect_dma semaphore(%dma_wait3A_977 : memref<!tpu.dma_semaphore, #tpu.memory_space<semaphore_mem>>) src(%dma_wait3A_975 : memref<100000x1024xf32, #tpu.memory_space<hbm>>) dst(%dma_wait3A_969 : memref<16x1024xf32, #tpu.memory_space<vmem>>)
    %parallel_loop3A_978 = arith.constant 0 : i32
    %parallel_loop3A_979 = arith.constant 16 : i32
    %parallel_loop3A_980 = arith.constant 1 : i32
    scf.for %parallel_loop3A_1163 = %parallel_loop3A_978 to %parallel_loop3A_979 step %parallel_loop3A_980  : i32 {
      %parallel_loop3A_1164 = arith.constant 0 : i32
      %parallel_loop3A_1165 = arith.constant 64 : i32
      %parallel_loop3A_1166 = arith.constant 1 : i32
      scf.for %parallel_loop3A_1167 = %parallel_loop3A_1164 to %parallel_loop3A_1165 step %parallel_loop3A_1166  : i32 {
        %parallel_loop3A_1168 = arith.constant 16 : i32
        %parallel_loop3A_1169 = arith.muli %parallel_loop3A_1167, %parallel_loop3A_1168 : i32
        %parallel_loop3A_1170 = arith.constant 3 : i32
        %parallel_loop3A_1171 = arith.index_cast %parallel_loop3A_1170 : i32 to index
        %parallel_loop3A_1172 = arith.index_cast %parallel_loop3A_1163 : i32 to index
        %parallel_loop3A_1173 = arith.index_cast %parallel_loop3A_1169 : i32 to index
        %parallel_loop3A_1174 = tpu.vector_load %arg7[%parallel_loop3A_1171, %parallel_loop3A_1172, %parallel_loop3A_1173] {strides = array<i32>} : memref<5x16x1024xf32, #tpu.memory_space<vmem>>, vector<1x1x16xf32>,
        %parallel_loop3A_1175 = vector.shape_cast %parallel_loop3A_1174 : vector<1x1x16xf32> to vector<16xf32>
        %parallel_loop3A_1176 = arith.constant 3.200000e+01 : f32
        %parallel_loop3A_1177 = vector.broadcast %parallel_loop3A_1176 : f32 to vector<16xf32>
        %parallel_loop3A_1178 = arith.mulf %parallel_loop3A_1175, %parallel_loop3A_1177 : vector<16xf32>
        %parallel_loop3A_1179 = arith.constant 16 : i32
        %parallel_loop3A_1180 = arith.addi %parallel_loop3A_1179, %parallel_loop3A_1163 : i32
        %parallel_loop3A_1181 = arith.constant 16 : i32
        %parallel_loop3A_1182 = arith.muli %parallel_loop3A_1167, %parallel_loop3A_1181 : i32
        %parallel_loop3A_1183 = arith.index_cast %parallel_loop3A_1180 : i32 to index
        %parallel_loop3A_1184 = arith.index_cast %parallel_loop3A_1182 : i32 to index
        %parallel_loop3A_1185 = tpu.vector_load %arg8[%parallel_loop3A_1183, %parallel_loop3A_1184] {strides = array<i32>} : memref<32x1024xf32, #tpu.memory_space<vmem>>, vector<1x16xf32>,
        %parallel_loop3A_1186 = vector.shape_cast %parallel_loop3A_1185 : vector<1x16xf32> to vector<16xf32>
        %parallel_loop3A_1187 = arith.addf %parallel_loop3A_1178, %parallel_loop3A_1186 : vector<16xf32>
        %parallel_loop3A_1188 = arith.constant 16 : i32
        %parallel_loop3A_1189 = arith.muli %parallel_loop3A_1167, %parallel_loop3A_1188 : i32
        %parallel_loop3A_1190 = arith.constant 3 : i32
        %parallel_loop3A_1191 = arith.index_cast %parallel_loop3A_1190 : i32 to index
        %parallel_loop3A_1192 = arith.index_cast %parallel_loop3A_1163 : i32 to index
        %parallel_loop3A_1193 = arith.index_cast %parallel_loop3A_1189 : i32 to index
        %parallel_loop3A_1194 = tpu.vector_load %arg7[%parallel_loop3A_1191, %parallel_loop3A_1192, %parallel_loop3A_1193] {strides = array<i32>} : memref<5x16x1024xf32, #tpu.memory_space<vmem>>, vector<1x1x16xf32>,
        %parallel_loop3A_1195 = vector.shape_cast %parallel_loop3A_1194 : vector<1x1x16xf32> to vector<16xf32>
        %parallel_loop3A_1196 = vector.shape_cast %parallel_loop3A_1187 : vector<16xf32> to vector<1x1x16xf32>
        tpu.vector_store %arg7[%parallel_loop3A_1191, %parallel_loop3A_1192, %parallel_loop3A_1193], %parallel_loop3A_1196 {strides = array<i32>} : memref<5x16x1024xf32, #tpu.memory_space<vmem>>, vector<1x1x16xf32>,
      } {sc.loop_unroll_factor = 16 : i64, sc.parallel_access}
    } {sc.loop_unroll_factor = 1 : i64, sc.parallel_access}
    %add3A_981 = arith.constant 4096 : i32
    %add3A_982 = arith.addi %add3A_981, %mul3A_2 : i32
    %add3A_983 = arith.constant 32 : i32
    %add3A_984 = arith.addi %add3A_982, %add3A_983 : i32
    %add3A_985 = arith.constant 16 : i32
    %add3A_986 = arith.addi %add3A_984, %add3A_985 : i32
    %dma_start3A_987 = arith.constant 3 : i32
    %dma_start3A_988 = arith.constant 3 : i32
    %dma_start3A_989 = arith.constant 0 : i32
    %dma_start3A_990 = arith.constant 0 : i32
    %dma_start3A_991 = tpu.memref_slice %arg7[%dma_start3A_987, %dma_start3A_989, %dma_start3A_990] : memref<5x16x1024xf32, #tpu.memory_space<vmem>> -> memref<1x16x1024xf32, #tpu.memory_space<vmem>>
    %dma_start3A_992 = tpu.memref_squeeze %dma_start3A_991 : memref<1x16x1024xf32, #tpu.memory_space<vmem>> -> memref<16x1024xf32, #tpu.memory_space<vmem>>
    %dma_start3A_993 = arith.constant 0 : i32
    %dma_start3A_994 = tpu.memref_slice %arg5[%add3A_986, %dma_start3A_993] : memref<8192x1024xf32, #tpu.memory_space<hbm>> -> memref<16x1024xf32, #tpu.memory_space<hbm>>
    %dma_start3A_995 = tpu.memref_slice %arg10[%dma_start3A_988] : memref<5x!tpu.dma_semaphore, #tpu.memory_space<semaphore_mem>> -> memref<1x!tpu.dma_semaphore, #tpu.memory_space<semaphore_mem>>
    %dma_start3A_996 = tpu.memref_squeeze %dma_start3A_995 : memref<1x!tpu.dma_semaphore, #tpu.memory_space<semaphore_mem>> -> memref<!tpu.dma_semaphore, #tpu.memory_space<semaphore_mem>>
    %dma_start3A_997 = arith.constant 0 : i32
    %dma_start3A_998 = tpu.memref_slice %arg5[%add3A_986, %dma_start3A_997] : memref<8192x1024xf32, #tpu.memory_space<hbm>> -> memref<16x1024xf32, #tpu.memory_space<hbm>>
    %dma_start3A_999 = arith.constant 0 : i32
    %dma_start3A_1000 = arith.constant 0 : i32
    %dma_start3A_1001 = tpu.memref_slice %arg7[%dma_start3A_987, %dma_start3A_999, %dma_start3A_1000] : memref<5x16x1024xf32, #tpu.memory_space<vmem>> -> memref<1x16x1024xf32, #tpu.memory_space<vmem>>
    %dma_start3A_1002 = tpu.memref_squeeze %dma_start3A_1001 : memref<1x16x1024xf32, #tpu.memory_space<vmem>> -> memref<16x1024xf32, #tpu.memory_space<vmem>>
    tpu.enqueue_dma source(%dma_start3A_1002 : memref<16x1024xf32, #tpu.memory_space<vmem>>) target(%dma_start3A_998 : memref<16x1024xf32, #tpu.memory_space<hbm>>) target_semaphore(%dma_start3A_996 : memref<!tpu.dma_semaphore, #tpu.memory_space<semaphore_mem>>)
    %dma_wait3A_1003 = arith.constant 3 : i32
    %dma_wait3A_1004 = arith.constant 4 : i32
    %dma_wait3A_1005 = arith.constant 4 : i32
    %dma_wait3A_1006 = arith.constant 0 : i32
    %dma_wait3A_1007 = arith.constant 0 : i32
    %dma_wait3A_1008 = tpu.memref_slice %arg7[%dma_wait3A_1004, %dma_wait3A_1006, %dma_wait3A_1007] : memref<5x16x1024xf32, #tpu.memory_space<vmem>> -> memref<1x16x1024xf32, #tpu.memory_space<vmem>>
    %dma_wait3A_1009 = tpu.memref_squeeze %dma_wait3A_1008 : memref<1x16x1024xf32, #tpu.memory_space<vmem>> -> memref<16x1024xf32, #tpu.memory_space<vmem>>
    %dma_wait3A_1010 = arith.constant 32 : i32
    %dma_wait3A_1011 = tpu.memref_slice %arg6[%dma_wait3A_1003, %dma_wait3A_1010] : memref<4x64xi32, #tpu.memory_space<vmem>> -> memref<1x16xi32, #tpu.memory_space<vmem>>
    %dma_wait3A_1012 = tpu.memref_squeeze %dma_wait3A_1011 : memref<1x16xi32, #tpu.memory_space<vmem>> -> memref<16xi32, #tpu.memory_space<vmem>>
    %dma_wait3A_1013 = arith.constant 0 : i32
    %dma_wait3A_1014 = arith.constant 0 : i32
    %dma_wait3A_1015 = tpu.memref_slice %arg3[%dma_wait3A_1013, %dma_wait3A_1014] : memref<100000x1024xf32, #tpu.memory_space<hbm>> -> memref<100000x1024xf32, #tpu.memory_space<hbm>>
    %dma_wait3A_1016 = tpu.memref_slice %arg9[%dma_wait3A_1005] : memref<5x!tpu.dma_semaphore, #tpu.memory_space<semaphore_mem>> -> memref<1x!tpu.dma_semaphore, #tpu.memory_space<semaphore_mem>>
    %dma_wait3A_1017 = tpu.memref_squeeze %dma_wait3A_1016 : memref<1x!tpu.dma_semaphore, #tpu.memory_space<semaphore_mem>> -> memref<!tpu.dma_semaphore, #tpu.memory_space<semaphore_mem>>
    tpu.wait_indirect_dma semaphore(%dma_wait3A_1017 : memref<!tpu.dma_semaphore, #tpu.memory_space<semaphore_mem>>) src(%dma_wait3A_1015 : memref<100000x1024xf32, #tpu.memory_space<hbm>>) dst(%dma_wait3A_1009 : memref<16x1024xf32, #tpu.memory_space<vmem>>)
    %parallel_loop3A_1018 = arith.constant 0 : i32
    %parallel_loop3A_1019 = arith.constant 16 : i32
    %parallel_loop3A_1020 = arith.constant 1 : i32
    scf.for %parallel_loop3A_1163 = %parallel_loop3A_1018 to %parallel_loop3A_1019 step %parallel_loop3A_1020  : i32 {
      %parallel_loop3A_1164 = arith.constant 0 : i32
      %parallel_loop3A_1165 = arith.constant 64 : i32
      %parallel_loop3A_1166 = arith.constant 1 : i32
      scf.for %parallel_loop3A_1167 = %parallel_loop3A_1164 to %parallel_loop3A_1165 step %parallel_loop3A_1166  : i32 {
        %parallel_loop3A_1168 = arith.constant 16 : i32
        %parallel_loop3A_1169 = arith.muli %parallel_loop3A_1167, %parallel_loop3A_1168 : i32
        %parallel_loop3A_1170 = arith.constant 4 : i32
        %parallel_loop3A_1171 = arith.index_cast %parallel_loop3A_1170 : i32 to index
        %parallel_loop3A_1172 = arith.index_cast %parallel_loop3A_1163 : i32 to index
        %parallel_loop3A_1173 = arith.index_cast %parallel_loop3A_1169 : i32 to index
        %parallel_loop3A_1174 = tpu.vector_load %arg7[%parallel_loop3A_1171, %parallel_loop3A_1172, %parallel_loop3A_1173] {strides = array<i32>} : memref<5x16x1024xf32, #tpu.memory_space<vmem>>, vector<1x1x16xf32>,
        %parallel_loop3A_1175 = vector.shape_cast %parallel_loop3A_1174 : vector<1x1x16xf32> to vector<16xf32>
        %parallel_loop3A_1176 = arith.constant 3.200000e+01 : f32
        %parallel_loop3A_1177 = vector.broadcast %parallel_loop3A_1176 : f32 to vector<16xf32>
        %parallel_loop3A_1178 = arith.mulf %parallel_loop3A_1175, %parallel_loop3A_1177 : vector<16xf32>
        %parallel_loop3A_1179 = arith.constant 0 : i32
        %parallel_loop3A_1180 = arith.addi %parallel_loop3A_1179, %parallel_loop3A_1163 : i32
        %parallel_loop3A_1181 = arith.constant 16 : i32
        %parallel_loop3A_1182 = arith.muli %parallel_loop3A_1167, %parallel_loop3A_1181 : i32
        %parallel_loop3A_1183 = arith.index_cast %parallel_loop3A_1180 : i32 to index
        %parallel_loop3A_1184 = arith.index_cast %parallel_loop3A_1182 : i32 to index
        %parallel_loop3A_1185 = tpu.vector_load %arg8[%parallel_loop3A_1183, %parallel_loop3A_1184] {strides = array<i32>} : memref<32x1024xf32, #tpu.memory_space<vmem>>, vector<1x16xf32>,
        %parallel_loop3A_1186 = vector.shape_cast %parallel_loop3A_1185 : vector<1x16xf32> to vector<16xf32>
        %parallel_loop3A_1187 = arith.addf %parallel_loop3A_1178, %parallel_loop3A_1186 : vector<16xf32>
        %parallel_loop3A_1188 = arith.constant 16 : i32
        %parallel_loop3A_1189 = arith.muli %parallel_loop3A_1167, %parallel_loop3A_1188 : i32
        %parallel_loop3A_1190 = arith.constant 4 : i32
        %parallel_loop3A_1191 = arith.index_cast %parallel_loop3A_1190 : i32 to index
        %parallel_loop3A_1192 = arith.index_cast %parallel_loop3A_1163 : i32 to index
        %parallel_loop3A_1193 = arith.index_cast %parallel_loop3A_1189 : i32 to index
        %parallel_loop3A_1194 = tpu.vector_load %arg7[%parallel_loop3A_1191, %parallel_loop3A_1192, %parallel_loop3A_1193] {strides = array<i32>} : memref<5x16x1024xf32, #tpu.memory_space<vmem>>, vector<1x1x16xf32>,
        %parallel_loop3A_1195 = vector.shape_cast %parallel_loop3A_1194 : vector<1x1x16xf32> to vector<16xf32>
        %parallel_loop3A_1196 = vector.shape_cast %parallel_loop3A_1187 : vector<16xf32> to vector<1x1x16xf32>
        tpu.vector_store %arg7[%parallel_loop3A_1191, %parallel_loop3A_1192, %parallel_loop3A_1193], %parallel_loop3A_1196 {strides = array<i32>} : memref<5x16x1024xf32, #tpu.memory_space<vmem>>, vector<1x1x16xf32>,
      } {sc.loop_unroll_factor = 16 : i64, sc.parallel_access}
    } {sc.loop_unroll_factor = 1 : i64, sc.parallel_access}
    %add3A_1021 = arith.constant 6144 : i32
    %add3A_1022 = arith.addi %add3A_1021, %mul3A_2 : i32
    %add3A_1023 = arith.constant 32 : i32
    %add3A_1024 = arith.addi %add3A_1022, %add3A_1023 : i32
    %add3A_1025 = arith.constant 0 : i32
    %add3A_1026 = arith.addi %add3A_1024, %add3A_1025 : i32
    %dma_start3A_1027 = arith.constant 4 : i32
    %dma_start3A_1028 = arith.constant 4 : i32
    %dma_start3A_1029 = arith.constant 0 : i32
    %dma_start3A_1030 = arith.constant 0 : i32
    %dma_start3A_1031 = tpu.memref_slice %arg7[%dma_start3A_1027, %dma_start3A_1029, %dma_start3A_1030] : memref<5x16x1024xf32, #tpu.memory_space<vmem>> -> memref<1x16x1024xf32, #tpu.memory_space<vmem>>
    %dma_start3A_1032 = tpu.memref_squeeze %dma_start3A_1031 : memref<1x16x1024xf32, #tpu.memory_space<vmem>> -> memref<16x1024xf32, #tpu.memory_space<vmem>>
    %dma_start3A_1033 = arith.constant 0 : i32
    %dma_start3A_1034 = tpu.memref_slice %arg5[%add3A_1026, %dma_start3A_1033] : memref<8192x1024xf32, #tpu.memory_space<hbm>> -> memref<16x1024xf32, #tpu.memory_space<hbm>>
    %dma_start3A_1035 = tpu.memref_slice %arg10[%dma_start3A_1028] : memref<5x!tpu.dma_semaphore, #tpu.memory_space<semaphore_mem>> -> memref<1x!tpu.dma_semaphore, #tpu.memory_space<semaphore_mem>>
    %dma_start3A_1036 = tpu.memref_squeeze %dma_start3A_1035 : memref<1x!tpu.dma_semaphore, #tpu.memory_space<semaphore_mem>> -> memref<!tpu.dma_semaphore, #tpu.memory_space<semaphore_mem>>
    %dma_start3A_1037 = arith.constant 0 : i32
    %dma_start3A_1038 = tpu.memref_slice %arg5[%add3A_1026, %dma_start3A_1037] : memref<8192x1024xf32, #tpu.memory_space<hbm>> -> memref<16x1024xf32, #tpu.memory_space<hbm>>
    %dma_start3A_1039 = arith.constant 0 : i32
    %dma_start3A_1040 = arith.constant 0 : i32
    %dma_start3A_1041 = tpu.memref_slice %arg7[%dma_start3A_1027, %dma_start3A_1039, %dma_start3A_1040] : memref<5x16x1024xf32, #tpu.memory_space<vmem>> -> memref<1x16x1024xf32, #tpu.memory_space<vmem>>
    %dma_start3A_1042 = tpu.memref_squeeze %dma_start3A_1041 : memref<1x16x1024xf32, #tpu.memory_space<vmem>> -> memref<16x1024xf32, #tpu.memory_space<vmem>>
    tpu.enqueue_dma source(%dma_start3A_1042 : memref<16x1024xf32, #tpu.memory_space<vmem>>) target(%dma_start3A_1038 : memref<16x1024xf32, #tpu.memory_space<hbm>>) target_semaphore(%dma_start3A_1036 : memref<!tpu.dma_semaphore, #tpu.memory_space<semaphore_mem>>)
    %dma_wait3A_1043 = arith.constant 3 : i32
    %dma_wait3A_1044 = arith.constant 0 : i32
    %dma_wait3A_1045 = arith.constant 0 : i32
    %dma_wait3A_1046 = arith.constant 0 : i32
    %dma_wait3A_1047 = arith.constant 0 : i32
    %dma_wait3A_1048 = tpu.memref_slice %arg7[%dma_wait3A_1044, %dma_wait3A_1046, %dma_wait3A_1047] : memref<5x16x1024xf32, #tpu.memory_space<vmem>> -> memref<1x16x1024xf32, #tpu.memory_space<vmem>>
    %dma_wait3A_1049 = tpu.memref_squeeze %dma_wait3A_1048 : memref<1x16x1024xf32, #tpu.memory_space<vmem>> -> memref<16x1024xf32, #tpu.memory_space<vmem>>
    %dma_wait3A_1050 = arith.constant 48 : i32
    %dma_wait3A_1051 = tpu.memref_slice %arg6[%dma_wait3A_1043, %dma_wait3A_1050] : memref<4x64xi32, #tpu.memory_space<vmem>> -> memref<1x16xi32, #tpu.memory_space<vmem>>
    %dma_wait3A_1052 = tpu.memref_squeeze %dma_wait3A_1051 : memref<1x16xi32, #tpu.memory_space<vmem>> -> memref<16xi32, #tpu.memory_space<vmem>>
    %dma_wait3A_1053 = arith.constant 0 : i32
    %dma_wait3A_1054 = arith.constant 0 : i32
    %dma_wait3A_1055 = tpu.memref_slice %arg3[%dma_wait3A_1053, %dma_wait3A_1054] : memref<100000x1024xf32, #tpu.memory_space<hbm>> -> memref<100000x1024xf32, #tpu.memory_space<hbm>>
    %dma_wait3A_1056 = tpu.memref_slice %arg9[%dma_wait3A_1045] : memref<5x!tpu.dma_semaphore, #tpu.memory_space<semaphore_mem>> -> memref<1x!tpu.dma_semaphore, #tpu.memory_space<semaphore_mem>>
    %dma_wait3A_1057 = tpu.memref_squeeze %dma_wait3A_1056 : memref<1x!tpu.dma_semaphore, #tpu.memory_space<semaphore_mem>> -> memref<!tpu.dma_semaphore, #tpu.memory_space<semaphore_mem>>
    tpu.wait_indirect_dma semaphore(%dma_wait3A_1057 : memref<!tpu.dma_semaphore, #tpu.memory_space<semaphore_mem>>) src(%dma_wait3A_1055 : memref<100000x1024xf32, #tpu.memory_space<hbm>>) dst(%dma_wait3A_1049 : memref<16x1024xf32, #tpu.memory_space<vmem>>)
    %parallel_loop3A_1058 = arith.constant 0 : i32
    %parallel_loop3A_1059 = arith.constant 16 : i32
    %parallel_loop3A_1060 = arith.constant 1 : i32
    scf.for %parallel_loop3A_1163 = %parallel_loop3A_1058 to %parallel_loop3A_1059 step %parallel_loop3A_1060  : i32 {
      %parallel_loop3A_1164 = arith.constant 0 : i32
      %parallel_loop3A_1165 = arith.constant 64 : i32
      %parallel_loop3A_1166 = arith.constant 1 : i32
      scf.for %parallel_loop3A_1167 = %parallel_loop3A_1164 to %parallel_loop3A_1165 step %parallel_loop3A_1166  : i32 {
        %parallel_loop3A_1168 = arith.constant 16 : i32
        %parallel_loop3A_1169 = arith.muli %parallel_loop3A_1167, %parallel_loop3A_1168 : i32
        %parallel_loop3A_1170 = arith.constant 0 : i32
        %parallel_loop3A_1171 = arith.index_cast %parallel_loop3A_1170 : i32 to index
        %parallel_loop3A_1172 = arith.index_cast %parallel_loop3A_1163 : i32 to index
        %parallel_loop3A_1173 = arith.index_cast %parallel_loop3A_1169 : i32 to index
        %parallel_loop3A_1174 = tpu.vector_load %arg7[%parallel_loop3A_1171, %parallel_loop3A_1172, %parallel_loop3A_1173] {strides = array<i32>} : memref<5x16x1024xf32, #tpu.memory_space<vmem>>, vector<1x1x16xf32>,
        %parallel_loop3A_1175 = vector.shape_cast %parallel_loop3A_1174 : vector<1x1x16xf32> to vector<16xf32>
        %parallel_loop3A_1176 = arith.constant 3.200000e+01 : f32
        %parallel_loop3A_1177 = vector.broadcast %parallel_loop3A_1176 : f32 to vector<16xf32>
        %parallel_loop3A_1178 = arith.mulf %parallel_loop3A_1175, %parallel_loop3A_1177 : vector<16xf32>
        %parallel_loop3A_1179 = arith.constant 16 : i32
        %parallel_loop3A_1180 = arith.addi %parallel_loop3A_1179, %parallel_loop3A_1163 : i32
        %parallel_loop3A_1181 = arith.constant 16 : i32
        %parallel_loop3A_1182 = arith.muli %parallel_loop3A_1167, %parallel_loop3A_1181 : i32
        %parallel_loop3A_1183 = arith.index_cast %parallel_loop3A_1180 : i32 to index
        %parallel_loop3A_1184 = arith.index_cast %parallel_loop3A_1182 : i32 to index
        %parallel_loop3A_1185 = tpu.vector_load %arg8[%parallel_loop3A_1183, %parallel_loop3A_1184] {strides = array<i32>} : memref<32x1024xf32, #tpu.memory_space<vmem>>, vector<1x16xf32>,
        %parallel_loop3A_1186 = vector.shape_cast %parallel_loop3A_1185 : vector<1x16xf32> to vector<16xf32>
        %parallel_loop3A_1187 = arith.addf %parallel_loop3A_1178, %parallel_loop3A_1186 : vector<16xf32>
        %parallel_loop3A_1188 = arith.constant 16 : i32
        %parallel_loop3A_1189 = arith.muli %parallel_loop3A_1167, %parallel_loop3A_1188 : i32
        %parallel_loop3A_1190 = arith.constant 0 : i32
        %parallel_loop3A_1191 = arith.index_cast %parallel_loop3A_1190 : i32 to index
        %parallel_loop3A_1192 = arith.index_cast %parallel_loop3A_1163 : i32 to index
        %parallel_loop3A_1193 = arith.index_cast %parallel_loop3A_1189 : i32 to index
        %parallel_loop3A_1194 = tpu.vector_load %arg7[%parallel_loop3A_1191, %parallel_loop3A_1192, %parallel_loop3A_1193] {strides = array<i32>} : memref<5x16x1024xf32, #tpu.memory_space<vmem>>, vector<1x1x16xf32>,
        %parallel_loop3A_1195 = vector.shape_cast %parallel_loop3A_1194 : vector<1x1x16xf32> to vector<16xf32>
        %parallel_loop3A_1196 = vector.shape_cast %parallel_loop3A_1187 : vector<16xf32> to vector<1x1x16xf32>
        tpu.vector_store %arg7[%parallel_loop3A_1191, %parallel_loop3A_1192, %parallel_loop3A_1193], %parallel_loop3A_1196 {strides = array<i32>} : memref<5x16x1024xf32, #tpu.memory_space<vmem>>, vector<1x1x16xf32>,
      } {sc.loop_unroll_factor = 16 : i64, sc.parallel_access}
    } {sc.loop_unroll_factor = 1 : i64, sc.parallel_access}
    %add3A_1061 = arith.constant 6144 : i32
    %add3A_1062 = arith.addi %add3A_1061, %mul3A_2 : i32
    %add3A_1063 = arith.constant 32 : i32
    %add3A_1064 = arith.addi %add3A_1062, %add3A_1063 : i32
    %add3A_1065 = arith.constant 16 : i32
    %add3A_1066 = arith.addi %add3A_1064, %add3A_1065 : i32
    %dma_start3A_1067 = arith.constant 0 : i32
    %dma_start3A_1068 = arith.constant 0 : i32
    %dma_start3A_1069 = arith.constant 0 : i32
    %dma_start3A_1070 = arith.constant 0 : i32
    %dma_start3A_1071 = tpu.memref_slice %arg7[%dma_start3A_1067, %dma_start3A_1069, %dma_start3A_1070] : memref<5x16x1024xf32, #tpu.memory_space<vmem>> -> memref<1x16x1024xf32, #tpu.memory_space<vmem>>
    %dma_start3A_1072 = tpu.memref_squeeze %dma_start3A_1071 : memref<1x16x1024xf32, #tpu.memory_space<vmem>> -> memref<16x1024xf32, #tpu.memory_space<vmem>>
    %dma_start3A_1073 = arith.constant 0 : i32
    %dma_start3A_1074 = tpu.memref_slice %arg5[%add3A_1066, %dma_start3A_1073] : memref<8192x1024xf32, #tpu.memory_space<hbm>> -> memref<16x1024xf32, #tpu.memory_space<hbm>>
    %dma_start3A_1075 = tpu.memref_slice %arg10[%dma_start3A_1068] : memref<5x!tpu.dma_semaphore, #tpu.memory_space<semaphore_mem>> -> memref<1x!tpu.dma_semaphore, #tpu.memory_space<semaphore_mem>>
    %dma_start3A_1076 = tpu.memref_squeeze %dma_start3A_1075 : memref<1x!tpu.dma_semaphore, #tpu.memory_space<semaphore_mem>> -> memref<!tpu.dma_semaphore, #tpu.memory_space<semaphore_mem>>
    %dma_start3A_1077 = arith.constant 0 : i32
    %dma_start3A_1078 = tpu.memref_slice %arg5[%add3A_1066, %dma_start3A_1077] : memref<8192x1024xf32, #tpu.memory_space<hbm>> -> memref<16x1024xf32, #tpu.memory_space<hbm>>
    %dma_start3A_1079 = arith.constant 0 : i32
    %dma_start3A_1080 = arith.constant 0 : i32
    %dma_start3A_1081 = tpu.memref_slice %arg7[%dma_start3A_1067, %dma_start3A_1079, %dma_start3A_1080] : memref<5x16x1024xf32, #tpu.memory_space<vmem>> -> memref<1x16x1024xf32, #tpu.memory_space<vmem>>
    %dma_start3A_1082 = tpu.memref_squeeze %dma_start3A_1081 : memref<1x16x1024xf32, #tpu.memory_space<vmem>> -> memref<16x1024xf32, #tpu.memory_space<vmem>>
    tpu.enqueue_dma source(%dma_start3A_1082 : memref<16x1024xf32, #tpu.memory_space<vmem>>) target(%dma_start3A_1078 : memref<16x1024xf32, #tpu.memory_space<hbm>>) target_semaphore(%dma_start3A_1076 : memref<!tpu.dma_semaphore, #tpu.memory_space<semaphore_mem>>)
    %dma_wait3A_1083 = arith.constant 1 : i32
    %dma_wait3A_1084 = arith.constant 1 : i32
    %dma_wait3A_1085 = arith.constant 0 : i32
    %dma_wait3A_1086 = arith.constant 0 : i32
    %dma_wait3A_1087 = tpu.memref_slice %arg7[%dma_wait3A_1083, %dma_wait3A_1085, %dma_wait3A_1086] : memref<5x16x1024xf32, #tpu.memory_space<vmem>> -> memref<1x16x1024xf32, #tpu.memory_space<vmem>>
    %dma_wait3A_1088 = tpu.memref_squeeze %dma_wait3A_1087 : memref<1x16x1024xf32, #tpu.memory_space<vmem>> -> memref<16x1024xf32, #tpu.memory_space<vmem>>
    %dma_wait3A_1089 = arith.constant 0 : i32
    %dma_wait3A_1090 = tpu.memref_slice %arg5[%add3A_875, %dma_wait3A_1089] : memref<8192x1024xf32, #tpu.memory_space<hbm>> -> memref<16x1024xf32, #tpu.memory_space<hbm>>
    %dma_wait3A_1091 = tpu.memref_slice %arg10[%dma_wait3A_1084] : memref<5x!tpu.dma_semaphore, #tpu.memory_space<semaphore_mem>> -> memref<1x!tpu.dma_semaphore, #tpu.memory_space<semaphore_mem>>
    %dma_wait3A_1092 = tpu.memref_squeeze %dma_wait3A_1091 : memref<1x!tpu.dma_semaphore, #tpu.memory_space<semaphore_mem>> -> memref<!tpu.dma_semaphore, #tpu.memory_space<semaphore_mem>>
    %dma_wait3A_1093 = arith.constant 0 : i32
    %dma_wait3A_1094 = tpu.memref_slice %arg5[%add3A_875, %dma_wait3A_1093] : memref<8192x1024xf32, #tpu.memory_space<hbm>> -> memref<16x1024xf32, #tpu.memory_space<hbm>>
    %dma_wait3A_1095 = arith.constant 0 : i32
    %dma_wait3A_1096 = arith.constant 0 : i32
    %dma_wait3A_1097 = tpu.memref_slice %arg7[%dma_wait3A_1083, %dma_wait3A_1095, %dma_wait3A_1096] : memref<5x16x1024xf32, #tpu.memory_space<vmem>> -> memref<1x16x1024xf32, #tpu.memory_space<vmem>>
    %dma_wait3A_1098 = tpu.memref_squeeze %dma_wait3A_1097 : memref<1x16x1024xf32, #tpu.memory_space<vmem>> -> memref<16x1024xf32, #tpu.memory_space<vmem>>
    tpu.wait_dma2 semaphore(%dma_wait3A_1092 : memref<!tpu.dma_semaphore, #tpu.memory_space<semaphore_mem>>) src(%dma_wait3A_1098 : memref<16x1024xf32, #tpu.memory_space<vmem>>) dst(%dma_wait3A_1094 : memref<16x1024xf32, #tpu.memory_space<hbm>>)
    %dma_wait3A_1099 = arith.constant 2 : i32
    %dma_wait3A_1100 = arith.constant 2 : i32
    %dma_wait3A_1101 = arith.constant 0 : i32
    %dma_wait3A_1102 = arith.constant 0 : i32
    %dma_wait3A_1103 = tpu.memref_slice %arg7[%dma_wait3A_1099, %dma_wait3A_1101, %dma_wait3A_1102] : memref<5x16x1024xf32, #tpu.memory_space<vmem>> -> memref<1x16x1024xf32, #tpu.memory_space<vmem>>
    %dma_wait3A_1104 = tpu.memref_squeeze %dma_wait3A_1103 : memref<1x16x1024xf32, #tpu.memory_space<vmem>> -> memref<16x1024xf32, #tpu.memory_space<vmem>>
    %dma_wait3A_1105 = arith.constant 0 : i32
    %dma_wait3A_1106 = tpu.memref_slice %arg5[%add3A_946, %dma_wait3A_1105] : memref<8192x1024xf32, #tpu.memory_space<hbm>> -> memref<16x1024xf32, #tpu.memory_space<hbm>>
    %dma_wait3A_1107 = tpu.memref_slice %arg10[%dma_wait3A_1100] : memref<5x!tpu.dma_semaphore, #tpu.memory_space<semaphore_mem>> -> memref<1x!tpu.dma_semaphore, #tpu.memory_space<semaphore_mem>>
    %dma_wait3A_1108 = tpu.memref_squeeze %dma_wait3A_1107 : memref<1x!tpu.dma_semaphore, #tpu.memory_space<semaphore_mem>> -> memref<!tpu.dma_semaphore, #tpu.memory_space<semaphore_mem>>
    %dma_wait3A_1109 = arith.constant 0 : i32
    %dma_wait3A_1110 = tpu.memref_slice %arg5[%add3A_946, %dma_wait3A_1109] : memref<8192x1024xf32, #tpu.memory_space<hbm>> -> memref<16x1024xf32, #tpu.memory_space<hbm>>
    %dma_wait3A_1111 = arith.constant 0 : i32
    %dma_wait3A_1112 = arith.constant 0 : i32
    %dma_wait3A_1113 = tpu.memref_slice %arg7[%dma_wait3A_1099, %dma_wait3A_1111, %dma_wait3A_1112] : memref<5x16x1024xf32, #tpu.memory_space<vmem>> -> memref<1x16x1024xf32, #tpu.memory_space<vmem>>
    %dma_wait3A_1114 = tpu.memref_squeeze %dma_wait3A_1113 : memref<1x16x1024xf32, #tpu.memory_space<vmem>> -> memref<16x1024xf32, #tpu.memory_space<vmem>>
    tpu.wait_dma2 semaphore(%dma_wait3A_1108 : memref<!tpu.dma_semaphore, #tpu.memory_space<semaphore_mem>>) src(%dma_wait3A_1114 : memref<16x1024xf32, #tpu.memory_space<vmem>>) dst(%dma_wait3A_1110 : memref<16x1024xf32, #tpu.memory_space<hbm>>)
    %dma_wait3A_1115 = arith.constant 3 : i32
    %dma_wait3A_1116 = arith.constant 3 : i32
    %dma_wait3A_1117 = arith.constant 0 : i32
    %dma_wait3A_1118 = arith.constant 0 : i32
    %dma_wait3A_1119 = tpu.memref_slice %arg7[%dma_wait3A_1115, %dma_wait3A_1117, %dma_wait3A_1118] : memref<5x16x1024xf32, #tpu.memory_space<vmem>> -> memref<1x16x1024xf32, #tpu.memory_space<vmem>>
    %dma_wait3A_1120 = tpu.memref_squeeze %dma_wait3A_1119 : memref<1x16x1024xf32, #tpu.memory_space<vmem>> -> memref<16x1024xf32, #tpu.memory_space<vmem>>
    %dma_wait3A_1121 = arith.constant 0 : i32
    %dma_wait3A_1122 = tpu.memref_slice %arg5[%add3A_986, %dma_wait3A_1121] : memref<8192x1024xf32, #tpu.memory_space<hbm>> -> memref<16x1024xf32, #tpu.memory_space<hbm>>
    %dma_wait3A_1123 = tpu.memref_slice %arg10[%dma_wait3A_1116] : memref<5x!tpu.dma_semaphore, #tpu.memory_space<semaphore_mem>> -> memref<1x!tpu.dma_semaphore, #tpu.memory_space<semaphore_mem>>
    %dma_wait3A_1124 = tpu.memref_squeeze %dma_wait3A_1123 : memref<1x!tpu.dma_semaphore, #tpu.memory_space<semaphore_mem>> -> memref<!tpu.dma_semaphore, #tpu.memory_space<semaphore_mem>>
    %dma_wait3A_1125 = arith.constant 0 : i32
    %dma_wait3A_1126 = tpu.memref_slice %arg5[%add3A_986, %dma_wait3A_1125] : memref<8192x1024xf32, #tpu.memory_space<hbm>> -> memref<16x1024xf32, #tpu.memory_space<hbm>>
    %dma_wait3A_1127 = arith.constant 0 : i32
    %dma_wait3A_1128 = arith.constant 0 : i32
    %dma_wait3A_1129 = tpu.memref_slice %arg7[%dma_wait3A_1115, %dma_wait3A_1127, %dma_wait3A_1128] : memref<5x16x1024xf32, #tpu.memory_space<vmem>> -> memref<1x16x1024xf32, #tpu.memory_space<vmem>>
    %dma_wait3A_1130 = tpu.memref_squeeze %dma_wait3A_1129 : memref<1x16x1024xf32, #tpu.memory_space<vmem>> -> memref<16x1024xf32, #tpu.memory_space<vmem>>
    tpu.wait_dma2 semaphore(%dma_wait3A_1124 : memref<!tpu.dma_semaphore, #tpu.memory_space<semaphore_mem>>) src(%dma_wait3A_1130 : memref<16x1024xf32, #tpu.memory_space<vmem>>) dst(%dma_wait3A_1126 : memref<16x1024xf32, #tpu.memory_space<hbm>>)
    %dma_wait3A_1131 = arith.constant 4 : i32
    %dma_wait3A_1132 = arith.constant 4 : i32
    %dma_wait3A_1133 = arith.constant 0 : i32
    %dma_wait3A_1134 = arith.constant 0 : i32
    %dma_wait3A_1135 = tpu.memref_slice %arg7[%dma_wait3A_1131, %dma_wait3A_1133, %dma_wait3A_1134] : memref<5x16x1024xf32, #tpu.memory_space<vmem>> -> memref<1x16x1024xf32, #tpu.memory_space<vmem>>
    %dma_wait3A_1136 = tpu.memref_squeeze %dma_wait3A_1135 : memref<1x16x1024xf32, #tpu.memory_space<vmem>> -> memref<16x1024xf32, #tpu.memory_space<vmem>>
    %dma_wait3A_1137 = arith.constant 0 : i32
    %dma_wait3A_1138 = tpu.memref_slice %arg5[%add3A_1026, %dma_wait3A_1137] : memref<8192x1024xf32, #tpu.memory_space<hbm>> -> memref<16x1024xf32, #tpu.memory_space<hbm>>
    %dma_wait3A_1139 = tpu.memref_slice %arg10[%dma_wait3A_1132] : memref<5x!tpu.dma_semaphore, #tpu.memory_space<semaphore_mem>> -> memref<1x!tpu.dma_semaphore, #tpu.memory_space<semaphore_mem>>
    %dma_wait3A_1140 = tpu.memref_squeeze %dma_wait3A_1139 : memref<1x!tpu.dma_semaphore, #tpu.memory_space<semaphore_mem>> -> memref<!tpu.dma_semaphore, #tpu.memory_space<semaphore_mem>>
    %dma_wait3A_1141 = arith.constant 0 : i32
    %dma_wait3A_1142 = tpu.memref_slice %arg5[%add3A_1026, %dma_wait3A_1141] : memref<8192x1024xf32, #tpu.memory_space<hbm>> -> memref<16x1024xf32, #tpu.memory_space<hbm>>
    %dma_wait3A_1143 = arith.constant 0 : i32
    %dma_wait3A_1144 = arith.constant 0 : i32
    %dma_wait3A_1145 = tpu.memref_slice %arg7[%dma_wait3A_1131, %dma_wait3A_1143, %dma_wait3A_1144] : memref<5x16x1024xf32, #tpu.memory_space<vmem>> -> memref<1x16x1024xf32, #tpu.memory_space<vmem>>
    %dma_wait3A_1146 = tpu.memref_squeeze %dma_wait3A_1145 : memref<1x16x1024xf32, #tpu.memory_space<vmem>> -> memref<16x1024xf32, #tpu.memory_space<vmem>>
    tpu.wait_dma2 semaphore(%dma_wait3A_1140 : memref<!tpu.dma_semaphore, #tpu.memory_space<semaphore_mem>>) src(%dma_wait3A_1146 : memref<16x1024xf32, #tpu.memory_space<vmem>>) dst(%dma_wait3A_1142 : memref<16x1024xf32, #tpu.memory_space<hbm>>)
    %dma_wait3A_1147 = arith.constant 0 : i32
    %dma_wait3A_1148 = arith.constant 0 : i32
    %dma_wait3A_1149 = arith.constant 0 : i32
    %dma_wait3A_1150 = arith.constant 0 : i32
    %dma_wait3A_1151 = tpu.memref_slice %arg7[%dma_wait3A_1147, %dma_wait3A_1149, %dma_wait3A_1150] : memref<5x16x1024xf32, #tpu.memory_space<vmem>> -> memref<1x16x1024xf32, #tpu.memory_space<vmem>>
    %dma_wait3A_1152 = tpu.memref_squeeze %dma_wait3A_1151 : memref<1x16x1024xf32, #tpu.memory_space<vmem>> -> memref<16x1024xf32, #tpu.memory_space<vmem>>
    %dma_wait3A_1153 = arith.constant 0 : i32
    %dma_wait3A_1154 = tpu.memref_slice %arg5[%add3A_1066, %dma_wait3A_1153] : memref<8192x1024xf32, #tpu.memory_space<hbm>> -> memref<16x1024xf32, #tpu.memory_space<hbm>>
    %dma_wait3A_1155 = tpu.memref_slice %arg10[%dma_wait3A_1148] : memref<5x!tpu.dma_semaphore, #tpu.memory_space<semaphore_mem>> -> memref<1x!tpu.dma_semaphore, #tpu.memory_space<semaphore_mem>>
    %dma_wait3A_1156 = tpu.memref_squeeze %dma_wait3A_1155 : memref<1x!tpu.dma_semaphore, #tpu.memory_space<semaphore_mem>> -> memref<!tpu.dma_semaphore, #tpu.memory_space<semaphore_mem>>
    %dma_wait3A_1157 = arith.constant 0 : i32
    %dma_wait3A_1158 = tpu.memref_slice %arg5[%add3A_1066, %dma_wait3A_1157] : memref<8192x1024xf32, #tpu.memory_space<hbm>> -> memref<16x1024xf32, #tpu.memory_space<hbm>>
    %dma_wait3A_1159 = arith.constant 0 : i32
    %dma_wait3A_1160 = arith.constant 0 : i32
    %dma_wait3A_1161 = tpu.memref_slice %arg7[%dma_wait3A_1147, %dma_wait3A_1159, %dma_wait3A_1160] : memref<5x16x1024xf32, #tpu.memory_space<vmem>> -> memref<1x16x1024xf32, #tpu.memory_space<vmem>>
    %dma_wait3A_1162 = tpu.memref_squeeze %dma_wait3A_1161 : memref<1x16x1024xf32, #tpu.memory_space<vmem>> -> memref<16x1024xf32, #tpu.memory_space<vmem>>
    tpu.wait_dma2 semaphore(%dma_wait3A_1156 : memref<!tpu.dma_semaphore, #tpu.memory_space<semaphore_mem>>) src(%dma_wait3A_1162 : memref<16x1024xf32, #tpu.memory_space<vmem>>) dst(%dma_wait3A_1158 : memref<16x1024xf32, #tpu.memory_space<hbm>>)
    return
  }
}

</mosaic_0001>

<sc_bundles>
// kernel: kernel.3.cloned.1.call-start
scs
__scs_entry_jumppad:
0x0: {  	(pc) =	sbr.rel $0x88, $3  }
0x1: {  	(tag) =	ssettag $0x0;
	lr =	simm.s32 $0x1  }
0x2: {  	[smem:$0x3F9F] =	sst lr;
	_ =	strace $0xD0000000  }
0x3: {  	_ = 	snop  }
0x4: {  	_ = 	snop  }
0x5: {  	_ = 	snop  }
0x6: {  	_ = 	snop  }
0x7: {  	_ = 	snop  }
__scs_overlays_trampoline_lowered:
0x8: {  	[smem:$0x3FAE] =	sst s0  }
0x9: {  	[smem:$0x3FAF] =	sst s1  }
0xa: {  	[smem:$0x3FB0] =	sst s2  }
0xb: {  	[smem:$0x3FB1] =	sst s3  }
0xc: {  	[smem:$0x3FB2] =	sst s4  }
0xd: {  	[smem:$0x3FB3] =	sst s5  }
0xe: {  	[smem:$0x3FB4] =	sst s6  }
0xf: {  	[smem:$0x3FB5] =	sst s7  }
0x10: {  	[smem:$0x3FB6] =	sst s8  }
0x11: {  	[smem:$0x3FB7] =	sst s9;
	s0 =	simm.s32 @!p0 $0x0  }
0x12: {  	s1 =	sld [smem:$0x3F9D];
	s0 =	simm.s32 @p0 $0x1  }
0x13: {  	[smem:$0x3FB8] =	sst s0;
	s0 =	simm.s32 @!p1 $0x0  }
0x14: {  	s2 =	sld [smem:$0x3F9C];
	s0 =	simm.s32 @p1 $0x1  }
0x15: {  	[smem:$0x3FB9] =	sst s0;
	s0 =	simm.s32 @!p2 $0x0  }
0x16: {  	s3 =	sld [smem:$0x3FDB];
	s0 =	simm.s32 @p2 $0x1  }
0x17: {  	s4 =	simm.s32 $0x1BF5;
	[smem:$0x3FBB] =	sst s0  }
0x18: {  	s0 =	sld [smem:$0x3F9E];
	_ =	swait.ge [sflag:s4], $0x0  }
0x19: {  	s7 =	sld [smem:$0x3F9F]  }
0x1a: {  	s8 =	sadd.s32 $0xFFFFE003, lr  }
0x1b: {  	s9 =	sadd.s32 $0xFFFFFEF7, lr;
	s5 =	simm.s32 $0xFFFFFFFF;
	p2 =	slt.u32 s8, $0xFFFFF086  }
0x1c: {  	p1 =	slt.u32 s9, $0xF7A;
	s5 =	simm.s32 @!p2 $0x0  }
0x1d: {  	s5 =	simm.s32 @p1 $0x1;
	p0 =	seq.s32 s7, s2  }
0x1e: {  	s7 =	smul.u32 @!p0 $0xF7A, s2;
	p2 =	seq.s32 @!p0 s5, $0x0  }
0x1f: {  	s9 =	smul.u32 $0xF7A, s1;
	s8 =	simm.s32 @!p0 $0x1BF5;
	p2 =	por !p2, p0  }
0x20: {  	[sflag:s8] =	ssyncset.s32 @!p0 $0xFFFFF086;
	s6 =	sadd.s32 @!p0 s3, s7;
	s7 =	simm.s32 @!p0 $0x108  }
0x21: {  	s3 =	sadd.s32 s3, s9;
	s6 =	sadd.s32 @!p0 $0x88, s6;
	s7 =	simm.s32 @p2 $0x1082  }
0x22: {  	[simem:s7], [sflag:s8] =	dma.local @!p0 [hbm:s6], $0xF7A  }
0x23: {  	s9 =	sor.u32 $0xD0000000, s2;
	s6 =	simm.s32 $0x108;
	_ =	swait.ge @!p0 [sflag:s8], $0x0  }
0x24: {  	s3 =	sadd.s32 $0x88, s3;
	s6 =	simm.s32 @!p1 $0x1082;
	[sflag:s4] =	ssyncset.s32 $0xFFFFF086  }
0x25: {  	[simem:s6], [sflag:s4] =	dma.local [hbm:s3], $0xF7A  }
0x26: {  	[smem:$0x3F9F] =	sst s1;
	(tag) =	ssettag s2;
	_ =	strace s9  }
0x27: {  	s1 =	sld [smem:$0x3FAF]  }
0x28: {  	s2 =	sld [smem:$0x3FB0]  }
0x29: {  	s4 =	sld [smem:$0x3FB2]  }
0x2a: {  	p0 =	seq.s32 s5, $0x0;
	s5 =	sld [smem:$0x3FB3]  }
0x2b: {  	s6 =	sld [smem:$0x3FB4]  }
0x2c: {  	s7 =	sld [smem:$0x3FB5]  }
0x2d: {  	s3 =	simm.s32 $0x108;
	s8 =	sld [smem:$0x3FB6]  }
0x2e: {  	s3 =	simm.s32 @!p0 $0x1082;
	s9 =	sld [smem:$0x3FB7]  }
0x2f: {  	lr =	sadd.s32 s0, s3;
	s0 =	sld [smem:$0x3FAE]  }
0x30: {  	s3 =	sld [smem:$0x3FB1]  }
0x31: {  	[smem:$0x3FBA] =	sst s10  }
0x32: {  	s10 =	sld [smem:$0x3FB8];
	_ =	sdelay $0x3  }
0x33: {  	p0 =	seq.s32 s10, $0x1;
	s10 =	sld [smem:$0x3FBA];
	_ =	sdelay $0x3  }
0x34: {  	[smem:$0x3FBA] =	sst s10  }
0x35: {  	s10 =	sld [smem:$0x3FB9];
	_ =	sdelay $0x3  }
0x36: {  	p1 =	seq.s32 s10, $0x1;
	s10 =	sld [smem:$0x3FBA];
	_ =	sdelay $0x3  }
0x37: {  	[smem:$0x3FBA] =	sst s10  }
0x38: {  	s10 =	sld [smem:$0x3FBB]  }
0x39: {  	_ = 	snop;
	(pc) =	sbr.ind lr, $3  }
0x3a: {  	_ = 	snop  }
0x3b: {  	_ = 	snop  }
0x3c: {  	p2 =	seq.s32 s10, $0x1;
	s10 =	sld [smem:$0x3FBA]  }
0x3d: {  	_ =	shalt  }
0x3e: {  	_ =	shalt  }
0x3f: {  	_ =	shalt  }
0x40: {  	_ =	shalt  }
0x41: {  	_ =	shalt  }
0x42: {  	_ =	shalt  }
0x43: {  	_ =	shalt  }
0x44: {  	_ =	shalt  }
0x45: {  	_ =	shalt  }
0x46: {  	_ =	shalt  }
0x47: {  	_ =	shalt  }
0x48: {  	_ =	shalt  }
0x49: {  	_ =	shalt  }
0x4a: {  	_ =	shalt  }
0x4b: {  	_ =	shalt  }
0x4c: {  	_ =	shalt  }
0x4d: {  	_ =	shalt  }
0x4e: {  	_ =	shalt  }
0x4f: {  	_ =	shalt  }
0x50: {  	_ =	shalt  }
0x51: {  	_ =	shalt  }
0x52: {  	_ =	shalt  }
0x53: {  	_ =	shalt  }
0x54: {  	_ =	shalt  }
0x55: {  	_ =	shalt  }
0x56: {  	_ =	shalt  }
0x57: {  	_ =	shalt  }
0x58: {  	_ =	shalt  }
0x59: {  	_ =	shalt  }
0x5a: {  	_ =	shalt  }
0x5b: {  	_ =	shalt  }
0x5c: {  	_ =	shalt  }
0x5d: {  	_ =	shalt  }
0x5e: {  	_ =	shalt  }
0x5f: {  	_ =	shalt  }
0x60: {  	_ =	shalt  }
0x61: {  	_ =	shalt  }
0x62: {  	_ =	shalt  }
0x63: {  	_ =	shalt  }
0x64: {  	_ =	shalt  }
0x65: {  	_ =	shalt  }
0x66: {  	_ =	shalt  }
0x67: {  	_ =	shalt  }
0x68: {  	_ =	shalt  }
0x69: {  	_ =	shalt  }
0x6a: {  	_ =	shalt  }
0x6b: {  	_ =	shalt  }
0x6c: {  	_ =	shalt  }
0x6d: {  	_ =	shalt  }
0x6e: {  	_ =	shalt  }
0x6f: {  	_ =	shalt  }
0x70: {  	_ =	shalt  }
0x71: {  	_ =	shalt  }
0x72: {  	_ =	shalt  }
0x73: {  	_ =	shalt  }
0x74: {  	_ =	shalt  }
0x75: {  	_ =	shalt  }
0x76: {  	_ =	shalt  }
0x77: {  	_ =	shalt  }
0x78: {  	_ =	shalt  }
0x79: {  	_ =	shalt  }
0x7a: {  	_ =	shalt  }
0x7b: {  	_ =	shalt  }
0x7c: {  	_ =	shalt  }
0x7d: {  	_ =	shalt  }
0x7e: {  	_ =	shalt  }
0x7f: {  	_ =	shalt  }
0x80: {  	_ =	shalt  }
0x81: {  	_ =	shalt  }
0x82: {  	_ =	shalt  }
0x83: {  	_ =	shalt  }
0x84: {  	_ =	shalt  }
0x85: {  	_ =	shalt  }
0x86: {  	_ =	shalt  }
0x87: {  	_ =	shalt  }
.Lfunc_end0:
.L_simem_size_0:
called_computation_lowered:
.L_overlay_start_0:
0x88: {  	s2 =	sld [smem:$0x3FD9]  }
0x89: {  	s3 =	sld [smem:$0x3FFE];
	_ =	sdelay $0x1  }
0x8a: {  	s1 =	srdreg.scid  }
0x8b: {  	s0 =	sand.u32 $0x1, s1  }
0x8c: {  	s17 =	sshll.u32 s0, $0xA;
	s2 =	sadd.s32 s3, s2  }
0x8d: {  	s2 =	sadd.s32 s2, s17  }
0x8e: {  	[smem:$0x3FC6] =	sst s2  }
0x8f: {  	_ = 	snop  }
0x90: {  	s2 =	sld [smem:$0x3FC9]  }
0x91: {  	s18 =	sld [smem:$0x3FC8]  }
0x92: {  	s4 =	sld [smem:$0x3FD0];
	(tm) =	ssettm $0x1  }
0x93: {  	s5 =	sld [smem:$0x3FFB];
	_ =	sdelay $0x3  }
0x94: {  	_ =	strace s5  }
0x95: {  	s5 =	sld [smem:$0x3FFC];
	_ =	sdelay $0x3  }
0x96: {  	_ =	strace s5  }
0x97: {  	s5 =	sld [smem:$0x3FFD];
	_ =	sdelay $0x3  }
0x98: {  	_ =	strace s5  }
0x99: {  	_ =	strace $0x8FFFFFFF  }
0x9a: {  	s19 =	sld [smem:$0x3FDB];
	_ =	sdelay $0x1  }
0x9b: {  	s6 =	simm.s32 $_scs_section_size  }
0x9c: {  	s7 =	simm.s32 $_size__tile_overlayer_lowered;
	s8 =	simm.s32 $_tile_overlayer_lowered  }
0x9d: {  	s22 =	simm.s32 $0x1BFF;
	s21 =	sshll.u32 s8, $0x1;
	s5 =	sadd.s32 s6, s19  }
0x9e: {  	s9 =	simm.s32 $0x0;
	s20 =	sshll.u32 s7, $0x1;
	s7 =	sadd.s32 s21, s5  }
0x9f: {  	[timem:s9], [sflag:s22] =	dma.local [hbm:s7], s20  }
0xa0: {  	_ =	swait.ge [sflag:s22], s20  }
0xa1: {  	s6 =	ssub.s32 $0x0, s20;
	[sflag:s22] =	ssyncset.done $0x0  }
0xa2: {  	[sflag:s22] =	ssyncadd.s32 s6;
	_ =	sdelay $0x1  }
0xa3: {  	s23 =	simm.s32 $0x1B8B  }
0xa4: {  	_ =	swait.ge [sflag:s23], $0x1  }
0xa5: {  	[sflag:s23] =	ssyncset.done $0x0  }
0xa6: {  	s25 =	simm.s32 $0x1B8E;
	s24 =	sld [smem:$0x3FFE];
	[sflag:s23] =	ssyncadd.s32 $0xFFFFFFFF  }
0xa7: {  	s26 =	simm.s32 $execute0_lowered;
	[smem:$0x3FD2] =	sst s25  }
0xa8: {  	s7 =	sshll.u32 s26, $0x1;
	_ =	strace $0x80000046;
	[dreg:$0x1] =	wrdreg $0xFFFFFFFF  }
0xa9: {  	s28 =	simm.s32 $_size_execute0_lowered;
	s5 =	sadd.s32 s5, s7;
	[dreg:$0x0] =	wrdreg $0x0  }
0xaa: {  	s7 =	sshll.u32 s28, $0x1;
	[dreg:$0x2] =	wrdreg s5  }
0xab: {  	[dreg:$0x3] =	wrdreg s7  }
0xac: {  	[dreg:$0x4] =	wrdreg $0xC0  }
0xad: {  	_ =	task [dreg:s9], $0x5FFFF  }
0xae: {  	[dreg:$0x1] =	wrdreg $0xFFFFFFFF  }
0xaf: {  	[dreg:$0x0] =	wrdreg $0x60  }
0xb0: {  	[dreg:$0x2] =	wrdreg s2  }
0xb1: {  	[dreg:$0x3] =	wrdreg s18  }
0xb2: {  	[dreg:$0x4] =	wrdreg s24  }
0xb3: {  	[dreg:$0x5] =	wrdreg s4  }
0xb4: {  	[dreg:$0x6] =	wrdreg $0x9  }
0xb5: {  	_ =	task.clear_ibuf [dreg:s9], $0x7FFFF;
	_ =	strace $0x90000046  }
0xb6: {  	s29 =	simm.s32 $0x9;
	_ =	strace $0x80000048  }
0xb7: {  	_ =	swait.ge [sflag:s29], $0x1  }
0xb8: {  	[sflag:s29] =	ssyncadd.s32 $0xFFFFFFFF  }
0xb9: {  	_ =	strace $0x90000048  }
0xba: {  	_ =	sfence  }
0xbb: {  	s30 =	sld [smem:$0x0];
	_ =	sdelay $0x2  }
0xbc: {  	s31 =	sshll.u32 s1, $0xD;
	s1 =	sshrl.u32 s1, $0x2  }
0xbd: {  	s3 =	sand.u32 $0x4000, s31;
	s1 =	sadd.s32 s1, s30  }
0xbe: {  	s0 =	sor.u32 s3, s0;
	s1 =	sshll.u32 s1, $0x11  }
0xbf: {  	s0 =	sor.u32 s1, s0  }
0xc0: {  	s0 =	sadd.s32 $0x8F2B, s0  }
0xc1: {  	[sflag:s0] =	ssyncadd.remote.s32 $0x1  }
0xc2: {  	_ =	sfence.sel $0xFFFF  }
0xc3: {  	[dreg:$0x0] =	wrdreg $0xFFFFFFFF;
	(pc) =	sbr.abs _section_cstart, $3  }
0xc4: {  	[dreg:$0x1] =	wrdreg $0xFFFFFFFF  }
0xc5: {  	_ =	task.clear_ibuf [dreg:s9], $0x2FFFF;
	_ =	strace $0x9FFFFFFF  }
0xc6: {  	(tm) =	ssettm $0x7FFFFFFF  }
0xc7: {  	_ =	shalt  }
tec
execute0_lowered:
.L_overlay_start_1:
0x0: {  	(tag) =	ssettag $0x1  }
0x1: {  	s0 =	rddreg [dreg:$0x0]  }
0x2: {  	s2 =	srdreg.scid;
	s1 =	rddreg [dreg:$0x1]  }
0x3: {  	s3 =	stileid.u32;
	s4 =	rddreg [dreg:$0x2]  }
0x4: {  	s6 =	rddreg [dreg:$0x3];
	s31 =	simm.s32 $0xC;
	s2 =	sand.u32 $0x1, s2  }
0x5: {  	s3 =	sshll.u32 s3, $0x7;
	s4 =	sadd.s32 $0x400, s4;
	s5 =	sshll.u32 s2, $0x6  }
0x6: {  	s2 =	ssub.s32 $0x2, s2;
	s7 =	sor.u32 s5, s3;
	s3 =	simm.s32 $0x0  }
0x7: {  	s22 =	sshrl.u32 s2, $0x1;
	s8 =	sshll.u32 s7, $0x2;
	s7 =	sshll.u32 s7, $0x7  }
0x8: {  	[smem:$0x7FF] =	sst s3;
	s2 =	ssub.s32 s2, s22;
	s25 =	sadd.s32 s4, s7  }
0x9: {  	_ =	strace $0x80000047;
	s22 =	smax.u32 s2, $0x1;
	[dreg:$0x9] =	wrdreg s25  }
0xa: {  	s28 =	simm.s32 $0x4;
	s26 =	sadd.s32 s6, s7;
	[dreg:$0x17] =	wrdreg s22  }
0xb: {  	s29 =	simm.s32 $0x8;
	s12 =	sadd.s32 $0x40000, s26;
	[dreg:$0xa] =	wrdreg s26  }
0xc: {  	s30 =	simm.s32 $0x5;
	s13 =	sadd.s32 $0x40800, s26;
	[dreg:$0xc] =	wrdreg s12  }
0xd: {  	s10 =	sadd.s32 $0x200, s1;
	s14 =	sadd.s32 $0x80000, s26;
	[dreg:$0xd] =	wrdreg s13  }
0xe: {  	s11 =	sadd.s32 $0x300, s1;
	s15 =	sadd.s32 $0x80800, s26;
	[dreg:$0xe] =	wrdreg s14  }
0xf: {  	s16 =	sor.u32 $0x1000, s7;
	s17 =	sadd.s32 $0xC0000, s26;
	[dreg:$0xf] =	wrdreg s15  }
0x10: {  	s9 =	sand.u32 $0x1E00, s8;
	s4 =	sadd.s32 s4, s16;
	[dreg:$0x10] =	wrdreg s17  }
0x11: {  	s2 =	simm.s32 $0x200;
	s18 =	sadd.s32 $0xC0800, s26;
	[dreg:$0x11] =	wrdreg s4  }
0x12: {  	s9 =	sor.u32 s5, s9;
	s19 =	sadd.s32 $0x1800, s26;
	[dreg:$0x12] =	wrdreg s18  }
0x13: {  	s5 =	sor.u32 s5, s8;
	s20 =	sadd.s32 $0x41000, s26;
	[dreg:$0x14] =	wrdreg s19  }
0x14: {  	s21 =	sadd.s32 $0x41800, s26;
	s25 =	sadd.s32 $0xC1000, s26;
	[dreg:$0x15] =	wrdreg s20  }
0x15: {  	s22 =	simm.s32 $0x7;
	s9 =	sshrl.u32 s9, $0x3;
	[dreg:$0x16] =	wrdreg s21  }
0x16: {  	s5 =	sshrl.u32 s5, $0x3;
	[dreg:$0x1a] =	wrdreg s25;
	s14 =	simm.s32 $0x3A00  }
0x17: {  	s15 =	simm.s32 $0x4200;
	s12 =	simm.s32 $0xC200;
	s25 =	simm.s32 $0x1  }
0x18: {  	s19 =	simm.s32 $0x2;
	s20 =	simm.s32 $0x6;
	s9 =	sadd.s32 s0, s9  }
0x19: {  	s24 =	sor.u32 $0x20, s5;
	[dreg:$0x5] =	wrdreg s9;
	s23 =	sadd.s32 $0x10, s9  }
0x1a: {  	s5 =	sor.u32 $0x30, s5;
	s8 =	sadd.s32 s0, s24;
	[dreg:$0x6] =	wrdreg s23  }
0x1b: {  	s21 =	simm.s32 $0x3;
	s0 =	sadd.s32 s0, s5;
	[dreg:$0x7] =	wrdreg s8  }
0x1c: {  	s4 =	simm.s32 $0x9;
	s24 =	sadd.s32 $0x81800, s26;
	[dreg:$0x8] =	wrdreg s0  }
0x1d: {  	s17 =	simm.s32 $0x0;
	s8 =	sadd.s32 $0x800, s26;
	[dreg:$0x19] =	wrdreg s24  }
0x1e: {  	s9 =	sadd.s32 $0x100, s1;
	s0 =	sadd.s32 s6, s16;
	[dreg:$0xb] =	wrdreg s8  }
0x1f: {  	v2 =	vlaneseq.u32;
	s23 =	sadd.s32 $0x81000, s26;
	s26 =	sadd.s32 $0xC1800, s26;
	[dreg:$0x13] =	wrdreg s0  }
0x20: {  	vm0 =	vmmov $0xffff;
	v1 =	vshrl.u32 v2, $0x3;
	s24 =	simm.s32 $0xB;
	s16 =	simm.s32 $0xA;
	[dreg:$0x18] =	wrdreg s23  }
0x21: {  	v0 =	vand.u32 $0x7, v2;
	v2 =	vor.u32 $0x8, v2;
	v1 =	vmul.u32 $0x8, v1;
	[dreg:$0x1b] =	wrdreg s26;
	s23 =	simm.s32 $0x8200;
	s26 =	simm.s32 $0x10200  }
.LBB2_1:
0x22: {  	s0 =	rddreg [dreg:$0x5]  }
0x23: {  	[tilespmem:s3], [sflag:$0xC] =	stream.linear.gather [hbm4b:s0+s3], $0x40, $0x38;
	[tilespmem:$0x1C200] =	vst v63  }
0x24: {  	_ =	swait.ge [sflag:s31], $0x40  }
0x25: {  	[sflag:s31] =	ssyncset.done $0x0  }
0x26: {  	s5 =	simm.s32 $0x80;
	s6 =	rddreg [dreg:$0x6];
	[sflag:s31] =	ssyncadd.s32 $0xFFFFFFC0  }
0x27: {  	[tilespmem:s5], [sflag:$0xC] =	stream.linear.gather [hbm4b:s6+s3], $0x40, $0x38;
	[tilespmem:$0x1C200] =	vst v63  }
0x28: {  	_ =	swait.ge [sflag:s31], $0x40  }
0x29: {  	[sflag:s31] =	ssyncset.done $0x0  }
0x2a: {  	s8 =	simm.s32 $0x100;
	s7 =	rddreg [dreg:$0x7];
	[sflag:s31] =	ssyncadd.s32 $0xFFFFFFC0  }
0x2b: {  	[tilespmem:s8], [sflag:$0xC] =	stream.linear.gather [hbm4b:s7+s3], $0x40, $0x38;
	[tilespmem:$0x1C200] =	vst v63  }
0x2c: {  	_ =	swait.ge [sflag:s31], $0x40  }
0x2d: {  	[sflag:s31] =	ssyncset.done $0x0  }
0x2e: {  	s18 =	simm.s32 $0x180;
	s13 =	rddreg [dreg:$0x8];
	[sflag:s31] =	ssyncadd.s32 $0xFFFFFFC0  }
0x2f: {  	[tilespmem:s18], [sflag:$0xC] =	stream.linear.gather [hbm4b:s13+s3], $0x40, $0x38;
	[tilespmem:$0x1C200] =	vst v63  }
0x30: {  	_ =	swait.ge [sflag:s31], $0x40  }
0x31: {  	[sflag:s31] =	ssyncset.done $0x0  }
0x32: {  	s7 =	simm.s32 $0x14200;
	s6 =	rddreg [dreg:$0x9];
	[sflag:s31] =	ssyncadd.s32 $0xFFFFFFC0  }
0x33: {  	[tilespmem:s7], [sflag:$0xB] =	stream.linear.gather [hbm4b:s6+s3], $0x8000, $0x38;
	[tilespmem:$0x1C200] =	vst v63  }
0x34: {  	v3 =	vld [tilespmem:$0x0];
	_ =	sdelay $0x4  }
0x35: {  	v4 =	vshll.u32 v3, $0x3  }
0x36: {  	v3 =	vand.u32 $0x7, v3;
	v4 =	vand.u32 $0xFFFFFFC0, v4  }
0x37: {  	v3 =	vor.u32 v3, v4  }
0x38: {  	v4 =	vperm.xlane v3, v0;
	_ =	sdelay $0x1  }
0x39: {  	v4 =	vadd.s32 v1, v4;
	_ =	sdelay $0x4  }
0x3a: {  	[tilespmem:s2], [sflag:$0x1] =	stream.indirect_vreg.gather [hbm4b:s1+s3], $0x80, v4, vm0, $0xb8;
	[tilespmem:$0x1C200] =	vst v63  }
0x3b: {  	s8 =	simm.s32 $0xA00;
	v3 =	vperm.xlane v3, v2  }
0x3c: {  	[tilespmem:s8], [sflag:$0x1] =	stream.indirect_vreg.gather [hbm4b:s9+s3], $0x80, v4, vm0, $0xb8;
	[tilespmem:$0x1C200] =	vst v63  }
0x3d: {  	s13 =	simm.s32 $0x1200;
	v3 =	vadd.s32 v1, v3  }
0x3e: {  	[tilespmem:s13], [sflag:$0x1] =	stream.indirect_vreg.gather [hbm4b:s10+s3], $0x80, v4, vm0, $0xb8;
	[tilespmem:$0x1C200] =	vst v63  }
0x3f: {  	s18 =	simm.s32 $0x1A00  }
0x40: {  	[tilespmem:s18], [sflag:$0x1] =	stream.indirect_vreg.gather [hbm4b:s11+s3], $0x80, v4, vm0, $0xb8;
	[tilespmem:$0x1C200] =	vst v63  }
0x41: {  	s5 =	simm.s32 $0x2200  }
0x42: {  	[tilespmem:s5], [sflag:$0x1] =	stream.indirect_vreg.gather [hbm4b:s1+s3], $0x80, v3, vm0, $0xb8;
	[tilespmem:$0x1C200] =	vst v63  }
0x43: {  	s6 =	simm.s32 $0x2A00  }
0x44: {  	[tilespmem:s6], [sflag:$0x1] =	stream.indirect_vreg.gather [hbm4b:s9+s3], $0x80, v3, vm0, $0xb8;
	[tilespmem:$0x1C200] =	vst v63  }
0x45: {  	s7 =	simm.s32 $0x3200  }
0x46: {  	[tilespmem:s7], [sflag:$0x1] =	stream.indirect_vreg.gather [hbm4b:s10+s3], $0x80, v3, vm0, $0xb8;
	[tilespmem:$0x1C200] =	vst v63  }
0x47: {  	_ = 	snop  }
0x48: {  	[tilespmem:s14], [sflag:$0x1] =	stream.indirect_vreg.gather [hbm4b:s11+s3], $0x80, v3, vm0, $0xb8;
	[tilespmem:$0x1C200] =	vst v63  }
0x49: {  	v3 =	vld [tilespmem:$0x10];
	_ =	sdelay $0x4  }
0x4a: {  	v61 =	vshll.u32 v3, $0x3  }
0x4b: {  	v3 =	vand.u32 $0x7, v3;
	v4 =	vand.u32 $0xFFFFFFC0, v61  }
0x4c: {  	v3 =	vor.u32 v3, v4  }
0x4d: {  	v4 =	vperm.xlane v3, v0;
	_ =	sdelay $0x1  }
0x4e: {  	v4 =	vadd.s32 v1, v4;
	_ =	sdelay $0x4  }
0x4f: {  	[tilespmem:s15], [sflag:$0x2] =	stream.indirect_vreg.gather [hbm4b:s1+s3], $0x80, v4, vm0, $0xb8;
	[tilespmem:$0x1C200] =	vst v63  }
0x50: {  	s8 =	simm.s32 $0x4A00;
	v3 =	vperm.xlane v3, v2  }
0x51: {  	[tilespmem:s8], [sflag:$0x2] =	stream.indirect_vreg.gather [hbm4b:s9+s3], $0x80, v4, vm0, $0xb8;
	[tilespmem:$0x1C200] =	vst v63  }
0x52: {  	s13 =	simm.s32 $0x5200;
	v3 =	vadd.s32 v1, v3  }
0x53: {  	[tilespmem:s13], [sflag:$0x2] =	stream.indirect_vreg.gather [hbm4b:s10+s3], $0x80, v4, vm0, $0xb8;
	[tilespmem:$0x1C200] =	vst v63  }
0x54: {  	s18 =	simm.s32 $0x5A00  }
0x55: {  	[tilespmem:s18], [sflag:$0x2] =	stream.indirect_vreg.gather [hbm4b:s11+s3], $0x80, v4, vm0, $0xb8;
	[tilespmem:$0x1C200] =	vst v63  }
0x56: {  	s5 =	simm.s32 $0x6200  }
0x57: {  	[tilespmem:s5], [sflag:$0x2] =	stream.indirect_vreg.gather [hbm4b:s1+s3], $0x80, v3, vm0, $0xb8;
	[tilespmem:$0x1C200] =	vst v63  }
0x58: {  	s6 =	simm.s32 $0x6A00  }
0x59: {  	[tilespmem:s6], [sflag:$0x2] =	stream.indirect_vreg.gather [hbm4b:s9+s3], $0x80, v3, vm0, $0xb8;
	[tilespmem:$0x1C200] =	vst v63  }
0x5a: {  	s7 =	simm.s32 $0x7200  }
0x5b: {  	[tilespmem:s7], [sflag:$0x2] =	stream.indirect_vreg.gather [hbm4b:s10+s3], $0x80, v3, vm0, $0xb8;
	[tilespmem:$0x1C200] =	vst v63  }
0x5c: {  	s8 =	simm.s32 $0x7A00  }
0x5d: {  	[tilespmem:s8], [sflag:$0x2] =	stream.indirect_vreg.gather [hbm4b:s11+s3], $0x80, v3, vm0, $0xb8;
	[tilespmem:$0x1C200] =	vst v63  }
0x5e: {  	v3 =	vld [tilespmem:$0x80];
	_ =	sdelay $0x4  }
0x5f: {  	v62 =	vshll.u32 v3, $0x3  }
0x60: {  	v3 =	vand.u32 $0x7, v3;
	v4 =	vand.u32 $0xFFFFFFC0, v62  }
0x61: {  	v3 =	vor.u32 v3, v4  }
0x62: {  	v4 =	vperm.xlane v3, v0;
	_ =	sdelay $0x1  }
0x63: {  	v4 =	vadd.s32 v1, v4;
	_ =	sdelay $0x4  }
0x64: {  	[tilespmem:s23], [sflag:$0x3] =	stream.indirect_vreg.gather [hbm4b:s1+s3], $0x80, v4, vm0, $0xb8;
	[tilespmem:$0x1C200] =	vst v63  }
0x65: {  	s13 =	simm.s32 $0x8A00;
	v3 =	vperm.xlane v3, v2  }
0x66: {  	[tilespmem:s13], [sflag:$0x3] =	stream.indirect_vreg.gather [hbm4b:s9+s3], $0x80, v4, vm0, $0xb8;
	[tilespmem:$0x1C200] =	vst v63  }
0x67: {  	s18 =	simm.s32 $0x9200;
	v3 =	vadd.s32 v1, v3  }
0x68: {  	[tilespmem:s18], [sflag:$0x3] =	stream.indirect_vreg.gather [hbm4b:s10+s3], $0x80, v4, vm0, $0xb8;
	[tilespmem:$0x1C200] =	vst v63  }
0x69: {  	s5 =	simm.s32 $0x9A00  }
0x6a: {  	[tilespmem:s5], [sflag:$0x3] =	stream.indirect_vreg.gather [hbm4b:s11+s3], $0x80, v4, vm0, $0xb8;
	[tilespmem:$0x1C200] =	vst v63  }
0x6b: {  	s6 =	simm.s32 $0xA200  }
0x6c: {  	[tilespmem:s6], [sflag:$0x3] =	stream.indirect_vreg.gather [hbm4b:s1+s3], $0x80, v3, vm0, $0xb8;
	[tilespmem:$0x1C200] =	vst v63  }
0x6d: {  	s7 =	simm.s32 $0xAA00  }
0x6e: {  	[tilespmem:s7], [sflag:$0x3] =	stream.indirect_vreg.gather [hbm4b:s9+s3], $0x80, v3, vm0, $0xb8;
	[tilespmem:$0x1C200] =	vst v63  }
0x6f: {  	s8 =	simm.s32 $0xB200  }
0x70: {  	[tilespmem:s8], [sflag:$0x3] =	stream.indirect_vreg.gather [hbm4b:s10+s3], $0x80, v3, vm0, $0xb8;
	[tilespmem:$0x1C200] =	vst v63  }
0x71: {  	s13 =	simm.s32 $0xBA00  }
0x72: {  	[tilespmem:s13], [sflag:$0x3] =	stream.indirect_vreg.gather [hbm4b:s11+s3], $0x80, v3, vm0, $0xb8;
	[tilespmem:$0x1C200] =	vst v63  }
0x73: {  	v3 =	vld [tilespmem:$0x90];
	_ =	sdelay $0x4  }
0x74: {  	v63 =	vshll.u32 v3, $0x3  }
0x75: {  	v3 =	vand.u32 $0x7, v3;
	v4 =	vand.u32 $0xFFFFFFC0, v63  }
0x76: {  	v3 =	vor.u32 v3, v4  }
0x77: {  	v4 =	vperm.xlane v3, v0;
	_ =	sdelay $0x1  }
0x78: {  	v4 =	vadd.s32 v1, v4;
	_ =	sdelay $0x4  }
0x79: {  	[tilespmem:s12], [sflag:$0x4] =	stream.indirect_vreg.gather [hbm4b:s1+s3], $0x80, v4, vm0, $0xb8;
	[tilespmem:$0x1C200] =	vst v63  }
0x7a: {  	s18 =	simm.s32 $0xCA00;
	v3 =	vperm.xlane v3, v2  }
0x7b: {  	[tilespmem:s18], [sflag:$0x4] =	stream.indirect_vreg.gather [hbm4b:s9+s3], $0x80, v4, vm0, $0xb8;
	[tilespmem:$0x1C200] =	vst v63  }
0x7c: {  	s5 =	simm.s32 $0xD200;
	v3 =	vadd.s32 v1, v3  }
0x7d: {  	[tilespmem:s5], [sflag:$0x4] =	stream.indirect_vreg.gather [hbm4b:s10+s3], $0x80, v4, vm0, $0xb8;
	[tilespmem:$0x1C200] =	vst v63  }
0x7e: {  	s6 =	simm.s32 $0xDA00  }
0x7f: {  	[tilespmem:s6], [sflag:$0x4] =	stream.indirect_vreg.gather [hbm4b:s11+s3], $0x80, v4, vm0, $0xb8;
	[tilespmem:$0x1C200] =	vst v63  }
0x80: {  	s7 =	simm.s32 $0xE200  }
0x81: {  	[tilespmem:s7], [sflag:$0x4] =	stream.indirect_vreg.gather [hbm4b:s1+s3], $0x80, v3, vm0, $0xb8;
	[tilespmem:$0x1C200] =	vst v63  }
0x82: {  	s8 =	simm.s32 $0xEA00  }
0x83: {  	[tilespmem:s8], [sflag:$0x4] =	stream.indirect_vreg.gather [hbm4b:s9+s3], $0x80, v3, vm0, $0xb8;
	[tilespmem:$0x1C200] =	vst v63  }
0x84: {  	s13 =	simm.s32 $0xF200  }
0x85: {  	[tilespmem:s13], [sflag:$0x4] =	stream.indirect_vreg.gather [hbm4b:s10+s3], $0x80, v3, vm0, $0xb8;
	[tilespmem:$0x1C200] =	vst v63  }
0x86: {  	s18 =	simm.s32 $0xFA00  }
0x87: {  	[tilespmem:s18], [sflag:$0x4] =	stream.indirect_vreg.gather [hbm4b:s11+s3], $0x80, v3, vm0, $0xb8;
	[tilespmem:$0x1C200] =	vst v63  }
0x88: {  	_ =	swait.ge [sflag:s24], $0x8000  }
0x89: {  	[sflag:s24] =	ssyncset.done $0x0  }
0x8a: {  	[sflag:s24] =	ssyncadd.s32 $0xFFFF8000  }
0x8b: {  	_ =	swait.ge [sflag:s25], $0x4000  }
0x8c: {  	s0 =	simm.s32 $0x0;
	[sflag:s25] =	ssyncset.done $0x0  }
0x8d: {  	s5 =	simm.s32 $0x0;
	s18 =	simm.s32 $0x0;
	[sflag:s25] =	ssyncadd.s32 $0xFFFFC000  }
.LBB2_2:
0x8e: {  	s6 =	sshll.u32 s0, $0x2;
	s7 =	sand.u32 $0x7, s18  }
0x8f: {  	s6 =	sand.u32 $0xFFFF8000, s6;
	s7 =	sshll.u32 s7, $0x9  }
0x90: {  	s6 =	sor.u32 s7, s6  }
0x91: {  	s7 =	sshrl.u32 s6, $0x2  }
0x92: {  	s6 =	sadd.s32 $0x600, s7  }
0x93: {  	v3 =	vld [tilespmem:s6+$0x70]  }
0x94: {  	s7 =	sadd.s32 $0x14600, s7;
	v4 =	vld [tilespmem:s6+$0xFFFFFC10]  }
0x95: {  	v5 =	vld [tilespmem:s7+$0x70]  }
0x96: {  	v6 =	vld [tilespmem:s6+$0xFFFFFC20]  }
0x97: {  	v7 =	vld [tilespmem:s6+$0xFFFFFC30]  }
0x98: {  	v8 =	vld [tilespmem:s6+$0xFFFFFC40]  }
0x99: {  	v9 =	vld [tilespmem:s6+$0xFFFFFC50]  }
0x9a: {  	v10 =	vld [tilespmem:s6+$0xFFFFFC60]  }
0x9b: {  	v11 =	vld [tilespmem:s6+$0xFFFFFC70]  }
0x9c: {  	v12 =	vld [tilespmem:s6+$0x0]  }
0x9d: {  	v13 =	vld [tilespmem:s6+$0x10]  }
0x9e: {  	v14 =	vld [tilespmem:s6+$0x20]  }
0x9f: {  	v15 =	vld [tilespmem:s6+$0x30]  }
0xa0: {  	v16 =	vld [tilespmem:s6+$0x40]  }
0xa1: {  	v17 =	vld [tilespmem:s6+$0x50]  }
0xa2: {  	v18 =	vld [tilespmem:s6+$0x60]  }
0xa3: {  	v19 =	vld [tilespmem:s6+$0xFFFFFC00]  }
0xa4: {  	v20 =	vld [tilespmem:s7+$0xFFFFFC00]  }
0xa5: {  	v21 =	vld [tilespmem:s7+$0xFFFFFC10]  }
0xa6: {  	v22 =	vld [tilespmem:s7+$0xFFFFFC20]  }
0xa7: {  	v23 =	vld [tilespmem:s7+$0xFFFFFC30];
	v3 =	vmul.f32 $3.200000000e+01, v3  }
0xa8: {  	v24 =	vld [tilespmem:s7+$0xFFFFFC40];
	v19 =	vmul.f32 $3.200000000e+01, v19  }
0xa9: {  	v58 =	vld [tilespmem:s7+$0xFFFFFC60];
	v4 =	vmul.f32 $3.200000000e+01, v4;
	v3 =	vadd.f32 v5, v3  }
0xaa: {  	v6 =	vmul.f32 $3.200000000e+01, v6;
	v5 =	vld [tilespmem:s7+$0xFFFFFC50];
	v19 =	vadd.f32 v20, v19  }
0xab: {  	v59 =	vld [tilespmem:s7+$0xFFFFFC70];
	v4 =	vadd.f32 v21, v4;
	[tilespmem:s6+$0x70] =	vst v3;
	v3 =	vmul.f32 $3.200000000e+01, v7  }
0xac: {  	v60 =	vld [tilespmem:s7+$0x0];
	v6 =	vadd.f32 v22, v6;
	v7 =	vmul.f32 $3.200000000e+01, v8;
	[tilespmem:s6+$0xFFFFFC00] =	vst v19  }
0xad: {  	v61 =	vld [tilespmem:s7+$0x10];
	v9 =	vmul.f32 $3.200000000e+01, v9;
	v10 =	vmul.f32 $3.200000000e+01, v10;
	[tilespmem:s6+$0xFFFFFC10] =	vst v4;
	v3 =	vadd.f32 v23, v3  }
0xae: {  	v11 =	vmul.f32 $3.200000000e+01, v11;
	v12 =	vmul.f32 $3.200000000e+01, v12;
	[tilespmem:s6+$0xFFFFFC20] =	vst v6;
	v8 =	vld [tilespmem:s7+$0x20];
	v62 =	vadd.f32 v24, v7  }
0xaf: {  	v7 =	vmul.f32 $3.200000000e+01, v14;
	v14 =	vadd.f32 v58, v10;
	v6 =	vadd.f32 v5, v9;
	v9 =	vld [tilespmem:s7+$0x30];
	[tilespmem:s6+$0xFFFFFC30] =	vst v3  }
0xb0: {  	v63 =	vmul.f32 $3.200000000e+01, v13;
	v13 =	vadd.f32 v59, v11;
	v10 =	vld [tilespmem:s7+$0x40];
	[tilespmem:s6+$0xFFFFFC40] =	vst v62  }
0xb1: {  	v11 =	vld [tilespmem:s7+$0x50];
	v4 =	vmul.f32 $3.200000000e+01, v15;
	v15 =	vadd.f32 v60, v12;
	v5 =	vmul.f32 $3.200000000e+01, v16;
	[tilespmem:s6+$0xFFFFFC60] =	vst v14  }
0xb2: {  	s8 =	simm.s32 $0x0;
	s13 =	sadd.s32 $0x800, s6;
	v12 =	vld [tilespmem:s7+$0x60];
	v3 =	vmul.f32 $3.200000000e+01, v17;
	v14 =	vadd.f32 v61, v63;
	[tilespmem:s6+$0xFFFFFC50] =	vst v6;
	v6 =	vmul.f32 $3.200000000e+01, v18  }
.LBB2_3:
0xb3: {  	v16 =	vld [tilespmem:s13+$0x70];
	s8 =	sadd.s32 $0x10, s8;
	[tilespmem:s6+$0xFFFFFC70] =	vst v13;
	v7 =	vadd.f32 v8, v7  }
0xb4: {  	s7 =	sadd.s32 $0x800, s7;
	v8 =	vld [tilespmem:s13+$0xFFFFFC10];
	p0 =	slt.u32 s8, $0x30;
	[tilespmem:s6+$0x0] =	vst v15;
	v4 =	vadd.f32 v9, v4  }
0xb5: {  	v9 =	vld [tilespmem:s7+$0x70];
	[tilespmem:s6+$0x10] =	vst v14;
	v5 =	vadd.f32 v10, v5  }
0xb6: {  	v10 =	vld [tilespmem:s13+$0xFFFFFC20];
	[tilespmem:s6+$0x20] =	vst v7;
	v3 =	vadd.f32 v11, v3  }
0xb7: {  	v7 =	vld [tilespmem:s13+$0xFFFFFC30];
	[tilespmem:s6+$0x30] =	vst v4;
	v4 =	vadd.f32 v12, v6  }
0xb8: {  	v6 =	vld [tilespmem:s13+$0xFFFFFC40];
	v11 =	vmul.f32 $3.200000000e+01, v16;
	[tilespmem:s6+$0x40] =	vst v5  }
0xb9: {  	v8 =	vmul.f32 $3.200000000e+01, v8;
	v5 =	vld [tilespmem:s13+$0xFFFFFC50];
	[tilespmem:s6+$0x50] =	vst v3  }
0xba: {  	v3 =	vld [tilespmem:s13+$0xFFFFFC60];
	v9 =	vadd.f32 v9, v11;
	[tilespmem:s6+$0x60] =	vst v4;
	s6 =	smov.u32 s13  }
0xbb: {  	v10 =	vmul.f32 $3.200000000e+01, v10;
	v4 =	vld [tilespmem:s13+$0xFFFFFC70]  }
0xbc: {  	v11 =	vmul.f32 $3.200000000e+01, v7;
	v7 =	vld [tilespmem:s13+$0x0];
	[tilespmem:s13+$0x70] =	vst v9  }
0xbd: {  	v9 =	vmul.f32 $3.200000000e+01, v6;
	v6 =	vld [tilespmem:s13+$0x10]  }
0xbe: {  	v12 =	vmul.f32 $3.200000000e+01, v5;
	v5 =	vld [tilespmem:s13+$0x20]  }
0xbf: {  	v13 =	vmul.f32 $3.200000000e+01, v3;
	v3 =	vld [tilespmem:s13+$0x30]  }
0xc0: {  	v14 =	vmul.f32 $3.200000000e+01, v4;
	v15 =	vld [tilespmem:s13+$0x40]  }
0xc1: {  	v16 =	vmul.f32 $3.200000000e+01, v7;
	v17 =	vld [tilespmem:s13+$0x50]  }
0xc2: {  	v18 =	vmul.f32 $3.200000000e+01, v6;
	v6 =	vld [tilespmem:s13+$0x60]  }
0xc3: {  	v19 =	vld [tilespmem:s13+$0xFFFFFC00];
	v7 =	vmul.f32 $3.200000000e+01, v5  }
0xc4: {  	v20 =	vld [tilespmem:s7+$0xFFFFFC00];
	v4 =	vmul.f32 $3.200000000e+01, v3  }
0xc5: {  	v21 =	vld [tilespmem:s7+$0xFFFFFC10];
	v5 =	vmul.f32 $3.200000000e+01, v15  }
0xc6: {  	v15 =	vld [tilespmem:s7+$0xFFFFFC20];
	v3 =	vmul.f32 $3.200000000e+01, v17  }
0xc7: {  	v17 =	vld [tilespmem:s7+$0xFFFFFC30];
	v6 =	vmul.f32 $3.200000000e+01, v6  }
0xc8: {  	v19 =	vmul.f32 $3.200000000e+01, v19;
	v22 =	vld [tilespmem:s7+$0xFFFFFC40]  }
0xc9: {  	v23 =	vld [tilespmem:s7+$0xFFFFFC50]  }
0xca: {  	v19 =	vadd.f32 v20, v19;
	v8 =	vadd.f32 v21, v8;
	v20 =	vld [tilespmem:s7+$0xFFFFFC60]  }
0xcb: {  	v10 =	vadd.f32 v15, v10;
	v15 =	vld [tilespmem:s7+$0xFFFFFC70]  }
0xcc: {  	[tilespmem:s13+$0xFFFFFC00] =	vst v19;
	v11 =	vadd.f32 v17, v11;
	v17 =	vld [tilespmem:s7+$0x0]  }
0xcd: {  	[tilespmem:s13+$0xFFFFFC10] =	vst v8;
	v19 =	vadd.f32 v22, v9;
	v21 =	vld [tilespmem:s7+$0x10]  }
.Ltmp0:
0xce: {  	[tilespmem:s13+$0xFFFFFC20] =	vst v10;
	v12 =	vadd.f32 v23, v12;
	v8 =	vld [tilespmem:s7+$0x20];
	(pc) =	sbr.rel @p0 .LBB2_3-.Ltmp0, $4  }
0xcf: {  	[tilespmem:s13+$0xFFFFFC30] =	vst v11;
	v20 =	vadd.f32 v20, v13;
	v9 =	vld [tilespmem:s7+$0x30]  }
0xd0: {  	[tilespmem:s13+$0xFFFFFC40] =	vst v19;
	v13 =	vadd.f32 v15, v14;
	v10 =	vld [tilespmem:s7+$0x40]  }
0xd1: {  	[tilespmem:s13+$0xFFFFFC50] =	vst v12;
	v15 =	vadd.f32 v17, v16;
	v11 =	vld [tilespmem:s7+$0x50]  }
0xd2: {  	s13 =	sadd.s32 $0x800, s13;
	[tilespmem:s6+$0xFFFFFC60] =	vst v20;
	v14 =	vadd.f32 v21, v18;
	v12 =	vld [tilespmem:s7+$0x60]  }
0xd3: {  	[tilespmem:s6+$0xFFFFFC70] =	vst v13  }
0xd4: {  	v7 =	vadd.f32 v8, v7;
	[tilespmem:s6+$0x0] =	vst v15;
	s5 =	sadd.s32 $0x1, s5  }
0xd5: {  	v4 =	vadd.f32 v9, v4;
	[tilespmem:s6+$0x10] =	vst v14;
	p0 =	sne.s32 s5, $0x10  }
.Ltmp1:
0xd6: {  	v5 =	vadd.f32 v10, v5;
	[tilespmem:s6+$0x20] =	vst v7;
	(pc) =	sbr.rel @p0 .LBB2_2-.Ltmp1, $4  }
0xd7: {  	v3 =	vadd.f32 v11, v3;
	[tilespmem:s6+$0x30] =	vst v4  }
0xd8: {  	v63 =	vadd.f32 v12, v6;
	[tilespmem:s6+$0x40] =	vst v5  }
0xd9: {  	[tilespmem:s6+$0x50] =	vst v3  }
0xda: {  	s0 =	sadd.s32 $0x400, s0;
	s18 =	sadd.s32 $0x1, s18;
	[tilespmem:s6+$0x60] =	vst v63  }
0xdb: {  	s18 =	simm.s32 $0x0;
	s0 =	rddreg [dreg:$0xa]  }
0xdc: {  	[hbm4b:s0+s18] =	stream.linear.scatter [tilespmem:s2], [sflag:$0x6], $0x4000, $0x38;
	[tilespmem:$0x1C200] =	vst v63  }
0xdd: {  	v3 =	vld [tilespmem:$0x100];
	_ =	sdelay $0x4  }
0xde: {  	v4 =	vshll.u32 v3, $0x3  }
0xdf: {  	v3 =	vand.u32 $0x7, v3;
	v4 =	vand.u32 $0xFFFFFFC0, v4  }
0xe0: {  	v3 =	vor.u32 v3, v4  }
0xe1: {  	v4 =	vperm.xlane v3, v0;
	_ =	sdelay $0x1  }
0xe2: {  	v4 =	vadd.s32 v1, v4;
	_ =	sdelay $0x4  }
0xe3: {  	[tilespmem:s26], [sflag:$0x5] =	stream.indirect_vreg.gather [hbm4b:s1+s18], $0x80, v4, vm0, $0xb8;
	[tilespmem:$0x1C200] =	vst v63  }
0xe4: {  	s8 =	simm.s32 $0x10A00;
	v3 =	vperm.xlane v3, v2  }
0xe5: {  	[tilespmem:s8], [sflag:$0x5] =	stream.indirect_vreg.gather [hbm4b:s9+s18], $0x80, v4, vm0, $0xb8;
	[tilespmem:$0x1C200] =	vst v63  }
0xe6: {  	s13 =	simm.s32 $0x11200;
	v3 =	vadd.s32 v1, v3  }
0xe7: {  	[tilespmem:s13], [sflag:$0x5] =	stream.indirect_vreg.gather [hbm4b:s10+s18], $0x80, v4, vm0, $0xb8;
	[tilespmem:$0x1C200] =	vst v63  }
0xe8: {  	s5 =	simm.s32 $0x11A00  }
0xe9: {  	[tilespmem:s5], [sflag:$0x5] =	stream.indirect_vreg.gather [hbm4b:s11+s18], $0x80, v4, vm0, $0xb8;
	[tilespmem:$0x1C200] =	vst v63  }
0xea: {  	s6 =	simm.s32 $0x12200  }
0xeb: {  	[tilespmem:s6], [sflag:$0x5] =	stream.indirect_vreg.gather [hbm4b:s1+s18], $0x80, v3, vm0, $0xb8;
	[tilespmem:$0x1C200] =	vst v63  }
0xec: {  	s7 =	simm.s32 $0x12A00  }
0xed: {  	[tilespmem:s7], [sflag:$0x5] =	stream.indirect_vreg.gather [hbm4b:s9+s18], $0x80, v3, vm0, $0xb8;
	[tilespmem:$0x1C200] =	vst v63  }
0xee: {  	s8 =	simm.s32 $0x13200  }
0xef: {  	[tilespmem:s8], [sflag:$0x5] =	stream.indirect_vreg.gather [hbm4b:s10+s18], $0x80, v3, vm0, $0xb8;
	[tilespmem:$0x1C200] =	vst v63  }
0xf0: {  	s13 =	simm.s32 $0x13A00  }
0xf1: {  	[tilespmem:s13], [sflag:$0x5] =	stream.indirect_vreg.gather [hbm4b:s11+s18], $0x80, v3, vm0, $0xb8;
	[tilespmem:$0x1C200] =	vst v63  }
0xf2: {  	_ =	swait.ge [sflag:s19], $0x4000  }
0xf3: {  	[sflag:s19] =	ssyncset.done $0x0  }
0xf4: {  	s0 =	simm.s32 $0x0;
	s5 =	simm.s32 $0x0;
	[sflag:s19] =	ssyncadd.s32 $0xFFFFC000  }
.LBB2_6:
0xf5: {  	s6 =	sand.u32 $0x7, s0  }
0xf6: {  	s6 =	sshll.u32 s6, $0x9  }
0xf7: {  	s6 =	sshrl.u32 s6, $0x2  }
0xf8: {  	v3 =	vmov s6;
	_ =	sdelay $0x2  }
0xf9: {  	s7 =	sand.u32 $0x3FFFE000, s18  }
0xfa: {  	s6 =	sor.u32 $0x200, s7  }
0xfb: {  	v4 =	vld.idx.msk [tilespmem:v3+s6+$0x4470 ss:$0x1], $0xffff  }
0xfc: {  	s7 =	sadd.s32 $0x14200, s7;
	v5 =	vld.idx.msk [tilespmem:v3+s6+$0x4010 ss:$0x1], $0xffff  }
0xfd: {  	v6 =	vld.idx.msk [tilespmem:v3+s7+$0x4470 ss:$0x1], $0xffff  }
0xfe: {  	v7 =	vld.idx.msk [tilespmem:v3+s6+$0x4020 ss:$0x1], $0xffff  }
0xff: {  	v8 =	vld.idx.msk [tilespmem:v3+s6+$0x4030 ss:$0x1], $0xffff  }
0x100: {  	v9 =	vld.idx.msk [tilespmem:v3+s6+$0x4040 ss:$0x1], $0xffff  }
0x101: {  	v10 =	vld.idx.msk [tilespmem:v3+s6+$0x4050 ss:$0x1], $0xffff  }
0x102: {  	v11 =	vld.idx.msk [tilespmem:v3+s6+$0x4060 ss:$0x1], $0xffff  }
0x103: {  	v12 =	vld.idx.msk [tilespmem:v3+s6+$0x4070 ss:$0x1], $0xffff  }
0x104: {  	v13 =	vld.idx.msk [tilespmem:v3+s6+$0x4400 ss:$0x1], $0xffff  }
0x105: {  	v14 =	vld.idx.msk [tilespmem:v3+s6+$0x4410 ss:$0x1], $0xffff  }
0x106: {  	v15 =	vld.idx.msk [tilespmem:v3+s6+$0x4420 ss:$0x1], $0xffff  }
0x107: {  	v16 =	vld.idx.msk [tilespmem:v3+s6+$0x4430 ss:$0x1], $0xffff  }
0x108: {  	v17 =	vld.idx.msk [tilespmem:v3+s6+$0x4440 ss:$0x1], $0xffff  }
0x109: {  	v18 =	vld.idx.msk [tilespmem:v3+s6+$0x4450 ss:$0x1], $0xffff  }
0x10a: {  	v19 =	vld.idx.msk [tilespmem:v3+s6+$0x4460 ss:$0x1], $0xffff  }
0x10b: {  	v20 =	vld.idx.msk [tilespmem:v3+s6+$0x4000 ss:$0x1], $0xffff  }
0x10c: {  	v21 =	vld.idx.msk [tilespmem:v3+s7+$0x4000 ss:$0x1], $0xffff  }
0x10d: {  	v22 =	vld.idx.msk [tilespmem:v3+s7+$0x4010 ss:$0x1], $0xffff  }
0x10e: {  	v23 =	vld.idx.msk [tilespmem:v3+s7+$0x4020 ss:$0x1], $0xffff  }
0x10f: {  	v24 =	vld.idx.msk [tilespmem:v3+s7+$0x4030 ss:$0x1], $0xffff  }
0x110: {  	v25 =	vld.idx.msk [tilespmem:v3+s7+$0x4040 ss:$0x1], $0xffff  }
0x111: {  	v26 =	vld.idx.msk [tilespmem:v3+s7+$0x4050 ss:$0x1], $0xffff;
	v4 =	vmul.f32 $3.200000000e+01, v4  }
0x112: {  	v27 =	vld.idx.msk [tilespmem:v3+s7+$0x4060 ss:$0x1], $0xffff;
	v20 =	vmul.f32 $3.200000000e+01, v20  }
0x113: {  	v61 =	vld.idx.msk [tilespmem:v3+s7+$0x4400 ss:$0x1], $0xffff;
	v5 =	vmul.f32 $3.200000000e+01, v5;
	v4 =	vadd.f32 v6, v4  }
0x114: {  	v62 =	vmul.f32 $3.200000000e+01, v10;
	v10 =	vld.idx.msk [tilespmem:v3+s7+$0x4410 ss:$0x1], $0xffff;
	v6 =	vmul.f32 $3.200000000e+01, v7;
	v7 =	vadd.f32 v21, v20  }
0x115: {  	v28 =	vmul.f32 $3.200000000e+01, v11;
	v63 =	vmul.f32 $3.200000000e+01, v12;
	v11 =	vld.idx.msk [tilespmem:v3+s7+$0x4420 ss:$0x1], $0xffff;
	v5 =	vadd.f32 v22, v5;
	[tilespmem:v3+s6+$0x4470 ss:$0x1] =	vst.idx.msk $0xffff, v4  }
0x116: {  	v29 =	vmul.f32 $3.200000000e+01, v13;
	v20 =	vld.idx.msk [tilespmem:v3+s7+$0x4070 ss:$0x1], $0xffff;
	v4 =	vmul.f32 $3.200000000e+01, v8;
	v6 =	vadd.f32 v23, v6;
	[tilespmem:v3+s6+$0x4000 ss:$0x1] =	vst.idx.msk $0xffff, v7  }
0x117: {  	v12 =	vld.idx.msk [tilespmem:v3+s7+$0x4430 ss:$0x1], $0xffff;
	v8 =	vmul.f32 $3.200000000e+01, v9;
	[tilespmem:v3+s6+$0x4010 ss:$0x1] =	vst.idx.msk $0xffff, v5;
	v7 =	vmul.f32 $3.200000000e+01, v15;
	v15 =	vadd.f32 v26, v62  }
0x118: {  	v13 =	vld.idx.msk [tilespmem:v3+s7+$0x4440 ss:$0x1], $0xffff;
	v9 =	vmul.f32 $3.200000000e+01, v14;
	v4 =	vadd.f32 v24, v4;
	[tilespmem:v3+s6+$0x4020 ss:$0x1] =	vst.idx.msk $0xffff, v6  }
0x119: {  	v5 =	vmul.f32 $3.200000000e+01, v17;
	v17 =	vadd.f32 v61, v29;
	v14 =	vadd.f32 v25, v8;
	[tilespmem:v3+s6+$0x4050 ss:$0x1] =	vst.idx.msk $0xffff, v15  }
0x11a: {  	v8 =	vmul.f32 $3.200000000e+01, v16;
	v16 =	vadd.f32 v27, v28;
	v15 =	vld.idx.msk [tilespmem:v3+s7+$0x4460 ss:$0x1], $0xffff;
	[tilespmem:v3+s6+$0x4030 ss:$0x1] =	vst.idx.msk $0xffff, v4  }
0x11b: {  	s8 =	simm.s32 $0x0;
	s13 =	sadd.s32 $0x800, s6;
	v6 =	vmul.f32 $3.200000000e+01, v18;
	v18 =	vadd.f32 v20, v63;
	v4 =	vmul.f32 $3.200000000e+01, v19;
	[tilespmem:v3+s6+$0x4040 ss:$0x1] =	vst.idx.msk $0xffff, v14;
	v14 =	vld.idx.msk [tilespmem:v3+s7+$0x4450 ss:$0x1], $0xffff  }
.LBB2_7:
0x11c: {  	v19 =	vld.idx.msk [tilespmem:v3+s13+$0x4470 ss:$0x1], $0xffff;
	s8 =	sadd.s32 $0x10, s8;
	[tilespmem:v3+s6+$0x4060 ss:$0x1] =	vst.idx.msk $0xffff, v16;
	v9 =	vadd.f32 v10, v9  }
0x11d: {  	v7 =	vadd.f32 v11, v7;
	s7 =	sadd.s32 $0x800, s7;
	v10 =	vld.idx.msk [tilespmem:v3+s13+$0x4010 ss:$0x1], $0xffff;
	p0 =	slt.u32 s8, $0x30;
	[tilespmem:v3+s6+$0x4070 ss:$0x1] =	vst.idx.msk $0xffff, v18  }
0x11e: {  	v8 =	vadd.f32 v12, v8;
	v11 =	vld.idx.msk [tilespmem:v3+s7+$0x4470 ss:$0x1], $0xffff;
	[tilespmem:v3+s6+$0x4400 ss:$0x1] =	vst.idx.msk $0xffff, v17  }
0x11f: {  	v5 =	vadd.f32 v13, v5;
	v12 =	vld.idx.msk [tilespmem:v3+s13+$0x4020 ss:$0x1], $0xffff;
	[tilespmem:v3+s6+$0x4410 ss:$0x1] =	vst.idx.msk $0xffff, v9  }
0x120: {  	v6 =	vadd.f32 v14, v6;
	v9 =	vld.idx.msk [tilespmem:v3+s13+$0x4030 ss:$0x1], $0xffff;
	[tilespmem:v3+s6+$0x4420 ss:$0x1] =	vst.idx.msk $0xffff, v7  }
0x121: {  	v4 =	vadd.f32 v15, v4;
	v7 =	vld.idx.msk [tilespmem:v3+s13+$0x4040 ss:$0x1], $0xffff;
	[tilespmem:v3+s6+$0x4430 ss:$0x1] =	vst.idx.msk $0xffff, v8  }
0x122: {  	v13 =	vmul.f32 $3.200000000e+01, v19;
	v8 =	vld.idx.msk [tilespmem:v3+s13+$0x4050 ss:$0x1], $0xffff;
	[tilespmem:v3+s6+$0x4440 ss:$0x1] =	vst.idx.msk $0xffff, v5  }
0x123: {  	v10 =	vmul.f32 $3.200000000e+01, v10;
	v5 =	vld.idx.msk [tilespmem:v3+s13+$0x4060 ss:$0x1], $0xffff;
	[tilespmem:v3+s6+$0x4450 ss:$0x1] =	vst.idx.msk $0xffff, v6  }
0x124: {  	v11 =	vadd.f32 v11, v13;
	v6 =	vld.idx.msk [tilespmem:v3+s13+$0x4070 ss:$0x1], $0xffff;
	[tilespmem:v3+s6+$0x4460 ss:$0x1] =	vst.idx.msk $0xffff, v4;
	s6 =	smov.u32 s13  }
0x125: {  	v12 =	vmul.f32 $3.200000000e+01, v12;
	v4 =	vld.idx.msk [tilespmem:v3+s13+$0x4400 ss:$0x1], $0xffff  }
0x126: {  	v13 =	vmul.f32 $3.200000000e+01, v9;
	v9 =	vld.idx.msk [tilespmem:v3+s13+$0x4410 ss:$0x1], $0xffff;
	[tilespmem:v3+s13+$0x4470 ss:$0x1] =	vst.idx.msk $0xffff, v11  }
0x127: {  	v11 =	vmul.f32 $3.200000000e+01, v7;
	v7 =	vld.idx.msk [tilespmem:v3+s13+$0x4420 ss:$0x1], $0xffff  }
0x128: {  	v14 =	vmul.f32 $3.200000000e+01, v8;
	v8 =	vld.idx.msk [tilespmem:v3+s13+$0x4430 ss:$0x1], $0xffff  }
0x129: {  	v15 =	vmul.f32 $3.200000000e+01, v5;
	v5 =	vld.idx.msk [tilespmem:v3+s13+$0x4440 ss:$0x1], $0xffff  }
0x12a: {  	v17 =	vmul.f32 $3.200000000e+01, v6;
	v6 =	vld.idx.msk [tilespmem:v3+s13+$0x4450 ss:$0x1], $0xffff  }
0x12b: {  	v19 =	vmul.f32 $3.200000000e+01, v4;
	v4 =	vld.idx.msk [tilespmem:v3+s13+$0x4460 ss:$0x1], $0xffff  }
0x12c: {  	v9 =	vmul.f32 $3.200000000e+01, v9;
	v16 =	vld.idx.msk [tilespmem:v3+s13+$0x4000 ss:$0x1], $0xffff  }
0x12d: {  	v7 =	vmul.f32 $3.200000000e+01, v7;
	v18 =	vld.idx.msk [tilespmem:v3+s7+$0x4000 ss:$0x1], $0xffff  }
0x12e: {  	v8 =	vmul.f32 $3.200000000e+01, v8;
	v20 =	vld.idx.msk [tilespmem:v3+s7+$0x4010 ss:$0x1], $0xffff  }
0x12f: {  	v5 =	vmul.f32 $3.200000000e+01, v5;
	v21 =	vld.idx.msk [tilespmem:v3+s7+$0x4020 ss:$0x1], $0xffff  }
0x130: {  	v6 =	vmul.f32 $3.200000000e+01, v6;
	v22 =	vld.idx.msk [tilespmem:v3+s7+$0x4030 ss:$0x1], $0xffff  }
0x131: {  	v4 =	vmul.f32 $3.200000000e+01, v4;
	v23 =	vld.idx.msk [tilespmem:v3+s7+$0x4040 ss:$0x1], $0xffff  }
0x132: {  	v16 =	vmul.f32 $3.200000000e+01, v16;
	v24 =	vld.idx.msk [tilespmem:v3+s7+$0x4050 ss:$0x1], $0xffff  }
0x133: {  	v25 =	vld.idx.msk [tilespmem:v3+s7+$0x4060 ss:$0x1], $0xffff  }
0x134: {  	v16 =	vadd.f32 v18, v16;
	v18 =	vadd.f32 v20, v10;
	v20 =	vld.idx.msk [tilespmem:v3+s7+$0x4070 ss:$0x1], $0xffff  }
0x135: {  	v12 =	vadd.f32 v21, v12;
	v21 =	vld.idx.msk [tilespmem:v3+s7+$0x4400 ss:$0x1], $0xffff  }
0x136: {  	v13 =	vadd.f32 v22, v13;
	[tilespmem:v3+s13+$0x4000 ss:$0x1] =	vst.idx.msk $0xffff, v16;
	v10 =	vld.idx.msk [tilespmem:v3+s7+$0x4410 ss:$0x1], $0xffff  }
.Ltmp2:
0x137: {  	[tilespmem:v3+s13+$0x4010 ss:$0x1] =	vst.idx.msk $0xffff, v18;
	v18 =	vadd.f32 v23, v11;
	v11 =	vld.idx.msk [tilespmem:v3+s7+$0x4420 ss:$0x1], $0xffff;
	(pc) =	sbr.rel @p0 .LBB2_7-.Ltmp2, $4  }
0x138: {  	v22 =	vadd.f32 v24, v14;
	[tilespmem:v3+s13+$0x4020 ss:$0x1] =	vst.idx.msk $0xffff, v12;
	v12 =	vld.idx.msk [tilespmem:v3+s7+$0x4430 ss:$0x1], $0xffff  }
0x139: {  	v16 =	vadd.f32 v25, v15;
	[tilespmem:v3+s13+$0x4030 ss:$0x1] =	vst.idx.msk $0xffff, v13;
	v13 =	vld.idx.msk [tilespmem:v3+s7+$0x4440 ss:$0x1], $0xffff  }
0x13a: {  	[tilespmem:v3+s13+$0x4040 ss:$0x1] =	vst.idx.msk $0xffff, v18;
	v18 =	vadd.f32 v20, v17;
	v14 =	vld.idx.msk [tilespmem:v3+s7+$0x4450 ss:$0x1], $0xffff  }
0x13b: {  	v17 =	vadd.f32 v21, v19;
	s13 =	sadd.s32 $0x800, s13;
	[tilespmem:v3+s6+$0x4050 ss:$0x1] =	vst.idx.msk $0xffff, v22;
	v15 =	vld.idx.msk [tilespmem:v3+s7+$0x4460 ss:$0x1], $0xffff  }
0x13c: {  	_ =	sdelay $0x3  }
0x13d: {  	[tilespmem:v3+s6+$0x4060 ss:$0x1] =	vst.idx.msk $0xffff, v16  }
0x13e: {  	v9 =	vadd.f32 v10, v9;
	[tilespmem:v3+s6+$0x4070 ss:$0x1] =	vst.idx.msk $0xffff, v18  }
0x13f: {  	v7 =	vadd.f32 v11, v7;
	s5 =	sadd.s32 $0x1, s5;
	[tilespmem:v3+s6+$0x4400 ss:$0x1] =	vst.idx.msk $0xffff, v17  }
0x140: {  	v8 =	vadd.f32 v12, v8;
	p0 =	sne.s32 s5, $0x10;
	[tilespmem:v3+s6+$0x4410 ss:$0x1] =	vst.idx.msk $0xffff, v9  }
.Ltmp3:
0x141: {  	v5 =	vadd.f32 v13, v5;
	[tilespmem:v3+s6+$0x4420 ss:$0x1] =	vst.idx.msk $0xffff, v7;
	(pc) =	sbr.rel @p0 .LBB2_6-.Ltmp3, $4  }
0x142: {  	v6 =	vadd.f32 v14, v6;
	[tilespmem:v3+s6+$0x4430 ss:$0x1] =	vst.idx.msk $0xffff, v8  }
0x143: {  	v4 =	vadd.f32 v15, v4;
	[tilespmem:v3+s6+$0x4440 ss:$0x1] =	vst.idx.msk $0xffff, v5  }
0x144: {  	[tilespmem:v3+s6+$0x4450 ss:$0x1] =	vst.idx.msk $0xffff, v6  }
0x145: {  	s0 =	sadd.s32 $0x1, s0;
	s18 =	sadd.s32 $0x400, s18;
	[tilespmem:v3+s6+$0x4460 ss:$0x1] =	vst.idx.msk $0xffff, v4  }
0x146: {  	s18 =	simm.s32 $0x0;
	s0 =	rddreg [dreg:$0xb]  }
0x147: {  	[hbm4b:s0+s18] =	stream.linear.scatter [tilespmem:s15], [sflag:$0x7], $0x4000, $0x38;
	[tilespmem:$0x1C200] =	vst v63  }
0x148: {  	_ =	swait.ge [sflag:s20], $0x4000  }
0x149: {  	[sflag:s20] =	ssyncset.done $0x0  }
0x14a: {  	[sflag:s20] =	ssyncadd.s32 $0xFFFFC000  }
0x14b: {  	v3 =	vld [tilespmem:$0x110];
	_ =	sdelay $0x4  }
0x14c: {  	v4 =	vshll.u32 v3, $0x3  }
0x14d: {  	v3 =	vand.u32 $0x7, v3;
	v4 =	vand.u32 $0xFFFFFFC0, v4  }
0x14e: {  	v3 =	vor.u32 v3, v4  }
0x14f: {  	v4 =	vperm.xlane v3, v0;
	_ =	sdelay $0x1  }
0x150: {  	v4 =	vadd.s32 v1, v4;
	_ =	sdelay $0x4  }
0x151: {  	[tilespmem:s2], [sflag:$0x1] =	stream.indirect_vreg.gather [hbm4b:s1+s18], $0x80, v4, vm0, $0xb8;
	[tilespmem:$0x1C200] =	vst v63  }
0x152: {  	s13 =	simm.s32 $0xA00;
	v3 =	vperm.xlane v3, v2  }
0x153: {  	[tilespmem:s13], [sflag:$0x1] =	stream.indirect_vreg.gather [hbm4b:s9+s18], $0x80, v4, vm0, $0xb8;
	[tilespmem:$0x1C200] =	vst v63  }
0x154: {  	s5 =	simm.s32 $0x1200;
	v3 =	vadd.s32 v1, v3  }
0x155: {  	[tilespmem:s5], [sflag:$0x1] =	stream.indirect_vreg.gather [hbm4b:s10+s18], $0x80, v4, vm0, $0xb8;
	[tilespmem:$0x1C200] =	vst v63  }
0x156: {  	s6 =	simm.s32 $0x1A00  }
0x157: {  	[tilespmem:s6], [sflag:$0x1] =	stream.indirect_vreg.gather [hbm4b:s11+s18], $0x80, v4, vm0, $0xb8;
	[tilespmem:$0x1C200] =	vst v63  }
0x158: {  	s7 =	simm.s32 $0x2200  }
0x159: {  	[tilespmem:s7], [sflag:$0x1] =	stream.indirect_vreg.gather [hbm4b:s1+s18], $0x80, v3, vm0, $0xb8;
	[tilespmem:$0x1C200] =	vst v63  }
0x15a: {  	s8 =	simm.s32 $0x2A00  }
0x15b: {  	[tilespmem:s8], [sflag:$0x1] =	stream.indirect_vreg.gather [hbm4b:s9+s18], $0x80, v3, vm0, $0xb8;
	[tilespmem:$0x1C200] =	vst v63  }
0x15c: {  	s13 =	simm.s32 $0x3200  }
0x15d: {  	[tilespmem:s13], [sflag:$0x1] =	stream.indirect_vreg.gather [hbm4b:s10+s18], $0x80, v3, vm0, $0xb8;
	[tilespmem:$0x1C200] =	vst v63  }
0x15e: {  	_ = 	snop  }
0x15f: {  	[tilespmem:s14], [sflag:$0x1] =	stream.indirect_vreg.gather [hbm4b:s11+s18], $0x80, v3, vm0, $0xb8;
	[tilespmem:$0x1C200] =	vst v63  }
0x160: {  	_ =	swait.ge [sflag:s21], $0x4000  }
0x161: {  	[sflag:s21] =	ssyncset.done $0x0  }
0x162: {  	s0 =	simm.s32 $0x0;
	s5 =	simm.s32 $0x0;
	[sflag:s21] =	ssyncadd.s32 $0xFFFFC000  }
.LBB2_10:
0x163: {  	s6 =	sand.u32 $0x7, s0  }
0x164: {  	s6 =	sshll.u32 s6, $0x9  }
0x165: {  	s6 =	sshrl.u32 s6, $0x2  }
0x166: {  	v3 =	vmov s6;
	_ =	sdelay $0x2  }
0x167: {  	s7 =	sand.u32 $0x3FFFE000, s18  }
0x168: {  	s6 =	sor.u32 $0x200, s7  }
0x169: {  	v4 =	vld.idx.msk [tilespmem:v3+s6+$0x8470 ss:$0x1], $0xffff  }
0x16a: {  	s7 =	sadd.s32 $0x14670, s7;
	v5 =	vld.idx.msk [tilespmem:v3+s6+$0x8010 ss:$0x1], $0xffff  }
0x16b: {  	v6 =	vld.idx.msk [tilespmem:v3+s7+$0x0 ss:$0x1], $0xffff  }
0x16c: {  	v7 =	vld.idx.msk [tilespmem:v3+s6+$0x8020 ss:$0x1], $0xffff  }
0x16d: {  	v8 =	vld.idx.msk [tilespmem:v3+s6+$0x8030 ss:$0x1], $0xffff  }
0x16e: {  	v9 =	vld.idx.msk [tilespmem:v3+s6+$0x8040 ss:$0x1], $0xffff  }
0x16f: {  	v10 =	vld.idx.msk [tilespmem:v3+s6+$0x8050 ss:$0x1], $0xffff  }
0x170: {  	v11 =	vld.idx.msk [tilespmem:v3+s6+$0x8060 ss:$0x1], $0xffff  }
0x171: {  	v12 =	vld.idx.msk [tilespmem:v3+s6+$0x8070 ss:$0x1], $0xffff  }
0x172: {  	v13 =	vld.idx.msk [tilespmem:v3+s6+$0x8400 ss:$0x1], $0xffff  }
0x173: {  	v14 =	vld.idx.msk [tilespmem:v3+s6+$0x8410 ss:$0x1], $0xffff  }
0x174: {  	v15 =	vld.idx.msk [tilespmem:v3+s6+$0x8420 ss:$0x1], $0xffff  }
0x175: {  	v16 =	vld.idx.msk [tilespmem:v3+s6+$0x8430 ss:$0x1], $0xffff  }
0x176: {  	v17 =	vld.idx.msk [tilespmem:v3+s6+$0x8440 ss:$0x1], $0xffff  }
0x177: {  	v18 =	vld.idx.msk [tilespmem:v3+s6+$0x8450 ss:$0x1], $0xffff  }
0x178: {  	v19 =	vld.idx.msk [tilespmem:v3+s6+$0x8460 ss:$0x1], $0xffff  }
0x179: {  	v20 =	vld.idx.msk [tilespmem:v3+s6+$0x8000 ss:$0x1], $0xffff  }
0x17a: {  	v21 =	vld.idx.msk [tilespmem:v3+s7+$0xFFFFFB90 ss:$0x1], $0xffff  }
0x17b: {  	v22 =	vld.idx.msk [tilespmem:v3+s7+$0xFFFFFBA0 ss:$0x1], $0xffff  }
0x17c: {  	v23 =	vld.idx.msk [tilespmem:v3+s7+$0xFFFFFBB0 ss:$0x1], $0xffff  }
0x17d: {  	v24 =	vld.idx.msk [tilespmem:v3+s7+$0xFFFFFBC0 ss:$0x1], $0xffff  }
0x17e: {  	v25 =	vld.idx.msk [tilespmem:v3+s7+$0xFFFFFBD0 ss:$0x1], $0xffff  }
0x17f: {  	v26 =	vld.idx.msk [tilespmem:v3+s7+$0xFFFFFBE0 ss:$0x1], $0xffff;
	v4 =	vmul.f32 $3.200000000e+01, v4  }
0x180: {  	v27 =	vld.idx.msk [tilespmem:v3+s7+$0xFFFFFBF0 ss:$0x1], $0xffff;
	v20 =	vmul.f32 $3.200000000e+01, v20  }
0x181: {  	v61 =	vld.idx.msk [tilespmem:v3+s7+$0xFFFFFF90 ss:$0x1], $0xffff;
	v5 =	vmul.f32 $3.200000000e+01, v5;
	v4 =	vadd.f32 v6, v4  }
0x182: {  	v62 =	vmul.f32 $3.200000000e+01, v10;
	v10 =	vld.idx.msk [tilespmem:v3+s7+$0xFFFFFFA0 ss:$0x1], $0xffff;
	v6 =	vmul.f32 $3.200000000e+01, v7;
	v7 =	vadd.f32 v21, v20  }
0x183: {  	v28 =	vmul.f32 $3.200000000e+01, v11;
	v63 =	vmul.f32 $3.200000000e+01, v12;
	v11 =	vld.idx.msk [tilespmem:v3+s7+$0xFFFFFFB0 ss:$0x1], $0xffff;
	v5 =	vadd.f32 v22, v5;
	[tilespmem:v3+s6+$0x8470 ss:$0x1] =	vst.idx.msk $0xffff, v4  }
0x184: {  	v29 =	vmul.f32 $3.200000000e+01, v13;
	v20 =	vld.idx.msk [tilespmem:v3+s7+$0xFFFFFC00 ss:$0x1], $0xffff;
	v4 =	vmul.f32 $3.200000000e+01, v8;
	v6 =	vadd.f32 v23, v6;
	[tilespmem:v3+s6+$0x8000 ss:$0x1] =	vst.idx.msk $0xffff, v7  }
0x185: {  	v12 =	vld.idx.msk [tilespmem:v3+s7+$0xFFFFFFC0 ss:$0x1], $0xffff;
	v8 =	vmul.f32 $3.200000000e+01, v9;
	[tilespmem:v3+s6+$0x8010 ss:$0x1] =	vst.idx.msk $0xffff, v5;
	v7 =	vmul.f32 $3.200000000e+01, v15;
	v15 =	vadd.f32 v26, v62  }
0x186: {  	v13 =	vld.idx.msk [tilespmem:v3+s7+$0xFFFFFFD0 ss:$0x1], $0xffff;
	v9 =	vmul.f32 $3.200000000e+01, v14;
	v4 =	vadd.f32 v24, v4;
	[tilespmem:v3+s6+$0x8020 ss:$0x1] =	vst.idx.msk $0xffff, v6  }
0x187: {  	v5 =	vmul.f32 $3.200000000e+01, v17;
	v17 =	vadd.f32 v61, v29;
	v14 =	vadd.f32 v25, v8;
	[tilespmem:v3+s6+$0x8050 ss:$0x1] =	vst.idx.msk $0xffff, v15  }
0x188: {  	v8 =	vmul.f32 $3.200000000e+01, v16;
	v16 =	vadd.f32 v27, v28;
	v15 =	vld.idx.msk [tilespmem:v3+s7+$0xFFFFFFF0 ss:$0x1], $0xffff;
	[tilespmem:v3+s6+$0x8030 ss:$0x1] =	vst.idx.msk $0xffff, v4  }
0x189: {  	s8 =	simm.s32 $0x0;
	s13 =	sadd.s32 $0x800, s6;
	v6 =	vmul.f32 $3.200000000e+01, v18;
	v18 =	vadd.f32 v20, v63;
	v4 =	vmul.f32 $3.200000000e+01, v19;
	[tilespmem:v3+s6+$0x8040 ss:$0x1] =	vst.idx.msk $0xffff, v14;
	v14 =	vld.idx.msk [tilespmem:v3+s7+$0xFFFFFFE0 ss:$0x1], $0xffff  }
.LBB2_11:
0x18a: {  	v19 =	vld.idx.msk [tilespmem:v3+s13+$0x8470 ss:$0x1], $0xffff;
	s8 =	sadd.s32 $0x10, s8;
	[tilespmem:v3+s6+$0x8060 ss:$0x1] =	vst.idx.msk $0xffff, v16;
	v9 =	vadd.f32 v10, v9  }
0x18b: {  	v7 =	vadd.f32 v11, v7;
	s7 =	sadd.s32 $0x800, s7;
	v10 =	vld.idx.msk [tilespmem:v3+s13+$0x8010 ss:$0x1], $0xffff;
	p0 =	slt.u32 s8, $0x30;
	[tilespmem:v3+s6+$0x8070 ss:$0x1] =	vst.idx.msk $0xffff, v18  }
0x18c: {  	v8 =	vadd.f32 v12, v8;
	v11 =	vld.idx.msk [tilespmem:v3+s7+$0x0 ss:$0x1], $0xffff;
	[tilespmem:v3+s6+$0x8400 ss:$0x1] =	vst.idx.msk $0xffff, v17  }
0x18d: {  	v5 =	vadd.f32 v13, v5;
	v12 =	vld.idx.msk [tilespmem:v3+s13+$0x8020 ss:$0x1], $0xffff;
	[tilespmem:v3+s6+$0x8410 ss:$0x1] =	vst.idx.msk $0xffff, v9  }
0x18e: {  	v6 =	vadd.f32 v14, v6;
	v9 =	vld.idx.msk [tilespmem:v3+s13+$0x8030 ss:$0x1], $0xffff;
	[tilespmem:v3+s6+$0x8420 ss:$0x1] =	vst.idx.msk $0xffff, v7  }
0x18f: {  	v4 =	vadd.f32 v15, v4;
	v7 =	vld.idx.msk [tilespmem:v3+s13+$0x8040 ss:$0x1], $0xffff;
	[tilespmem:v3+s6+$0x8430 ss:$0x1] =	vst.idx.msk $0xffff, v8  }
0x190: {  	v13 =	vmul.f32 $3.200000000e+01, v19;
	v8 =	vld.idx.msk [tilespmem:v3+s13+$0x8050 ss:$0x1], $0xffff;
	[tilespmem:v3+s6+$0x8440 ss:$0x1] =	vst.idx.msk $0xffff, v5  }
0x191: {  	v10 =	vmul.f32 $3.200000000e+01, v10;
	v5 =	vld.idx.msk [tilespmem:v3+s13+$0x8060 ss:$0x1], $0xffff;
	[tilespmem:v3+s6+$0x8450 ss:$0x1] =	vst.idx.msk $0xffff, v6  }
0x192: {  	v11 =	vadd.f32 v11, v13;
	v6 =	vld.idx.msk [tilespmem:v3+s13+$0x8070 ss:$0x1], $0xffff;
	[tilespmem:v3+s6+$0x8460 ss:$0x1] =	vst.idx.msk $0xffff, v4;
	s6 =	smov.u32 s13  }
0x193: {  	v12 =	vmul.f32 $3.200000000e+01, v12;
	v4 =	vld.idx.msk [tilespmem:v3+s13+$0x8400 ss:$0x1], $0xffff  }
0x194: {  	v13 =	vmul.f32 $3.200000000e+01, v9;
	v9 =	vld.idx.msk [tilespmem:v3+s13+$0x8410 ss:$0x1], $0xffff;
	[tilespmem:v3+s13+$0x8470 ss:$0x1] =	vst.idx.msk $0xffff, v11  }
0x195: {  	v11 =	vmul.f32 $3.200000000e+01, v7;
	v7 =	vld.idx.msk [tilespmem:v3+s13+$0x8420 ss:$0x1], $0xffff  }
0x196: {  	v14 =	vmul.f32 $3.200000000e+01, v8;
	v8 =	vld.idx.msk [tilespmem:v3+s13+$0x8430 ss:$0x1], $0xffff  }
0x197: {  	v15 =	vmul.f32 $3.200000000e+01, v5;
	v5 =	vld.idx.msk [tilespmem:v3+s13+$0x8440 ss:$0x1], $0xffff  }
0x198: {  	v17 =	vmul.f32 $3.200000000e+01, v6;
	v6 =	vld.idx.msk [tilespmem:v3+s13+$0x8450 ss:$0x1], $0xffff  }
0x199: {  	v19 =	vmul.f32 $3.200000000e+01, v4;
	v4 =	vld.idx.msk [tilespmem:v3+s13+$0x8460 ss:$0x1], $0xffff  }
0x19a: {  	v9 =	vmul.f32 $3.200000000e+01, v9;
	v16 =	vld.idx.msk [tilespmem:v3+s13+$0x8000 ss:$0x1], $0xffff  }
0x19b: {  	v7 =	vmul.f32 $3.200000000e+01, v7;
	v18 =	vld.idx.msk [tilespmem:v3+s7+$0xFFFFFB90 ss:$0x1], $0xffff  }
0x19c: {  	v8 =	vmul.f32 $3.200000000e+01, v8;
	v20 =	vld.idx.msk [tilespmem:v3+s7+$0xFFFFFBA0 ss:$0x1], $0xffff  }
0x19d: {  	v5 =	vmul.f32 $3.200000000e+01, v5;
	v21 =	vld.idx.msk [tilespmem:v3+s7+$0xFFFFFBB0 ss:$0x1], $0xffff  }
0x19e: {  	v6 =	vmul.f32 $3.200000000e+01, v6;
	v22 =	vld.idx.msk [tilespmem:v3+s7+$0xFFFFFBC0 ss:$0x1], $0xffff  }
0x19f: {  	v4 =	vmul.f32 $3.200000000e+01, v4;
	v23 =	vld.idx.msk [tilespmem:v3+s7+$0xFFFFFBD0 ss:$0x1], $0xffff  }
0x1a0: {  	v16 =	vmul.f32 $3.200000000e+01, v16;
	v24 =	vld.idx.msk [tilespmem:v3+s7+$0xFFFFFBE0 ss:$0x1], $0xffff  }
0x1a1: {  	v25 =	vld.idx.msk [tilespmem:v3+s7+$0xFFFFFBF0 ss:$0x1], $0xffff  }
0x1a2: {  	v16 =	vadd.f32 v18, v16;
	v18 =	vadd.f32 v20, v10;
	v20 =	vld.idx.msk [tilespmem:v3+s7+$0xFFFFFC00 ss:$0x1], $0xffff  }
0x1a3: {  	v12 =	vadd.f32 v21, v12;
	v21 =	vld.idx.msk [tilespmem:v3+s7+$0xFFFFFF90 ss:$0x1], $0xffff  }
0x1a4: {  	v13 =	vadd.f32 v22, v13;
	[tilespmem:v3+s13+$0x8000 ss:$0x1] =	vst.idx.msk $0xffff, v16;
	v10 =	vld.idx.msk [tilespmem:v3+s7+$0xFFFFFFA0 ss:$0x1], $0xffff  }
.Ltmp4:
0x1a5: {  	[tilespmem:v3+s13+$0x8010 ss:$0x1] =	vst.idx.msk $0xffff, v18;
	v18 =	vadd.f32 v23, v11;
	v11 =	vld.idx.msk [tilespmem:v3+s7+$0xFFFFFFB0 ss:$0x1], $0xffff;
	(pc) =	sbr.rel @p0 .LBB2_11-.Ltmp4, $4  }
0x1a6: {  	v22 =	vadd.f32 v24, v14;
	[tilespmem:v3+s13+$0x8020 ss:$0x1] =	vst.idx.msk $0xffff, v12;
	v12 =	vld.idx.msk [tilespmem:v3+s7+$0xFFFFFFC0 ss:$0x1], $0xffff  }
0x1a7: {  	v16 =	vadd.f32 v25, v15;
	[tilespmem:v3+s13+$0x8030 ss:$0x1] =	vst.idx.msk $0xffff, v13;
	v13 =	vld.idx.msk [tilespmem:v3+s7+$0xFFFFFFD0 ss:$0x1], $0xffff  }
0x1a8: {  	[tilespmem:v3+s13+$0x8040 ss:$0x1] =	vst.idx.msk $0xffff, v18;
	v18 =	vadd.f32 v20, v17;
	v14 =	vld.idx.msk [tilespmem:v3+s7+$0xFFFFFFE0 ss:$0x1], $0xffff  }
0x1a9: {  	v17 =	vadd.f32 v21, v19;
	s13 =	sadd.s32 $0x800, s13;
	[tilespmem:v3+s6+$0x8050 ss:$0x1] =	vst.idx.msk $0xffff, v22;
	v15 =	vld.idx.msk [tilespmem:v3+s7+$0xFFFFFFF0 ss:$0x1], $0xffff  }
0x1aa: {  	_ =	sdelay $0x3  }
0x1ab: {  	[tilespmem:v3+s6+$0x8060 ss:$0x1] =	vst.idx.msk $0xffff, v16  }
0x1ac: {  	v9 =	vadd.f32 v10, v9;
	[tilespmem:v3+s6+$0x8070 ss:$0x1] =	vst.idx.msk $0xffff, v18  }
0x1ad: {  	v7 =	vadd.f32 v11, v7;
	s5 =	sadd.s32 $0x1, s5;
	[tilespmem:v3+s6+$0x8400 ss:$0x1] =	vst.idx.msk $0xffff, v17  }
0x1ae: {  	v8 =	vadd.f32 v12, v8;
	p0 =	sne.s32 s5, $0x10;
	[tilespmem:v3+s6+$0x8410 ss:$0x1] =	vst.idx.msk $0xffff, v9  }
.Ltmp5:
0x1af: {  	v5 =	vadd.f32 v13, v5;
	[tilespmem:v3+s6+$0x8420 ss:$0x1] =	vst.idx.msk $0xffff, v7;
	(pc) =	sbr.rel @p0 .LBB2_10-.Ltmp5, $4  }
0x1b0: {  	v6 =	vadd.f32 v14, v6;
	[tilespmem:v3+s6+$0x8430 ss:$0x1] =	vst.idx.msk $0xffff, v8  }
0x1b1: {  	v4 =	vadd.f32 v15, v4;
	[tilespmem:v3+s6+$0x8440 ss:$0x1] =	vst.idx.msk $0xffff, v5  }
0x1b2: {  	[tilespmem:v3+s6+$0x8450 ss:$0x1] =	vst.idx.msk $0xffff, v6  }
0x1b3: {  	s0 =	sadd.s32 $0x1, s0;
	s18 =	sadd.s32 $0x400, s18;
	[tilespmem:v3+s6+$0x8460 ss:$0x1] =	vst.idx.msk $0xffff, v4  }
0x1b4: {  	s18 =	simm.s32 $0x0;
	s0 =	rddreg [dreg:$0xc]  }
0x1b5: {  	[hbm4b:s0+s18] =	stream.linear.scatter [tilespmem:s23], [sflag:$0x8], $0x4000, $0x38;
	[tilespmem:$0x1C200] =	vst v63  }
0x1b6: {  	_ =	swait.ge [sflag:s22], $0x4000  }
0x1b7: {  	[sflag:s22] =	ssyncset.done $0x0  }
0x1b8: {  	[sflag:s22] =	ssyncadd.s32 $0xFFFFC000  }
0x1b9: {  	v3 =	vld [tilespmem:$0x180];
	_ =	sdelay $0x4  }
0x1ba: {  	v4 =	vshll.u32 v3, $0x3  }
0x1bb: {  	v3 =	vand.u32 $0x7, v3;
	v4 =	vand.u32 $0xFFFFFFC0, v4  }
0x1bc: {  	v3 =	vor.u32 v3, v4  }
0x1bd: {  	v4 =	vperm.xlane v3, v0;
	_ =	sdelay $0x1  }
0x1be: {  	v4 =	vadd.s32 v1, v4;
	_ =	sdelay $0x4  }
0x1bf: {  	[tilespmem:s15], [sflag:$0x2] =	stream.indirect_vreg.gather [hbm4b:s1+s18], $0x80, v4, vm0, $0xb8;
	[tilespmem:$0x1C200] =	vst v63  }
0x1c0: {  	s8 =	simm.s32 $0x4A00;
	v3 =	vperm.xlane v3, v2  }
0x1c1: {  	[tilespmem:s8], [sflag:$0x2] =	stream.indirect_vreg.gather [hbm4b:s9+s18], $0x80, v4, vm0, $0xb8;
	[tilespmem:$0x1C200] =	vst v63  }
0x1c2: {  	s13 =	simm.s32 $0x5200;
	v3 =	vadd.s32 v1, v3  }
0x1c3: {  	[tilespmem:s13], [sflag:$0x2] =	stream.indirect_vreg.gather [hbm4b:s10+s18], $0x80, v4, vm0, $0xb8;
	[tilespmem:$0x1C200] =	vst v63  }
0x1c4: {  	s5 =	simm.s32 $0x5A00  }
0x1c5: {  	[tilespmem:s5], [sflag:$0x2] =	stream.indirect_vreg.gather [hbm4b:s11+s18], $0x80, v4, vm0, $0xb8;
	[tilespmem:$0x1C200] =	vst v63  }
0x1c6: {  	s6 =	simm.s32 $0x6200  }
0x1c7: {  	[tilespmem:s6], [sflag:$0x2] =	stream.indirect_vreg.gather [hbm4b:s1+s18], $0x80, v3, vm0, $0xb8;
	[tilespmem:$0x1C200] =	vst v63  }
0x1c8: {  	s7 =	simm.s32 $0x6A00  }
0x1c9: {  	[tilespmem:s7], [sflag:$0x2] =	stream.indirect_vreg.gather [hbm4b:s9+s18], $0x80, v3, vm0, $0xb8;
	[tilespmem:$0x1C200] =	vst v63  }
0x1ca: {  	s8 =	simm.s32 $0x7200  }
0x1cb: {  	[tilespmem:s8], [sflag:$0x2] =	stream.indirect_vreg.gather [hbm4b:s10+s18], $0x80, v3, vm0, $0xb8;
	[tilespmem:$0x1C200] =	vst v63  }
0x1cc: {  	s13 =	simm.s32 $0x7A00  }
0x1cd: {  	[tilespmem:s13], [sflag:$0x2] =	stream.indirect_vreg.gather [hbm4b:s11+s18], $0x80, v3, vm0, $0xb8;
	[tilespmem:$0x1C200] =	vst v63  }
0x1ce: {  	_ =	swait.ge [sflag:s28], $0x4000  }
0x1cf: {  	[sflag:s28] =	ssyncset.done $0x0  }
0x1d0: {  	s0 =	simm.s32 $0x0;
	s5 =	simm.s32 $0x0;
	[sflag:s28] =	ssyncadd.s32 $0xFFFFC000  }
.LBB2_14:
0x1d1: {  	s6 =	sand.u32 $0x7, s0  }
0x1d2: {  	s6 =	sshll.u32 s6, $0x9  }
0x1d3: {  	s6 =	sshrl.u32 s6, $0x2  }
0x1d4: {  	v3 =	vmov s6;
	_ =	sdelay $0x2  }
0x1d5: {  	s7 =	sand.u32 $0x3FFFE000, s18  }
0x1d6: {  	s6 =	sor.u32 $0x200, s7  }
0x1d7: {  	v4 =	vld.idx.msk [tilespmem:v3+s6+$0xC470 ss:$0x1], $0xffff  }
0x1d8: {  	s7 =	sadd.s32 $0x14200, s7;
	v5 =	vld.idx.msk [tilespmem:v3+s6+$0xC010 ss:$0x1], $0xffff  }
0x1d9: {  	v6 =	vld.idx.msk [tilespmem:v3+s7+$0x4470 ss:$0x1], $0xffff  }
0x1da: {  	v7 =	vld.idx.msk [tilespmem:v3+s6+$0xC020 ss:$0x1], $0xffff  }
0x1db: {  	v8 =	vld.idx.msk [tilespmem:v3+s6+$0xC030 ss:$0x1], $0xffff  }
0x1dc: {  	v9 =	vld.idx.msk [tilespmem:v3+s6+$0xC040 ss:$0x1], $0xffff  }
0x1dd: {  	v10 =	vld.idx.msk [tilespmem:v3+s6+$0xC050 ss:$0x1], $0xffff  }
0x1de: {  	v11 =	vld.idx.msk [tilespmem:v3+s6+$0xC060 ss:$0x1], $0xffff  }
0x1df: {  	v12 =	vld.idx.msk [tilespmem:v3+s6+$0xC070 ss:$0x1], $0xffff  }
0x1e0: {  	v13 =	vld.idx.msk [tilespmem:v3+s6+$0xC400 ss:$0x1], $0xffff  }
0x1e1: {  	v14 =	vld.idx.msk [tilespmem:v3+s6+$0xC410 ss:$0x1], $0xffff  }
0x1e2: {  	v15 =	vld.idx.msk [tilespmem:v3+s6+$0xC420 ss:$0x1], $0xffff  }
0x1e3: {  	v16 =	vld.idx.msk [tilespmem:v3+s6+$0xC430 ss:$0x1], $0xffff  }
0x1e4: {  	v17 =	vld.idx.msk [tilespmem:v3+s6+$0xC440 ss:$0x1], $0xffff  }
0x1e5: {  	v18 =	vld.idx.msk [tilespmem:v3+s6+$0xC450 ss:$0x1], $0xffff  }
0x1e6: {  	v19 =	vld.idx.msk [tilespmem:v3+s6+$0xC460 ss:$0x1], $0xffff  }
0x1e7: {  	v20 =	vld.idx.msk [tilespmem:v3+s6+$0xC000 ss:$0x1], $0xffff  }
0x1e8: {  	v21 =	vld.idx.msk [tilespmem:v3+s7+$0x4000 ss:$0x1], $0xffff  }
0x1e9: {  	v22 =	vld.idx.msk [tilespmem:v3+s7+$0x4010 ss:$0x1], $0xffff  }
0x1ea: {  	v23 =	vld.idx.msk [tilespmem:v3+s7+$0x4020 ss:$0x1], $0xffff  }
0x1eb: {  	v24 =	vld.idx.msk [tilespmem:v3+s7+$0x4030 ss:$0x1], $0xffff  }
0x1ec: {  	v25 =	vld.idx.msk [tilespmem:v3+s7+$0x4040 ss:$0x1], $0xffff  }
0x1ed: {  	v26 =	vld.idx.msk [tilespmem:v3+s7+$0x4050 ss:$0x1], $0xffff;
	v4 =	vmul.f32 $3.200000000e+01, v4  }
0x1ee: {  	v27 =	vld.idx.msk [tilespmem:v3+s7+$0x4060 ss:$0x1], $0xffff;
	v20 =	vmul.f32 $3.200000000e+01, v20  }
0x1ef: {  	v61 =	vld.idx.msk [tilespmem:v3+s7+$0x4400 ss:$0x1], $0xffff;
	v5 =	vmul.f32 $3.200000000e+01, v5;
	v4 =	vadd.f32 v6, v4  }
0x1f0: {  	v62 =	vmul.f32 $3.200000000e+01, v10;
	v10 =	vld.idx.msk [tilespmem:v3+s7+$0x4410 ss:$0x1], $0xffff;
	v6 =	vmul.f32 $3.200000000e+01, v7;
	v7 =	vadd.f32 v21, v20  }
0x1f1: {  	v28 =	vmul.f32 $3.200000000e+01, v11;
	v63 =	vmul.f32 $3.200000000e+01, v12;
	v11 =	vld.idx.msk [tilespmem:v3+s7+$0x4420 ss:$0x1], $0xffff;
	v5 =	vadd.f32 v22, v5;
	[tilespmem:v3+s6+$0xC470 ss:$0x1] =	vst.idx.msk $0xffff, v4  }
0x1f2: {  	v29 =	vmul.f32 $3.200000000e+01, v13;
	v20 =	vld.idx.msk [tilespmem:v3+s7+$0x4070 ss:$0x1], $0xffff;
	v4 =	vmul.f32 $3.200000000e+01, v8;
	v6 =	vadd.f32 v23, v6;
	[tilespmem:v3+s6+$0xC000 ss:$0x1] =	vst.idx.msk $0xffff, v7  }
0x1f3: {  	v12 =	vld.idx.msk [tilespmem:v3+s7+$0x4430 ss:$0x1], $0xffff;
	v8 =	vmul.f32 $3.200000000e+01, v9;
	[tilespmem:v3+s6+$0xC010 ss:$0x1] =	vst.idx.msk $0xffff, v5;
	v7 =	vmul.f32 $3.200000000e+01, v15;
	v15 =	vadd.f32 v26, v62  }
0x1f4: {  	v13 =	vld.idx.msk [tilespmem:v3+s7+$0x4440 ss:$0x1], $0xffff;
	v9 =	vmul.f32 $3.200000000e+01, v14;
	v4 =	vadd.f32 v24, v4;
	[tilespmem:v3+s6+$0xC020 ss:$0x1] =	vst.idx.msk $0xffff, v6  }
0x1f5: {  	v5 =	vmul.f32 $3.200000000e+01, v17;
	v17 =	vadd.f32 v61, v29;
	v14 =	vadd.f32 v25, v8;
	[tilespmem:v3+s6+$0xC050 ss:$0x1] =	vst.idx.msk $0xffff, v15  }
0x1f6: {  	v8 =	vmul.f32 $3.200000000e+01, v16;
	v16 =	vadd.f32 v27, v28;
	v15 =	vld.idx.msk [tilespmem:v3+s7+$0x4460 ss:$0x1], $0xffff;
	[tilespmem:v3+s6+$0xC030 ss:$0x1] =	vst.idx.msk $0xffff, v4  }
0x1f7: {  	s8 =	simm.s32 $0x0;
	s13 =	sadd.s32 $0x800, s6;
	v6 =	vmul.f32 $3.200000000e+01, v18;
	v18 =	vadd.f32 v20, v63;
	v4 =	vmul.f32 $3.200000000e+01, v19;
	[tilespmem:v3+s6+$0xC040 ss:$0x1] =	vst.idx.msk $0xffff, v14;
	v14 =	vld.idx.msk [tilespmem:v3+s7+$0x4450 ss:$0x1], $0xffff  }
.LBB2_15:
0x1f8: {  	v19 =	vld.idx.msk [tilespmem:v3+s13+$0xC470 ss:$0x1], $0xffff;
	s8 =	sadd.s32 $0x10, s8;
	[tilespmem:v3+s6+$0xC060 ss:$0x1] =	vst.idx.msk $0xffff, v16;
	v9 =	vadd.f32 v10, v9  }
0x1f9: {  	v7 =	vadd.f32 v11, v7;
	s7 =	sadd.s32 $0x800, s7;
	v10 =	vld.idx.msk [tilespmem:v3+s13+$0xC010 ss:$0x1], $0xffff;
	p0 =	slt.u32 s8, $0x30;
	[tilespmem:v3+s6+$0xC070 ss:$0x1] =	vst.idx.msk $0xffff, v18  }
0x1fa: {  	v8 =	vadd.f32 v12, v8;
	v11 =	vld.idx.msk [tilespmem:v3+s7+$0x4470 ss:$0x1], $0xffff;
	[tilespmem:v3+s6+$0xC400 ss:$0x1] =	vst.idx.msk $0xffff, v17  }
0x1fb: {  	v5 =	vadd.f32 v13, v5;
	v12 =	vld.idx.msk [tilespmem:v3+s13+$0xC020 ss:$0x1], $0xffff;
	[tilespmem:v3+s6+$0xC410 ss:$0x1] =	vst.idx.msk $0xffff, v9  }
0x1fc: {  	v6 =	vadd.f32 v14, v6;
	v9 =	vld.idx.msk [tilespmem:v3+s13+$0xC030 ss:$0x1], $0xffff;
	[tilespmem:v3+s6+$0xC420 ss:$0x1] =	vst.idx.msk $0xffff, v7  }
0x1fd: {  	v4 =	vadd.f32 v15, v4;
	v7 =	vld.idx.msk [tilespmem:v3+s13+$0xC040 ss:$0x1], $0xffff;
	[tilespmem:v3+s6+$0xC430 ss:$0x1] =	vst.idx.msk $0xffff, v8  }
0x1fe: {  	v13 =	vmul.f32 $3.200000000e+01, v19;
	v8 =	vld.idx.msk [tilespmem:v3+s13+$0xC050 ss:$0x1], $0xffff;
	[tilespmem:v3+s6+$0xC440 ss:$0x1] =	vst.idx.msk $0xffff, v5  }
0x1ff: {  	v10 =	vmul.f32 $3.200000000e+01, v10;
	v5 =	vld.idx.msk [tilespmem:v3+s13+$0xC060 ss:$0x1], $0xffff;
	[tilespmem:v3+s6+$0xC450 ss:$0x1] =	vst.idx.msk $0xffff, v6  }
0x200: {  	v11 =	vadd.f32 v11, v13;
	v6 =	vld.idx.msk [tilespmem:v3+s13+$0xC070 ss:$0x1], $0xffff;
	[tilespmem:v3+s6+$0xC460 ss:$0x1] =	vst.idx.msk $0xffff, v4;
	s6 =	smov.u32 s13  }
0x201: {  	v12 =	vmul.f32 $3.200000000e+01, v12;
	v4 =	vld.idx.msk [tilespmem:v3+s13+$0xC400 ss:$0x1], $0xffff  }
0x202: {  	v13 =	vmul.f32 $3.200000000e+01, v9;
	v9 =	vld.idx.msk [tilespmem:v3+s13+$0xC410 ss:$0x1], $0xffff;
	[tilespmem:v3+s13+$0xC470 ss:$0x1] =	vst.idx.msk $0xffff, v11  }
0x203: {  	v11 =	vmul.f32 $3.200000000e+01, v7;
	v7 =	vld.idx.msk [tilespmem:v3+s13+$0xC420 ss:$0x1], $0xffff  }
0x204: {  	v14 =	vmul.f32 $3.200000000e+01, v8;
	v8 =	vld.idx.msk [tilespmem:v3+s13+$0xC430 ss:$0x1], $0xffff  }
0x205: {  	v15 =	vmul.f32 $3.200000000e+01, v5;
	v5 =	vld.idx.msk [tilespmem:v3+s13+$0xC440 ss:$0x1], $0xffff  }
0x206: {  	v17 =	vmul.f32 $3.200000000e+01, v6;
	v6 =	vld.idx.msk [tilespmem:v3+s13+$0xC450 ss:$0x1], $0xffff  }
0x207: {  	v19 =	vmul.f32 $3.200000000e+01, v4;
	v4 =	vld.idx.msk [tilespmem:v3+s13+$0xC460 ss:$0x1], $0xffff  }
0x208: {  	v9 =	vmul.f32 $3.200000000e+01, v9;
	v16 =	vld.idx.msk [tilespmem:v3+s13+$0xC000 ss:$0x1], $0xffff  }
0x209: {  	v7 =	vmul.f32 $3.200000000e+01, v7;
	v18 =	vld.idx.msk [tilespmem:v3+s7+$0x4000 ss:$0x1], $0xffff  }
0x20a: {  	v8 =	vmul.f32 $3.200000000e+01, v8;
	v20 =	vld.idx.msk [tilespmem:v3+s7+$0x4010 ss:$0x1], $0xffff  }
0x20b: {  	v5 =	vmul.f32 $3.200000000e+01, v5;
	v21 =	vld.idx.msk [tilespmem:v3+s7+$0x4020 ss:$0x1], $0xffff  }
0x20c: {  	v6 =	vmul.f32 $3.200000000e+01, v6;
	v22 =	vld.idx.msk [tilespmem:v3+s7+$0x4030 ss:$0x1], $0xffff  }
0x20d: {  	v4 =	vmul.f32 $3.200000000e+01, v4;
	v23 =	vld.idx.msk [tilespmem:v3+s7+$0x4040 ss:$0x1], $0xffff  }
0x20e: {  	v16 =	vmul.f32 $3.200000000e+01, v16;
	v24 =	vld.idx.msk [tilespmem:v3+s7+$0x4050 ss:$0x1], $0xffff  }
0x20f: {  	v25 =	vld.idx.msk [tilespmem:v3+s7+$0x4060 ss:$0x1], $0xffff  }
0x210: {  	v16 =	vadd.f32 v18, v16;
	v18 =	vadd.f32 v20, v10;
	v20 =	vld.idx.msk [tilespmem:v3+s7+$0x4070 ss:$0x1], $0xffff  }
0x211: {  	v12 =	vadd.f32 v21, v12;
	v21 =	vld.idx.msk [tilespmem:v3+s7+$0x4400 ss:$0x1], $0xffff  }
0x212: {  	v13 =	vadd.f32 v22, v13;
	[tilespmem:v3+s13+$0xC000 ss:$0x1] =	vst.idx.msk $0xffff, v16;
	v10 =	vld.idx.msk [tilespmem:v3+s7+$0x4410 ss:$0x1], $0xffff  }
.Ltmp6:
0x213: {  	[tilespmem:v3+s13+$0xC010 ss:$0x1] =	vst.idx.msk $0xffff, v18;
	v18 =	vadd.f32 v23, v11;
	v11 =	vld.idx.msk [tilespmem:v3+s7+$0x4420 ss:$0x1], $0xffff;
	(pc) =	sbr.rel @p0 .LBB2_15-.Ltmp6, $4  }
0x214: {  	v22 =	vadd.f32 v24, v14;
	[tilespmem:v3+s13+$0xC020 ss:$0x1] =	vst.idx.msk $0xffff, v12;
	v12 =	vld.idx.msk [tilespmem:v3+s7+$0x4430 ss:$0x1], $0xffff  }
0x215: {  	v16 =	vadd.f32 v25, v15;
	[tilespmem:v3+s13+$0xC030 ss:$0x1] =	vst.idx.msk $0xffff, v13;
	v13 =	vld.idx.msk [tilespmem:v3+s7+$0x4440 ss:$0x1], $0xffff  }
0x216: {  	[tilespmem:v3+s13+$0xC040 ss:$0x1] =	vst.idx.msk $0xffff, v18;
	v18 =	vadd.f32 v20, v17;
	v14 =	vld.idx.msk [tilespmem:v3+s7+$0x4450 ss:$0x1], $0xffff  }
0x217: {  	v17 =	vadd.f32 v21, v19;
	s13 =	sadd.s32 $0x800, s13;
	[tilespmem:v3+s6+$0xC050 ss:$0x1] =	vst.idx.msk $0xffff, v22;
	v15 =	vld.idx.msk [tilespmem:v3+s7+$0x4460 ss:$0x1], $0xffff  }
0x218: {  	_ =	sdelay $0x3  }
0x219: {  	[tilespmem:v3+s6+$0xC060 ss:$0x1] =	vst.idx.msk $0xffff, v16  }
0x21a: {  	v9 =	vadd.f32 v10, v9;
	[tilespmem:v3+s6+$0xC070 ss:$0x1] =	vst.idx.msk $0xffff, v18  }
0x21b: {  	v7 =	vadd.f32 v11, v7;
	s5 =	sadd.s32 $0x1, s5;
	[tilespmem:v3+s6+$0xC400 ss:$0x1] =	vst.idx.msk $0xffff, v17  }
0x21c: {  	v8 =	vadd.f32 v12, v8;
	p0 =	sne.s32 s5, $0x10;
	[tilespmem:v3+s6+$0xC410 ss:$0x1] =	vst.idx.msk $0xffff, v9  }
.Ltmp7:
0x21d: {  	v5 =	vadd.f32 v13, v5;
	[tilespmem:v3+s6+$0xC420 ss:$0x1] =	vst.idx.msk $0xffff, v7;
	(pc) =	sbr.rel @p0 .LBB2_14-.Ltmp7, $4  }
0x21e: {  	v6 =	vadd.f32 v14, v6;
	[tilespmem:v3+s6+$0xC430 ss:$0x1] =	vst.idx.msk $0xffff, v8  }
0x21f: {  	v4 =	vadd.f32 v15, v4;
	[tilespmem:v3+s6+$0xC440 ss:$0x1] =	vst.idx.msk $0xffff, v5  }
0x220: {  	[tilespmem:v3+s6+$0xC450 ss:$0x1] =	vst.idx.msk $0xffff, v6  }
0x221: {  	s0 =	sadd.s32 $0x1, s0;
	s18 =	sadd.s32 $0x400, s18;
	[tilespmem:v3+s6+$0xC460 ss:$0x1] =	vst.idx.msk $0xffff, v4  }
0x222: {  	s18 =	simm.s32 $0x0;
	s0 =	rddreg [dreg:$0xd]  }
0x223: {  	[hbm4b:s0+s18] =	stream.linear.scatter [tilespmem:s12], [sflag:$0x9], $0x4000, $0x38;
	[tilespmem:$0x1C200] =	vst v63  }
0x224: {  	_ =	swait.ge [sflag:s29], $0x4000  }
0x225: {  	[sflag:s29] =	ssyncset.done $0x0  }
0x226: {  	[sflag:s29] =	ssyncadd.s32 $0xFFFFC000  }
0x227: {  	v3 =	vld [tilespmem:$0x190];
	_ =	sdelay $0x4  }
0x228: {  	v4 =	vshll.u32 v3, $0x3  }
0x229: {  	v3 =	vand.u32 $0x7, v3;
	v4 =	vand.u32 $0xFFFFFFC0, v4  }
0x22a: {  	v3 =	vor.u32 v3, v4  }
0x22b: {  	v4 =	vperm.xlane v3, v0;
	_ =	sdelay $0x1  }
0x22c: {  	v4 =	vadd.s32 v1, v4;
	_ =	sdelay $0x4  }
0x22d: {  	[tilespmem:s23], [sflag:$0x3] =	stream.indirect_vreg.gather [hbm4b:s1+s18], $0x80, v4, vm0, $0xb8;
	[tilespmem:$0x1C200] =	vst v63  }
0x22e: {  	s8 =	simm.s32 $0x8A00;
	v3 =	vperm.xlane v3, v2  }
0x22f: {  	[tilespmem:s8], [sflag:$0x3] =	stream.indirect_vreg.gather [hbm4b:s9+s18], $0x80, v4, vm0, $0xb8;
	[tilespmem:$0x1C200] =	vst v63  }
0x230: {  	s13 =	simm.s32 $0x9200;
	v3 =	vadd.s32 v1, v3  }
0x231: {  	[tilespmem:s13], [sflag:$0x3] =	stream.indirect_vreg.gather [hbm4b:s10+s18], $0x80, v4, vm0, $0xb8;
	[tilespmem:$0x1C200] =	vst v63  }
0x232: {  	s5 =	simm.s32 $0x9A00  }
0x233: {  	[tilespmem:s5], [sflag:$0x3] =	stream.indirect_vreg.gather [hbm4b:s11+s18], $0x80, v4, vm0, $0xb8;
	[tilespmem:$0x1C200] =	vst v63  }
0x234: {  	s6 =	simm.s32 $0xA200  }
0x235: {  	[tilespmem:s6], [sflag:$0x3] =	stream.indirect_vreg.gather [hbm4b:s1+s18], $0x80, v3, vm0, $0xb8;
	[tilespmem:$0x1C200] =	vst v63  }
0x236: {  	s7 =	simm.s32 $0xAA00  }
0x237: {  	[tilespmem:s7], [sflag:$0x3] =	stream.indirect_vreg.gather [hbm4b:s9+s18], $0x80, v3, vm0, $0xb8;
	[tilespmem:$0x1C200] =	vst v63  }
0x238: {  	s8 =	simm.s32 $0xB200  }
0x239: {  	[tilespmem:s8], [sflag:$0x3] =	stream.indirect_vreg.gather [hbm4b:s10+s18], $0x80, v3, vm0, $0xb8;
	[tilespmem:$0x1C200] =	vst v63  }
0x23a: {  	s13 =	simm.s32 $0xBA00  }
0x23b: {  	[tilespmem:s13], [sflag:$0x3] =	stream.indirect_vreg.gather [hbm4b:s11+s18], $0x80, v3, vm0, $0xb8;
	[tilespmem:$0x1C200] =	vst v63  }
0x23c: {  	_ =	swait.ge [sflag:s30], $0x4000  }
0x23d: {  	[sflag:s30] =	ssyncset.done $0x0  }
0x23e: {  	s0 =	simm.s32 $0x0;
	s5 =	simm.s32 $0x0;
	[sflag:s30] =	ssyncadd.s32 $0xFFFFC000  }
.LBB2_18:
0x23f: {  	s6 =	sand.u32 $0x7, s0  }
0x240: {  	s6 =	sshll.u32 s6, $0x9  }
0x241: {  	s6 =	sshrl.u32 s6, $0x2  }
0x242: {  	v3 =	vmov s6;
	_ =	sdelay $0x2  }
0x243: {  	s7 =	sand.u32 $0x3FFFE000, s18  }
0x244: {  	s6 =	sor.u32 $0x200, s7  }
0x245: {  	v4 =	vld.idx.msk [tilespmem:v3+s6+$0x10470 ss:$0x1], $0xffff  }
0x246: {  	s7 =	sadd.s32 $0x14670, s7;
	v5 =	vld.idx.msk [tilespmem:v3+s6+$0x10010 ss:$0x1], $0xffff  }
0x247: {  	v6 =	vld.idx.msk [tilespmem:v3+s7+$0x0 ss:$0x1], $0xffff  }
0x248: {  	v7 =	vld.idx.msk [tilespmem:v3+s6+$0x10020 ss:$0x1], $0xffff  }
0x249: {  	v8 =	vld.idx.msk [tilespmem:v3+s6+$0x10030 ss:$0x1], $0xffff  }
0x24a: {  	v9 =	vld.idx.msk [tilespmem:v3+s6+$0x10040 ss:$0x1], $0xffff  }
0x24b: {  	v10 =	vld.idx.msk [tilespmem:v3+s6+$0x10050 ss:$0x1], $0xffff  }
0x24c: {  	v11 =	vld.idx.msk [tilespmem:v3+s6+$0x10060 ss:$0x1], $0xffff  }
0x24d: {  	v12 =	vld.idx.msk [tilespmem:v3+s6+$0x10070 ss:$0x1], $0xffff  }
0x24e: {  	v13 =	vld.idx.msk [tilespmem:v3+s6+$0x10400 ss:$0x1], $0xffff  }
0x24f: {  	v14 =	vld.idx.msk [tilespmem:v3+s6+$0x10410 ss:$0x1], $0xffff  }
0x250: {  	v15 =	vld.idx.msk [tilespmem:v3+s6+$0x10420 ss:$0x1], $0xffff  }
0x251: {  	v16 =	vld.idx.msk [tilespmem:v3+s6+$0x10430 ss:$0x1], $0xffff  }
0x252: {  	v17 =	vld.idx.msk [tilespmem:v3+s6+$0x10440 ss:$0x1], $0xffff  }
0x253: {  	v18 =	vld.idx.msk [tilespmem:v3+s6+$0x10450 ss:$0x1], $0xffff  }
0x254: {  	v19 =	vld.idx.msk [tilespmem:v3+s6+$0x10460 ss:$0x1], $0xffff  }
0x255: {  	v20 =	vld.idx.msk [tilespmem:v3+s6+$0x10000 ss:$0x1], $0xffff  }
0x256: {  	v21 =	vld.idx.msk [tilespmem:v3+s7+$0xFFFFFB90 ss:$0x1], $0xffff  }
0x257: {  	v22 =	vld.idx.msk [tilespmem:v3+s7+$0xFFFFFBA0 ss:$0x1], $0xffff  }
0x258: {  	v23 =	vld.idx.msk [tilespmem:v3+s7+$0xFFFFFBB0 ss:$0x1], $0xffff  }
0x259: {  	v24 =	vld.idx.msk [tilespmem:v3+s7+$0xFFFFFBC0 ss:$0x1], $0xffff  }
0x25a: {  	v25 =	vld.idx.msk [tilespmem:v3+s7+$0xFFFFFBD0 ss:$0x1], $0xffff  }
0x25b: {  	v26 =	vld.idx.msk [tilespmem:v3+s7+$0xFFFFFBE0 ss:$0x1], $0xffff;
	v4 =	vmul.f32 $3.200000000e+01, v4  }
0x25c: {  	v27 =	vld.idx.msk [tilespmem:v3+s7+$0xFFFFFBF0 ss:$0x1], $0xffff;
	v20 =	vmul.f32 $3.200000000e+01, v20  }
0x25d: {  	v61 =	vld.idx.msk [tilespmem:v3+s7+$0xFFFFFF90 ss:$0x1], $0xffff;
	v5 =	vmul.f32 $3.200000000e+01, v5;
	v4 =	vadd.f32 v6, v4  }
0x25e: {  	v62 =	vmul.f32 $3.200000000e+01, v10;
	v10 =	vld.idx.msk [tilespmem:v3+s7+$0xFFFFFFA0 ss:$0x1], $0xffff;
	v6 =	vmul.f32 $3.200000000e+01, v7;
	v7 =	vadd.f32 v21, v20  }
0x25f: {  	v28 =	vmul.f32 $3.200000000e+01, v11;
	v63 =	vmul.f32 $3.200000000e+01, v12;
	v11 =	vld.idx.msk [tilespmem:v3+s7+$0xFFFFFFB0 ss:$0x1], $0xffff;
	v5 =	vadd.f32 v22, v5;
	[tilespmem:v3+s6+$0x10470 ss:$0x1] =	vst.idx.msk $0xffff, v4  }
0x260: {  	v29 =	vmul.f32 $3.200000000e+01, v13;
	v20 =	vld.idx.msk [tilespmem:v3+s7+$0xFFFFFC00 ss:$0x1], $0xffff;
	v4 =	vmul.f32 $3.200000000e+01, v8;
	v6 =	vadd.f32 v23, v6;
	[tilespmem:v3+s6+$0x10000 ss:$0x1] =	vst.idx.msk $0xffff, v7  }
0x261: {  	v12 =	vld.idx.msk [tilespmem:v3+s7+$0xFFFFFFC0 ss:$0x1], $0xffff;
	v8 =	vmul.f32 $3.200000000e+01, v9;
	[tilespmem:v3+s6+$0x10010 ss:$0x1] =	vst.idx.msk $0xffff, v5;
	v7 =	vmul.f32 $3.200000000e+01, v15;
	v15 =	vadd.f32 v26, v62  }
0x262: {  	v13 =	vld.idx.msk [tilespmem:v3+s7+$0xFFFFFFD0 ss:$0x1], $0xffff;
	v9 =	vmul.f32 $3.200000000e+01, v14;
	v4 =	vadd.f32 v24, v4;
	[tilespmem:v3+s6+$0x10020 ss:$0x1] =	vst.idx.msk $0xffff, v6  }
0x263: {  	v5 =	vmul.f32 $3.200000000e+01, v17;
	v17 =	vadd.f32 v61, v29;
	v14 =	vadd.f32 v25, v8;
	[tilespmem:v3+s6+$0x10050 ss:$0x1] =	vst.idx.msk $0xffff, v15  }
0x264: {  	v8 =	vmul.f32 $3.200000000e+01, v16;
	v16 =	vadd.f32 v27, v28;
	v15 =	vld.idx.msk [tilespmem:v3+s7+$0xFFFFFFF0 ss:$0x1], $0xffff;
	[tilespmem:v3+s6+$0x10030 ss:$0x1] =	vst.idx.msk $0xffff, v4  }
0x265: {  	s8 =	simm.s32 $0x0;
	s13 =	sadd.s32 $0x800, s6;
	v6 =	vmul.f32 $3.200000000e+01, v18;
	v18 =	vadd.f32 v20, v63;
	v4 =	vmul.f32 $3.200000000e+01, v19;
	[tilespmem:v3+s6+$0x10040 ss:$0x1] =	vst.idx.msk $0xffff, v14;
	v14 =	vld.idx.msk [tilespmem:v3+s7+$0xFFFFFFE0 ss:$0x1], $0xffff  }
.LBB2_19:
0x266: {  	v19 =	vld.idx.msk [tilespmem:v3+s13+$0x10470 ss:$0x1], $0xffff;
	s8 =	sadd.s32 $0x10, s8;
	[tilespmem:v3+s6+$0x10060 ss:$0x1] =	vst.idx.msk $0xffff, v16;
	v9 =	vadd.f32 v10, v9  }
0x267: {  	v7 =	vadd.f32 v11, v7;
	s7 =	sadd.s32 $0x800, s7;
	v10 =	vld.idx.msk [tilespmem:v3+s13+$0x10010 ss:$0x1], $0xffff;
	p0 =	slt.u32 s8, $0x30;
	[tilespmem:v3+s6+$0x10070 ss:$0x1] =	vst.idx.msk $0xffff, v18  }
0x268: {  	v8 =	vadd.f32 v12, v8;
	v11 =	vld.idx.msk [tilespmem:v3+s7+$0x0 ss:$0x1], $0xffff;
	[tilespmem:v3+s6+$0x10400 ss:$0x1] =	vst.idx.msk $0xffff, v17  }
0x269: {  	v5 =	vadd.f32 v13, v5;
	v12 =	vld.idx.msk [tilespmem:v3+s13+$0x10020 ss:$0x1], $0xffff;
	[tilespmem:v3+s6+$0x10410 ss:$0x1] =	vst.idx.msk $0xffff, v9  }
0x26a: {  	v6 =	vadd.f32 v14, v6;
	v9 =	vld.idx.msk [tilespmem:v3+s13+$0x10030 ss:$0x1], $0xffff;
	[tilespmem:v3+s6+$0x10420 ss:$0x1] =	vst.idx.msk $0xffff, v7  }
0x26b: {  	v4 =	vadd.f32 v15, v4;
	v7 =	vld.idx.msk [tilespmem:v3+s13+$0x10040 ss:$0x1], $0xffff;
	[tilespmem:v3+s6+$0x10430 ss:$0x1] =	vst.idx.msk $0xffff, v8  }
0x26c: {  	v13 =	vmul.f32 $3.200000000e+01, v19;
	v8 =	vld.idx.msk [tilespmem:v3+s13+$0x10050 ss:$0x1], $0xffff;
	[tilespmem:v3+s6+$0x10440 ss:$0x1] =	vst.idx.msk $0xffff, v5  }
0x26d: {  	v10 =	vmul.f32 $3.200000000e+01, v10;
	v5 =	vld.idx.msk [tilespmem:v3+s13+$0x10060 ss:$0x1], $0xffff;
	[tilespmem:v3+s6+$0x10450 ss:$0x1] =	vst.idx.msk $0xffff, v6  }
0x26e: {  	v11 =	vadd.f32 v11, v13;
	v6 =	vld.idx.msk [tilespmem:v3+s13+$0x10070 ss:$0x1], $0xffff;
	[tilespmem:v3+s6+$0x10460 ss:$0x1] =	vst.idx.msk $0xffff, v4;
	s6 =	smov.u32 s13  }
0x26f: {  	v12 =	vmul.f32 $3.200000000e+01, v12;
	v4 =	vld.idx.msk [tilespmem:v3+s13+$0x10400 ss:$0x1], $0xffff  }
0x270: {  	v13 =	vmul.f32 $3.200000000e+01, v9;
	v9 =	vld.idx.msk [tilespmem:v3+s13+$0x10410 ss:$0x1], $0xffff;
	[tilespmem:v3+s13+$0x10470 ss:$0x1] =	vst.idx.msk $0xffff, v11  }
0x271: {  	v11 =	vmul.f32 $3.200000000e+01, v7;
	v7 =	vld.idx.msk [tilespmem:v3+s13+$0x10420 ss:$0x1], $0xffff  }
0x272: {  	v14 =	vmul.f32 $3.200000000e+01, v8;
	v8 =	vld.idx.msk [tilespmem:v3+s13+$0x10430 ss:$0x1], $0xffff  }
0x273: {  	v15 =	vmul.f32 $3.200000000e+01, v5;
	v5 =	vld.idx.msk [tilespmem:v3+s13+$0x10440 ss:$0x1], $0xffff  }
0x274: {  	v17 =	vmul.f32 $3.200000000e+01, v6;
	v6 =	vld.idx.msk [tilespmem:v3+s13+$0x10450 ss:$0x1], $0xffff  }
0x275: {  	v19 =	vmul.f32 $3.200000000e+01, v4;
	v4 =	vld.idx.msk [tilespmem:v3+s13+$0x10460 ss:$0x1], $0xffff  }
0x276: {  	v9 =	vmul.f32 $3.200000000e+01, v9;
	v16 =	vld.idx.msk [tilespmem:v3+s13+$0x10000 ss:$0x1], $0xffff  }
0x277: {  	v7 =	vmul.f32 $3.200000000e+01, v7;
	v18 =	vld.idx.msk [tilespmem:v3+s7+$0xFFFFFB90 ss:$0x1], $0xffff  }
0x278: {  	v8 =	vmul.f32 $3.200000000e+01, v8;
	v20 =	vld.idx.msk [tilespmem:v3+s7+$0xFFFFFBA0 ss:$0x1], $0xffff  }
0x279: {  	v5 =	vmul.f32 $3.200000000e+01, v5;
	v21 =	vld.idx.msk [tilespmem:v3+s7+$0xFFFFFBB0 ss:$0x1], $0xffff  }
0x27a: {  	v6 =	vmul.f32 $3.200000000e+01, v6;
	v22 =	vld.idx.msk [tilespmem:v3+s7+$0xFFFFFBC0 ss:$0x1], $0xffff  }
0x27b: {  	v4 =	vmul.f32 $3.200000000e+01, v4;
	v23 =	vld.idx.msk [tilespmem:v3+s7+$0xFFFFFBD0 ss:$0x1], $0xffff  }
0x27c: {  	v16 =	vmul.f32 $3.200000000e+01, v16;
	v24 =	vld.idx.msk [tilespmem:v3+s7+$0xFFFFFBE0 ss:$0x1], $0xffff  }
0x27d: {  	v25 =	vld.idx.msk [tilespmem:v3+s7+$0xFFFFFBF0 ss:$0x1], $0xffff  }
0x27e: {  	v16 =	vadd.f32 v18, v16;
	v18 =	vadd.f32 v20, v10;
	v20 =	vld.idx.msk [tilespmem:v3+s7+$0xFFFFFC00 ss:$0x1], $0xffff  }
0x27f: {  	v12 =	vadd.f32 v21, v12;
	v21 =	vld.idx.msk [tilespmem:v3+s7+$0xFFFFFF90 ss:$0x1], $0xffff  }
0x280: {  	v13 =	vadd.f32 v22, v13;
	[tilespmem:v3+s13+$0x10000 ss:$0x1] =	vst.idx.msk $0xffff, v16;
	v10 =	vld.idx.msk [tilespmem:v3+s7+$0xFFFFFFA0 ss:$0x1], $0xffff  }
.Ltmp8:
0x281: {  	[tilespmem:v3+s13+$0x10010 ss:$0x1] =	vst.idx.msk $0xffff, v18;
	v18 =	vadd.f32 v23, v11;
	v11 =	vld.idx.msk [tilespmem:v3+s7+$0xFFFFFFB0 ss:$0x1], $0xffff;
	(pc) =	sbr.rel @p0 .LBB2_19-.Ltmp8, $4  }
0x282: {  	v22 =	vadd.f32 v24, v14;
	[tilespmem:v3+s13+$0x10020 ss:$0x1] =	vst.idx.msk $0xffff, v12;
	v12 =	vld.idx.msk [tilespmem:v3+s7+$0xFFFFFFC0 ss:$0x1], $0xffff  }
0x283: {  	v16 =	vadd.f32 v25, v15;
	[tilespmem:v3+s13+$0x10030 ss:$0x1] =	vst.idx.msk $0xffff, v13;
	v13 =	vld.idx.msk [tilespmem:v3+s7+$0xFFFFFFD0 ss:$0x1], $0xffff  }
0x284: {  	[tilespmem:v3+s13+$0x10040 ss:$0x1] =	vst.idx.msk $0xffff, v18;
	v18 =	vadd.f32 v20, v17;
	v14 =	vld.idx.msk [tilespmem:v3+s7+$0xFFFFFFE0 ss:$0x1], $0xffff  }
0x285: {  	v17 =	vadd.f32 v21, v19;
	s13 =	sadd.s32 $0x800, s13;
	[tilespmem:v3+s6+$0x10050 ss:$0x1] =	vst.idx.msk $0xffff, v22;
	v15 =	vld.idx.msk [tilespmem:v3+s7+$0xFFFFFFF0 ss:$0x1], $0xffff  }
0x286: {  	_ =	sdelay $0x3  }
0x287: {  	[tilespmem:v3+s6+$0x10060 ss:$0x1] =	vst.idx.msk $0xffff, v16  }
0x288: {  	v9 =	vadd.f32 v10, v9;
	[tilespmem:v3+s6+$0x10070 ss:$0x1] =	vst.idx.msk $0xffff, v18  }
0x289: {  	v7 =	vadd.f32 v11, v7;
	s5 =	sadd.s32 $0x1, s5;
	[tilespmem:v3+s6+$0x10400 ss:$0x1] =	vst.idx.msk $0xffff, v17  }
0x28a: {  	v8 =	vadd.f32 v12, v8;
	p0 =	sne.s32 s5, $0x10;
	[tilespmem:v3+s6+$0x10410 ss:$0x1] =	vst.idx.msk $0xffff, v9  }
.Ltmp9:
0x28b: {  	v5 =	vadd.f32 v13, v5;
	[tilespmem:v3+s6+$0x10420 ss:$0x1] =	vst.idx.msk $0xffff, v7;
	(pc) =	sbr.rel @p0 .LBB2_18-.Ltmp9, $4  }
0x28c: {  	v6 =	vadd.f32 v14, v6;
	[tilespmem:v3+s6+$0x10430 ss:$0x1] =	vst.idx.msk $0xffff, v8  }
0x28d: {  	v4 =	vadd.f32 v15, v4;
	[tilespmem:v3+s6+$0x10440 ss:$0x1] =	vst.idx.msk $0xffff, v5  }
0x28e: {  	[tilespmem:v3+s6+$0x10450 ss:$0x1] =	vst.idx.msk $0xffff, v6  }
0x28f: {  	s0 =	sadd.s32 $0x1, s0;
	s18 =	sadd.s32 $0x400, s18;
	[tilespmem:v3+s6+$0x10460 ss:$0x1] =	vst.idx.msk $0xffff, v4  }
0x290: {  	s18 =	simm.s32 $0x0;
	s0 =	rddreg [dreg:$0xe]  }
0x291: {  	[hbm4b:s0+s18] =	stream.linear.scatter [tilespmem:s26], [sflag:$0xA], $0x4000, $0x38;
	[tilespmem:$0x1C200] =	vst v63  }
0x292: {  	_ =	swait.ge [sflag:s4], $0x4000  }
0x293: {  	[sflag:s4] =	ssyncset.done $0x0  }
0x294: {  	[sflag:s4] =	ssyncadd.s32 $0xFFFFC000  }
0x295: {  	v3 =	vld [tilespmem:$0x20];
	_ =	sdelay $0x4  }
0x296: {  	v4 =	vshll.u32 v3, $0x3  }
0x297: {  	v3 =	vand.u32 $0x7, v3;
	v4 =	vand.u32 $0xFFFFFFC0, v4  }
0x298: {  	v3 =	vor.u32 v3, v4  }
0x299: {  	v4 =	vperm.xlane v3, v0;
	_ =	sdelay $0x1  }
0x29a: {  	v4 =	vadd.s32 v1, v4;
	_ =	sdelay $0x4  }
0x29b: {  	[tilespmem:s12], [sflag:$0x4] =	stream.indirect_vreg.gather [hbm4b:s1+s18], $0x80, v4, vm0, $0xb8;
	[tilespmem:$0x1C200] =	vst v63  }
0x29c: {  	s8 =	simm.s32 $0xCA00;
	v3 =	vperm.xlane v3, v2  }
0x29d: {  	[tilespmem:s8], [sflag:$0x4] =	stream.indirect_vreg.gather [hbm4b:s9+s18], $0x80, v4, vm0, $0xb8;
	[tilespmem:$0x1C200] =	vst v63  }
0x29e: {  	s13 =	simm.s32 $0xD200;
	v3 =	vadd.s32 v1, v3  }
0x29f: {  	[tilespmem:s13], [sflag:$0x4] =	stream.indirect_vreg.gather [hbm4b:s10+s18], $0x80, v4, vm0, $0xb8;
	[tilespmem:$0x1C200] =	vst v63  }
0x2a0: {  	s5 =	simm.s32 $0xDA00  }
0x2a1: {  	[tilespmem:s5], [sflag:$0x4] =	stream.indirect_vreg.gather [hbm4b:s11+s18], $0x80, v4, vm0, $0xb8;
	[tilespmem:$0x1C200] =	vst v63  }
0x2a2: {  	s6 =	simm.s32 $0xE200  }
0x2a3: {  	[tilespmem:s6], [sflag:$0x4] =	stream.indirect_vreg.gather [hbm4b:s1+s18], $0x80, v3, vm0, $0xb8;
	[tilespmem:$0x1C200] =	vst v63  }
0x2a4: {  	s7 =	simm.s32 $0xEA00  }
0x2a5: {  	[tilespmem:s7], [sflag:$0x4] =	stream.indirect_vreg.gather [hbm4b:s9+s18], $0x80, v3, vm0, $0xb8;
	[tilespmem:$0x1C200] =	vst v63  }
0x2a6: {  	s8 =	simm.s32 $0xF200  }
0x2a7: {  	[tilespmem:s8], [sflag:$0x4] =	stream.indirect_vreg.gather [hbm4b:s10+s18], $0x80, v3, vm0, $0xb8;
	[tilespmem:$0x1C200] =	vst v63  }
0x2a8: {  	s13 =	simm.s32 $0xFA00  }
0x2a9: {  	[tilespmem:s13], [sflag:$0x4] =	stream.indirect_vreg.gather [hbm4b:s11+s18], $0x80, v3, vm0, $0xb8;
	[tilespmem:$0x1C200] =	vst v63  }
0x2aa: {  	_ =	swait.ge [sflag:s25], $0x4000  }
0x2ab: {  	[sflag:s25] =	ssyncset.done $0x0  }
0x2ac: {  	s0 =	simm.s32 $0x0;
	s5 =	simm.s32 $0x0;
	[sflag:s25] =	ssyncadd.s32 $0xFFFFC000  }
.LBB2_22:
0x2ad: {  	s6 =	sand.u32 $0x7, s0  }
0x2ae: {  	s6 =	sshll.u32 s6, $0x9  }
0x2af: {  	s6 =	sshrl.u32 s6, $0x2  }
0x2b0: {  	v3 =	vmov s6;
	_ =	sdelay $0x2  }
0x2b1: {  	s7 =	sand.u32 $0x3FFFE000, s18  }
0x2b2: {  	s6 =	sor.u32 $0x600, s7  }
0x2b3: {  	v4 =	vld.idx.msk [tilespmem:v3+s6+$0x70 ss:$0x1], $0xffff  }
0x2b4: {  	s7 =	sadd.s32 $0x14200, s7;
	v5 =	vld.idx.msk [tilespmem:v3+s6+$0xFFFFFC10 ss:$0x1], $0xffff  }
0x2b5: {  	v6 =	vld.idx.msk [tilespmem:v3+s7+$0x4470 ss:$0x1], $0xffff  }
0x2b6: {  	v7 =	vld.idx.msk [tilespmem:v3+s6+$0xFFFFFC20 ss:$0x1], $0xffff  }
0x2b7: {  	v8 =	vld.idx.msk [tilespmem:v3+s6+$0xFFFFFC30 ss:$0x1], $0xffff  }
0x2b8: {  	v9 =	vld.idx.msk [tilespmem:v3+s6+$0xFFFFFC40 ss:$0x1], $0xffff  }
0x2b9: {  	v10 =	vld.idx.msk [tilespmem:v3+s6+$0xFFFFFC50 ss:$0x1], $0xffff  }
0x2ba: {  	v11 =	vld.idx.msk [tilespmem:v3+s6+$0xFFFFFC60 ss:$0x1], $0xffff  }
0x2bb: {  	v12 =	vld.idx.msk [tilespmem:v3+s6+$0xFFFFFC70 ss:$0x1], $0xffff  }
0x2bc: {  	v13 =	vld.idx.msk [tilespmem:v3+s6+$0x0 ss:$0x1], $0xffff  }
0x2bd: {  	v14 =	vld.idx.msk [tilespmem:v3+s6+$0x10 ss:$0x1], $0xffff  }
0x2be: {  	v15 =	vld.idx.msk [tilespmem:v3+s6+$0x20 ss:$0x1], $0xffff  }
0x2bf: {  	v16 =	vld.idx.msk [tilespmem:v3+s6+$0x30 ss:$0x1], $0xffff  }
0x2c0: {  	v17 =	vld.idx.msk [tilespmem:v3+s6+$0x40 ss:$0x1], $0xffff  }
0x2c1: {  	v18 =	vld.idx.msk [tilespmem:v3+s6+$0x50 ss:$0x1], $0xffff  }
0x2c2: {  	v19 =	vld.idx.msk [tilespmem:v3+s6+$0x60 ss:$0x1], $0xffff  }
0x2c3: {  	v20 =	vld.idx.msk [tilespmem:v3+s6+$0xFFFFFC00 ss:$0x1], $0xffff  }
0x2c4: {  	v21 =	vld.idx.msk [tilespmem:v3+s7+$0x4000 ss:$0x1], $0xffff  }
0x2c5: {  	v22 =	vld.idx.msk [tilespmem:v3+s7+$0x4010 ss:$0x1], $0xffff  }
0x2c6: {  	v23 =	vld.idx.msk [tilespmem:v3+s7+$0x4020 ss:$0x1], $0xffff  }
0x2c7: {  	v24 =	vld.idx.msk [tilespmem:v3+s7+$0x4030 ss:$0x1], $0xffff  }
0x2c8: {  	v25 =	vld.idx.msk [tilespmem:v3+s7+$0x4040 ss:$0x1], $0xffff  }
0x2c9: {  	v26 =	vld.idx.msk [tilespmem:v3+s7+$0x4050 ss:$0x1], $0xffff;
	v4 =	vmul.f32 $3.200000000e+01, v4  }
0x2ca: {  	v27 =	vld.idx.msk [tilespmem:v3+s7+$0x4060 ss:$0x1], $0xffff;
	v20 =	vmul.f32 $3.200000000e+01, v20  }
0x2cb: {  	v61 =	vld.idx.msk [tilespmem:v3+s7+$0x4400 ss:$0x1], $0xffff;
	v5 =	vmul.f32 $3.200000000e+01, v5;
	v4 =	vadd.f32 v6, v4  }
0x2cc: {  	v62 =	vmul.f32 $3.200000000e+01, v10;
	v10 =	vld.idx.msk [tilespmem:v3+s7+$0x4410 ss:$0x1], $0xffff;
	v6 =	vmul.f32 $3.200000000e+01, v7;
	v7 =	vadd.f32 v21, v20  }
0x2cd: {  	v28 =	vmul.f32 $3.200000000e+01, v11;
	v63 =	vmul.f32 $3.200000000e+01, v12;
	v11 =	vld.idx.msk [tilespmem:v3+s7+$0x4420 ss:$0x1], $0xffff;
	v5 =	vadd.f32 v22, v5;
	[tilespmem:v3+s6+$0x70 ss:$0x1] =	vst.idx.msk $0xffff, v4  }
0x2ce: {  	v29 =	vmul.f32 $3.200000000e+01, v13;
	v20 =	vld.idx.msk [tilespmem:v3+s7+$0x4070 ss:$0x1], $0xffff;
	v4 =	vmul.f32 $3.200000000e+01, v8;
	v6 =	vadd.f32 v23, v6;
	[tilespmem:v3+s6+$0xFFFFFC00 ss:$0x1] =	vst.idx.msk $0xffff, v7  }
0x2cf: {  	v12 =	vld.idx.msk [tilespmem:v3+s7+$0x4430 ss:$0x1], $0xffff;
	v8 =	vmul.f32 $3.200000000e+01, v9;
	[tilespmem:v3+s6+$0xFFFFFC10 ss:$0x1] =	vst.idx.msk $0xffff, v5;
	v7 =	vmul.f32 $3.200000000e+01, v15;
	v15 =	vadd.f32 v26, v62  }
0x2d0: {  	v13 =	vld.idx.msk [tilespmem:v3+s7+$0x4440 ss:$0x1], $0xffff;
	v9 =	vmul.f32 $3.200000000e+01, v14;
	v4 =	vadd.f32 v24, v4;
	[tilespmem:v3+s6+$0xFFFFFC20 ss:$0x1] =	vst.idx.msk $0xffff, v6  }
0x2d1: {  	v5 =	vmul.f32 $3.200000000e+01, v17;
	v17 =	vadd.f32 v61, v29;
	v14 =	vadd.f32 v25, v8;
	[tilespmem:v3+s6+$0xFFFFFC50 ss:$0x1] =	vst.idx.msk $0xffff, v15  }
0x2d2: {  	v8 =	vmul.f32 $3.200000000e+01, v16;
	v16 =	vadd.f32 v27, v28;
	v15 =	vld.idx.msk [tilespmem:v3+s7+$0x4460 ss:$0x1], $0xffff;
	[tilespmem:v3+s6+$0xFFFFFC30 ss:$0x1] =	vst.idx.msk $0xffff, v4  }
0x2d3: {  	s8 =	simm.s32 $0x0;
	s13 =	sadd.s32 $0x800, s6;
	v6 =	vmul.f32 $3.200000000e+01, v18;
	v18 =	vadd.f32 v20, v63;
	v4 =	vmul.f32 $3.200000000e+01, v19;
	[tilespmem:v3+s6+$0xFFFFFC40 ss:$0x1] =	vst.idx.msk $0xffff, v14;
	v14 =	vld.idx.msk [tilespmem:v3+s7+$0x4450 ss:$0x1], $0xffff  }
.LBB2_23:
0x2d4: {  	v19 =	vld.idx.msk [tilespmem:v3+s13+$0x70 ss:$0x1], $0xffff;
	s8 =	sadd.s32 $0x10, s8;
	[tilespmem:v3+s6+$0xFFFFFC60 ss:$0x1] =	vst.idx.msk $0xffff, v16;
	v9 =	vadd.f32 v10, v9  }
0x2d5: {  	v7 =	vadd.f32 v11, v7;
	s7 =	sadd.s32 $0x800, s7;
	v10 =	vld.idx.msk [tilespmem:v3+s13+$0xFFFFFC10 ss:$0x1], $0xffff;
	p0 =	slt.u32 s8, $0x30;
	[tilespmem:v3+s6+$0xFFFFFC70 ss:$0x1] =	vst.idx.msk $0xffff, v18  }
0x2d6: {  	v8 =	vadd.f32 v12, v8;
	v11 =	vld.idx.msk [tilespmem:v3+s7+$0x4470 ss:$0x1], $0xffff;
	[tilespmem:v3+s6+$0x0 ss:$0x1] =	vst.idx.msk $0xffff, v17  }
0x2d7: {  	v5 =	vadd.f32 v13, v5;
	v12 =	vld.idx.msk [tilespmem:v3+s13+$0xFFFFFC20 ss:$0x1], $0xffff;
	[tilespmem:v3+s6+$0x10 ss:$0x1] =	vst.idx.msk $0xffff, v9  }
0x2d8: {  	v6 =	vadd.f32 v14, v6;
	v9 =	vld.idx.msk [tilespmem:v3+s13+$0xFFFFFC30 ss:$0x1], $0xffff;
	[tilespmem:v3+s6+$0x20 ss:$0x1] =	vst.idx.msk $0xffff, v7  }
0x2d9: {  	v4 =	vadd.f32 v15, v4;
	v7 =	vld.idx.msk [tilespmem:v3+s13+$0xFFFFFC40 ss:$0x1], $0xffff;
	[tilespmem:v3+s6+$0x30 ss:$0x1] =	vst.idx.msk $0xffff, v8  }
0x2da: {  	v13 =	vmul.f32 $3.200000000e+01, v19;
	v8 =	vld.idx.msk [tilespmem:v3+s13+$0xFFFFFC50 ss:$0x1], $0xffff;
	[tilespmem:v3+s6+$0x40 ss:$0x1] =	vst.idx.msk $0xffff, v5  }
0x2db: {  	v10 =	vmul.f32 $3.200000000e+01, v10;
	v5 =	vld.idx.msk [tilespmem:v3+s13+$0xFFFFFC60 ss:$0x1], $0xffff;
	[tilespmem:v3+s6+$0x50 ss:$0x1] =	vst.idx.msk $0xffff, v6  }
0x2dc: {  	v11 =	vadd.f32 v11, v13;
	v6 =	vld.idx.msk [tilespmem:v3+s13+$0xFFFFFC70 ss:$0x1], $0xffff;
	[tilespmem:v3+s6+$0x60 ss:$0x1] =	vst.idx.msk $0xffff, v4;
	s6 =	smov.u32 s13  }
0x2dd: {  	v12 =	vmul.f32 $3.200000000e+01, v12;
	v4 =	vld.idx.msk [tilespmem:v3+s13+$0x0 ss:$0x1], $0xffff  }
0x2de: {  	v13 =	vmul.f32 $3.200000000e+01, v9;
	v9 =	vld.idx.msk [tilespmem:v3+s13+$0x10 ss:$0x1], $0xffff;
	[tilespmem:v3+s13+$0x70 ss:$0x1] =	vst.idx.msk $0xffff, v11  }
0x2df: {  	v11 =	vmul.f32 $3.200000000e+01, v7;
	v7 =	vld.idx.msk [tilespmem:v3+s13+$0x20 ss:$0x1], $0xffff  }
0x2e0: {  	v14 =	vmul.f32 $3.200000000e+01, v8;
	v8 =	vld.idx.msk [tilespmem:v3+s13+$0x30 ss:$0x1], $0xffff  }
0x2e1: {  	v15 =	vmul.f32 $3.200000000e+01, v5;
	v5 =	vld.idx.msk [tilespmem:v3+s13+$0x40 ss:$0x1], $0xffff  }
0x2e2: {  	v17 =	vmul.f32 $3.200000000e+01, v6;
	v6 =	vld.idx.msk [tilespmem:v3+s13+$0x50 ss:$0x1], $0xffff  }
0x2e3: {  	v19 =	vmul.f32 $3.200000000e+01, v4;
	v4 =	vld.idx.msk [tilespmem:v3+s13+$0x60 ss:$0x1], $0xffff  }
0x2e4: {  	v9 =	vmul.f32 $3.200000000e+01, v9;
	v16 =	vld.idx.msk [tilespmem:v3+s13+$0xFFFFFC00 ss:$0x1], $0xffff  }
0x2e5: {  	v7 =	vmul.f32 $3.200000000e+01, v7;
	v18 =	vld.idx.msk [tilespmem:v3+s7+$0x4000 ss:$0x1], $0xffff  }
0x2e6: {  	v8 =	vmul.f32 $3.200000000e+01, v8;
	v20 =	vld.idx.msk [tilespmem:v3+s7+$0x4010 ss:$0x1], $0xffff  }
0x2e7: {  	v5 =	vmul.f32 $3.200000000e+01, v5;
	v21 =	vld.idx.msk [tilespmem:v3+s7+$0x4020 ss:$0x1], $0xffff  }
0x2e8: {  	v6 =	vmul.f32 $3.200000000e+01, v6;
	v22 =	vld.idx.msk [tilespmem:v3+s7+$0x4030 ss:$0x1], $0xffff  }
0x2e9: {  	v4 =	vmul.f32 $3.200000000e+01, v4;
	v23 =	vld.idx.msk [tilespmem:v3+s7+$0x4040 ss:$0x1], $0xffff  }
0x2ea: {  	v16 =	vmul.f32 $3.200000000e+01, v16;
	v24 =	vld.idx.msk [tilespmem:v3+s7+$0x4050 ss:$0x1], $0xffff  }
0x2eb: {  	v25 =	vld.idx.msk [tilespmem:v3+s7+$0x4060 ss:$0x1], $0xffff  }
0x2ec: {  	v16 =	vadd.f32 v18, v16;
	v18 =	vadd.f32 v20, v10;
	v20 =	vld.idx.msk [tilespmem:v3+s7+$0x4070 ss:$0x1], $0xffff  }
0x2ed: {  	v12 =	vadd.f32 v21, v12;
	v21 =	vld.idx.msk [tilespmem:v3+s7+$0x4400 ss:$0x1], $0xffff  }
0x2ee: {  	v13 =	vadd.f32 v22, v13;
	[tilespmem:v3+s13+$0xFFFFFC00 ss:$0x1] =	vst.idx.msk $0xffff, v16;
	v10 =	vld.idx.msk [tilespmem:v3+s7+$0x4410 ss:$0x1], $0xffff  }
.Ltmp10:
0x2ef: {  	[tilespmem:v3+s13+$0xFFFFFC10 ss:$0x1] =	vst.idx.msk $0xffff, v18;
	v18 =	vadd.f32 v23, v11;
	v11 =	vld.idx.msk [tilespmem:v3+s7+$0x4420 ss:$0x1], $0xffff;
	(pc) =	sbr.rel @p0 .LBB2_23-.Ltmp10, $4  }
0x2f0: {  	v22 =	vadd.f32 v24, v14;
	[tilespmem:v3+s13+$0xFFFFFC20 ss:$0x1] =	vst.idx.msk $0xffff, v12;
	v12 =	vld.idx.msk [tilespmem:v3+s7+$0x4430 ss:$0x1], $0xffff  }
0x2f1: {  	v16 =	vadd.f32 v25, v15;
	[tilespmem:v3+s13+$0xFFFFFC30 ss:$0x1] =	vst.idx.msk $0xffff, v13;
	v13 =	vld.idx.msk [tilespmem:v3+s7+$0x4440 ss:$0x1], $0xffff  }
0x2f2: {  	[tilespmem:v3+s13+$0xFFFFFC40 ss:$0x1] =	vst.idx.msk $0xffff, v18;
	v18 =	vadd.f32 v20, v17;
	v14 =	vld.idx.msk [tilespmem:v3+s7+$0x4450 ss:$0x1], $0xffff  }
0x2f3: {  	v17 =	vadd.f32 v21, v19;
	s13 =	sadd.s32 $0x800, s13;
	[tilespmem:v3+s6+$0xFFFFFC50 ss:$0x1] =	vst.idx.msk $0xffff, v22;
	v15 =	vld.idx.msk [tilespmem:v3+s7+$0x4460 ss:$0x1], $0xffff  }
0x2f4: {  	_ =	sdelay $0x3  }
0x2f5: {  	[tilespmem:v3+s6+$0xFFFFFC60 ss:$0x1] =	vst.idx.msk $0xffff, v16  }
0x2f6: {  	v9 =	vadd.f32 v10, v9;
	[tilespmem:v3+s6+$0xFFFFFC70 ss:$0x1] =	vst.idx.msk $0xffff, v18  }
0x2f7: {  	v7 =	vadd.f32 v11, v7;
	s5 =	sadd.s32 $0x1, s5;
	[tilespmem:v3+s6+$0x0 ss:$0x1] =	vst.idx.msk $0xffff, v17  }
0x2f8: {  	v8 =	vadd.f32 v12, v8;
	p0 =	sne.s32 s5, $0x10;
	[tilespmem:v3+s6+$0x10 ss:$0x1] =	vst.idx.msk $0xffff, v9  }
.Ltmp11:
0x2f9: {  	v5 =	vadd.f32 v13, v5;
	[tilespmem:v3+s6+$0x20 ss:$0x1] =	vst.idx.msk $0xffff, v7;
	(pc) =	sbr.rel @p0 .LBB2_22-.Ltmp11, $4  }
0x2fa: {  	v6 =	vadd.f32 v14, v6;
	[tilespmem:v3+s6+$0x30 ss:$0x1] =	vst.idx.msk $0xffff, v8  }
0x2fb: {  	v4 =	vadd.f32 v15, v4;
	[tilespmem:v3+s6+$0x40 ss:$0x1] =	vst.idx.msk $0xffff, v5  }
0x2fc: {  	[tilespmem:v3+s6+$0x50 ss:$0x1] =	vst.idx.msk $0xffff, v6  }
0x2fd: {  	s0 =	sadd.s32 $0x1, s0;
	s18 =	sadd.s32 $0x400, s18;
	[tilespmem:v3+s6+$0x60 ss:$0x1] =	vst.idx.msk $0xffff, v4  }
0x2fe: {  	s18 =	simm.s32 $0x0;
	s0 =	rddreg [dreg:$0xf]  }
0x2ff: {  	[hbm4b:s0+s18] =	stream.linear.scatter [tilespmem:s2], [sflag:$0x6], $0x4000, $0x38;
	[tilespmem:$0x1C200] =	vst v63  }
0x300: {  	_ =	swait.ge [sflag:s16], $0x4000  }
0x301: {  	[sflag:s16] =	ssyncset.done $0x0  }
0x302: {  	[sflag:s16] =	ssyncadd.s32 $0xFFFFC000  }
0x303: {  	v3 =	vld [tilespmem:$0x30];
	_ =	sdelay $0x4  }
0x304: {  	v4 =	vshll.u32 v3, $0x3  }
0x305: {  	v3 =	vand.u32 $0x7, v3;
	v4 =	vand.u32 $0xFFFFFFC0, v4  }
0x306: {  	v3 =	vor.u32 v3, v4  }
0x307: {  	v4 =	vperm.xlane v3, v0;
	_ =	sdelay $0x1  }
0x308: {  	v4 =	vadd.s32 v1, v4;
	_ =	sdelay $0x4  }
0x309: {  	[tilespmem:s26], [sflag:$0x5] =	stream.indirect_vreg.gather [hbm4b:s1+s18], $0x80, v4, vm0, $0xb8;
	[tilespmem:$0x1C200] =	vst v63  }
0x30a: {  	s8 =	simm.s32 $0x10A00;
	v3 =	vperm.xlane v3, v2  }
0x30b: {  	[tilespmem:s8], [sflag:$0x5] =	stream.indirect_vreg.gather [hbm4b:s9+s18], $0x80, v4, vm0, $0xb8;
	[tilespmem:$0x1C200] =	vst v63  }
0x30c: {  	s13 =	simm.s32 $0x11200;
	v3 =	vadd.s32 v1, v3  }
0x30d: {  	[tilespmem:s13], [sflag:$0x5] =	stream.indirect_vreg.gather [hbm4b:s10+s18], $0x80, v4, vm0, $0xb8;
	[tilespmem:$0x1C200] =	vst v63  }
0x30e: {  	s5 =	simm.s32 $0x11A00  }
0x30f: {  	[tilespmem:s5], [sflag:$0x5] =	stream.indirect_vreg.gather [hbm4b:s11+s18], $0x80, v4, vm0, $0xb8;
	[tilespmem:$0x1C200] =	vst v63  }
0x310: {  	s6 =	simm.s32 $0x12200  }
0x311: {  	[tilespmem:s6], [sflag:$0x5] =	stream.indirect_vreg.gather [hbm4b:s1+s18], $0x80, v3, vm0, $0xb8;
	[tilespmem:$0x1C200] =	vst v63  }
0x312: {  	s7 =	simm.s32 $0x12A00  }
0x313: {  	[tilespmem:s7], [sflag:$0x5] =	stream.indirect_vreg.gather [hbm4b:s9+s18], $0x80, v3, vm0, $0xb8;
	[tilespmem:$0x1C200] =	vst v63  }
0x314: {  	s8 =	simm.s32 $0x13200  }
0x315: {  	[tilespmem:s8], [sflag:$0x5] =	stream.indirect_vreg.gather [hbm4b:s10+s18], $0x80, v3, vm0, $0xb8;
	[tilespmem:$0x1C200] =	vst v63  }
0x316: {  	s13 =	simm.s32 $0x13A00  }
0x317: {  	[tilespmem:s13], [sflag:$0x5] =	stream.indirect_vreg.gather [hbm4b:s11+s18], $0x80, v3, vm0, $0xb8;
	[tilespmem:$0x1C200] =	vst v63  }
0x318: {  	_ =	swait.ge [sflag:s19], $0x4000  }
0x319: {  	[sflag:s19] =	ssyncset.done $0x0  }
0x31a: {  	s0 =	simm.s32 $0x0;
	s5 =	simm.s32 $0x0;
	[sflag:s19] =	ssyncadd.s32 $0xFFFFC000  }
.LBB2_26:
0x31b: {  	s6 =	sand.u32 $0x7, s0  }
0x31c: {  	s6 =	sshll.u32 s6, $0x9  }
0x31d: {  	s6 =	sshrl.u32 s6, $0x2  }
0x31e: {  	v3 =	vmov s6;
	_ =	sdelay $0x2  }
0x31f: {  	s7 =	sand.u32 $0x3FFFE000, s18  }
0x320: {  	s6 =	sor.u32 $0x200, s7  }
0x321: {  	v4 =	vld.idx.msk [tilespmem:v3+s6+$0x4470 ss:$0x1], $0xffff  }
0x322: {  	s7 =	sadd.s32 $0x14670, s7;
	v5 =	vld.idx.msk [tilespmem:v3+s6+$0x4010 ss:$0x1], $0xffff  }
0x323: {  	v6 =	vld.idx.msk [tilespmem:v3+s7+$0x0 ss:$0x1], $0xffff  }
0x324: {  	v7 =	vld.idx.msk [tilespmem:v3+s6+$0x4020 ss:$0x1], $0xffff  }
0x325: {  	v8 =	vld.idx.msk [tilespmem:v3+s6+$0x4030 ss:$0x1], $0xffff  }
0x326: {  	v9 =	vld.idx.msk [tilespmem:v3+s6+$0x4040 ss:$0x1], $0xffff  }
0x327: {  	v10 =	vld.idx.msk [tilespmem:v3+s6+$0x4050 ss:$0x1], $0xffff  }
0x328: {  	v11 =	vld.idx.msk [tilespmem:v3+s6+$0x4060 ss:$0x1], $0xffff  }
0x329: {  	v12 =	vld.idx.msk [tilespmem:v3+s6+$0x4070 ss:$0x1], $0xffff  }
0x32a: {  	v13 =	vld.idx.msk [tilespmem:v3+s6+$0x4400 ss:$0x1], $0xffff  }
0x32b: {  	v14 =	vld.idx.msk [tilespmem:v3+s6+$0x4410 ss:$0x1], $0xffff  }
0x32c: {  	v15 =	vld.idx.msk [tilespmem:v3+s6+$0x4420 ss:$0x1], $0xffff  }
0x32d: {  	v16 =	vld.idx.msk [tilespmem:v3+s6+$0x4430 ss:$0x1], $0xffff  }
0x32e: {  	v17 =	vld.idx.msk [tilespmem:v3+s6+$0x4440 ss:$0x1], $0xffff  }
0x32f: {  	v18 =	vld.idx.msk [tilespmem:v3+s6+$0x4450 ss:$0x1], $0xffff  }
0x330: {  	v19 =	vld.idx.msk [tilespmem:v3+s6+$0x4460 ss:$0x1], $0xffff  }
0x331: {  	v20 =	vld.idx.msk [tilespmem:v3+s6+$0x4000 ss:$0x1], $0xffff  }
0x332: {  	v21 =	vld.idx.msk [tilespmem:v3+s7+$0xFFFFFB90 ss:$0x1], $0xffff  }
0x333: {  	v22 =	vld.idx.msk [tilespmem:v3+s7+$0xFFFFFBA0 ss:$0x1], $0xffff  }
0x334: {  	v23 =	vld.idx.msk [tilespmem:v3+s7+$0xFFFFFBB0 ss:$0x1], $0xffff  }
0x335: {  	v24 =	vld.idx.msk [tilespmem:v3+s7+$0xFFFFFBC0 ss:$0x1], $0xffff  }
0x336: {  	v25 =	vld.idx.msk [tilespmem:v3+s7+$0xFFFFFBD0 ss:$0x1], $0xffff  }
0x337: {  	v26 =	vld.idx.msk [tilespmem:v3+s7+$0xFFFFFBE0 ss:$0x1], $0xffff;
	v4 =	vmul.f32 $3.200000000e+01, v4  }
0x338: {  	v27 =	vld.idx.msk [tilespmem:v3+s7+$0xFFFFFBF0 ss:$0x1], $0xffff;
	v20 =	vmul.f32 $3.200000000e+01, v20  }
0x339: {  	v61 =	vld.idx.msk [tilespmem:v3+s7+$0xFFFFFF90 ss:$0x1], $0xffff;
	v5 =	vmul.f32 $3.200000000e+01, v5;
	v4 =	vadd.f32 v6, v4  }
0x33a: {  	v62 =	vmul.f32 $3.200000000e+01, v10;
	v10 =	vld.idx.msk [tilespmem:v3+s7+$0xFFFFFFA0 ss:$0x1], $0xffff;
	v6 =	vmul.f32 $3.200000000e+01, v7;
	v7 =	vadd.f32 v21, v20  }
0x33b: {  	v28 =	vmul.f32 $3.200000000e+01, v11;
	v63 =	vmul.f32 $3.200000000e+01, v12;
	v11 =	vld.idx.msk [tilespmem:v3+s7+$0xFFFFFFB0 ss:$0x1], $0xffff;
	v5 =	vadd.f32 v22, v5;
	[tilespmem:v3+s6+$0x4470 ss:$0x1] =	vst.idx.msk $0xffff, v4  }
0x33c: {  	v29 =	vmul.f32 $3.200000000e+01, v13;
	v20 =	vld.idx.msk [tilespmem:v3+s7+$0xFFFFFC00 ss:$0x1], $0xffff;
	v4 =	vmul.f32 $3.200000000e+01, v8;
	v6 =	vadd.f32 v23, v6;
	[tilespmem:v3+s6+$0x4000 ss:$0x1] =	vst.idx.msk $0xffff, v7  }
0x33d: {  	v12 =	vld.idx.msk [tilespmem:v3+s7+$0xFFFFFFC0 ss:$0x1], $0xffff;
	v8 =	vmul.f32 $3.200000000e+01, v9;
	[tilespmem:v3+s6+$0x4010 ss:$0x1] =	vst.idx.msk $0xffff, v5;
	v7 =	vmul.f32 $3.200000000e+01, v15;
	v15 =	vadd.f32 v26, v62  }
0x33e: {  	v13 =	vld.idx.msk [tilespmem:v3+s7+$0xFFFFFFD0 ss:$0x1], $0xffff;
	v9 =	vmul.f32 $3.200000000e+01, v14;
	v4 =	vadd.f32 v24, v4;
	[tilespmem:v3+s6+$0x4020 ss:$0x1] =	vst.idx.msk $0xffff, v6  }
0x33f: {  	v5 =	vmul.f32 $3.200000000e+01, v17;
	v17 =	vadd.f32 v61, v29;
	v14 =	vadd.f32 v25, v8;
	[tilespmem:v3+s6+$0x4050 ss:$0x1] =	vst.idx.msk $0xffff, v15  }
0x340: {  	v8 =	vmul.f32 $3.200000000e+01, v16;
	v16 =	vadd.f32 v27, v28;
	v15 =	vld.idx.msk [tilespmem:v3+s7+$0xFFFFFFF0 ss:$0x1], $0xffff;
	[tilespmem:v3+s6+$0x4030 ss:$0x1] =	vst.idx.msk $0xffff, v4  }
0x341: {  	s8 =	simm.s32 $0x0;
	s13 =	sadd.s32 $0x800, s6;
	v6 =	vmul.f32 $3.200000000e+01, v18;
	v18 =	vadd.f32 v20, v63;
	v4 =	vmul.f32 $3.200000000e+01, v19;
	[tilespmem:v3+s6+$0x4040 ss:$0x1] =	vst.idx.msk $0xffff, v14;
	v14 =	vld.idx.msk [tilespmem:v3+s7+$0xFFFFFFE0 ss:$0x1], $0xffff  }
.LBB2_27:
0x342: {  	v19 =	vld.idx.msk [tilespmem:v3+s13+$0x4470 ss:$0x1], $0xffff;
	s8 =	sadd.s32 $0x10, s8;
	[tilespmem:v3+s6+$0x4060 ss:$0x1] =	vst.idx.msk $0xffff, v16;
	v9 =	vadd.f32 v10, v9  }
0x343: {  	v7 =	vadd.f32 v11, v7;
	s7 =	sadd.s32 $0x800, s7;
	v10 =	vld.idx.msk [tilespmem:v3+s13+$0x4010 ss:$0x1], $0xffff;
	p0 =	slt.u32 s8, $0x30;
	[tilespmem:v3+s6+$0x4070 ss:$0x1] =	vst.idx.msk $0xffff, v18  }
0x344: {  	v8 =	vadd.f32 v12, v8;
	v11 =	vld.idx.msk [tilespmem:v3+s7+$0x0 ss:$0x1], $0xffff;
	[tilespmem:v3+s6+$0x4400 ss:$0x1] =	vst.idx.msk $0xffff, v17  }
0x345: {  	v5 =	vadd.f32 v13, v5;
	v12 =	vld.idx.msk [tilespmem:v3+s13+$0x4020 ss:$0x1], $0xffff;
	[tilespmem:v3+s6+$0x4410 ss:$0x1] =	vst.idx.msk $0xffff, v9  }
0x346: {  	v6 =	vadd.f32 v14, v6;
	v9 =	vld.idx.msk [tilespmem:v3+s13+$0x4030 ss:$0x1], $0xffff;
	[tilespmem:v3+s6+$0x4420 ss:$0x1] =	vst.idx.msk $0xffff, v7  }
0x347: {  	v4 =	vadd.f32 v15, v4;
	v7 =	vld.idx.msk [tilespmem:v3+s13+$0x4040 ss:$0x1], $0xffff;
	[tilespmem:v3+s6+$0x4430 ss:$0x1] =	vst.idx.msk $0xffff, v8  }
0x348: {  	v13 =	vmul.f32 $3.200000000e+01, v19;
	v8 =	vld.idx.msk [tilespmem:v3+s13+$0x4050 ss:$0x1], $0xffff;
	[tilespmem:v3+s6+$0x4440 ss:$0x1] =	vst.idx.msk $0xffff, v5  }
0x349: {  	v10 =	vmul.f32 $3.200000000e+01, v10;
	v5 =	vld.idx.msk [tilespmem:v3+s13+$0x4060 ss:$0x1], $0xffff;
	[tilespmem:v3+s6+$0x4450 ss:$0x1] =	vst.idx.msk $0xffff, v6  }
0x34a: {  	v11 =	vadd.f32 v11, v13;
	v6 =	vld.idx.msk [tilespmem:v3+s13+$0x4070 ss:$0x1], $0xffff;
	[tilespmem:v3+s6+$0x4460 ss:$0x1] =	vst.idx.msk $0xffff, v4;
	s6 =	smov.u32 s13  }
0x34b: {  	v12 =	vmul.f32 $3.200000000e+01, v12;
	v4 =	vld.idx.msk [tilespmem:v3+s13+$0x4400 ss:$0x1], $0xffff  }
0x34c: {  	v13 =	vmul.f32 $3.200000000e+01, v9;
	v9 =	vld.idx.msk [tilespmem:v3+s13+$0x4410 ss:$0x1], $0xffff;
	[tilespmem:v3+s13+$0x4470 ss:$0x1] =	vst.idx.msk $0xffff, v11  }
0x34d: {  	v11 =	vmul.f32 $3.200000000e+01, v7;
	v7 =	vld.idx.msk [tilespmem:v3+s13+$0x4420 ss:$0x1], $0xffff  }
0x34e: {  	v14 =	vmul.f32 $3.200000000e+01, v8;
	v8 =	vld.idx.msk [tilespmem:v3+s13+$0x4430 ss:$0x1], $0xffff  }
0x34f: {  	v15 =	vmul.f32 $3.200000000e+01, v5;
	v5 =	vld.idx.msk [tilespmem:v3+s13+$0x4440 ss:$0x1], $0xffff  }
0x350: {  	v17 =	vmul.f32 $3.200000000e+01, v6;
	v6 =	vld.idx.msk [tilespmem:v3+s13+$0x4450 ss:$0x1], $0xffff  }
0x351: {  	v19 =	vmul.f32 $3.200000000e+01, v4;
	v4 =	vld.idx.msk [tilespmem:v3+s13+$0x4460 ss:$0x1], $0xffff  }
0x352: {  	v9 =	vmul.f32 $3.200000000e+01, v9;
	v16 =	vld.idx.msk [tilespmem:v3+s13+$0x4000 ss:$0x1], $0xffff  }
0x353: {  	v7 =	vmul.f32 $3.200000000e+01, v7;
	v18 =	vld.idx.msk [tilespmem:v3+s7+$0xFFFFFB90 ss:$0x1], $0xffff  }
0x354: {  	v8 =	vmul.f32 $3.200000000e+01, v8;
	v20 =	vld.idx.msk [tilespmem:v3+s7+$0xFFFFFBA0 ss:$0x1], $0xffff  }
0x355: {  	v5 =	vmul.f32 $3.200000000e+01, v5;
	v21 =	vld.idx.msk [tilespmem:v3+s7+$0xFFFFFBB0 ss:$0x1], $0xffff  }
0x356: {  	v6 =	vmul.f32 $3.200000000e+01, v6;
	v22 =	vld.idx.msk [tilespmem:v3+s7+$0xFFFFFBC0 ss:$0x1], $0xffff  }
0x357: {  	v4 =	vmul.f32 $3.200000000e+01, v4;
	v23 =	vld.idx.msk [tilespmem:v3+s7+$0xFFFFFBD0 ss:$0x1], $0xffff  }
0x358: {  	v16 =	vmul.f32 $3.200000000e+01, v16;
	v24 =	vld.idx.msk [tilespmem:v3+s7+$0xFFFFFBE0 ss:$0x1], $0xffff  }
0x359: {  	v25 =	vld.idx.msk [tilespmem:v3+s7+$0xFFFFFBF0 ss:$0x1], $0xffff  }
0x35a: {  	v16 =	vadd.f32 v18, v16;
	v18 =	vadd.f32 v20, v10;
	v20 =	vld.idx.msk [tilespmem:v3+s7+$0xFFFFFC00 ss:$0x1], $0xffff  }
0x35b: {  	v12 =	vadd.f32 v21, v12;
	v21 =	vld.idx.msk [tilespmem:v3+s7+$0xFFFFFF90 ss:$0x1], $0xffff  }
0x35c: {  	v13 =	vadd.f32 v22, v13;
	[tilespmem:v3+s13+$0x4000 ss:$0x1] =	vst.idx.msk $0xffff, v16;
	v10 =	vld.idx.msk [tilespmem:v3+s7+$0xFFFFFFA0 ss:$0x1], $0xffff  }
.Ltmp12:
0x35d: {  	[tilespmem:v3+s13+$0x4010 ss:$0x1] =	vst.idx.msk $0xffff, v18;
	v18 =	vadd.f32 v23, v11;
	v11 =	vld.idx.msk [tilespmem:v3+s7+$0xFFFFFFB0 ss:$0x1], $0xffff;
	(pc) =	sbr.rel @p0 .LBB2_27-.Ltmp12, $4  }
0x35e: {  	v22 =	vadd.f32 v24, v14;
	[tilespmem:v3+s13+$0x4020 ss:$0x1] =	vst.idx.msk $0xffff, v12;
	v12 =	vld.idx.msk [tilespmem:v3+s7+$0xFFFFFFC0 ss:$0x1], $0xffff  }
0x35f: {  	v16 =	vadd.f32 v25, v15;
	[tilespmem:v3+s13+$0x4030 ss:$0x1] =	vst.idx.msk $0xffff, v13;
	v13 =	vld.idx.msk [tilespmem:v3+s7+$0xFFFFFFD0 ss:$0x1], $0xffff  }
0x360: {  	[tilespmem:v3+s13+$0x4040 ss:$0x1] =	vst.idx.msk $0xffff, v18;
	v18 =	vadd.f32 v20, v17;
	v14 =	vld.idx.msk [tilespmem:v3+s7+$0xFFFFFFE0 ss:$0x1], $0xffff  }
0x361: {  	v17 =	vadd.f32 v21, v19;
	s13 =	sadd.s32 $0x800, s13;
	[tilespmem:v3+s6+$0x4050 ss:$0x1] =	vst.idx.msk $0xffff, v22;
	v15 =	vld.idx.msk [tilespmem:v3+s7+$0xFFFFFFF0 ss:$0x1], $0xffff  }
0x362: {  	_ =	sdelay $0x3  }
0x363: {  	[tilespmem:v3+s6+$0x4060 ss:$0x1] =	vst.idx.msk $0xffff, v16  }
0x364: {  	v9 =	vadd.f32 v10, v9;
	[tilespmem:v3+s6+$0x4070 ss:$0x1] =	vst.idx.msk $0xffff, v18  }
0x365: {  	v7 =	vadd.f32 v11, v7;
	s5 =	sadd.s32 $0x1, s5;
	[tilespmem:v3+s6+$0x4400 ss:$0x1] =	vst.idx.msk $0xffff, v17  }
0x366: {  	v8 =	vadd.f32 v12, v8;
	p0 =	sne.s32 s5, $0x10;
	[tilespmem:v3+s6+$0x4410 ss:$0x1] =	vst.idx.msk $0xffff, v9  }
.Ltmp13:
0x367: {  	v5 =	vadd.f32 v13, v5;
	[tilespmem:v3+s6+$0x4420 ss:$0x1] =	vst.idx.msk $0xffff, v7;
	(pc) =	sbr.rel @p0 .LBB2_26-.Ltmp13, $4  }
0x368: {  	v6 =	vadd.f32 v14, v6;
	[tilespmem:v3+s6+$0x4430 ss:$0x1] =	vst.idx.msk $0xffff, v8  }
0x369: {  	v4 =	vadd.f32 v15, v4;
	[tilespmem:v3+s6+$0x4440 ss:$0x1] =	vst.idx.msk $0xffff, v5  }
0x36a: {  	[tilespmem:v3+s6+$0x4450 ss:$0x1] =	vst.idx.msk $0xffff, v6  }
0x36b: {  	s0 =	sadd.s32 $0x1, s0;
	s18 =	sadd.s32 $0x400, s18;
	[tilespmem:v3+s6+$0x4460 ss:$0x1] =	vst.idx.msk $0xffff, v4  }
0x36c: {  	s18 =	simm.s32 $0x0;
	s0 =	rddreg [dreg:$0x10]  }
0x36d: {  	[hbm4b:s0+s18] =	stream.linear.scatter [tilespmem:s15], [sflag:$0x7], $0x4000, $0x38;
	[tilespmem:$0x1C200] =	vst v63  }
0x36e: {  	_ =	swait.ge [sflag:s20], $0x4000  }
0x36f: {  	[sflag:s20] =	ssyncset.done $0x0  }
0x370: {  	[sflag:s20] =	ssyncadd.s32 $0xFFFFC000  }
0x371: {  	v3 =	vld [tilespmem:$0xA0];
	_ =	sdelay $0x4  }
0x372: {  	v4 =	vshll.u32 v3, $0x3  }
0x373: {  	v3 =	vand.u32 $0x7, v3;
	v4 =	vand.u32 $0xFFFFFFC0, v4  }
0x374: {  	v3 =	vor.u32 v3, v4  }
0x375: {  	v4 =	vperm.xlane v3, v0;
	_ =	sdelay $0x1  }
0x376: {  	v4 =	vadd.s32 v1, v4;
	_ =	sdelay $0x4  }
0x377: {  	[tilespmem:s2], [sflag:$0x1] =	stream.indirect_vreg.gather [hbm4b:s1+s18], $0x80, v4, vm0, $0xb8;
	[tilespmem:$0x1C200] =	vst v63  }
0x378: {  	s13 =	simm.s32 $0xA00;
	v3 =	vperm.xlane v3, v2  }
0x379: {  	[tilespmem:s13], [sflag:$0x1] =	stream.indirect_vreg.gather [hbm4b:s9+s18], $0x80, v4, vm0, $0xb8;
	[tilespmem:$0x1C200] =	vst v63  }
0x37a: {  	s5 =	simm.s32 $0x1200;
	v3 =	vadd.s32 v1, v3  }
0x37b: {  	[tilespmem:s5], [sflag:$0x1] =	stream.indirect_vreg.gather [hbm4b:s10+s18], $0x80, v4, vm0, $0xb8;
	[tilespmem:$0x1C200] =	vst v63  }
0x37c: {  	s6 =	simm.s32 $0x1A00  }
0x37d: {  	[tilespmem:s6], [sflag:$0x1] =	stream.indirect_vreg.gather [hbm4b:s11+s18], $0x80, v4, vm0, $0xb8;
	[tilespmem:$0x1C200] =	vst v63  }
0x37e: {  	s7 =	simm.s32 $0x2200  }
0x37f: {  	[tilespmem:s7], [sflag:$0x1] =	stream.indirect_vreg.gather [hbm4b:s1+s18], $0x80, v3, vm0, $0xb8;
	[tilespmem:$0x1C200] =	vst v63  }
0x380: {  	s8 =	simm.s32 $0x2A00  }
0x381: {  	[tilespmem:s8], [sflag:$0x1] =	stream.indirect_vreg.gather [hbm4b:s9+s18], $0x80, v3, vm0, $0xb8;
	[tilespmem:$0x1C200] =	vst v63  }
0x382: {  	s13 =	simm.s32 $0x3200  }
0x383: {  	[tilespmem:s13], [sflag:$0x1] =	stream.indirect_vreg.gather [hbm4b:s10+s18], $0x80, v3, vm0, $0xb8;
	[tilespmem:$0x1C200] =	vst v63  }
0x384: {  	_ = 	snop  }
0x385: {  	[tilespmem:s14], [sflag:$0x1] =	stream.indirect_vreg.gather [hbm4b:s11+s18], $0x80, v3, vm0, $0xb8;
	[tilespmem:$0x1C200] =	vst v63  }
0x386: {  	_ =	swait.ge [sflag:s21], $0x4000  }
0x387: {  	[sflag:s21] =	ssyncset.done $0x0  }
0x388: {  	s0 =	simm.s32 $0x0;
	s5 =	simm.s32 $0x0;
	[sflag:s21] =	ssyncadd.s32 $0xFFFFC000  }
.LBB2_30:
0x389: {  	s6 =	sand.u32 $0x7, s0  }
0x38a: {  	s6 =	sshll.u32 s6, $0x9  }
0x38b: {  	s6 =	sshrl.u32 s6, $0x2  }
0x38c: {  	v3 =	vmov s6;
	_ =	sdelay $0x2  }
0x38d: {  	s7 =	sand.u32 $0x3FFFE000, s18  }
0x38e: {  	s6 =	sor.u32 $0x200, s7  }
0x38f: {  	v4 =	vld.idx.msk [tilespmem:v3+s6+$0x8470 ss:$0x1], $0xffff  }
0x390: {  	s7 =	sadd.s32 $0x18600, s7;
	v5 =	vld.idx.msk [tilespmem:v3+s6+$0x8010 ss:$0x1], $0xffff  }
0x391: {  	v6 =	vld.idx.msk [tilespmem:v3+s7+$0x70 ss:$0x1], $0xffff  }
0x392: {  	v7 =	vld.idx.msk [tilespmem:v3+s6+$0x8020 ss:$0x1], $0xffff  }
0x393: {  	v8 =	vld.idx.msk [tilespmem:v3+s6+$0x8030 ss:$0x1], $0xffff  }
0x394: {  	v9 =	vld.idx.msk [tilespmem:v3+s6+$0x8040 ss:$0x1], $0xffff  }
0x395: {  	v10 =	vld.idx.msk [tilespmem:v3+s6+$0x8050 ss:$0x1], $0xffff  }
0x396: {  	v11 =	vld.idx.msk [tilespmem:v3+s6+$0x8060 ss:$0x1], $0xffff  }
0x397: {  	v12 =	vld.idx.msk [tilespmem:v3+s6+$0x8070 ss:$0x1], $0xffff  }
0x398: {  	v13 =	vld.idx.msk [tilespmem:v3+s6+$0x8400 ss:$0x1], $0xffff  }
0x399: {  	v14 =	vld.idx.msk [tilespmem:v3+s6+$0x8410 ss:$0x1], $0xffff  }
0x39a: {  	v15 =	vld.idx.msk [tilespmem:v3+s6+$0x8420 ss:$0x1], $0xffff  }
0x39b: {  	v16 =	vld.idx.msk [tilespmem:v3+s6+$0x8430 ss:$0x1], $0xffff  }
0x39c: {  	v17 =	vld.idx.msk [tilespmem:v3+s6+$0x8440 ss:$0x1], $0xffff  }
0x39d: {  	v18 =	vld.idx.msk [tilespmem:v3+s6+$0x8450 ss:$0x1], $0xffff  }
0x39e: {  	v19 =	vld.idx.msk [tilespmem:v3+s6+$0x8460 ss:$0x1], $0xffff  }
0x39f: {  	v20 =	vld.idx.msk [tilespmem:v3+s6+$0x8000 ss:$0x1], $0xffff  }
0x3a0: {  	v21 =	vld.idx.msk [tilespmem:v3+s7+$0xFFFFFC00 ss:$0x1], $0xffff  }
0x3a1: {  	v22 =	vld.idx.msk [tilespmem:v3+s7+$0xFFFFFC10 ss:$0x1], $0xffff  }
0x3a2: {  	v23 =	vld.idx.msk [tilespmem:v3+s7+$0xFFFFFC20 ss:$0x1], $0xffff  }
0x3a3: {  	v24 =	vld.idx.msk [tilespmem:v3+s7+$0xFFFFFC30 ss:$0x1], $0xffff  }
0x3a4: {  	v25 =	vld.idx.msk [tilespmem:v3+s7+$0xFFFFFC40 ss:$0x1], $0xffff  }
0x3a5: {  	v26 =	vld.idx.msk [tilespmem:v3+s7+$0xFFFFFC50 ss:$0x1], $0xffff;
	v4 =	vmul.f32 $3.200000000e+01, v4  }
0x3a6: {  	v27 =	vld.idx.msk [tilespmem:v3+s7+$0xFFFFFC60 ss:$0x1], $0xffff;
	v20 =	vmul.f32 $3.200000000e+01, v20  }
0x3a7: {  	v61 =	vld.idx.msk [tilespmem:v3+s7+$0x0 ss:$0x1], $0xffff;
	v5 =	vmul.f32 $3.200000000e+01, v5;
	v4 =	vadd.f32 v6, v4  }
0x3a8: {  	v62 =	vmul.f32 $3.200000000e+01, v10;
	v10 =	vld.idx.msk [tilespmem:v3+s7+$0x10 ss:$0x1], $0xffff;
	v6 =	vmul.f32 $3.200000000e+01, v7;
	v7 =	vadd.f32 v21, v20  }
0x3a9: {  	v28 =	vmul.f32 $3.200000000e+01, v11;
	v63 =	vmul.f32 $3.200000000e+01, v12;
	v11 =	vld.idx.msk [tilespmem:v3+s7+$0x20 ss:$0x1], $0xffff;
	v5 =	vadd.f32 v22, v5;
	[tilespmem:v3+s6+$0x8470 ss:$0x1] =	vst.idx.msk $0xffff, v4  }
0x3aa: {  	v29 =	vmul.f32 $3.200000000e+01, v13;
	v20 =	vld.idx.msk [tilespmem:v3+s7+$0xFFFFFC70 ss:$0x1], $0xffff;
	v4 =	vmul.f32 $3.200000000e+01, v8;
	v6 =	vadd.f32 v23, v6;
	[tilespmem:v3+s6+$0x8000 ss:$0x1] =	vst.idx.msk $0xffff, v7  }
0x3ab: {  	v12 =	vld.idx.msk [tilespmem:v3+s7+$0x30 ss:$0x1], $0xffff;
	v8 =	vmul.f32 $3.200000000e+01, v9;
	[tilespmem:v3+s6+$0x8010 ss:$0x1] =	vst.idx.msk $0xffff, v5;
	v7 =	vmul.f32 $3.200000000e+01, v15;
	v15 =	vadd.f32 v26, v62  }
0x3ac: {  	v13 =	vld.idx.msk [tilespmem:v3+s7+$0x40 ss:$0x1], $0xffff;
	v9 =	vmul.f32 $3.200000000e+01, v14;
	v4 =	vadd.f32 v24, v4;
	[tilespmem:v3+s6+$0x8020 ss:$0x1] =	vst.idx.msk $0xffff, v6  }
0x3ad: {  	v5 =	vmul.f32 $3.200000000e+01, v17;
	v17 =	vadd.f32 v61, v29;
	v14 =	vadd.f32 v25, v8;
	[tilespmem:v3+s6+$0x8050 ss:$0x1] =	vst.idx.msk $0xffff, v15  }
0x3ae: {  	v8 =	vmul.f32 $3.200000000e+01, v16;
	v16 =	vadd.f32 v27, v28;
	v15 =	vld.idx.msk [tilespmem:v3+s7+$0x60 ss:$0x1], $0xffff;
	[tilespmem:v3+s6+$0x8030 ss:$0x1] =	vst.idx.msk $0xffff, v4  }
0x3af: {  	s8 =	simm.s32 $0x0;
	s13 =	sadd.s32 $0x800, s6;
	v6 =	vmul.f32 $3.200000000e+01, v18;
	v18 =	vadd.f32 v20, v63;
	v4 =	vmul.f32 $3.200000000e+01, v19;
	[tilespmem:v3+s6+$0x8040 ss:$0x1] =	vst.idx.msk $0xffff, v14;
	v14 =	vld.idx.msk [tilespmem:v3+s7+$0x50 ss:$0x1], $0xffff  }
.LBB2_31:
0x3b0: {  	v19 =	vld.idx.msk [tilespmem:v3+s13+$0x8470 ss:$0x1], $0xffff;
	s8 =	sadd.s32 $0x10, s8;
	[tilespmem:v3+s6+$0x8060 ss:$0x1] =	vst.idx.msk $0xffff, v16;
	v9 =	vadd.f32 v10, v9  }
0x3b1: {  	v7 =	vadd.f32 v11, v7;
	s7 =	sadd.s32 $0x800, s7;
	v10 =	vld.idx.msk [tilespmem:v3+s13+$0x8010 ss:$0x1], $0xffff;
	p0 =	slt.u32 s8, $0x30;
	[tilespmem:v3+s6+$0x8070 ss:$0x1] =	vst.idx.msk $0xffff, v18  }
0x3b2: {  	v8 =	vadd.f32 v12, v8;
	v11 =	vld.idx.msk [tilespmem:v3+s7+$0x70 ss:$0x1], $0xffff;
	[tilespmem:v3+s6+$0x8400 ss:$0x1] =	vst.idx.msk $0xffff, v17  }
0x3b3: {  	v5 =	vadd.f32 v13, v5;
	v12 =	vld.idx.msk [tilespmem:v3+s13+$0x8020 ss:$0x1], $0xffff;
	[tilespmem:v3+s6+$0x8410 ss:$0x1] =	vst.idx.msk $0xffff, v9  }
0x3b4: {  	v6 =	vadd.f32 v14, v6;
	v9 =	vld.idx.msk [tilespmem:v3+s13+$0x8030 ss:$0x1], $0xffff;
	[tilespmem:v3+s6+$0x8420 ss:$0x1] =	vst.idx.msk $0xffff, v7  }
0x3b5: {  	v4 =	vadd.f32 v15, v4;
	v7 =	vld.idx.msk [tilespmem:v3+s13+$0x8040 ss:$0x1], $0xffff;
	[tilespmem:v3+s6+$0x8430 ss:$0x1] =	vst.idx.msk $0xffff, v8  }
0x3b6: {  	v13 =	vmul.f32 $3.200000000e+01, v19;
	v8 =	vld.idx.msk [tilespmem:v3+s13+$0x8050 ss:$0x1], $0xffff;
	[tilespmem:v3+s6+$0x8440 ss:$0x1] =	vst.idx.msk $0xffff, v5  }
0x3b7: {  	v10 =	vmul.f32 $3.200000000e+01, v10;
	v5 =	vld.idx.msk [tilespmem:v3+s13+$0x8060 ss:$0x1], $0xffff;
	[tilespmem:v3+s6+$0x8450 ss:$0x1] =	vst.idx.msk $0xffff, v6  }
0x3b8: {  	v11 =	vadd.f32 v11, v13;
	v6 =	vld.idx.msk [tilespmem:v3+s13+$0x8070 ss:$0x1], $0xffff;
	[tilespmem:v3+s6+$0x8460 ss:$0x1] =	vst.idx.msk $0xffff, v4;
	s6 =	smov.u32 s13  }
0x3b9: {  	v12 =	vmul.f32 $3.200000000e+01, v12;
	v4 =	vld.idx.msk [tilespmem:v3+s13+$0x8400 ss:$0x1], $0xffff  }
0x3ba: {  	v13 =	vmul.f32 $3.200000000e+01, v9;
	v9 =	vld.idx.msk [tilespmem:v3+s13+$0x8410 ss:$0x1], $0xffff;
	[tilespmem:v3+s13+$0x8470 ss:$0x1] =	vst.idx.msk $0xffff, v11  }
0x3bb: {  	v11 =	vmul.f32 $3.200000000e+01, v7;
	v7 =	vld.idx.msk [tilespmem:v3+s13+$0x8420 ss:$0x1], $0xffff  }
0x3bc: {  	v14 =	vmul.f32 $3.200000000e+01, v8;
	v8 =	vld.idx.msk [tilespmem:v3+s13+$0x8430 ss:$0x1], $0xffff  }
0x3bd: {  	v15 =	vmul.f32 $3.200000000e+01, v5;
	v5 =	vld.idx.msk [tilespmem:v3+s13+$0x8440 ss:$0x1], $0xffff  }
0x3be: {  	v17 =	vmul.f32 $3.200000000e+01, v6;
	v6 =	vld.idx.msk [tilespmem:v3+s13+$0x8450 ss:$0x1], $0xffff  }
0x3bf: {  	v19 =	vmul.f32 $3.200000000e+01, v4;
	v4 =	vld.idx.msk [tilespmem:v3+s13+$0x8460 ss:$0x1], $0xffff  }
0x3c0: {  	v9 =	vmul.f32 $3.200000000e+01, v9;
	v16 =	vld.idx.msk [tilespmem:v3+s13+$0x8000 ss:$0x1], $0xffff  }
0x3c1: {  	v7 =	vmul.f32 $3.200000000e+01, v7;
	v18 =	vld.idx.msk [tilespmem:v3+s7+$0xFFFFFC00 ss:$0x1], $0xffff  }
0x3c2: {  	v8 =	vmul.f32 $3.200000000e+01, v8;
	v20 =	vld.idx.msk [tilespmem:v3+s7+$0xFFFFFC10 ss:$0x1], $0xffff  }
0x3c3: {  	v5 =	vmul.f32 $3.200000000e+01, v5;
	v21 =	vld.idx.msk [tilespmem:v3+s7+$0xFFFFFC20 ss:$0x1], $0xffff  }
0x3c4: {  	v6 =	vmul.f32 $3.200000000e+01, v6;
	v22 =	vld.idx.msk [tilespmem:v3+s7+$0xFFFFFC30 ss:$0x1], $0xffff  }
0x3c5: {  	v4 =	vmul.f32 $3.200000000e+01, v4;
	v23 =	vld.idx.msk [tilespmem:v3+s7+$0xFFFFFC40 ss:$0x1], $0xffff  }
0x3c6: {  	v16 =	vmul.f32 $3.200000000e+01, v16;
	v24 =	vld.idx.msk [tilespmem:v3+s7+$0xFFFFFC50 ss:$0x1], $0xffff  }
0x3c7: {  	v25 =	vld.idx.msk [tilespmem:v3+s7+$0xFFFFFC60 ss:$0x1], $0xffff  }
0x3c8: {  	v16 =	vadd.f32 v18, v16;
	v18 =	vadd.f32 v20, v10;
	v20 =	vld.idx.msk [tilespmem:v3+s7+$0xFFFFFC70 ss:$0x1], $0xffff  }
0x3c9: {  	v12 =	vadd.f32 v21, v12;
	v21 =	vld.idx.msk [tilespmem:v3+s7+$0x0 ss:$0x1], $0xffff  }
0x3ca: {  	v13 =	vadd.f32 v22, v13;
	[tilespmem:v3+s13+$0x8000 ss:$0x1] =	vst.idx.msk $0xffff, v16;
	v10 =	vld.idx.msk [tilespmem:v3+s7+$0x10 ss:$0x1], $0xffff  }
.Ltmp14:
0x3cb: {  	[tilespmem:v3+s13+$0x8010 ss:$0x1] =	vst.idx.msk $0xffff, v18;
	v18 =	vadd.f32 v23, v11;
	v11 =	vld.idx.msk [tilespmem:v3+s7+$0x20 ss:$0x1], $0xffff;
	(pc) =	sbr.rel @p0 .LBB2_31-.Ltmp14, $4  }
0x3cc: {  	v22 =	vadd.f32 v24, v14;
	[tilespmem:v3+s13+$0x8020 ss:$0x1] =	vst.idx.msk $0xffff, v12;
	v12 =	vld.idx.msk [tilespmem:v3+s7+$0x30 ss:$0x1], $0xffff  }
0x3cd: {  	v16 =	vadd.f32 v25, v15;
	[tilespmem:v3+s13+$0x8030 ss:$0x1] =	vst.idx.msk $0xffff, v13;
	v13 =	vld.idx.msk [tilespmem:v3+s7+$0x40 ss:$0x1], $0xffff  }
0x3ce: {  	[tilespmem:v3+s13+$0x8040 ss:$0x1] =	vst.idx.msk $0xffff, v18;
	v18 =	vadd.f32 v20, v17;
	v14 =	vld.idx.msk [tilespmem:v3+s7+$0x50 ss:$0x1], $0xffff  }
0x3cf: {  	v17 =	vadd.f32 v21, v19;
	s13 =	sadd.s32 $0x800, s13;
	[tilespmem:v3+s6+$0x8050 ss:$0x1] =	vst.idx.msk $0xffff, v22;
	v15 =	vld.idx.msk [tilespmem:v3+s7+$0x60 ss:$0x1], $0xffff  }
0x3d0: {  	_ =	sdelay $0x3  }
0x3d1: {  	[tilespmem:v3+s6+$0x8060 ss:$0x1] =	vst.idx.msk $0xffff, v16  }
0x3d2: {  	v9 =	vadd.f32 v10, v9;
	[tilespmem:v3+s6+$0x8070 ss:$0x1] =	vst.idx.msk $0xffff, v18  }
0x3d3: {  	v7 =	vadd.f32 v11, v7;
	s5 =	sadd.s32 $0x1, s5;
	[tilespmem:v3+s6+$0x8400 ss:$0x1] =	vst.idx.msk $0xffff, v17  }
0x3d4: {  	v8 =	vadd.f32 v12, v8;
	p0 =	sne.s32 s5, $0x10;
	[tilespmem:v3+s6+$0x8410 ss:$0x1] =	vst.idx.msk $0xffff, v9  }
.Ltmp15:
0x3d5: {  	v5 =	vadd.f32 v13, v5;
	[tilespmem:v3+s6+$0x8420 ss:$0x1] =	vst.idx.msk $0xffff, v7;
	(pc) =	sbr.rel @p0 .LBB2_30-.Ltmp15, $4  }
0x3d6: {  	v6 =	vadd.f32 v14, v6;
	[tilespmem:v3+s6+$0x8430 ss:$0x1] =	vst.idx.msk $0xffff, v8  }
0x3d7: {  	v4 =	vadd.f32 v15, v4;
	[tilespmem:v3+s6+$0x8440 ss:$0x1] =	vst.idx.msk $0xffff, v5  }
0x3d8: {  	[tilespmem:v3+s6+$0x8450 ss:$0x1] =	vst.idx.msk $0xffff, v6  }
0x3d9: {  	s0 =	sadd.s32 $0x1, s0;
	s18 =	sadd.s32 $0x400, s18;
	[tilespmem:v3+s6+$0x8460 ss:$0x1] =	vst.idx.msk $0xffff, v4  }
0x3da: {  	s18 =	simm.s32 $0x0;
	s0 =	rddreg [dreg:$0x11];
	s5 =	simm.s32 $0x14200  }
0x3db: {  	[tilespmem:s5], [sflag:$0xB] =	stream.linear.gather [hbm4b:s0+s18], $0x8000, $0x38;
	[tilespmem:$0x1C200] =	vst v63  }
0x3dc: {  	s7 =	rddreg [dreg:$0x12]  }
0x3dd: {  	[hbm4b:s7+s18] =	stream.linear.scatter [tilespmem:s23], [sflag:$0x8], $0x4000, $0x38;
	[tilespmem:$0x1C200] =	vst v63  }
0x3de: {  	_ =	swait.ge [sflag:s22], $0x4000  }
0x3df: {  	[sflag:s22] =	ssyncset.done $0x0  }
0x3e0: {  	[sflag:s22] =	ssyncadd.s32 $0xFFFFC000  }
0x3e1: {  	v3 =	vld [tilespmem:$0xB0];
	_ =	sdelay $0x4  }
0x3e2: {  	v4 =	vshll.u32 v3, $0x3  }
0x3e3: {  	v3 =	vand.u32 $0x7, v3;
	v4 =	vand.u32 $0xFFFFFFC0, v4  }
0x3e4: {  	v3 =	vor.u32 v3, v4  }
0x3e5: {  	v4 =	vperm.xlane v3, v0;
	_ =	sdelay $0x1  }
0x3e6: {  	v4 =	vadd.s32 v1, v4;
	_ =	sdelay $0x4  }
0x3e7: {  	[tilespmem:s15], [sflag:$0x2] =	stream.indirect_vreg.gather [hbm4b:s1+s18], $0x80, v4, vm0, $0xb8;
	[tilespmem:$0x1C200] =	vst v63  }
0x3e8: {  	s8 =	simm.s32 $0x4A00;
	v3 =	vperm.xlane v3, v2  }
0x3e9: {  	[tilespmem:s8], [sflag:$0x2] =	stream.indirect_vreg.gather [hbm4b:s9+s18], $0x80, v4, vm0, $0xb8;
	[tilespmem:$0x1C200] =	vst v63  }
0x3ea: {  	s13 =	simm.s32 $0x5200;
	v3 =	vadd.s32 v1, v3  }
0x3eb: {  	[tilespmem:s13], [sflag:$0x2] =	stream.indirect_vreg.gather [hbm4b:s10+s18], $0x80, v4, vm0, $0xb8;
	[tilespmem:$0x1C200] =	vst v63  }
0x3ec: {  	s5 =	simm.s32 $0x5A00  }
0x3ed: {  	[tilespmem:s5], [sflag:$0x2] =	stream.indirect_vreg.gather [hbm4b:s11+s18], $0x80, v4, vm0, $0xb8;
	[tilespmem:$0x1C200] =	vst v63  }
0x3ee: {  	s6 =	simm.s32 $0x6200  }
0x3ef: {  	[tilespmem:s6], [sflag:$0x2] =	stream.indirect_vreg.gather [hbm4b:s1+s18], $0x80, v3, vm0, $0xb8;
	[tilespmem:$0x1C200] =	vst v63  }
0x3f0: {  	s7 =	simm.s32 $0x6A00  }
0x3f1: {  	[tilespmem:s7], [sflag:$0x2] =	stream.indirect_vreg.gather [hbm4b:s9+s18], $0x80, v3, vm0, $0xb8;
	[tilespmem:$0x1C200] =	vst v63  }
0x3f2: {  	s8 =	simm.s32 $0x7200  }
0x3f3: {  	[tilespmem:s8], [sflag:$0x2] =	stream.indirect_vreg.gather [hbm4b:s10+s18], $0x80, v3, vm0, $0xb8;
	[tilespmem:$0x1C200] =	vst v63  }
0x3f4: {  	s13 =	simm.s32 $0x7A00  }
0x3f5: {  	[tilespmem:s13], [sflag:$0x2] =	stream.indirect_vreg.gather [hbm4b:s11+s18], $0x80, v3, vm0, $0xb8;
	[tilespmem:$0x1C200] =	vst v63  }
0x3f6: {  	_ =	swait.ge [sflag:s24], $0x8000  }
0x3f7: {  	[sflag:s24] =	ssyncset.done $0x0  }
0x3f8: {  	[sflag:s24] =	ssyncadd.s32 $0xFFFF8000  }
0x3f9: {  	_ =	swait.ge [sflag:s28], $0x4000  }
0x3fa: {  	[sflag:s28] =	ssyncset.done $0x0  }
0x3fb: {  	s0 =	simm.s32 $0x0;
	s5 =	simm.s32 $0x0;
	[sflag:s28] =	ssyncadd.s32 $0xFFFFC000  }
.LBB2_34:
0x3fc: {  	s6 =	sand.u32 $0x7, s0  }
0x3fd: {  	s6 =	sshll.u32 s6, $0x9  }
0x3fe: {  	s6 =	sshrl.u32 s6, $0x2  }
0x3ff: {  	v3 =	vmov s6;
	_ =	sdelay $0x2  }
0x400: {  	s7 =	sand.u32 $0x3FFFE000, s18  }
0x401: {  	s6 =	sor.u32 $0x200, s7  }
0x402: {  	v4 =	vld.idx.msk [tilespmem:v3+s6+$0xC470 ss:$0x1], $0xffff  }
0x403: {  	s7 =	sadd.s32 $0x14670, s7;
	v5 =	vld.idx.msk [tilespmem:v3+s6+$0xC010 ss:$0x1], $0xffff  }
0x404: {  	v6 =	vld.idx.msk [tilespmem:v3+s7+$0x0 ss:$0x1], $0xffff  }
0x405: {  	v7 =	vld.idx.msk [tilespmem:v3+s6+$0xC020 ss:$0x1], $0xffff  }
0x406: {  	v8 =	vld.idx.msk [tilespmem:v3+s6+$0xC030 ss:$0x1], $0xffff  }
0x407: {  	v9 =	vld.idx.msk [tilespmem:v3+s6+$0xC040 ss:$0x1], $0xffff  }
0x408: {  	v10 =	vld.idx.msk [tilespmem:v3+s6+$0xC050 ss:$0x1], $0xffff  }
0x409: {  	v11 =	vld.idx.msk [tilespmem:v3+s6+$0xC060 ss:$0x1], $0xffff  }
0x40a: {  	v12 =	vld.idx.msk [tilespmem:v3+s6+$0xC070 ss:$0x1], $0xffff  }
0x40b: {  	v13 =	vld.idx.msk [tilespmem:v3+s6+$0xC400 ss:$0x1], $0xffff  }
0x40c: {  	v14 =	vld.idx.msk [tilespmem:v3+s6+$0xC410 ss:$0x1], $0xffff  }
0x40d: {  	v15 =	vld.idx.msk [tilespmem:v3+s6+$0xC420 ss:$0x1], $0xffff  }
0x40e: {  	v16 =	vld.idx.msk [tilespmem:v3+s6+$0xC430 ss:$0x1], $0xffff  }
0x40f: {  	v17 =	vld.idx.msk [tilespmem:v3+s6+$0xC440 ss:$0x1], $0xffff  }
0x410: {  	v18 =	vld.idx.msk [tilespmem:v3+s6+$0xC450 ss:$0x1], $0xffff  }
0x411: {  	v19 =	vld.idx.msk [tilespmem:v3+s6+$0xC460 ss:$0x1], $0xffff  }
0x412: {  	v20 =	vld.idx.msk [tilespmem:v3+s6+$0xC000 ss:$0x1], $0xffff  }
0x413: {  	v21 =	vld.idx.msk [tilespmem:v3+s7+$0xFFFFFB90 ss:$0x1], $0xffff  }
0x414: {  	v22 =	vld.idx.msk [tilespmem:v3+s7+$0xFFFFFBA0 ss:$0x1], $0xffff  }
0x415: {  	v23 =	vld.idx.msk [tilespmem:v3+s7+$0xFFFFFBB0 ss:$0x1], $0xffff  }
0x416: {  	v24 =	vld.idx.msk [tilespmem:v3+s7+$0xFFFFFBC0 ss:$0x1], $0xffff  }
0x417: {  	v25 =	vld.idx.msk [tilespmem:v3+s7+$0xFFFFFBD0 ss:$0x1], $0xffff  }
0x418: {  	v26 =	vld.idx.msk [tilespmem:v3+s7+$0xFFFFFBE0 ss:$0x1], $0xffff;
	v4 =	vmul.f32 $3.200000000e+01, v4  }
0x419: {  	v27 =	vld.idx.msk [tilespmem:v3+s7+$0xFFFFFBF0 ss:$0x1], $0xffff;
	v20 =	vmul.f32 $3.200000000e+01, v20  }
0x41a: {  	v61 =	vld.idx.msk [tilespmem:v3+s7+$0xFFFFFF90 ss:$0x1], $0xffff;
	v5 =	vmul.f32 $3.200000000e+01, v5;
	v4 =	vadd.f32 v6, v4  }
0x41b: {  	v62 =	vmul.f32 $3.200000000e+01, v10;
	v10 =	vld.idx.msk [tilespmem:v3+s7+$0xFFFFFFA0 ss:$0x1], $0xffff;
	v6 =	vmul.f32 $3.200000000e+01, v7;
	v7 =	vadd.f32 v21, v20  }
0x41c: {  	v28 =	vmul.f32 $3.200000000e+01, v11;
	v63 =	vmul.f32 $3.200000000e+01, v12;
	v11 =	vld.idx.msk [tilespmem:v3+s7+$0xFFFFFFB0 ss:$0x1], $0xffff;
	v5 =	vadd.f32 v22, v5;
	[tilespmem:v3+s6+$0xC470 ss:$0x1] =	vst.idx.msk $0xffff, v4  }
0x41d: {  	v29 =	vmul.f32 $3.200000000e+01, v13;
	v20 =	vld.idx.msk [tilespmem:v3+s7+$0xFFFFFC00 ss:$0x1], $0xffff;
	v4 =	vmul.f32 $3.200000000e+01, v8;
	v6 =	vadd.f32 v23, v6;
	[tilespmem:v3+s6+$0xC000 ss:$0x1] =	vst.idx.msk $0xffff, v7  }
0x41e: {  	v12 =	vld.idx.msk [tilespmem:v3+s7+$0xFFFFFFC0 ss:$0x1], $0xffff;
	v8 =	vmul.f32 $3.200000000e+01, v9;
	[tilespmem:v3+s6+$0xC010 ss:$0x1] =	vst.idx.msk $0xffff, v5;
	v7 =	vmul.f32 $3.200000000e+01, v15;
	v15 =	vadd.f32 v26, v62  }
0x41f: {  	v13 =	vld.idx.msk [tilespmem:v3+s7+$0xFFFFFFD0 ss:$0x1], $0xffff;
	v9 =	vmul.f32 $3.200000000e+01, v14;
	v4 =	vadd.f32 v24, v4;
	[tilespmem:v3+s6+$0xC020 ss:$0x1] =	vst.idx.msk $0xffff, v6  }
0x420: {  	v5 =	vmul.f32 $3.200000000e+01, v17;
	v17 =	vadd.f32 v61, v29;
	v14 =	vadd.f32 v25, v8;
	[tilespmem:v3+s6+$0xC050 ss:$0x1] =	vst.idx.msk $0xffff, v15  }
0x421: {  	v8 =	vmul.f32 $3.200000000e+01, v16;
	v16 =	vadd.f32 v27, v28;
	v15 =	vld.idx.msk [tilespmem:v3+s7+$0xFFFFFFF0 ss:$0x1], $0xffff;
	[tilespmem:v3+s6+$0xC030 ss:$0x1] =	vst.idx.msk $0xffff, v4  }
0x422: {  	s8 =	simm.s32 $0x0;
	s13 =	sadd.s32 $0x800, s6;
	v6 =	vmul.f32 $3.200000000e+01, v18;
	v18 =	vadd.f32 v20, v63;
	v4 =	vmul.f32 $3.200000000e+01, v19;
	[tilespmem:v3+s6+$0xC040 ss:$0x1] =	vst.idx.msk $0xffff, v14;
	v14 =	vld.idx.msk [tilespmem:v3+s7+$0xFFFFFFE0 ss:$0x1], $0xffff  }
.LBB2_35:
0x423: {  	v19 =	vld.idx.msk [tilespmem:v3+s13+$0xC470 ss:$0x1], $0xffff;
	s8 =	sadd.s32 $0x10, s8;
	[tilespmem:v3+s6+$0xC060 ss:$0x1] =	vst.idx.msk $0xffff, v16;
	v9 =	vadd.f32 v10, v9  }
0x424: {  	v7 =	vadd.f32 v11, v7;
	s7 =	sadd.s32 $0x800, s7;
	v10 =	vld.idx.msk [tilespmem:v3+s13+$0xC010 ss:$0x1], $0xffff;
	p0 =	slt.u32 s8, $0x30;
	[tilespmem:v3+s6+$0xC070 ss:$0x1] =	vst.idx.msk $0xffff, v18  }
0x425: {  	v8 =	vadd.f32 v12, v8;
	v11 =	vld.idx.msk [tilespmem:v3+s7+$0x0 ss:$0x1], $0xffff;
	[tilespmem:v3+s6+$0xC400 ss:$0x1] =	vst.idx.msk $0xffff, v17  }
0x426: {  	v5 =	vadd.f32 v13, v5;
	v12 =	vld.idx.msk [tilespmem:v3+s13+$0xC020 ss:$0x1], $0xffff;
	[tilespmem:v3+s6+$0xC410 ss:$0x1] =	vst.idx.msk $0xffff, v9  }
0x427: {  	v6 =	vadd.f32 v14, v6;
	v9 =	vld.idx.msk [tilespmem:v3+s13+$0xC030 ss:$0x1], $0xffff;
	[tilespmem:v3+s6+$0xC420 ss:$0x1] =	vst.idx.msk $0xffff, v7  }
0x428: {  	v4 =	vadd.f32 v15, v4;
	v7 =	vld.idx.msk [tilespmem:v3+s13+$0xC040 ss:$0x1], $0xffff;
	[tilespmem:v3+s6+$0xC430 ss:$0x1] =	vst.idx.msk $0xffff, v8  }
0x429: {  	v13 =	vmul.f32 $3.200000000e+01, v19;
	v8 =	vld.idx.msk [tilespmem:v3+s13+$0xC050 ss:$0x1], $0xffff;
	[tilespmem:v3+s6+$0xC440 ss:$0x1] =	vst.idx.msk $0xffff, v5  }
0x42a: {  	v10 =	vmul.f32 $3.200000000e+01, v10;
	v5 =	vld.idx.msk [tilespmem:v3+s13+$0xC060 ss:$0x1], $0xffff;
	[tilespmem:v3+s6+$0xC450 ss:$0x1] =	vst.idx.msk $0xffff, v6  }
0x42b: {  	v11 =	vadd.f32 v11, v13;
	v6 =	vld.idx.msk [tilespmem:v3+s13+$0xC070 ss:$0x1], $0xffff;
	[tilespmem:v3+s6+$0xC460 ss:$0x1] =	vst.idx.msk $0xffff, v4;
	s6 =	smov.u32 s13  }
0x42c: {  	v12 =	vmul.f32 $3.200000000e+01, v12;
	v4 =	vld.idx.msk [tilespmem:v3+s13+$0xC400 ss:$0x1], $0xffff  }
0x42d: {  	v13 =	vmul.f32 $3.200000000e+01, v9;
	v9 =	vld.idx.msk [tilespmem:v3+s13+$0xC410 ss:$0x1], $0xffff;
	[tilespmem:v3+s13+$0xC470 ss:$0x1] =	vst.idx.msk $0xffff, v11  }
0x42e: {  	v11 =	vmul.f32 $3.200000000e+01, v7;
	v7 =	vld.idx.msk [tilespmem:v3+s13+$0xC420 ss:$0x1], $0xffff  }
0x42f: {  	v14 =	vmul.f32 $3.200000000e+01, v8;
	v8 =	vld.idx.msk [tilespmem:v3+s13+$0xC430 ss:$0x1], $0xffff  }
0x430: {  	v15 =	vmul.f32 $3.200000000e+01, v5;
	v5 =	vld.idx.msk [tilespmem:v3+s13+$0xC440 ss:$0x1], $0xffff  }
0x431: {  	v17 =	vmul.f32 $3.200000000e+01, v6;
	v6 =	vld.idx.msk [tilespmem:v3+s13+$0xC450 ss:$0x1], $0xffff  }
0x432: {  	v19 =	vmul.f32 $3.200000000e+01, v4;
	v4 =	vld.idx.msk [tilespmem:v3+s13+$0xC460 ss:$0x1], $0xffff  }
0x433: {  	v9 =	vmul.f32 $3.200000000e+01, v9;
	v16 =	vld.idx.msk [tilespmem:v3+s13+$0xC000 ss:$0x1], $0xffff  }
0x434: {  	v7 =	vmul.f32 $3.200000000e+01, v7;
	v18 =	vld.idx.msk [tilespmem:v3+s7+$0xFFFFFB90 ss:$0x1], $0xffff  }
0x435: {  	v8 =	vmul.f32 $3.200000000e+01, v8;
	v20 =	vld.idx.msk [tilespmem:v3+s7+$0xFFFFFBA0 ss:$0x1], $0xffff  }
0x436: {  	v5 =	vmul.f32 $3.200000000e+01, v5;
	v21 =	vld.idx.msk [tilespmem:v3+s7+$0xFFFFFBB0 ss:$0x1], $0xffff  }
0x437: {  	v6 =	vmul.f32 $3.200000000e+01, v6;
	v22 =	vld.idx.msk [tilespmem:v3+s7+$0xFFFFFBC0 ss:$0x1], $0xffff  }
0x438: {  	v4 =	vmul.f32 $3.200000000e+01, v4;
	v23 =	vld.idx.msk [tilespmem:v3+s7+$0xFFFFFBD0 ss:$0x1], $0xffff  }
0x439: {  	v16 =	vmul.f32 $3.200000000e+01, v16;
	v24 =	vld.idx.msk [tilespmem:v3+s7+$0xFFFFFBE0 ss:$0x1], $0xffff  }
0x43a: {  	v25 =	vld.idx.msk [tilespmem:v3+s7+$0xFFFFFBF0 ss:$0x1], $0xffff  }
0x43b: {  	v16 =	vadd.f32 v18, v16;
	v18 =	vadd.f32 v20, v10;
	v20 =	vld.idx.msk [tilespmem:v3+s7+$0xFFFFFC00 ss:$0x1], $0xffff  }
0x43c: {  	v12 =	vadd.f32 v21, v12;
	v21 =	vld.idx.msk [tilespmem:v3+s7+$0xFFFFFF90 ss:$0x1], $0xffff  }
0x43d: {  	v13 =	vadd.f32 v22, v13;
	[tilespmem:v3+s13+$0xC000 ss:$0x1] =	vst.idx.msk $0xffff, v16;
	v10 =	vld.idx.msk [tilespmem:v3+s7+$0xFFFFFFA0 ss:$0x1], $0xffff  }
.Ltmp16:
0x43e: {  	[tilespmem:v3+s13+$0xC010 ss:$0x1] =	vst.idx.msk $0xffff, v18;
	v18 =	vadd.f32 v23, v11;
	v11 =	vld.idx.msk [tilespmem:v3+s7+$0xFFFFFFB0 ss:$0x1], $0xffff;
	(pc) =	sbr.rel @p0 .LBB2_35-.Ltmp16, $4  }
0x43f: {  	v22 =	vadd.f32 v24, v14;
	[tilespmem:v3+s13+$0xC020 ss:$0x1] =	vst.idx.msk $0xffff, v12;
	v12 =	vld.idx.msk [tilespmem:v3+s7+$0xFFFFFFC0 ss:$0x1], $0xffff  }
0x440: {  	v16 =	vadd.f32 v25, v15;
	[tilespmem:v3+s13+$0xC030 ss:$0x1] =	vst.idx.msk $0xffff, v13;
	v13 =	vld.idx.msk [tilespmem:v3+s7+$0xFFFFFFD0 ss:$0x1], $0xffff  }
0x441: {  	[tilespmem:v3+s13+$0xC040 ss:$0x1] =	vst.idx.msk $0xffff, v18;
	v18 =	vadd.f32 v20, v17;
	v14 =	vld.idx.msk [tilespmem:v3+s7+$0xFFFFFFE0 ss:$0x1], $0xffff  }
0x442: {  	v17 =	vadd.f32 v21, v19;
	s13 =	sadd.s32 $0x800, s13;
	[tilespmem:v3+s6+$0xC050 ss:$0x1] =	vst.idx.msk $0xffff, v22;
	v15 =	vld.idx.msk [tilespmem:v3+s7+$0xFFFFFFF0 ss:$0x1], $0xffff  }
0x443: {  	_ =	sdelay $0x3  }
0x444: {  	[tilespmem:v3+s6+$0xC060 ss:$0x1] =	vst.idx.msk $0xffff, v16  }
0x445: {  	v9 =	vadd.f32 v10, v9;
	[tilespmem:v3+s6+$0xC070 ss:$0x1] =	vst.idx.msk $0xffff, v18  }
0x446: {  	v7 =	vadd.f32 v11, v7;
	s5 =	sadd.s32 $0x1, s5;
	[tilespmem:v3+s6+$0xC400 ss:$0x1] =	vst.idx.msk $0xffff, v17  }
0x447: {  	v8 =	vadd.f32 v12, v8;
	p0 =	sne.s32 s5, $0x10;
	[tilespmem:v3+s6+$0xC410 ss:$0x1] =	vst.idx.msk $0xffff, v9  }
.Ltmp17:
0x448: {  	v5 =	vadd.f32 v13, v5;
	[tilespmem:v3+s6+$0xC420 ss:$0x1] =	vst.idx.msk $0xffff, v7;
	(pc) =	sbr.rel @p0 .LBB2_34-.Ltmp17, $4  }
0x449: {  	v6 =	vadd.f32 v14, v6;
	[tilespmem:v3+s6+$0xC430 ss:$0x1] =	vst.idx.msk $0xffff, v8  }
0x44a: {  	v4 =	vadd.f32 v15, v4;
	[tilespmem:v3+s6+$0xC440 ss:$0x1] =	vst.idx.msk $0xffff, v5  }
0x44b: {  	[tilespmem:v3+s6+$0xC450 ss:$0x1] =	vst.idx.msk $0xffff, v6  }
0x44c: {  	s0 =	sadd.s32 $0x1, s0;
	s18 =	sadd.s32 $0x400, s18;
	[tilespmem:v3+s6+$0xC460 ss:$0x1] =	vst.idx.msk $0xffff, v4  }
0x44d: {  	s18 =	simm.s32 $0x0;
	s0 =	rddreg [dreg:$0x13]  }
0x44e: {  	[hbm4b:s0+s18] =	stream.linear.scatter [tilespmem:s12], [sflag:$0x9], $0x4000, $0x38;
	[tilespmem:$0x1C200] =	vst v63  }
0x44f: {  	_ =	swait.ge [sflag:s29], $0x4000  }
0x450: {  	[sflag:s29] =	ssyncset.done $0x0  }
0x451: {  	[sflag:s29] =	ssyncadd.s32 $0xFFFFC000  }
0x452: {  	v3 =	vld [tilespmem:$0x120];
	_ =	sdelay $0x4  }
0x453: {  	v4 =	vshll.u32 v3, $0x3  }
0x454: {  	v3 =	vand.u32 $0x7, v3;
	v4 =	vand.u32 $0xFFFFFFC0, v4  }
0x455: {  	v3 =	vor.u32 v3, v4  }
0x456: {  	v4 =	vperm.xlane v3, v0;
	_ =	sdelay $0x1  }
0x457: {  	v4 =	vadd.s32 v1, v4;
	_ =	sdelay $0x4  }
0x458: {  	[tilespmem:s23], [sflag:$0x3] =	stream.indirect_vreg.gather [hbm4b:s1+s18], $0x80, v4, vm0, $0xb8;
	[tilespmem:$0x1C200] =	vst v63  }
0x459: {  	s8 =	simm.s32 $0x8A00;
	v3 =	vperm.xlane v3, v2  }
0x45a: {  	[tilespmem:s8], [sflag:$0x3] =	stream.indirect_vreg.gather [hbm4b:s9+s18], $0x80, v4, vm0, $0xb8;
	[tilespmem:$0x1C200] =	vst v63  }
0x45b: {  	s13 =	simm.s32 $0x9200;
	v3 =	vadd.s32 v1, v3  }
0x45c: {  	[tilespmem:s13], [sflag:$0x3] =	stream.indirect_vreg.gather [hbm4b:s10+s18], $0x80, v4, vm0, $0xb8;
	[tilespmem:$0x1C200] =	vst v63  }
0x45d: {  	s5 =	simm.s32 $0x9A00  }
0x45e: {  	[tilespmem:s5], [sflag:$0x3] =	stream.indirect_vreg.gather [hbm4b:s11+s18], $0x80, v4, vm0, $0xb8;
	[tilespmem:$0x1C200] =	vst v63  }
0x45f: {  	s6 =	simm.s32 $0xA200  }
0x460: {  	[tilespmem:s6], [sflag:$0x3] =	stream.indirect_vreg.gather [hbm4b:s1+s18], $0x80, v3, vm0, $0xb8;
	[tilespmem:$0x1C200] =	vst v63  }
0x461: {  	s7 =	simm.s32 $0xAA00  }
0x462: {  	[tilespmem:s7], [sflag:$0x3] =	stream.indirect_vreg.gather [hbm4b:s9+s18], $0x80, v3, vm0, $0xb8;
	[tilespmem:$0x1C200] =	vst v63  }
0x463: {  	s8 =	simm.s32 $0xB200  }
0x464: {  	[tilespmem:s8], [sflag:$0x3] =	stream.indirect_vreg.gather [hbm4b:s10+s18], $0x80, v3, vm0, $0xb8;
	[tilespmem:$0x1C200] =	vst v63  }
0x465: {  	s13 =	simm.s32 $0xBA00  }
0x466: {  	[tilespmem:s13], [sflag:$0x3] =	stream.indirect_vreg.gather [hbm4b:s11+s18], $0x80, v3, vm0, $0xb8;
	[tilespmem:$0x1C200] =	vst v63  }
0x467: {  	_ =	swait.ge [sflag:s30], $0x4000  }
0x468: {  	[sflag:s30] =	ssyncset.done $0x0  }
0x469: {  	s0 =	simm.s32 $0x0;
	s5 =	simm.s32 $0x0;
	[sflag:s30] =	ssyncadd.s32 $0xFFFFC000  }
.LBB2_38:
0x46a: {  	s6 =	sand.u32 $0x7, s0  }
0x46b: {  	s6 =	sshll.u32 s6, $0x9  }
0x46c: {  	s6 =	sshrl.u32 s6, $0x2  }
0x46d: {  	v3 =	vmov s6;
	_ =	sdelay $0x2  }
0x46e: {  	s7 =	sand.u32 $0x3FFFE000, s18  }
0x46f: {  	s6 =	sor.u32 $0x200, s7  }
0x470: {  	v4 =	vld.idx.msk [tilespmem:v3+s6+$0x10470 ss:$0x1], $0xffff  }
0x471: {  	s7 =	sadd.s32 $0x14200, s7;
	v5 =	vld.idx.msk [tilespmem:v3+s6+$0x10010 ss:$0x1], $0xffff  }
0x472: {  	v6 =	vld.idx.msk [tilespmem:v3+s7+$0x4470 ss:$0x1], $0xffff  }
0x473: {  	v7 =	vld.idx.msk [tilespmem:v3+s6+$0x10020 ss:$0x1], $0xffff  }
0x474: {  	v8 =	vld.idx.msk [tilespmem:v3+s6+$0x10030 ss:$0x1], $0xffff  }
0x475: {  	v9 =	vld.idx.msk [tilespmem:v3+s6+$0x10040 ss:$0x1], $0xffff  }
0x476: {  	v10 =	vld.idx.msk [tilespmem:v3+s6+$0x10050 ss:$0x1], $0xffff  }
0x477: {  	v11 =	vld.idx.msk [tilespmem:v3+s6+$0x10060 ss:$0x1], $0xffff  }
0x478: {  	v12 =	vld.idx.msk [tilespmem:v3+s6+$0x10070 ss:$0x1], $0xffff  }
0x479: {  	v13 =	vld.idx.msk [tilespmem:v3+s6+$0x10400 ss:$0x1], $0xffff  }
0x47a: {  	v14 =	vld.idx.msk [tilespmem:v3+s6+$0x10410 ss:$0x1], $0xffff  }
0x47b: {  	v15 =	vld.idx.msk [tilespmem:v3+s6+$0x10420 ss:$0x1], $0xffff  }
0x47c: {  	v16 =	vld.idx.msk [tilespmem:v3+s6+$0x10430 ss:$0x1], $0xffff  }
0x47d: {  	v17 =	vld.idx.msk [tilespmem:v3+s6+$0x10440 ss:$0x1], $0xffff  }
0x47e: {  	v18 =	vld.idx.msk [tilespmem:v3+s6+$0x10450 ss:$0x1], $0xffff  }
0x47f: {  	v19 =	vld.idx.msk [tilespmem:v3+s6+$0x10460 ss:$0x1], $0xffff  }
0x480: {  	v20 =	vld.idx.msk [tilespmem:v3+s6+$0x10000 ss:$0x1], $0xffff  }
0x481: {  	v21 =	vld.idx.msk [tilespmem:v3+s7+$0x4000 ss:$0x1], $0xffff  }
0x482: {  	v22 =	vld.idx.msk [tilespmem:v3+s7+$0x4010 ss:$0x1], $0xffff  }
0x483: {  	v23 =	vld.idx.msk [tilespmem:v3+s7+$0x4020 ss:$0x1], $0xffff  }
0x484: {  	v24 =	vld.idx.msk [tilespmem:v3+s7+$0x4030 ss:$0x1], $0xffff  }
0x485: {  	v25 =	vld.idx.msk [tilespmem:v3+s7+$0x4040 ss:$0x1], $0xffff  }
0x486: {  	v26 =	vld.idx.msk [tilespmem:v3+s7+$0x4050 ss:$0x1], $0xffff;
	v4 =	vmul.f32 $3.200000000e+01, v4  }
0x487: {  	v27 =	vld.idx.msk [tilespmem:v3+s7+$0x4060 ss:$0x1], $0xffff;
	v20 =	vmul.f32 $3.200000000e+01, v20  }
0x488: {  	v61 =	vld.idx.msk [tilespmem:v3+s7+$0x4400 ss:$0x1], $0xffff;
	v5 =	vmul.f32 $3.200000000e+01, v5;
	v4 =	vadd.f32 v6, v4  }
0x489: {  	v62 =	vmul.f32 $3.200000000e+01, v10;
	v10 =	vld.idx.msk [tilespmem:v3+s7+$0x4410 ss:$0x1], $0xffff;
	v6 =	vmul.f32 $3.200000000e+01, v7;
	v7 =	vadd.f32 v21, v20  }
0x48a: {  	v28 =	vmul.f32 $3.200000000e+01, v11;
	v63 =	vmul.f32 $3.200000000e+01, v12;
	v11 =	vld.idx.msk [tilespmem:v3+s7+$0x4420 ss:$0x1], $0xffff;
	v5 =	vadd.f32 v22, v5;
	[tilespmem:v3+s6+$0x10470 ss:$0x1] =	vst.idx.msk $0xffff, v4  }
0x48b: {  	v29 =	vmul.f32 $3.200000000e+01, v13;
	v20 =	vld.idx.msk [tilespmem:v3+s7+$0x4070 ss:$0x1], $0xffff;
	v4 =	vmul.f32 $3.200000000e+01, v8;
	v6 =	vadd.f32 v23, v6;
	[tilespmem:v3+s6+$0x10000 ss:$0x1] =	vst.idx.msk $0xffff, v7  }
0x48c: {  	v12 =	vld.idx.msk [tilespmem:v3+s7+$0x4430 ss:$0x1], $0xffff;
	v8 =	vmul.f32 $3.200000000e+01, v9;
	[tilespmem:v3+s6+$0x10010 ss:$0x1] =	vst.idx.msk $0xffff, v5;
	v7 =	vmul.f32 $3.200000000e+01, v15;
	v15 =	vadd.f32 v26, v62  }
0x48d: {  	v13 =	vld.idx.msk [tilespmem:v3+s7+$0x4440 ss:$0x1], $0xffff;
	v9 =	vmul.f32 $3.200000000e+01, v14;
	v4 =	vadd.f32 v24, v4;
	[tilespmem:v3+s6+$0x10020 ss:$0x1] =	vst.idx.msk $0xffff, v6  }
0x48e: {  	v5 =	vmul.f32 $3.200000000e+01, v17;
	v17 =	vadd.f32 v61, v29;
	v14 =	vadd.f32 v25, v8;
	[tilespmem:v3+s6+$0x10050 ss:$0x1] =	vst.idx.msk $0xffff, v15  }
0x48f: {  	v8 =	vmul.f32 $3.200000000e+01, v16;
	v16 =	vadd.f32 v27, v28;
	v15 =	vld.idx.msk [tilespmem:v3+s7+$0x4460 ss:$0x1], $0xffff;
	[tilespmem:v3+s6+$0x10030 ss:$0x1] =	vst.idx.msk $0xffff, v4  }
0x490: {  	s8 =	simm.s32 $0x0;
	s13 =	sadd.s32 $0x800, s6;
	v6 =	vmul.f32 $3.200000000e+01, v18;
	v18 =	vadd.f32 v20, v63;
	v4 =	vmul.f32 $3.200000000e+01, v19;
	[tilespmem:v3+s6+$0x10040 ss:$0x1] =	vst.idx.msk $0xffff, v14;
	v14 =	vld.idx.msk [tilespmem:v3+s7+$0x4450 ss:$0x1], $0xffff  }
.LBB2_39:
0x491: {  	v19 =	vld.idx.msk [tilespmem:v3+s13+$0x10470 ss:$0x1], $0xffff;
	s8 =	sadd.s32 $0x10, s8;
	[tilespmem:v3+s6+$0x10060 ss:$0x1] =	vst.idx.msk $0xffff, v16;
	v9 =	vadd.f32 v10, v9  }
0x492: {  	v7 =	vadd.f32 v11, v7;
	s7 =	sadd.s32 $0x800, s7;
	v10 =	vld.idx.msk [tilespmem:v3+s13+$0x10010 ss:$0x1], $0xffff;
	p0 =	slt.u32 s8, $0x30;
	[tilespmem:v3+s6+$0x10070 ss:$0x1] =	vst.idx.msk $0xffff, v18  }
0x493: {  	v8 =	vadd.f32 v12, v8;
	v11 =	vld.idx.msk [tilespmem:v3+s7+$0x4470 ss:$0x1], $0xffff;
	[tilespmem:v3+s6+$0x10400 ss:$0x1] =	vst.idx.msk $0xffff, v17  }
0x494: {  	v5 =	vadd.f32 v13, v5;
	v12 =	vld.idx.msk [tilespmem:v3+s13+$0x10020 ss:$0x1], $0xffff;
	[tilespmem:v3+s6+$0x10410 ss:$0x1] =	vst.idx.msk $0xffff, v9  }
0x495: {  	v6 =	vadd.f32 v14, v6;
	v9 =	vld.idx.msk [tilespmem:v3+s13+$0x10030 ss:$0x1], $0xffff;
	[tilespmem:v3+s6+$0x10420 ss:$0x1] =	vst.idx.msk $0xffff, v7  }
0x496: {  	v4 =	vadd.f32 v15, v4;
	v7 =	vld.idx.msk [tilespmem:v3+s13+$0x10040 ss:$0x1], $0xffff;
	[tilespmem:v3+s6+$0x10430 ss:$0x1] =	vst.idx.msk $0xffff, v8  }
0x497: {  	v13 =	vmul.f32 $3.200000000e+01, v19;
	v8 =	vld.idx.msk [tilespmem:v3+s13+$0x10050 ss:$0x1], $0xffff;
	[tilespmem:v3+s6+$0x10440 ss:$0x1] =	vst.idx.msk $0xffff, v5  }
0x498: {  	v10 =	vmul.f32 $3.200000000e+01, v10;
	v5 =	vld.idx.msk [tilespmem:v3+s13+$0x10060 ss:$0x1], $0xffff;
	[tilespmem:v3+s6+$0x10450 ss:$0x1] =	vst.idx.msk $0xffff, v6  }
0x499: {  	v11 =	vadd.f32 v11, v13;
	v6 =	vld.idx.msk [tilespmem:v3+s13+$0x10070 ss:$0x1], $0xffff;
	[tilespmem:v3+s6+$0x10460 ss:$0x1] =	vst.idx.msk $0xffff, v4;
	s6 =	smov.u32 s13  }
0x49a: {  	v12 =	vmul.f32 $3.200000000e+01, v12;
	v4 =	vld.idx.msk [tilespmem:v3+s13+$0x10400 ss:$0x1], $0xffff  }
0x49b: {  	v13 =	vmul.f32 $3.200000000e+01, v9;
	v9 =	vld.idx.msk [tilespmem:v3+s13+$0x10410 ss:$0x1], $0xffff;
	[tilespmem:v3+s13+$0x10470 ss:$0x1] =	vst.idx.msk $0xffff, v11  }
0x49c: {  	v11 =	vmul.f32 $3.200000000e+01, v7;
	v7 =	vld.idx.msk [tilespmem:v3+s13+$0x10420 ss:$0x1], $0xffff  }
0x49d: {  	v14 =	vmul.f32 $3.200000000e+01, v8;
	v8 =	vld.idx.msk [tilespmem:v3+s13+$0x10430 ss:$0x1], $0xffff  }
0x49e: {  	v15 =	vmul.f32 $3.200000000e+01, v5;
	v5 =	vld.idx.msk [tilespmem:v3+s13+$0x10440 ss:$0x1], $0xffff  }
0x49f: {  	v17 =	vmul.f32 $3.200000000e+01, v6;
	v6 =	vld.idx.msk [tilespmem:v3+s13+$0x10450 ss:$0x1], $0xffff  }
0x4a0: {  	v19 =	vmul.f32 $3.200000000e+01, v4;
	v4 =	vld.idx.msk [tilespmem:v3+s13+$0x10460 ss:$0x1], $0xffff  }
0x4a1: {  	v9 =	vmul.f32 $3.200000000e+01, v9;
	v16 =	vld.idx.msk [tilespmem:v3+s13+$0x10000 ss:$0x1], $0xffff  }
0x4a2: {  	v7 =	vmul.f32 $3.200000000e+01, v7;
	v18 =	vld.idx.msk [tilespmem:v3+s7+$0x4000 ss:$0x1], $0xffff  }
0x4a3: {  	v8 =	vmul.f32 $3.200000000e+01, v8;
	v20 =	vld.idx.msk [tilespmem:v3+s7+$0x4010 ss:$0x1], $0xffff  }
0x4a4: {  	v5 =	vmul.f32 $3.200000000e+01, v5;
	v21 =	vld.idx.msk [tilespmem:v3+s7+$0x4020 ss:$0x1], $0xffff  }
0x4a5: {  	v6 =	vmul.f32 $3.200000000e+01, v6;
	v22 =	vld.idx.msk [tilespmem:v3+s7+$0x4030 ss:$0x1], $0xffff  }
0x4a6: {  	v4 =	vmul.f32 $3.200000000e+01, v4;
	v23 =	vld.idx.msk [tilespmem:v3+s7+$0x4040 ss:$0x1], $0xffff  }
0x4a7: {  	v16 =	vmul.f32 $3.200000000e+01, v16;
	v24 =	vld.idx.msk [tilespmem:v3+s7+$0x4050 ss:$0x1], $0xffff  }
0x4a8: {  	v25 =	vld.idx.msk [tilespmem:v3+s7+$0x4060 ss:$0x1], $0xffff  }
0x4a9: {  	v16 =	vadd.f32 v18, v16;
	v18 =	vadd.f32 v20, v10;
	v20 =	vld.idx.msk [tilespmem:v3+s7+$0x4070 ss:$0x1], $0xffff  }
0x4aa: {  	v12 =	vadd.f32 v21, v12;
	v21 =	vld.idx.msk [tilespmem:v3+s7+$0x4400 ss:$0x1], $0xffff  }
0x4ab: {  	v13 =	vadd.f32 v22, v13;
	[tilespmem:v3+s13+$0x10000 ss:$0x1] =	vst.idx.msk $0xffff, v16;
	v10 =	vld.idx.msk [tilespmem:v3+s7+$0x4410 ss:$0x1], $0xffff  }
.Ltmp18:
0x4ac: {  	[tilespmem:v3+s13+$0x10010 ss:$0x1] =	vst.idx.msk $0xffff, v18;
	v18 =	vadd.f32 v23, v11;
	v11 =	vld.idx.msk [tilespmem:v3+s7+$0x4420 ss:$0x1], $0xffff;
	(pc) =	sbr.rel @p0 .LBB2_39-.Ltmp18, $4  }
0x4ad: {  	v22 =	vadd.f32 v24, v14;
	[tilespmem:v3+s13+$0x10020 ss:$0x1] =	vst.idx.msk $0xffff, v12;
	v12 =	vld.idx.msk [tilespmem:v3+s7+$0x4430 ss:$0x1], $0xffff  }
0x4ae: {  	v16 =	vadd.f32 v25, v15;
	[tilespmem:v3+s13+$0x10030 ss:$0x1] =	vst.idx.msk $0xffff, v13;
	v13 =	vld.idx.msk [tilespmem:v3+s7+$0x4440 ss:$0x1], $0xffff  }
0x4af: {  	[tilespmem:v3+s13+$0x10040 ss:$0x1] =	vst.idx.msk $0xffff, v18;
	v18 =	vadd.f32 v20, v17;
	v14 =	vld.idx.msk [tilespmem:v3+s7+$0x4450 ss:$0x1], $0xffff  }
0x4b0: {  	v17 =	vadd.f32 v21, v19;
	s13 =	sadd.s32 $0x800, s13;
	[tilespmem:v3+s6+$0x10050 ss:$0x1] =	vst.idx.msk $0xffff, v22;
	v15 =	vld.idx.msk [tilespmem:v3+s7+$0x4460 ss:$0x1], $0xffff  }
0x4b1: {  	_ =	sdelay $0x3  }
0x4b2: {  	[tilespmem:v3+s6+$0x10060 ss:$0x1] =	vst.idx.msk $0xffff, v16  }
0x4b3: {  	v9 =	vadd.f32 v10, v9;
	[tilespmem:v3+s6+$0x10070 ss:$0x1] =	vst.idx.msk $0xffff, v18  }
0x4b4: {  	v7 =	vadd.f32 v11, v7;
	s5 =	sadd.s32 $0x1, s5;
	[tilespmem:v3+s6+$0x10400 ss:$0x1] =	vst.idx.msk $0xffff, v17  }
0x4b5: {  	v8 =	vadd.f32 v12, v8;
	p0 =	sne.s32 s5, $0x10;
	[tilespmem:v3+s6+$0x10410 ss:$0x1] =	vst.idx.msk $0xffff, v9  }
.Ltmp19:
0x4b6: {  	v5 =	vadd.f32 v13, v5;
	[tilespmem:v3+s6+$0x10420 ss:$0x1] =	vst.idx.msk $0xffff, v7;
	(pc) =	sbr.rel @p0 .LBB2_38-.Ltmp19, $4  }
0x4b7: {  	v6 =	vadd.f32 v14, v6;
	[tilespmem:v3+s6+$0x10430 ss:$0x1] =	vst.idx.msk $0xffff, v8  }
0x4b8: {  	v4 =	vadd.f32 v15, v4;
	[tilespmem:v3+s6+$0x10440 ss:$0x1] =	vst.idx.msk $0xffff, v5  }
0x4b9: {  	[tilespmem:v3+s6+$0x10450 ss:$0x1] =	vst.idx.msk $0xffff, v6  }
0x4ba: {  	s0 =	sadd.s32 $0x1, s0;
	s18 =	sadd.s32 $0x400, s18;
	[tilespmem:v3+s6+$0x10460 ss:$0x1] =	vst.idx.msk $0xffff, v4  }
0x4bb: {  	s18 =	simm.s32 $0x0;
	s0 =	rddreg [dreg:$0x14]  }
0x4bc: {  	[hbm4b:s0+s18] =	stream.linear.scatter [tilespmem:s26], [sflag:$0xA], $0x4000, $0x38;
	[tilespmem:$0x1C200] =	vst v63  }
0x4bd: {  	_ =	swait.ge [sflag:s4], $0x4000  }
0x4be: {  	[sflag:s4] =	ssyncset.done $0x0  }
0x4bf: {  	[sflag:s4] =	ssyncadd.s32 $0xFFFFC000  }
0x4c0: {  	v3 =	vld [tilespmem:$0x130];
	_ =	sdelay $0x4  }
0x4c1: {  	v4 =	vshll.u32 v3, $0x3  }
0x4c2: {  	v3 =	vand.u32 $0x7, v3;
	v4 =	vand.u32 $0xFFFFFFC0, v4  }
0x4c3: {  	v3 =	vor.u32 v3, v4  }
0x4c4: {  	v4 =	vperm.xlane v3, v0;
	_ =	sdelay $0x1  }
0x4c5: {  	v4 =	vadd.s32 v1, v4;
	_ =	sdelay $0x4  }
0x4c6: {  	[tilespmem:s12], [sflag:$0x4] =	stream.indirect_vreg.gather [hbm4b:s1+s18], $0x80, v4, vm0, $0xb8;
	[tilespmem:$0x1C200] =	vst v63  }
0x4c7: {  	s8 =	simm.s32 $0xCA00;
	v3 =	vperm.xlane v3, v2  }
0x4c8: {  	[tilespmem:s8], [sflag:$0x4] =	stream.indirect_vreg.gather [hbm4b:s9+s18], $0x80, v4, vm0, $0xb8;
	[tilespmem:$0x1C200] =	vst v63  }
0x4c9: {  	s13 =	simm.s32 $0xD200;
	v3 =	vadd.s32 v1, v3  }
0x4ca: {  	[tilespmem:s13], [sflag:$0x4] =	stream.indirect_vreg.gather [hbm4b:s10+s18], $0x80, v4, vm0, $0xb8;
	[tilespmem:$0x1C200] =	vst v63  }
0x4cb: {  	s5 =	simm.s32 $0xDA00  }
0x4cc: {  	[tilespmem:s5], [sflag:$0x4] =	stream.indirect_vreg.gather [hbm4b:s11+s18], $0x80, v4, vm0, $0xb8;
	[tilespmem:$0x1C200] =	vst v63  }
0x4cd: {  	s6 =	simm.s32 $0xE200  }
0x4ce: {  	[tilespmem:s6], [sflag:$0x4] =	stream.indirect_vreg.gather [hbm4b:s1+s18], $0x80, v3, vm0, $0xb8;
	[tilespmem:$0x1C200] =	vst v63  }
0x4cf: {  	s7 =	simm.s32 $0xEA00  }
0x4d0: {  	[tilespmem:s7], [sflag:$0x4] =	stream.indirect_vreg.gather [hbm4b:s9+s18], $0x80, v3, vm0, $0xb8;
	[tilespmem:$0x1C200] =	vst v63  }
0x4d1: {  	s8 =	simm.s32 $0xF200  }
0x4d2: {  	[tilespmem:s8], [sflag:$0x4] =	stream.indirect_vreg.gather [hbm4b:s10+s18], $0x80, v3, vm0, $0xb8;
	[tilespmem:$0x1C200] =	vst v63  }
0x4d3: {  	s13 =	simm.s32 $0xFA00  }
0x4d4: {  	[tilespmem:s13], [sflag:$0x4] =	stream.indirect_vreg.gather [hbm4b:s11+s18], $0x80, v3, vm0, $0xb8;
	[tilespmem:$0x1C200] =	vst v63  }
0x4d5: {  	_ =	swait.ge [sflag:s25], $0x4000  }
0x4d6: {  	[sflag:s25] =	ssyncset.done $0x0  }
0x4d7: {  	s0 =	simm.s32 $0x0;
	s5 =	simm.s32 $0x0;
	[sflag:s25] =	ssyncadd.s32 $0xFFFFC000  }
.LBB2_42:
0x4d8: {  	s6 =	sshll.u32 s0, $0x2;
	s7 =	sand.u32 $0x7, s18  }
0x4d9: {  	s6 =	sand.u32 $0xFFFF8000, s6;
	s7 =	sshll.u32 s7, $0x9  }
0x4da: {  	s6 =	sor.u32 s7, s6  }
0x4db: {  	s7 =	sshrl.u32 s6, $0x2  }
0x4dc: {  	s6 =	sadd.s32 $0x600, s7  }
0x4dd: {  	v3 =	vld [tilespmem:s6+$0x70]  }
0x4de: {  	s7 =	sadd.s32 $0x14600, s7;
	v4 =	vld [tilespmem:s6+$0xFFFFFC10]  }
0x4df: {  	v5 =	vld [tilespmem:s7+$0x70]  }
0x4e0: {  	v6 =	vld [tilespmem:s6+$0xFFFFFC20]  }
0x4e1: {  	v7 =	vld [tilespmem:s6+$0xFFFFFC30]  }
0x4e2: {  	v8 =	vld [tilespmem:s6+$0xFFFFFC40]  }
0x4e3: {  	v9 =	vld [tilespmem:s6+$0xFFFFFC50]  }
0x4e4: {  	v10 =	vld [tilespmem:s6+$0xFFFFFC60]  }
0x4e5: {  	v11 =	vld [tilespmem:s6+$0xFFFFFC70]  }
0x4e6: {  	v12 =	vld [tilespmem:s6+$0x0]  }
0x4e7: {  	v13 =	vld [tilespmem:s6+$0x10]  }
0x4e8: {  	v14 =	vld [tilespmem:s6+$0x20]  }
0x4e9: {  	v15 =	vld [tilespmem:s6+$0x30]  }
0x4ea: {  	v16 =	vld [tilespmem:s6+$0x40]  }
0x4eb: {  	v17 =	vld [tilespmem:s6+$0x50]  }
0x4ec: {  	v18 =	vld [tilespmem:s6+$0x60]  }
0x4ed: {  	v19 =	vld [tilespmem:s6+$0xFFFFFC00]  }
0x4ee: {  	v20 =	vld [tilespmem:s7+$0xFFFFFC00]  }
0x4ef: {  	v21 =	vld [tilespmem:s7+$0xFFFFFC10]  }
0x4f0: {  	v22 =	vld [tilespmem:s7+$0xFFFFFC20]  }
0x4f1: {  	v23 =	vld [tilespmem:s7+$0xFFFFFC30];
	v3 =	vmul.f32 $3.200000000e+01, v3  }
0x4f2: {  	v24 =	vld [tilespmem:s7+$0xFFFFFC40];
	v19 =	vmul.f32 $3.200000000e+01, v19  }
0x4f3: {  	v58 =	vld [tilespmem:s7+$0xFFFFFC60];
	v4 =	vmul.f32 $3.200000000e+01, v4;
	v3 =	vadd.f32 v5, v3  }
0x4f4: {  	v6 =	vmul.f32 $3.200000000e+01, v6;
	v5 =	vld [tilespmem:s7+$0xFFFFFC50];
	v19 =	vadd.f32 v20, v19  }
0x4f5: {  	v59 =	vld [tilespmem:s7+$0xFFFFFC70];
	v4 =	vadd.f32 v21, v4;
	[tilespmem:s6+$0x70] =	vst v3;
	v3 =	vmul.f32 $3.200000000e+01, v7  }
0x4f6: {  	v60 =	vld [tilespmem:s7+$0x0];
	v6 =	vadd.f32 v22, v6;
	v7 =	vmul.f32 $3.200000000e+01, v8;
	[tilespmem:s6+$0xFFFFFC00] =	vst v19  }
0x4f7: {  	v61 =	vld [tilespmem:s7+$0x10];
	v9 =	vmul.f32 $3.200000000e+01, v9;
	v10 =	vmul.f32 $3.200000000e+01, v10;
	[tilespmem:s6+$0xFFFFFC10] =	vst v4;
	v3 =	vadd.f32 v23, v3  }
0x4f8: {  	v11 =	vmul.f32 $3.200000000e+01, v11;
	v12 =	vmul.f32 $3.200000000e+01, v12;
	[tilespmem:s6+$0xFFFFFC20] =	vst v6;
	v8 =	vld [tilespmem:s7+$0x20];
	v62 =	vadd.f32 v24, v7  }
0x4f9: {  	v7 =	vmul.f32 $3.200000000e+01, v14;
	v14 =	vadd.f32 v58, v10;
	v6 =	vadd.f32 v5, v9;
	v9 =	vld [tilespmem:s7+$0x30];
	[tilespmem:s6+$0xFFFFFC30] =	vst v3  }
0x4fa: {  	v63 =	vmul.f32 $3.200000000e+01, v13;
	v13 =	vadd.f32 v59, v11;
	v10 =	vld [tilespmem:s7+$0x40];
	[tilespmem:s6+$0xFFFFFC40] =	vst v62  }
0x4fb: {  	v11 =	vld [tilespmem:s7+$0x50];
	v4 =	vmul.f32 $3.200000000e+01, v15;
	v15 =	vadd.f32 v60, v12;
	v5 =	vmul.f32 $3.200000000e+01, v16;
	[tilespmem:s6+$0xFFFFFC60] =	vst v14  }
0x4fc: {  	s8 =	simm.s32 $0x0;
	s13 =	sadd.s32 $0x800, s6;
	v12 =	vld [tilespmem:s7+$0x60];
	v3 =	vmul.f32 $3.200000000e+01, v17;
	v14 =	vadd.f32 v61, v63;
	[tilespmem:s6+$0xFFFFFC50] =	vst v6;
	v6 =	vmul.f32 $3.200000000e+01, v18  }
.LBB2_43:
0x4fd: {  	v16 =	vld [tilespmem:s13+$0x70];
	s8 =	sadd.s32 $0x10, s8;
	[tilespmem:s6+$0xFFFFFC70] =	vst v13;
	v7 =	vadd.f32 v8, v7  }
0x4fe: {  	s7 =	sadd.s32 $0x800, s7;
	v8 =	vld [tilespmem:s13+$0xFFFFFC10];
	p0 =	slt.u32 s8, $0x30;
	[tilespmem:s6+$0x0] =	vst v15;
	v4 =	vadd.f32 v9, v4  }
0x4ff: {  	v9 =	vld [tilespmem:s7+$0x70];
	[tilespmem:s6+$0x10] =	vst v14;
	v5 =	vadd.f32 v10, v5  }
0x500: {  	v10 =	vld [tilespmem:s13+$0xFFFFFC20];
	[tilespmem:s6+$0x20] =	vst v7;
	v3 =	vadd.f32 v11, v3  }
0x501: {  	v7 =	vld [tilespmem:s13+$0xFFFFFC30];
	[tilespmem:s6+$0x30] =	vst v4;
	v4 =	vadd.f32 v12, v6  }
0x502: {  	v6 =	vld [tilespmem:s13+$0xFFFFFC40];
	v11 =	vmul.f32 $3.200000000e+01, v16;
	[tilespmem:s6+$0x40] =	vst v5  }
0x503: {  	v8 =	vmul.f32 $3.200000000e+01, v8;
	v5 =	vld [tilespmem:s13+$0xFFFFFC50];
	[tilespmem:s6+$0x50] =	vst v3  }
0x504: {  	v3 =	vld [tilespmem:s13+$0xFFFFFC60];
	v9 =	vadd.f32 v9, v11;
	[tilespmem:s6+$0x60] =	vst v4;
	s6 =	smov.u32 s13  }
0x505: {  	v10 =	vmul.f32 $3.200000000e+01, v10;
	v4 =	vld [tilespmem:s13+$0xFFFFFC70]  }
0x506: {  	v11 =	vmul.f32 $3.200000000e+01, v7;
	v7 =	vld [tilespmem:s13+$0x0];
	[tilespmem:s13+$0x70] =	vst v9  }
0x507: {  	v9 =	vmul.f32 $3.200000000e+01, v6;
	v6 =	vld [tilespmem:s13+$0x10]  }
0x508: {  	v12 =	vmul.f32 $3.200000000e+01, v5;
	v5 =	vld [tilespmem:s13+$0x20]  }
0x509: {  	v13 =	vmul.f32 $3.200000000e+01, v3;
	v3 =	vld [tilespmem:s13+$0x30]  }
0x50a: {  	v14 =	vmul.f32 $3.200000000e+01, v4;
	v15 =	vld [tilespmem:s13+$0x40]  }
0x50b: {  	v16 =	vmul.f32 $3.200000000e+01, v7;
	v17 =	vld [tilespmem:s13+$0x50]  }
0x50c: {  	v18 =	vmul.f32 $3.200000000e+01, v6;
	v6 =	vld [tilespmem:s13+$0x60]  }
0x50d: {  	v19 =	vld [tilespmem:s13+$0xFFFFFC00];
	v7 =	vmul.f32 $3.200000000e+01, v5  }
0x50e: {  	v20 =	vld [tilespmem:s7+$0xFFFFFC00];
	v4 =	vmul.f32 $3.200000000e+01, v3  }
0x50f: {  	v21 =	vld [tilespmem:s7+$0xFFFFFC10];
	v5 =	vmul.f32 $3.200000000e+01, v15  }
0x510: {  	v15 =	vld [tilespmem:s7+$0xFFFFFC20];
	v3 =	vmul.f32 $3.200000000e+01, v17  }
0x511: {  	v17 =	vld [tilespmem:s7+$0xFFFFFC30];
	v6 =	vmul.f32 $3.200000000e+01, v6  }
0x512: {  	v19 =	vmul.f32 $3.200000000e+01, v19;
	v22 =	vld [tilespmem:s7+$0xFFFFFC40]  }
0x513: {  	v23 =	vld [tilespmem:s7+$0xFFFFFC50]  }
0x514: {  	v19 =	vadd.f32 v20, v19;
	v8 =	vadd.f32 v21, v8;
	v20 =	vld [tilespmem:s7+$0xFFFFFC60]  }
0x515: {  	v10 =	vadd.f32 v15, v10;
	v15 =	vld [tilespmem:s7+$0xFFFFFC70]  }
0x516: {  	[tilespmem:s13+$0xFFFFFC00] =	vst v19;
	v11 =	vadd.f32 v17, v11;
	v17 =	vld [tilespmem:s7+$0x0]  }
0x517: {  	[tilespmem:s13+$0xFFFFFC10] =	vst v8;
	v19 =	vadd.f32 v22, v9;
	v21 =	vld [tilespmem:s7+$0x10]  }
.Ltmp20:
0x518: {  	[tilespmem:s13+$0xFFFFFC20] =	vst v10;
	v12 =	vadd.f32 v23, v12;
	v8 =	vld [tilespmem:s7+$0x20];
	(pc) =	sbr.rel @p0 .LBB2_43-.Ltmp20, $4  }
0x519: {  	[tilespmem:s13+$0xFFFFFC30] =	vst v11;
	v20 =	vadd.f32 v20, v13;
	v9 =	vld [tilespmem:s7+$0x30]  }
0x51a: {  	[tilespmem:s13+$0xFFFFFC40] =	vst v19;
	v13 =	vadd.f32 v15, v14;
	v10 =	vld [tilespmem:s7+$0x40]  }
0x51b: {  	[tilespmem:s13+$0xFFFFFC50] =	vst v12;
	v15 =	vadd.f32 v17, v16;
	v11 =	vld [tilespmem:s7+$0x50]  }
0x51c: {  	s13 =	sadd.s32 $0x800, s13;
	[tilespmem:s6+$0xFFFFFC60] =	vst v20;
	v14 =	vadd.f32 v21, v18;
	v12 =	vld [tilespmem:s7+$0x60]  }
0x51d: {  	[tilespmem:s6+$0xFFFFFC70] =	vst v13  }
0x51e: {  	v7 =	vadd.f32 v8, v7;
	[tilespmem:s6+$0x0] =	vst v15;
	s5 =	sadd.s32 $0x1, s5  }
0x51f: {  	v4 =	vadd.f32 v9, v4;
	[tilespmem:s6+$0x10] =	vst v14;
	p0 =	sne.s32 s5, $0x10  }
.Ltmp21:
0x520: {  	v5 =	vadd.f32 v10, v5;
	[tilespmem:s6+$0x20] =	vst v7;
	(pc) =	sbr.rel @p0 .LBB2_42-.Ltmp21, $4  }
0x521: {  	v3 =	vadd.f32 v11, v3;
	[tilespmem:s6+$0x30] =	vst v4  }
0x522: {  	v63 =	vadd.f32 v12, v6;
	[tilespmem:s6+$0x40] =	vst v5  }
0x523: {  	[tilespmem:s6+$0x50] =	vst v3  }
0x524: {  	s0 =	sadd.s32 $0x400, s0;
	s18 =	sadd.s32 $0x1, s18;
	[tilespmem:s6+$0x60] =	vst v63  }
0x525: {  	s18 =	simm.s32 $0x0;
	s0 =	rddreg [dreg:$0x15]  }
0x526: {  	[hbm4b:s0+s18] =	stream.linear.scatter [tilespmem:s2], [sflag:$0x6], $0x4000, $0x38;
	[tilespmem:$0x1C200] =	vst v63  }
0x527: {  	_ =	swait.ge [sflag:s16], $0x4000  }
0x528: {  	[sflag:s16] =	ssyncset.done $0x0  }
0x529: {  	[sflag:s16] =	ssyncadd.s32 $0xFFFFC000  }
0x52a: {  	v3 =	vld [tilespmem:$0x1A0];
	_ =	sdelay $0x4  }
0x52b: {  	v4 =	vshll.u32 v3, $0x3  }
0x52c: {  	v3 =	vand.u32 $0x7, v3;
	v4 =	vand.u32 $0xFFFFFFC0, v4  }
0x52d: {  	v3 =	vor.u32 v3, v4  }
0x52e: {  	v4 =	vperm.xlane v3, v0;
	_ =	sdelay $0x1  }
0x52f: {  	v4 =	vadd.s32 v1, v4;
	_ =	sdelay $0x4  }
0x530: {  	[tilespmem:s26], [sflag:$0x5] =	stream.indirect_vreg.gather [hbm4b:s1+s18], $0x80, v4, vm0, $0xb8;
	[tilespmem:$0x1C200] =	vst v63  }
0x531: {  	s8 =	simm.s32 $0x10A00;
	v3 =	vperm.xlane v3, v2  }
0x532: {  	[tilespmem:s8], [sflag:$0x5] =	stream.indirect_vreg.gather [hbm4b:s9+s18], $0x80, v4, vm0, $0xb8;
	[tilespmem:$0x1C200] =	vst v63  }
0x533: {  	s13 =	simm.s32 $0x11200;
	v3 =	vadd.s32 v1, v3  }
0x534: {  	[tilespmem:s13], [sflag:$0x5] =	stream.indirect_vreg.gather [hbm4b:s10+s18], $0x80, v4, vm0, $0xb8;
	[tilespmem:$0x1C200] =	vst v63  }
0x535: {  	s5 =	simm.s32 $0x11A00  }
0x536: {  	[tilespmem:s5], [sflag:$0x5] =	stream.indirect_vreg.gather [hbm4b:s11+s18], $0x80, v4, vm0, $0xb8;
	[tilespmem:$0x1C200] =	vst v63  }
0x537: {  	s6 =	simm.s32 $0x12200  }
0x538: {  	[tilespmem:s6], [sflag:$0x5] =	stream.indirect_vreg.gather [hbm4b:s1+s18], $0x80, v3, vm0, $0xb8;
	[tilespmem:$0x1C200] =	vst v63  }
0x539: {  	s7 =	simm.s32 $0x12A00  }
0x53a: {  	[tilespmem:s7], [sflag:$0x5] =	stream.indirect_vreg.gather [hbm4b:s9+s18], $0x80, v3, vm0, $0xb8;
	[tilespmem:$0x1C200] =	vst v63  }
0x53b: {  	s8 =	simm.s32 $0x13200  }
0x53c: {  	[tilespmem:s8], [sflag:$0x5] =	stream.indirect_vreg.gather [hbm4b:s10+s18], $0x80, v3, vm0, $0xb8;
	[tilespmem:$0x1C200] =	vst v63  }
0x53d: {  	s13 =	simm.s32 $0x13A00  }
0x53e: {  	[tilespmem:s13], [sflag:$0x5] =	stream.indirect_vreg.gather [hbm4b:s11+s18], $0x80, v3, vm0, $0xb8;
	[tilespmem:$0x1C200] =	vst v63  }
0x53f: {  	_ =	swait.ge [sflag:s19], $0x4000  }
0x540: {  	[sflag:s19] =	ssyncset.done $0x0  }
0x541: {  	s0 =	simm.s32 $0x0;
	s5 =	simm.s32 $0x0;
	[sflag:s19] =	ssyncadd.s32 $0xFFFFC000  }
.LBB2_46:
0x542: {  	s6 =	sand.u32 $0x7, s0  }
0x543: {  	s6 =	sshll.u32 s6, $0x9  }
0x544: {  	s6 =	sshrl.u32 s6, $0x2  }
0x545: {  	v3 =	vmov s6;
	_ =	sdelay $0x2  }
0x546: {  	s7 =	sand.u32 $0x3FFFE000, s18  }
0x547: {  	s6 =	sor.u32 $0x200, s7  }
0x548: {  	v4 =	vld.idx.msk [tilespmem:v3+s6+$0x4470 ss:$0x1], $0xffff  }
0x549: {  	s7 =	sadd.s32 $0x14200, s7;
	v5 =	vld.idx.msk [tilespmem:v3+s6+$0x4010 ss:$0x1], $0xffff  }
0x54a: {  	v6 =	vld.idx.msk [tilespmem:v3+s7+$0x4470 ss:$0x1], $0xffff  }
0x54b: {  	v7 =	vld.idx.msk [tilespmem:v3+s6+$0x4020 ss:$0x1], $0xffff  }
0x54c: {  	v8 =	vld.idx.msk [tilespmem:v3+s6+$0x4030 ss:$0x1], $0xffff  }
0x54d: {  	v9 =	vld.idx.msk [tilespmem:v3+s6+$0x4040 ss:$0x1], $0xffff  }
0x54e: {  	v10 =	vld.idx.msk [tilespmem:v3+s6+$0x4050 ss:$0x1], $0xffff  }
0x54f: {  	v11 =	vld.idx.msk [tilespmem:v3+s6+$0x4060 ss:$0x1], $0xffff  }
0x550: {  	v12 =	vld.idx.msk [tilespmem:v3+s6+$0x4070 ss:$0x1], $0xffff  }
0x551: {  	v13 =	vld.idx.msk [tilespmem:v3+s6+$0x4400 ss:$0x1], $0xffff  }
0x552: {  	v14 =	vld.idx.msk [tilespmem:v3+s6+$0x4410 ss:$0x1], $0xffff  }
0x553: {  	v15 =	vld.idx.msk [tilespmem:v3+s6+$0x4420 ss:$0x1], $0xffff  }
0x554: {  	v16 =	vld.idx.msk [tilespmem:v3+s6+$0x4430 ss:$0x1], $0xffff  }
0x555: {  	v17 =	vld.idx.msk [tilespmem:v3+s6+$0x4440 ss:$0x1], $0xffff  }
0x556: {  	v18 =	vld.idx.msk [tilespmem:v3+s6+$0x4450 ss:$0x1], $0xffff  }
0x557: {  	v19 =	vld.idx.msk [tilespmem:v3+s6+$0x4460 ss:$0x1], $0xffff  }
0x558: {  	v20 =	vld.idx.msk [tilespmem:v3+s6+$0x4000 ss:$0x1], $0xffff  }
0x559: {  	v21 =	vld.idx.msk [tilespmem:v3+s7+$0x4000 ss:$0x1], $0xffff  }
0x55a: {  	v22 =	vld.idx.msk [tilespmem:v3+s7+$0x4010 ss:$0x1], $0xffff  }
0x55b: {  	v23 =	vld.idx.msk [tilespmem:v3+s7+$0x4020 ss:$0x1], $0xffff  }
0x55c: {  	v24 =	vld.idx.msk [tilespmem:v3+s7+$0x4030 ss:$0x1], $0xffff  }
0x55d: {  	v25 =	vld.idx.msk [tilespmem:v3+s7+$0x4040 ss:$0x1], $0xffff  }
0x55e: {  	v26 =	vld.idx.msk [tilespmem:v3+s7+$0x4050 ss:$0x1], $0xffff;
	v4 =	vmul.f32 $3.200000000e+01, v4  }
0x55f: {  	v27 =	vld.idx.msk [tilespmem:v3+s7+$0x4060 ss:$0x1], $0xffff;
	v20 =	vmul.f32 $3.200000000e+01, v20  }
0x560: {  	v61 =	vld.idx.msk [tilespmem:v3+s7+$0x4400 ss:$0x1], $0xffff;
	v5 =	vmul.f32 $3.200000000e+01, v5;
	v4 =	vadd.f32 v6, v4  }
0x561: {  	v62 =	vmul.f32 $3.200000000e+01, v10;
	v10 =	vld.idx.msk [tilespmem:v3+s7+$0x4410 ss:$0x1], $0xffff;
	v6 =	vmul.f32 $3.200000000e+01, v7;
	v7 =	vadd.f32 v21, v20  }
0x562: {  	v28 =	vmul.f32 $3.200000000e+01, v11;
	v63 =	vmul.f32 $3.200000000e+01, v12;
	v11 =	vld.idx.msk [tilespmem:v3+s7+$0x4420 ss:$0x1], $0xffff;
	v5 =	vadd.f32 v22, v5;
	[tilespmem:v3+s6+$0x4470 ss:$0x1] =	vst.idx.msk $0xffff, v4  }
0x563: {  	v29 =	vmul.f32 $3.200000000e+01, v13;
	v20 =	vld.idx.msk [tilespmem:v3+s7+$0x4070 ss:$0x1], $0xffff;
	v4 =	vmul.f32 $3.200000000e+01, v8;
	v6 =	vadd.f32 v23, v6;
	[tilespmem:v3+s6+$0x4000 ss:$0x1] =	vst.idx.msk $0xffff, v7  }
0x564: {  	v12 =	vld.idx.msk [tilespmem:v3+s7+$0x4430 ss:$0x1], $0xffff;
	v8 =	vmul.f32 $3.200000000e+01, v9;
	[tilespmem:v3+s6+$0x4010 ss:$0x1] =	vst.idx.msk $0xffff, v5;
	v7 =	vmul.f32 $3.200000000e+01, v15;
	v15 =	vadd.f32 v26, v62  }
0x565: {  	v13 =	vld.idx.msk [tilespmem:v3+s7+$0x4440 ss:$0x1], $0xffff;
	v9 =	vmul.f32 $3.200000000e+01, v14;
	v4 =	vadd.f32 v24, v4;
	[tilespmem:v3+s6+$0x4020 ss:$0x1] =	vst.idx.msk $0xffff, v6  }
0x566: {  	v5 =	vmul.f32 $3.200000000e+01, v17;
	v17 =	vadd.f32 v61, v29;
	v14 =	vadd.f32 v25, v8;
	[tilespmem:v3+s6+$0x4050 ss:$0x1] =	vst.idx.msk $0xffff, v15  }
0x567: {  	v8 =	vmul.f32 $3.200000000e+01, v16;
	v16 =	vadd.f32 v27, v28;
	v15 =	vld.idx.msk [tilespmem:v3+s7+$0x4460 ss:$0x1], $0xffff;
	[tilespmem:v3+s6+$0x4030 ss:$0x1] =	vst.idx.msk $0xffff, v4  }
0x568: {  	s8 =	simm.s32 $0x0;
	s13 =	sadd.s32 $0x800, s6;
	v6 =	vmul.f32 $3.200000000e+01, v18;
	v18 =	vadd.f32 v20, v63;
	v4 =	vmul.f32 $3.200000000e+01, v19;
	[tilespmem:v3+s6+$0x4040 ss:$0x1] =	vst.idx.msk $0xffff, v14;
	v14 =	vld.idx.msk [tilespmem:v3+s7+$0x4450 ss:$0x1], $0xffff  }
.LBB2_47:
0x569: {  	v19 =	vld.idx.msk [tilespmem:v3+s13+$0x4470 ss:$0x1], $0xffff;
	s8 =	sadd.s32 $0x10, s8;
	[tilespmem:v3+s6+$0x4060 ss:$0x1] =	vst.idx.msk $0xffff, v16;
	v9 =	vadd.f32 v10, v9  }
0x56a: {  	v7 =	vadd.f32 v11, v7;
	s7 =	sadd.s32 $0x800, s7;
	v10 =	vld.idx.msk [tilespmem:v3+s13+$0x4010 ss:$0x1], $0xffff;
	p0 =	slt.u32 s8, $0x30;
	[tilespmem:v3+s6+$0x4070 ss:$0x1] =	vst.idx.msk $0xffff, v18  }
0x56b: {  	v8 =	vadd.f32 v12, v8;
	v11 =	vld.idx.msk [tilespmem:v3+s7+$0x4470 ss:$0x1], $0xffff;
	[tilespmem:v3+s6+$0x4400 ss:$0x1] =	vst.idx.msk $0xffff, v17  }
0x56c: {  	v5 =	vadd.f32 v13, v5;
	v12 =	vld.idx.msk [tilespmem:v3+s13+$0x4020 ss:$0x1], $0xffff;
	[tilespmem:v3+s6+$0x4410 ss:$0x1] =	vst.idx.msk $0xffff, v9  }
0x56d: {  	v6 =	vadd.f32 v14, v6;
	v9 =	vld.idx.msk [tilespmem:v3+s13+$0x4030 ss:$0x1], $0xffff;
	[tilespmem:v3+s6+$0x4420 ss:$0x1] =	vst.idx.msk $0xffff, v7  }
0x56e: {  	v4 =	vadd.f32 v15, v4;
	v7 =	vld.idx.msk [tilespmem:v3+s13+$0x4040 ss:$0x1], $0xffff;
	[tilespmem:v3+s6+$0x4430 ss:$0x1] =	vst.idx.msk $0xffff, v8  }
0x56f: {  	v13 =	vmul.f32 $3.200000000e+01, v19;
	v8 =	vld.idx.msk [tilespmem:v3+s13+$0x4050 ss:$0x1], $0xffff;
	[tilespmem:v3+s6+$0x4440 ss:$0x1] =	vst.idx.msk $0xffff, v5  }
0x570: {  	v10 =	vmul.f32 $3.200000000e+01, v10;
	v5 =	vld.idx.msk [tilespmem:v3+s13+$0x4060 ss:$0x1], $0xffff;
	[tilespmem:v3+s6+$0x4450 ss:$0x1] =	vst.idx.msk $0xffff, v6  }
0x571: {  	v11 =	vadd.f32 v11, v13;
	v6 =	vld.idx.msk [tilespmem:v3+s13+$0x4070 ss:$0x1], $0xffff;
	[tilespmem:v3+s6+$0x4460 ss:$0x1] =	vst.idx.msk $0xffff, v4;
	s6 =	smov.u32 s13  }
0x572: {  	v12 =	vmul.f32 $3.200000000e+01, v12;
	v4 =	vld.idx.msk [tilespmem:v3+s13+$0x4400 ss:$0x1], $0xffff  }
0x573: {  	v13 =	vmul.f32 $3.200000000e+01, v9;
	v9 =	vld.idx.msk [tilespmem:v3+s13+$0x4410 ss:$0x1], $0xffff;
	[tilespmem:v3+s13+$0x4470 ss:$0x1] =	vst.idx.msk $0xffff, v11  }
0x574: {  	v11 =	vmul.f32 $3.200000000e+01, v7;
	v7 =	vld.idx.msk [tilespmem:v3+s13+$0x4420 ss:$0x1], $0xffff  }
0x575: {  	v14 =	vmul.f32 $3.200000000e+01, v8;
	v8 =	vld.idx.msk [tilespmem:v3+s13+$0x4430 ss:$0x1], $0xffff  }
0x576: {  	v15 =	vmul.f32 $3.200000000e+01, v5;
	v5 =	vld.idx.msk [tilespmem:v3+s13+$0x4440 ss:$0x1], $0xffff  }
0x577: {  	v17 =	vmul.f32 $3.200000000e+01, v6;
	v6 =	vld.idx.msk [tilespmem:v3+s13+$0x4450 ss:$0x1], $0xffff  }
0x578: {  	v19 =	vmul.f32 $3.200000000e+01, v4;
	v4 =	vld.idx.msk [tilespmem:v3+s13+$0x4460 ss:$0x1], $0xffff  }
0x579: {  	v9 =	vmul.f32 $3.200000000e+01, v9;
	v16 =	vld.idx.msk [tilespmem:v3+s13+$0x4000 ss:$0x1], $0xffff  }
0x57a: {  	v7 =	vmul.f32 $3.200000000e+01, v7;
	v18 =	vld.idx.msk [tilespmem:v3+s7+$0x4000 ss:$0x1], $0xffff  }
0x57b: {  	v8 =	vmul.f32 $3.200000000e+01, v8;
	v20 =	vld.idx.msk [tilespmem:v3+s7+$0x4010 ss:$0x1], $0xffff  }
0x57c: {  	v5 =	vmul.f32 $3.200000000e+01, v5;
	v21 =	vld.idx.msk [tilespmem:v3+s7+$0x4020 ss:$0x1], $0xffff  }
0x57d: {  	v6 =	vmul.f32 $3.200000000e+01, v6;
	v22 =	vld.idx.msk [tilespmem:v3+s7+$0x4030 ss:$0x1], $0xffff  }
0x57e: {  	v4 =	vmul.f32 $3.200000000e+01, v4;
	v23 =	vld.idx.msk [tilespmem:v3+s7+$0x4040 ss:$0x1], $0xffff  }
0x57f: {  	v16 =	vmul.f32 $3.200000000e+01, v16;
	v24 =	vld.idx.msk [tilespmem:v3+s7+$0x4050 ss:$0x1], $0xffff  }
0x580: {  	v25 =	vld.idx.msk [tilespmem:v3+s7+$0x4060 ss:$0x1], $0xffff  }
0x581: {  	v16 =	vadd.f32 v18, v16;
	v18 =	vadd.f32 v20, v10;
	v20 =	vld.idx.msk [tilespmem:v3+s7+$0x4070 ss:$0x1], $0xffff  }
0x582: {  	v12 =	vadd.f32 v21, v12;
	v21 =	vld.idx.msk [tilespmem:v3+s7+$0x4400 ss:$0x1], $0xffff  }
0x583: {  	v13 =	vadd.f32 v22, v13;
	[tilespmem:v3+s13+$0x4000 ss:$0x1] =	vst.idx.msk $0xffff, v16;
	v10 =	vld.idx.msk [tilespmem:v3+s7+$0x4410 ss:$0x1], $0xffff  }
.Ltmp22:
0x584: {  	[tilespmem:v3+s13+$0x4010 ss:$0x1] =	vst.idx.msk $0xffff, v18;
	v18 =	vadd.f32 v23, v11;
	v11 =	vld.idx.msk [tilespmem:v3+s7+$0x4420 ss:$0x1], $0xffff;
	(pc) =	sbr.rel @p0 .LBB2_47-.Ltmp22, $4  }
0x585: {  	v22 =	vadd.f32 v24, v14;
	[tilespmem:v3+s13+$0x4020 ss:$0x1] =	vst.idx.msk $0xffff, v12;
	v12 =	vld.idx.msk [tilespmem:v3+s7+$0x4430 ss:$0x1], $0xffff  }
0x586: {  	v16 =	vadd.f32 v25, v15;
	[tilespmem:v3+s13+$0x4030 ss:$0x1] =	vst.idx.msk $0xffff, v13;
	v13 =	vld.idx.msk [tilespmem:v3+s7+$0x4440 ss:$0x1], $0xffff  }
0x587: {  	[tilespmem:v3+s13+$0x4040 ss:$0x1] =	vst.idx.msk $0xffff, v18;
	v18 =	vadd.f32 v20, v17;
	v14 =	vld.idx.msk [tilespmem:v3+s7+$0x4450 ss:$0x1], $0xffff  }
0x588: {  	v17 =	vadd.f32 v21, v19;
	s13 =	sadd.s32 $0x800, s13;
	[tilespmem:v3+s6+$0x4050 ss:$0x1] =	vst.idx.msk $0xffff, v22;
	v15 =	vld.idx.msk [tilespmem:v3+s7+$0x4460 ss:$0x1], $0xffff  }
0x589: {  	_ =	sdelay $0x3  }
0x58a: {  	[tilespmem:v3+s6+$0x4060 ss:$0x1] =	vst.idx.msk $0xffff, v16  }
0x58b: {  	v9 =	vadd.f32 v10, v9;
	[tilespmem:v3+s6+$0x4070 ss:$0x1] =	vst.idx.msk $0xffff, v18  }
0x58c: {  	v7 =	vadd.f32 v11, v7;
	s5 =	sadd.s32 $0x1, s5;
	[tilespmem:v3+s6+$0x4400 ss:$0x1] =	vst.idx.msk $0xffff, v17  }
0x58d: {  	v8 =	vadd.f32 v12, v8;
	p0 =	sne.s32 s5, $0x10;
	[tilespmem:v3+s6+$0x4410 ss:$0x1] =	vst.idx.msk $0xffff, v9  }
.Ltmp23:
0x58e: {  	v5 =	vadd.f32 v13, v5;
	[tilespmem:v3+s6+$0x4420 ss:$0x1] =	vst.idx.msk $0xffff, v7;
	(pc) =	sbr.rel @p0 .LBB2_46-.Ltmp23, $4  }
0x58f: {  	v6 =	vadd.f32 v14, v6;
	[tilespmem:v3+s6+$0x4430 ss:$0x1] =	vst.idx.msk $0xffff, v8  }
0x590: {  	v4 =	vadd.f32 v15, v4;
	[tilespmem:v3+s6+$0x4440 ss:$0x1] =	vst.idx.msk $0xffff, v5  }
0x591: {  	[tilespmem:v3+s6+$0x4450 ss:$0x1] =	vst.idx.msk $0xffff, v6  }
0x592: {  	s0 =	sadd.s32 $0x1, s0;
	s18 =	sadd.s32 $0x400, s18;
	[tilespmem:v3+s6+$0x4460 ss:$0x1] =	vst.idx.msk $0xffff, v4  }
0x593: {  	s18 =	simm.s32 $0x0;
	s0 =	rddreg [dreg:$0x16]  }
0x594: {  	[hbm4b:s0+s18] =	stream.linear.scatter [tilespmem:s15], [sflag:$0x7], $0x4000, $0x38;
	[tilespmem:$0x1C200] =	vst v63  }
0x595: {  	_ =	swait.ge [sflag:s20], $0x4000  }
0x596: {  	[sflag:s20] =	ssyncset.done $0x0  }
0x597: {  	[sflag:s20] =	ssyncadd.s32 $0xFFFFC000  }
0x598: {  	v3 =	vld [tilespmem:$0x1B0];
	_ =	sdelay $0x4  }
0x599: {  	v4 =	vshll.u32 v3, $0x3  }
0x59a: {  	v3 =	vand.u32 $0x7, v3;
	v4 =	vand.u32 $0xFFFFFFC0, v4  }
0x59b: {  	v3 =	vor.u32 v3, v4  }
0x59c: {  	v4 =	vperm.xlane v3, v0;
	_ =	sdelay $0x1  }
0x59d: {  	v4 =	vadd.s32 v1, v4;
	_ =	sdelay $0x4  }
0x59e: {  	[tilespmem:s2], [sflag:$0x1] =	stream.indirect_vreg.gather [hbm4b:s1+s18], $0x80, v4, vm0, $0xb8;
	[tilespmem:$0x1C200] =	vst v63  }
0x59f: {  	s13 =	simm.s32 $0xA00;
	v3 =	vperm.xlane v3, v2  }
0x5a0: {  	[tilespmem:s13], [sflag:$0x1] =	stream.indirect_vreg.gather [hbm4b:s9+s18], $0x80, v4, vm0, $0xb8;
	[tilespmem:$0x1C200] =	vst v63  }
0x5a1: {  	s5 =	simm.s32 $0x1200;
	v3 =	vadd.s32 v1, v3  }
0x5a2: {  	[tilespmem:s5], [sflag:$0x1] =	stream.indirect_vreg.gather [hbm4b:s10+s18], $0x80, v4, vm0, $0xb8;
	[tilespmem:$0x1C200] =	vst v63  }
0x5a3: {  	s6 =	simm.s32 $0x1A00  }
0x5a4: {  	[tilespmem:s6], [sflag:$0x1] =	stream.indirect_vreg.gather [hbm4b:s11+s18], $0x80, v4, vm0, $0xb8;
	[tilespmem:$0x1C200] =	vst v63  }
0x5a5: {  	s7 =	simm.s32 $0x2200  }
0x5a6: {  	[tilespmem:s7], [sflag:$0x1] =	stream.indirect_vreg.gather [hbm4b:s1+s18], $0x80, v3, vm0, $0xb8;
	[tilespmem:$0x1C200] =	vst v63  }
0x5a7: {  	s8 =	simm.s32 $0x2A00  }
0x5a8: {  	[tilespmem:s8], [sflag:$0x1] =	stream.indirect_vreg.gather [hbm4b:s9+s18], $0x80, v3, vm0, $0xb8;
	[tilespmem:$0x1C200] =	vst v63  }
0x5a9: {  	s13 =	simm.s32 $0x3200  }
0x5aa: {  	[tilespmem:s13], [sflag:$0x1] =	stream.indirect_vreg.gather [hbm4b:s10+s18], $0x80, v3, vm0, $0xb8;
	[tilespmem:$0x1C200] =	vst v63  }
0x5ab: {  	_ = 	snop  }
0x5ac: {  	[tilespmem:s14], [sflag:$0x1] =	stream.indirect_vreg.gather [hbm4b:s11+s18], $0x80, v3, vm0, $0xb8;
	[tilespmem:$0x1C200] =	vst v63  }
0x5ad: {  	_ =	swait.ge [sflag:s21], $0x4000  }
0x5ae: {  	[sflag:s21] =	ssyncset.done $0x0  }
0x5af: {  	s0 =	simm.s32 $0x0;
	s5 =	simm.s32 $0x0;
	[sflag:s21] =	ssyncadd.s32 $0xFFFFC000  }
.LBB2_50:
0x5b0: {  	s6 =	sand.u32 $0x7, s0  }
0x5b1: {  	s6 =	sshll.u32 s6, $0x9  }
0x5b2: {  	s6 =	sshrl.u32 s6, $0x2  }
0x5b3: {  	v3 =	vmov s6;
	_ =	sdelay $0x2  }
0x5b4: {  	s7 =	sand.u32 $0x3FFFE000, s18  }
0x5b5: {  	s6 =	sor.u32 $0x200, s7  }
0x5b6: {  	v4 =	vld.idx.msk [tilespmem:v3+s6+$0x8470 ss:$0x1], $0xffff  }
0x5b7: {  	s7 =	sadd.s32 $0x14670, s7;
	v5 =	vld.idx.msk [tilespmem:v3+s6+$0x8010 ss:$0x1], $0xffff  }
0x5b8: {  	v6 =	vld.idx.msk [tilespmem:v3+s7+$0x0 ss:$0x1], $0xffff  }
0x5b9: {  	v7 =	vld.idx.msk [tilespmem:v3+s6+$0x8020 ss:$0x1], $0xffff  }
0x5ba: {  	v8 =	vld.idx.msk [tilespmem:v3+s6+$0x8030 ss:$0x1], $0xffff  }
0x5bb: {  	v9 =	vld.idx.msk [tilespmem:v3+s6+$0x8040 ss:$0x1], $0xffff  }
0x5bc: {  	v10 =	vld.idx.msk [tilespmem:v3+s6+$0x8050 ss:$0x1], $0xffff  }
0x5bd: {  	v11 =	vld.idx.msk [tilespmem:v3+s6+$0x8060 ss:$0x1], $0xffff  }
0x5be: {  	v12 =	vld.idx.msk [tilespmem:v3+s6+$0x8070 ss:$0x1], $0xffff  }
0x5bf: {  	v13 =	vld.idx.msk [tilespmem:v3+s6+$0x8400 ss:$0x1], $0xffff  }
0x5c0: {  	v14 =	vld.idx.msk [tilespmem:v3+s6+$0x8410 ss:$0x1], $0xffff  }
0x5c1: {  	v15 =	vld.idx.msk [tilespmem:v3+s6+$0x8420 ss:$0x1], $0xffff  }
0x5c2: {  	v16 =	vld.idx.msk [tilespmem:v3+s6+$0x8430 ss:$0x1], $0xffff  }
0x5c3: {  	v17 =	vld.idx.msk [tilespmem:v3+s6+$0x8440 ss:$0x1], $0xffff  }
0x5c4: {  	v18 =	vld.idx.msk [tilespmem:v3+s6+$0x8450 ss:$0x1], $0xffff  }
0x5c5: {  	v19 =	vld.idx.msk [tilespmem:v3+s6+$0x8460 ss:$0x1], $0xffff  }
0x5c6: {  	v20 =	vld.idx.msk [tilespmem:v3+s6+$0x8000 ss:$0x1], $0xffff  }
0x5c7: {  	v21 =	vld.idx.msk [tilespmem:v3+s7+$0xFFFFFB90 ss:$0x1], $0xffff  }
0x5c8: {  	v22 =	vld.idx.msk [tilespmem:v3+s7+$0xFFFFFBA0 ss:$0x1], $0xffff  }
0x5c9: {  	v23 =	vld.idx.msk [tilespmem:v3+s7+$0xFFFFFBB0 ss:$0x1], $0xffff  }
0x5ca: {  	v24 =	vld.idx.msk [tilespmem:v3+s7+$0xFFFFFBC0 ss:$0x1], $0xffff  }
0x5cb: {  	v25 =	vld.idx.msk [tilespmem:v3+s7+$0xFFFFFBD0 ss:$0x1], $0xffff  }
0x5cc: {  	v26 =	vld.idx.msk [tilespmem:v3+s7+$0xFFFFFBE0 ss:$0x1], $0xffff;
	v4 =	vmul.f32 $3.200000000e+01, v4  }
0x5cd: {  	v27 =	vld.idx.msk [tilespmem:v3+s7+$0xFFFFFBF0 ss:$0x1], $0xffff;
	v20 =	vmul.f32 $3.200000000e+01, v20  }
0x5ce: {  	v61 =	vld.idx.msk [tilespmem:v3+s7+$0xFFFFFF90 ss:$0x1], $0xffff;
	v5 =	vmul.f32 $3.200000000e+01, v5;
	v4 =	vadd.f32 v6, v4  }
0x5cf: {  	v62 =	vmul.f32 $3.200000000e+01, v10;
	v10 =	vld.idx.msk [tilespmem:v3+s7+$0xFFFFFFA0 ss:$0x1], $0xffff;
	v6 =	vmul.f32 $3.200000000e+01, v7;
	v7 =	vadd.f32 v21, v20  }
0x5d0: {  	v28 =	vmul.f32 $3.200000000e+01, v11;
	v63 =	vmul.f32 $3.200000000e+01, v12;
	v11 =	vld.idx.msk [tilespmem:v3+s7+$0xFFFFFFB0 ss:$0x1], $0xffff;
	v5 =	vadd.f32 v22, v5;
	[tilespmem:v3+s6+$0x8470 ss:$0x1] =	vst.idx.msk $0xffff, v4  }
0x5d1: {  	v29 =	vmul.f32 $3.200000000e+01, v13;
	v20 =	vld.idx.msk [tilespmem:v3+s7+$0xFFFFFC00 ss:$0x1], $0xffff;
	v4 =	vmul.f32 $3.200000000e+01, v8;
	v6 =	vadd.f32 v23, v6;
	[tilespmem:v3+s6+$0x8000 ss:$0x1] =	vst.idx.msk $0xffff, v7  }
0x5d2: {  	v12 =	vld.idx.msk [tilespmem:v3+s7+$0xFFFFFFC0 ss:$0x1], $0xffff;
	v8 =	vmul.f32 $3.200000000e+01, v9;
	[tilespmem:v3+s6+$0x8010 ss:$0x1] =	vst.idx.msk $0xffff, v5;
	v7 =	vmul.f32 $3.200000000e+01, v15;
	v15 =	vadd.f32 v26, v62  }
0x5d3: {  	v13 =	vld.idx.msk [tilespmem:v3+s7+$0xFFFFFFD0 ss:$0x1], $0xffff;
	v9 =	vmul.f32 $3.200000000e+01, v14;
	v4 =	vadd.f32 v24, v4;
	[tilespmem:v3+s6+$0x8020 ss:$0x1] =	vst.idx.msk $0xffff, v6  }
0x5d4: {  	v5 =	vmul.f32 $3.200000000e+01, v17;
	v17 =	vadd.f32 v61, v29;
	v14 =	vadd.f32 v25, v8;
	[tilespmem:v3+s6+$0x8050 ss:$0x1] =	vst.idx.msk $0xffff, v15  }
0x5d5: {  	v8 =	vmul.f32 $3.200000000e+01, v16;
	v16 =	vadd.f32 v27, v28;
	v15 =	vld.idx.msk [tilespmem:v3+s7+$0xFFFFFFF0 ss:$0x1], $0xffff;
	[tilespmem:v3+s6+$0x8030 ss:$0x1] =	vst.idx.msk $0xffff, v4  }
0x5d6: {  	s8 =	simm.s32 $0x0;
	s13 =	sadd.s32 $0x800, s6;
	v6 =	vmul.f32 $3.200000000e+01, v18;
	v18 =	vadd.f32 v20, v63;
	v4 =	vmul.f32 $3.200000000e+01, v19;
	[tilespmem:v3+s6+$0x8040 ss:$0x1] =	vst.idx.msk $0xffff, v14;
	v14 =	vld.idx.msk [tilespmem:v3+s7+$0xFFFFFFE0 ss:$0x1], $0xffff  }
.LBB2_51:
0x5d7: {  	v19 =	vld.idx.msk [tilespmem:v3+s13+$0x8470 ss:$0x1], $0xffff;
	s8 =	sadd.s32 $0x10, s8;
	[tilespmem:v3+s6+$0x8060 ss:$0x1] =	vst.idx.msk $0xffff, v16;
	v9 =	vadd.f32 v10, v9  }
0x5d8: {  	v7 =	vadd.f32 v11, v7;
	s7 =	sadd.s32 $0x800, s7;
	v10 =	vld.idx.msk [tilespmem:v3+s13+$0x8010 ss:$0x1], $0xffff;
	p0 =	slt.u32 s8, $0x30;
	[tilespmem:v3+s6+$0x8070 ss:$0x1] =	vst.idx.msk $0xffff, v18  }
0x5d9: {  	v8 =	vadd.f32 v12, v8;
	v11 =	vld.idx.msk [tilespmem:v3+s7+$0x0 ss:$0x1], $0xffff;
	[tilespmem:v3+s6+$0x8400 ss:$0x1] =	vst.idx.msk $0xffff, v17  }
0x5da: {  	v5 =	vadd.f32 v13, v5;
	v12 =	vld.idx.msk [tilespmem:v3+s13+$0x8020 ss:$0x1], $0xffff;
	[tilespmem:v3+s6+$0x8410 ss:$0x1] =	vst.idx.msk $0xffff, v9  }
0x5db: {  	v6 =	vadd.f32 v14, v6;
	v9 =	vld.idx.msk [tilespmem:v3+s13+$0x8030 ss:$0x1], $0xffff;
	[tilespmem:v3+s6+$0x8420 ss:$0x1] =	vst.idx.msk $0xffff, v7  }
0x5dc: {  	v4 =	vadd.f32 v15, v4;
	v7 =	vld.idx.msk [tilespmem:v3+s13+$0x8040 ss:$0x1], $0xffff;
	[tilespmem:v3+s6+$0x8430 ss:$0x1] =	vst.idx.msk $0xffff, v8  }
0x5dd: {  	v13 =	vmul.f32 $3.200000000e+01, v19;
	v8 =	vld.idx.msk [tilespmem:v3+s13+$0x8050 ss:$0x1], $0xffff;
	[tilespmem:v3+s6+$0x8440 ss:$0x1] =	vst.idx.msk $0xffff, v5  }
0x5de: {  	v10 =	vmul.f32 $3.200000000e+01, v10;
	v5 =	vld.idx.msk [tilespmem:v3+s13+$0x8060 ss:$0x1], $0xffff;
	[tilespmem:v3+s6+$0x8450 ss:$0x1] =	vst.idx.msk $0xffff, v6  }
0x5df: {  	v11 =	vadd.f32 v11, v13;
	v6 =	vld.idx.msk [tilespmem:v3+s13+$0x8070 ss:$0x1], $0xffff;
	[tilespmem:v3+s6+$0x8460 ss:$0x1] =	vst.idx.msk $0xffff, v4;
	s6 =	smov.u32 s13  }
0x5e0: {  	v12 =	vmul.f32 $3.200000000e+01, v12;
	v4 =	vld.idx.msk [tilespmem:v3+s13+$0x8400 ss:$0x1], $0xffff  }
0x5e1: {  	v13 =	vmul.f32 $3.200000000e+01, v9;
	v9 =	vld.idx.msk [tilespmem:v3+s13+$0x8410 ss:$0x1], $0xffff;
	[tilespmem:v3+s13+$0x8470 ss:$0x1] =	vst.idx.msk $0xffff, v11  }
0x5e2: {  	v11 =	vmul.f32 $3.200000000e+01, v7;
	v7 =	vld.idx.msk [tilespmem:v3+s13+$0x8420 ss:$0x1], $0xffff  }
0x5e3: {  	v14 =	vmul.f32 $3.200000000e+01, v8;
	v8 =	vld.idx.msk [tilespmem:v3+s13+$0x8430 ss:$0x1], $0xffff  }
0x5e4: {  	v15 =	vmul.f32 $3.200000000e+01, v5;
	v5 =	vld.idx.msk [tilespmem:v3+s13+$0x8440 ss:$0x1], $0xffff  }
0x5e5: {  	v17 =	vmul.f32 $3.200000000e+01, v6;
	v6 =	vld.idx.msk [tilespmem:v3+s13+$0x8450 ss:$0x1], $0xffff  }
0x5e6: {  	v19 =	vmul.f32 $3.200000000e+01, v4;
	v4 =	vld.idx.msk [tilespmem:v3+s13+$0x8460 ss:$0x1], $0xffff  }
0x5e7: {  	v9 =	vmul.f32 $3.200000000e+01, v9;
	v16 =	vld.idx.msk [tilespmem:v3+s13+$0x8000 ss:$0x1], $0xffff  }
0x5e8: {  	v7 =	vmul.f32 $3.200000000e+01, v7;
	v18 =	vld.idx.msk [tilespmem:v3+s7+$0xFFFFFB90 ss:$0x1], $0xffff  }
0x5e9: {  	v8 =	vmul.f32 $3.200000000e+01, v8;
	v20 =	vld.idx.msk [tilespmem:v3+s7+$0xFFFFFBA0 ss:$0x1], $0xffff  }
0x5ea: {  	v5 =	vmul.f32 $3.200000000e+01, v5;
	v21 =	vld.idx.msk [tilespmem:v3+s7+$0xFFFFFBB0 ss:$0x1], $0xffff  }
0x5eb: {  	v6 =	vmul.f32 $3.200000000e+01, v6;
	v22 =	vld.idx.msk [tilespmem:v3+s7+$0xFFFFFBC0 ss:$0x1], $0xffff  }
0x5ec: {  	v4 =	vmul.f32 $3.200000000e+01, v4;
	v23 =	vld.idx.msk [tilespmem:v3+s7+$0xFFFFFBD0 ss:$0x1], $0xffff  }
0x5ed: {  	v16 =	vmul.f32 $3.200000000e+01, v16;
	v24 =	vld.idx.msk [tilespmem:v3+s7+$0xFFFFFBE0 ss:$0x1], $0xffff  }
0x5ee: {  	v25 =	vld.idx.msk [tilespmem:v3+s7+$0xFFFFFBF0 ss:$0x1], $0xffff  }
0x5ef: {  	v16 =	vadd.f32 v18, v16;
	v18 =	vadd.f32 v20, v10;
	v20 =	vld.idx.msk [tilespmem:v3+s7+$0xFFFFFC00 ss:$0x1], $0xffff  }
0x5f0: {  	v12 =	vadd.f32 v21, v12;
	v21 =	vld.idx.msk [tilespmem:v3+s7+$0xFFFFFF90 ss:$0x1], $0xffff  }
0x5f1: {  	v13 =	vadd.f32 v22, v13;
	[tilespmem:v3+s13+$0x8000 ss:$0x1] =	vst.idx.msk $0xffff, v16;
	v10 =	vld.idx.msk [tilespmem:v3+s7+$0xFFFFFFA0 ss:$0x1], $0xffff  }
.Ltmp24:
0x5f2: {  	[tilespmem:v3+s13+$0x8010 ss:$0x1] =	vst.idx.msk $0xffff, v18;
	v18 =	vadd.f32 v23, v11;
	v11 =	vld.idx.msk [tilespmem:v3+s7+$0xFFFFFFB0 ss:$0x1], $0xffff;
	(pc) =	sbr.rel @p0 .LBB2_51-.Ltmp24, $4  }
0x5f3: {  	v22 =	vadd.f32 v24, v14;
	[tilespmem:v3+s13+$0x8020 ss:$0x1] =	vst.idx.msk $0xffff, v12;
	v12 =	vld.idx.msk [tilespmem:v3+s7+$0xFFFFFFC0 ss:$0x1], $0xffff  }
0x5f4: {  	v16 =	vadd.f32 v25, v15;
	[tilespmem:v3+s13+$0x8030 ss:$0x1] =	vst.idx.msk $0xffff, v13;
	v13 =	vld.idx.msk [tilespmem:v3+s7+$0xFFFFFFD0 ss:$0x1], $0xffff  }
0x5f5: {  	[tilespmem:v3+s13+$0x8040 ss:$0x1] =	vst.idx.msk $0xffff, v18;
	v18 =	vadd.f32 v20, v17;
	v14 =	vld.idx.msk [tilespmem:v3+s7+$0xFFFFFFE0 ss:$0x1], $0xffff  }
0x5f6: {  	v17 =	vadd.f32 v21, v19;
	s13 =	sadd.s32 $0x800, s13;
	[tilespmem:v3+s6+$0x8050 ss:$0x1] =	vst.idx.msk $0xffff, v22;
	v15 =	vld.idx.msk [tilespmem:v3+s7+$0xFFFFFFF0 ss:$0x1], $0xffff  }
0x5f7: {  	_ =	sdelay $0x3  }
0x5f8: {  	[tilespmem:v3+s6+$0x8060 ss:$0x1] =	vst.idx.msk $0xffff, v16  }
0x5f9: {  	v9 =	vadd.f32 v10, v9;
	[tilespmem:v3+s6+$0x8070 ss:$0x1] =	vst.idx.msk $0xffff, v18  }
0x5fa: {  	v7 =	vadd.f32 v11, v7;
	s5 =	sadd.s32 $0x1, s5;
	[tilespmem:v3+s6+$0x8400 ss:$0x1] =	vst.idx.msk $0xffff, v17  }
0x5fb: {  	v8 =	vadd.f32 v12, v8;
	p0 =	sne.s32 s5, $0x10;
	[tilespmem:v3+s6+$0x8410 ss:$0x1] =	vst.idx.msk $0xffff, v9  }
.Ltmp25:
0x5fc: {  	v5 =	vadd.f32 v13, v5;
	[tilespmem:v3+s6+$0x8420 ss:$0x1] =	vst.idx.msk $0xffff, v7;
	(pc) =	sbr.rel @p0 .LBB2_50-.Ltmp25, $4  }
0x5fd: {  	v6 =	vadd.f32 v14, v6;
	[tilespmem:v3+s6+$0x8430 ss:$0x1] =	vst.idx.msk $0xffff, v8  }
0x5fe: {  	v4 =	vadd.f32 v15, v4;
	[tilespmem:v3+s6+$0x8440 ss:$0x1] =	vst.idx.msk $0xffff, v5  }
0x5ff: {  	[tilespmem:v3+s6+$0x8450 ss:$0x1] =	vst.idx.msk $0xffff, v6  }
0x600: {  	s0 =	sadd.s32 $0x1, s0;
	s18 =	sadd.s32 $0x400, s18;
	[tilespmem:v3+s6+$0x8460 ss:$0x1] =	vst.idx.msk $0xffff, v4  }
0x601: {  	s18 =	simm.s32 $0x0;
	s0 =	rddreg [dreg:$0x18]  }
0x602: {  	[hbm4b:s0+s18] =	stream.linear.scatter [tilespmem:s23], [sflag:$0x8], $0x4000, $0x38;
	[tilespmem:$0x1C200] =	vst v63  }
0x603: {  	_ =	swait.ge [sflag:s28], $0x4000  }
0x604: {  	[sflag:s28] =	ssyncset.done $0x0  }
0x605: {  	s5 =	simm.s32 $0x0;
	s0 =	simm.s32 $0x0;
	[sflag:s28] =	ssyncadd.s32 $0xFFFFC000  }
.LBB2_54:
0x606: {  	s6 =	sand.u32 $0x7, s0  }
0x607: {  	s6 =	sshll.u32 s6, $0x9  }
0x608: {  	s6 =	sshrl.u32 s6, $0x2  }
0x609: {  	v3 =	vmov s6;
	_ =	sdelay $0x2  }
0x60a: {  	s7 =	sand.u32 $0x3FFFE000, s18  }
0x60b: {  	s6 =	sor.u32 $0x200, s7  }
0x60c: {  	v4 =	vld.idx.msk [tilespmem:v3+s6+$0xC470 ss:$0x1], $0xffff  }
0x60d: {  	s7 =	sadd.s32 $0x14200, s7;
	v5 =	vld.idx.msk [tilespmem:v3+s6+$0xC010 ss:$0x1], $0xffff  }
0x60e: {  	v6 =	vld.idx.msk [tilespmem:v3+s7+$0x4470 ss:$0x1], $0xffff  }
0x60f: {  	v7 =	vld.idx.msk [tilespmem:v3+s6+$0xC020 ss:$0x1], $0xffff  }
0x610: {  	v8 =	vld.idx.msk [tilespmem:v3+s6+$0xC030 ss:$0x1], $0xffff  }
0x611: {  	v9 =	vld.idx.msk [tilespmem:v3+s6+$0xC040 ss:$0x1], $0xffff  }
0x612: {  	v10 =	vld.idx.msk [tilespmem:v3+s6+$0xC050 ss:$0x1], $0xffff  }
0x613: {  	v11 =	vld.idx.msk [tilespmem:v3+s6+$0xC060 ss:$0x1], $0xffff  }
0x614: {  	v12 =	vld.idx.msk [tilespmem:v3+s6+$0xC070 ss:$0x1], $0xffff  }
0x615: {  	v13 =	vld.idx.msk [tilespmem:v3+s6+$0xC400 ss:$0x1], $0xffff  }
0x616: {  	v14 =	vld.idx.msk [tilespmem:v3+s6+$0xC410 ss:$0x1], $0xffff  }
0x617: {  	v15 =	vld.idx.msk [tilespmem:v3+s6+$0xC420 ss:$0x1], $0xffff  }
0x618: {  	v16 =	vld.idx.msk [tilespmem:v3+s6+$0xC430 ss:$0x1], $0xffff  }
0x619: {  	v17 =	vld.idx.msk [tilespmem:v3+s6+$0xC440 ss:$0x1], $0xffff  }
0x61a: {  	v18 =	vld.idx.msk [tilespmem:v3+s6+$0xC450 ss:$0x1], $0xffff  }
0x61b: {  	v19 =	vld.idx.msk [tilespmem:v3+s6+$0xC460 ss:$0x1], $0xffff  }
0x61c: {  	v20 =	vld.idx.msk [tilespmem:v3+s6+$0xC000 ss:$0x1], $0xffff  }
0x61d: {  	v21 =	vld.idx.msk [tilespmem:v3+s7+$0x4000 ss:$0x1], $0xffff  }
0x61e: {  	v22 =	vld.idx.msk [tilespmem:v3+s7+$0x4010 ss:$0x1], $0xffff  }
0x61f: {  	v23 =	vld.idx.msk [tilespmem:v3+s7+$0x4020 ss:$0x1], $0xffff  }
0x620: {  	v24 =	vld.idx.msk [tilespmem:v3+s7+$0x4030 ss:$0x1], $0xffff  }
0x621: {  	v25 =	vld.idx.msk [tilespmem:v3+s7+$0x4040 ss:$0x1], $0xffff  }
0x622: {  	v26 =	vld.idx.msk [tilespmem:v3+s7+$0x4050 ss:$0x1], $0xffff;
	v4 =	vmul.f32 $3.200000000e+01, v4  }
0x623: {  	v27 =	vld.idx.msk [tilespmem:v3+s7+$0x4060 ss:$0x1], $0xffff;
	v20 =	vmul.f32 $3.200000000e+01, v20  }
0x624: {  	v61 =	vld.idx.msk [tilespmem:v3+s7+$0x4400 ss:$0x1], $0xffff;
	v5 =	vmul.f32 $3.200000000e+01, v5;
	v4 =	vadd.f32 v6, v4  }
0x625: {  	v62 =	vmul.f32 $3.200000000e+01, v10;
	v10 =	vld.idx.msk [tilespmem:v3+s7+$0x4410 ss:$0x1], $0xffff;
	v6 =	vmul.f32 $3.200000000e+01, v7;
	v7 =	vadd.f32 v21, v20  }
0x626: {  	v28 =	vmul.f32 $3.200000000e+01, v11;
	v63 =	vmul.f32 $3.200000000e+01, v12;
	v11 =	vld.idx.msk [tilespmem:v3+s7+$0x4420 ss:$0x1], $0xffff;
	v5 =	vadd.f32 v22, v5;
	[tilespmem:v3+s6+$0xC470 ss:$0x1] =	vst.idx.msk $0xffff, v4  }
0x627: {  	v29 =	vmul.f32 $3.200000000e+01, v13;
	v20 =	vld.idx.msk [tilespmem:v3+s7+$0x4070 ss:$0x1], $0xffff;
	v4 =	vmul.f32 $3.200000000e+01, v8;
	v6 =	vadd.f32 v23, v6;
	[tilespmem:v3+s6+$0xC000 ss:$0x1] =	vst.idx.msk $0xffff, v7  }
0x628: {  	v12 =	vld.idx.msk [tilespmem:v3+s7+$0x4430 ss:$0x1], $0xffff;
	v8 =	vmul.f32 $3.200000000e+01, v9;
	[tilespmem:v3+s6+$0xC010 ss:$0x1] =	vst.idx.msk $0xffff, v5;
	v7 =	vmul.f32 $3.200000000e+01, v15;
	v15 =	vadd.f32 v26, v62  }
0x629: {  	v13 =	vld.idx.msk [tilespmem:v3+s7+$0x4440 ss:$0x1], $0xffff;
	v9 =	vmul.f32 $3.200000000e+01, v14;
	v4 =	vadd.f32 v24, v4;
	[tilespmem:v3+s6+$0xC020 ss:$0x1] =	vst.idx.msk $0xffff, v6  }
0x62a: {  	v5 =	vmul.f32 $3.200000000e+01, v17;
	v17 =	vadd.f32 v61, v29;
	v14 =	vadd.f32 v25, v8;
	[tilespmem:v3+s6+$0xC050 ss:$0x1] =	vst.idx.msk $0xffff, v15  }
0x62b: {  	v8 =	vmul.f32 $3.200000000e+01, v16;
	v16 =	vadd.f32 v27, v28;
	v15 =	vld.idx.msk [tilespmem:v3+s7+$0x4460 ss:$0x1], $0xffff;
	[tilespmem:v3+s6+$0xC030 ss:$0x1] =	vst.idx.msk $0xffff, v4  }
0x62c: {  	s8 =	simm.s32 $0x0;
	s13 =	sadd.s32 $0x800, s6;
	v6 =	vmul.f32 $3.200000000e+01, v18;
	v18 =	vadd.f32 v20, v63;
	v4 =	vmul.f32 $3.200000000e+01, v19;
	[tilespmem:v3+s6+$0xC040 ss:$0x1] =	vst.idx.msk $0xffff, v14;
	v14 =	vld.idx.msk [tilespmem:v3+s7+$0x4450 ss:$0x1], $0xffff  }
.LBB2_55:
0x62d: {  	v19 =	vld.idx.msk [tilespmem:v3+s13+$0xC470 ss:$0x1], $0xffff;
	s8 =	sadd.s32 $0x10, s8;
	[tilespmem:v3+s6+$0xC060 ss:$0x1] =	vst.idx.msk $0xffff, v16;
	v9 =	vadd.f32 v10, v9  }
0x62e: {  	v7 =	vadd.f32 v11, v7;
	s7 =	sadd.s32 $0x800, s7;
	v10 =	vld.idx.msk [tilespmem:v3+s13+$0xC010 ss:$0x1], $0xffff;
	p0 =	slt.u32 s8, $0x30;
	[tilespmem:v3+s6+$0xC070 ss:$0x1] =	vst.idx.msk $0xffff, v18  }
0x62f: {  	v8 =	vadd.f32 v12, v8;
	v11 =	vld.idx.msk [tilespmem:v3+s7+$0x4470 ss:$0x1], $0xffff;
	[tilespmem:v3+s6+$0xC400 ss:$0x1] =	vst.idx.msk $0xffff, v17  }
0x630: {  	v5 =	vadd.f32 v13, v5;
	v12 =	vld.idx.msk [tilespmem:v3+s13+$0xC020 ss:$0x1], $0xffff;
	[tilespmem:v3+s6+$0xC410 ss:$0x1] =	vst.idx.msk $0xffff, v9  }
0x631: {  	v6 =	vadd.f32 v14, v6;
	v9 =	vld.idx.msk [tilespmem:v3+s13+$0xC030 ss:$0x1], $0xffff;
	[tilespmem:v3+s6+$0xC420 ss:$0x1] =	vst.idx.msk $0xffff, v7  }
0x632: {  	v4 =	vadd.f32 v15, v4;
	v7 =	vld.idx.msk [tilespmem:v3+s13+$0xC040 ss:$0x1], $0xffff;
	[tilespmem:v3+s6+$0xC430 ss:$0x1] =	vst.idx.msk $0xffff, v8  }
0x633: {  	v13 =	vmul.f32 $3.200000000e+01, v19;
	v8 =	vld.idx.msk [tilespmem:v3+s13+$0xC050 ss:$0x1], $0xffff;
	[tilespmem:v3+s6+$0xC440 ss:$0x1] =	vst.idx.msk $0xffff, v5  }
0x634: {  	v10 =	vmul.f32 $3.200000000e+01, v10;
	v5 =	vld.idx.msk [tilespmem:v3+s13+$0xC060 ss:$0x1], $0xffff;
	[tilespmem:v3+s6+$0xC450 ss:$0x1] =	vst.idx.msk $0xffff, v6  }
0x635: {  	v11 =	vadd.f32 v11, v13;
	v6 =	vld.idx.msk [tilespmem:v3+s13+$0xC070 ss:$0x1], $0xffff;
	[tilespmem:v3+s6+$0xC460 ss:$0x1] =	vst.idx.msk $0xffff, v4;
	s6 =	smov.u32 s13  }
0x636: {  	v12 =	vmul.f32 $3.200000000e+01, v12;
	v4 =	vld.idx.msk [tilespmem:v3+s13+$0xC400 ss:$0x1], $0xffff  }
0x637: {  	v13 =	vmul.f32 $3.200000000e+01, v9;
	v9 =	vld.idx.msk [tilespmem:v3+s13+$0xC410 ss:$0x1], $0xffff;
	[tilespmem:v3+s13+$0xC470 ss:$0x1] =	vst.idx.msk $0xffff, v11  }
0x638: {  	v11 =	vmul.f32 $3.200000000e+01, v7;
	v7 =	vld.idx.msk [tilespmem:v3+s13+$0xC420 ss:$0x1], $0xffff  }
0x639: {  	v14 =	vmul.f32 $3.200000000e+01, v8;
	v8 =	vld.idx.msk [tilespmem:v3+s13+$0xC430 ss:$0x1], $0xffff  }
0x63a: {  	v15 =	vmul.f32 $3.200000000e+01, v5;
	v5 =	vld.idx.msk [tilespmem:v3+s13+$0xC440 ss:$0x1], $0xffff  }
0x63b: {  	v17 =	vmul.f32 $3.200000000e+01, v6;
	v6 =	vld.idx.msk [tilespmem:v3+s13+$0xC450 ss:$0x1], $0xffff  }
0x63c: {  	v19 =	vmul.f32 $3.200000000e+01, v4;
	v4 =	vld.idx.msk [tilespmem:v3+s13+$0xC460 ss:$0x1], $0xffff  }
0x63d: {  	v9 =	vmul.f32 $3.200000000e+01, v9;
	v16 =	vld.idx.msk [tilespmem:v3+s13+$0xC000 ss:$0x1], $0xffff  }
0x63e: {  	v7 =	vmul.f32 $3.200000000e+01, v7;
	v18 =	vld.idx.msk [tilespmem:v3+s7+$0x4000 ss:$0x1], $0xffff  }
0x63f: {  	v8 =	vmul.f32 $3.200000000e+01, v8;
	v20 =	vld.idx.msk [tilespmem:v3+s7+$0x4010 ss:$0x1], $0xffff  }
0x640: {  	v5 =	vmul.f32 $3.200000000e+01, v5;
	v21 =	vld.idx.msk [tilespmem:v3+s7+$0x4020 ss:$0x1], $0xffff  }
0x641: {  	v6 =	vmul.f32 $3.200000000e+01, v6;
	v22 =	vld.idx.msk [tilespmem:v3+s7+$0x4030 ss:$0x1], $0xffff  }
0x642: {  	v4 =	vmul.f32 $3.200000000e+01, v4;
	v23 =	vld.idx.msk [tilespmem:v3+s7+$0x4040 ss:$0x1], $0xffff  }
0x643: {  	v16 =	vmul.f32 $3.200000000e+01, v16;
	v24 =	vld.idx.msk [tilespmem:v3+s7+$0x4050 ss:$0x1], $0xffff  }
0x644: {  	v25 =	vld.idx.msk [tilespmem:v3+s7+$0x4060 ss:$0x1], $0xffff  }
0x645: {  	v16 =	vadd.f32 v18, v16;
	v18 =	vadd.f32 v20, v10;
	v20 =	vld.idx.msk [tilespmem:v3+s7+$0x4070 ss:$0x1], $0xffff  }
0x646: {  	v12 =	vadd.f32 v21, v12;
	v21 =	vld.idx.msk [tilespmem:v3+s7+$0x4400 ss:$0x1], $0xffff  }
0x647: {  	v13 =	vadd.f32 v22, v13;
	[tilespmem:v3+s13+$0xC000 ss:$0x1] =	vst.idx.msk $0xffff, v16;
	v10 =	vld.idx.msk [tilespmem:v3+s7+$0x4410 ss:$0x1], $0xffff  }
.Ltmp26:
0x648: {  	[tilespmem:v3+s13+$0xC010 ss:$0x1] =	vst.idx.msk $0xffff, v18;
	v18 =	vadd.f32 v23, v11;
	v11 =	vld.idx.msk [tilespmem:v3+s7+$0x4420 ss:$0x1], $0xffff;
	(pc) =	sbr.rel @p0 .LBB2_55-.Ltmp26, $4  }
0x649: {  	v22 =	vadd.f32 v24, v14;
	[tilespmem:v3+s13+$0xC020 ss:$0x1] =	vst.idx.msk $0xffff, v12;
	v12 =	vld.idx.msk [tilespmem:v3+s7+$0x4430 ss:$0x1], $0xffff  }
0x64a: {  	v16 =	vadd.f32 v25, v15;
	[tilespmem:v3+s13+$0xC030 ss:$0x1] =	vst.idx.msk $0xffff, v13;
	v13 =	vld.idx.msk [tilespmem:v3+s7+$0x4440 ss:$0x1], $0xffff  }
0x64b: {  	[tilespmem:v3+s13+$0xC040 ss:$0x1] =	vst.idx.msk $0xffff, v18;
	v18 =	vadd.f32 v20, v17;
	v14 =	vld.idx.msk [tilespmem:v3+s7+$0x4450 ss:$0x1], $0xffff  }
0x64c: {  	v17 =	vadd.f32 v21, v19;
	s13 =	sadd.s32 $0x800, s13;
	[tilespmem:v3+s6+$0xC050 ss:$0x1] =	vst.idx.msk $0xffff, v22;
	v15 =	vld.idx.msk [tilespmem:v3+s7+$0x4460 ss:$0x1], $0xffff  }
0x64d: {  	_ =	sdelay $0x3  }
0x64e: {  	[tilespmem:v3+s6+$0xC060 ss:$0x1] =	vst.idx.msk $0xffff, v16  }
0x64f: {  	v9 =	vadd.f32 v10, v9;
	[tilespmem:v3+s6+$0xC070 ss:$0x1] =	vst.idx.msk $0xffff, v18  }
0x650: {  	v7 =	vadd.f32 v11, v7;
	s5 =	sadd.s32 $0x1, s5;
	[tilespmem:v3+s6+$0xC400 ss:$0x1] =	vst.idx.msk $0xffff, v17  }
0x651: {  	v8 =	vadd.f32 v12, v8;
	p0 =	sne.s32 s5, $0x10;
	[tilespmem:v3+s6+$0xC410 ss:$0x1] =	vst.idx.msk $0xffff, v9  }
.Ltmp27:
0x652: {  	v5 =	vadd.f32 v13, v5;
	[tilespmem:v3+s6+$0xC420 ss:$0x1] =	vst.idx.msk $0xffff, v7;
	(pc) =	sbr.rel @p0 .LBB2_54-.Ltmp27, $4  }
0x653: {  	v6 =	vadd.f32 v14, v6;
	[tilespmem:v3+s6+$0xC430 ss:$0x1] =	vst.idx.msk $0xffff, v8  }
0x654: {  	v4 =	vadd.f32 v15, v4;
	[tilespmem:v3+s6+$0xC440 ss:$0x1] =	vst.idx.msk $0xffff, v5  }
0x655: {  	[tilespmem:v3+s6+$0xC450 ss:$0x1] =	vst.idx.msk $0xffff, v6  }
0x656: {  	s0 =	sadd.s32 $0x1, s0;
	s18 =	sadd.s32 $0x400, s18;
	[tilespmem:v3+s6+$0xC460 ss:$0x1] =	vst.idx.msk $0xffff, v4  }
0x657: {  	s18 =	simm.s32 $0x0;
	s0 =	rddreg [dreg:$0x19]  }
0x658: {  	[hbm4b:s0+s18] =	stream.linear.scatter [tilespmem:s12], [sflag:$0x9], $0x4000, $0x38;
	[tilespmem:$0x1C200] =	vst v63  }
0x659: {  	_ =	swait.ge [sflag:s30], $0x4000  }
0x65a: {  	[sflag:s30] =	ssyncset.done $0x0  }
0x65b: {  	s5 =	simm.s32 $0x0;
	s0 =	simm.s32 $0x0;
	[sflag:s30] =	ssyncadd.s32 $0xFFFFC000  }
.LBB2_58:
0x65c: {  	s6 =	sand.u32 $0x7, s0  }
0x65d: {  	s6 =	sshll.u32 s6, $0x9  }
0x65e: {  	s6 =	sshrl.u32 s6, $0x2  }
0x65f: {  	v3 =	vmov s6;
	_ =	sdelay $0x2  }
0x660: {  	s7 =	sand.u32 $0x3FFFE000, s18  }
0x661: {  	s6 =	sor.u32 $0x200, s7  }
0x662: {  	v4 =	vld.idx.msk [tilespmem:v3+s6+$0x10470 ss:$0x1], $0xffff  }
0x663: {  	s7 =	sadd.s32 $0x14670, s7;
	v5 =	vld.idx.msk [tilespmem:v3+s6+$0x10010 ss:$0x1], $0xffff  }
0x664: {  	v6 =	vld.idx.msk [tilespmem:v3+s7+$0x0 ss:$0x1], $0xffff  }
0x665: {  	v7 =	vld.idx.msk [tilespmem:v3+s6+$0x10020 ss:$0x1], $0xffff  }
0x666: {  	v8 =	vld.idx.msk [tilespmem:v3+s6+$0x10030 ss:$0x1], $0xffff  }
0x667: {  	v9 =	vld.idx.msk [tilespmem:v3+s6+$0x10040 ss:$0x1], $0xffff  }
0x668: {  	v10 =	vld.idx.msk [tilespmem:v3+s6+$0x10050 ss:$0x1], $0xffff  }
0x669: {  	v11 =	vld.idx.msk [tilespmem:v3+s6+$0x10060 ss:$0x1], $0xffff  }
0x66a: {  	v12 =	vld.idx.msk [tilespmem:v3+s6+$0x10070 ss:$0x1], $0xffff  }
0x66b: {  	v13 =	vld.idx.msk [tilespmem:v3+s6+$0x10400 ss:$0x1], $0xffff  }
0x66c: {  	v14 =	vld.idx.msk [tilespmem:v3+s6+$0x10410 ss:$0x1], $0xffff  }
0x66d: {  	v15 =	vld.idx.msk [tilespmem:v3+s6+$0x10420 ss:$0x1], $0xffff  }
0x66e: {  	v16 =	vld.idx.msk [tilespmem:v3+s6+$0x10430 ss:$0x1], $0xffff  }
0x66f: {  	v17 =	vld.idx.msk [tilespmem:v3+s6+$0x10440 ss:$0x1], $0xffff  }
0x670: {  	v18 =	vld.idx.msk [tilespmem:v3+s6+$0x10450 ss:$0x1], $0xffff  }
0x671: {  	v19 =	vld.idx.msk [tilespmem:v3+s6+$0x10460 ss:$0x1], $0xffff  }
0x672: {  	v20 =	vld.idx.msk [tilespmem:v3+s6+$0x10000 ss:$0x1], $0xffff  }
0x673: {  	v21 =	vld.idx.msk [tilespmem:v3+s7+$0xFFFFFB90 ss:$0x1], $0xffff  }
0x674: {  	v22 =	vld.idx.msk [tilespmem:v3+s7+$0xFFFFFBA0 ss:$0x1], $0xffff  }
0x675: {  	v23 =	vld.idx.msk [tilespmem:v3+s7+$0xFFFFFBB0 ss:$0x1], $0xffff  }
0x676: {  	v24 =	vld.idx.msk [tilespmem:v3+s7+$0xFFFFFBC0 ss:$0x1], $0xffff  }
0x677: {  	v25 =	vld.idx.msk [tilespmem:v3+s7+$0xFFFFFBD0 ss:$0x1], $0xffff  }
0x678: {  	v26 =	vld.idx.msk [tilespmem:v3+s7+$0xFFFFFBE0 ss:$0x1], $0xffff;
	v4 =	vmul.f32 $3.200000000e+01, v4  }
0x679: {  	v27 =	vld.idx.msk [tilespmem:v3+s7+$0xFFFFFBF0 ss:$0x1], $0xffff;
	v20 =	vmul.f32 $3.200000000e+01, v20  }
0x67a: {  	v61 =	vld.idx.msk [tilespmem:v3+s7+$0xFFFFFF90 ss:$0x1], $0xffff;
	v5 =	vmul.f32 $3.200000000e+01, v5;
	v4 =	vadd.f32 v6, v4  }
0x67b: {  	v62 =	vmul.f32 $3.200000000e+01, v10;
	v10 =	vld.idx.msk [tilespmem:v3+s7+$0xFFFFFFA0 ss:$0x1], $0xffff;
	v6 =	vmul.f32 $3.200000000e+01, v7;
	v7 =	vadd.f32 v21, v20  }
0x67c: {  	v28 =	vmul.f32 $3.200000000e+01, v11;
	v63 =	vmul.f32 $3.200000000e+01, v12;
	v11 =	vld.idx.msk [tilespmem:v3+s7+$0xFFFFFFB0 ss:$0x1], $0xffff;
	v5 =	vadd.f32 v22, v5;
	[tilespmem:v3+s6+$0x10470 ss:$0x1] =	vst.idx.msk $0xffff, v4  }
0x67d: {  	v29 =	vmul.f32 $3.200000000e+01, v13;
	v20 =	vld.idx.msk [tilespmem:v3+s7+$0xFFFFFC00 ss:$0x1], $0xffff;
	v4 =	vmul.f32 $3.200000000e+01, v8;
	v6 =	vadd.f32 v23, v6;
	[tilespmem:v3+s6+$0x10000 ss:$0x1] =	vst.idx.msk $0xffff, v7  }
0x67e: {  	v12 =	vld.idx.msk [tilespmem:v3+s7+$0xFFFFFFC0 ss:$0x1], $0xffff;
	v8 =	vmul.f32 $3.200000000e+01, v9;
	[tilespmem:v3+s6+$0x10010 ss:$0x1] =	vst.idx.msk $0xffff, v5;
	v7 =	vmul.f32 $3.200000000e+01, v15;
	v15 =	vadd.f32 v26, v62  }
0x67f: {  	v13 =	vld.idx.msk [tilespmem:v3+s7+$0xFFFFFFD0 ss:$0x1], $0xffff;
	v9 =	vmul.f32 $3.200000000e+01, v14;
	v4 =	vadd.f32 v24, v4;
	[tilespmem:v3+s6+$0x10020 ss:$0x1] =	vst.idx.msk $0xffff, v6  }
0x680: {  	v5 =	vmul.f32 $3.200000000e+01, v17;
	v17 =	vadd.f32 v61, v29;
	v14 =	vadd.f32 v25, v8;
	[tilespmem:v3+s6+$0x10050 ss:$0x1] =	vst.idx.msk $0xffff, v15  }
0x681: {  	v8 =	vmul.f32 $3.200000000e+01, v16;
	v16 =	vadd.f32 v27, v28;
	v15 =	vld.idx.msk [tilespmem:v3+s7+$0xFFFFFFF0 ss:$0x1], $0xffff;
	[tilespmem:v3+s6+$0x10030 ss:$0x1] =	vst.idx.msk $0xffff, v4  }
0x682: {  	s8 =	simm.s32 $0x0;
	s13 =	sadd.s32 $0x800, s6;
	v6 =	vmul.f32 $3.200000000e+01, v18;
	v18 =	vadd.f32 v20, v63;
	v4 =	vmul.f32 $3.200000000e+01, v19;
	[tilespmem:v3+s6+$0x10040 ss:$0x1] =	vst.idx.msk $0xffff, v14;
	v14 =	vld.idx.msk [tilespmem:v3+s7+$0xFFFFFFE0 ss:$0x1], $0xffff  }
.LBB2_59:
0x683: {  	v19 =	vld.idx.msk [tilespmem:v3+s13+$0x10470 ss:$0x1], $0xffff;
	s8 =	sadd.s32 $0x10, s8;
	[tilespmem:v3+s6+$0x10060 ss:$0x1] =	vst.idx.msk $0xffff, v16;
	v9 =	vadd.f32 v10, v9  }
0x684: {  	v7 =	vadd.f32 v11, v7;
	s7 =	sadd.s32 $0x800, s7;
	v10 =	vld.idx.msk [tilespmem:v3+s13+$0x10010 ss:$0x1], $0xffff;
	p0 =	slt.u32 s8, $0x30;
	[tilespmem:v3+s6+$0x10070 ss:$0x1] =	vst.idx.msk $0xffff, v18  }
0x685: {  	v8 =	vadd.f32 v12, v8;
	v11 =	vld.idx.msk [tilespmem:v3+s7+$0x0 ss:$0x1], $0xffff;
	[tilespmem:v3+s6+$0x10400 ss:$0x1] =	vst.idx.msk $0xffff, v17  }
0x686: {  	v5 =	vadd.f32 v13, v5;
	v12 =	vld.idx.msk [tilespmem:v3+s13+$0x10020 ss:$0x1], $0xffff;
	[tilespmem:v3+s6+$0x10410 ss:$0x1] =	vst.idx.msk $0xffff, v9  }
0x687: {  	v6 =	vadd.f32 v14, v6;
	v9 =	vld.idx.msk [tilespmem:v3+s13+$0x10030 ss:$0x1], $0xffff;
	[tilespmem:v3+s6+$0x10420 ss:$0x1] =	vst.idx.msk $0xffff, v7  }
0x688: {  	v4 =	vadd.f32 v15, v4;
	v7 =	vld.idx.msk [tilespmem:v3+s13+$0x10040 ss:$0x1], $0xffff;
	[tilespmem:v3+s6+$0x10430 ss:$0x1] =	vst.idx.msk $0xffff, v8  }
0x689: {  	v13 =	vmul.f32 $3.200000000e+01, v19;
	v8 =	vld.idx.msk [tilespmem:v3+s13+$0x10050 ss:$0x1], $0xffff;
	[tilespmem:v3+s6+$0x10440 ss:$0x1] =	vst.idx.msk $0xffff, v5  }
0x68a: {  	v10 =	vmul.f32 $3.200000000e+01, v10;
	v5 =	vld.idx.msk [tilespmem:v3+s13+$0x10060 ss:$0x1], $0xffff;
	[tilespmem:v3+s6+$0x10450 ss:$0x1] =	vst.idx.msk $0xffff, v6  }
0x68b: {  	v11 =	vadd.f32 v11, v13;
	v6 =	vld.idx.msk [tilespmem:v3+s13+$0x10070 ss:$0x1], $0xffff;
	[tilespmem:v3+s6+$0x10460 ss:$0x1] =	vst.idx.msk $0xffff, v4;
	s6 =	smov.u32 s13  }
0x68c: {  	v12 =	vmul.f32 $3.200000000e+01, v12;
	v4 =	vld.idx.msk [tilespmem:v3+s13+$0x10400 ss:$0x1], $0xffff  }
0x68d: {  	v13 =	vmul.f32 $3.200000000e+01, v9;
	v9 =	vld.idx.msk [tilespmem:v3+s13+$0x10410 ss:$0x1], $0xffff;
	[tilespmem:v3+s13+$0x10470 ss:$0x1] =	vst.idx.msk $0xffff, v11  }
0x68e: {  	v11 =	vmul.f32 $3.200000000e+01, v7;
	v7 =	vld.idx.msk [tilespmem:v3+s13+$0x10420 ss:$0x1], $0xffff  }
0x68f: {  	v14 =	vmul.f32 $3.200000000e+01, v8;
	v8 =	vld.idx.msk [tilespmem:v3+s13+$0x10430 ss:$0x1], $0xffff  }
0x690: {  	v15 =	vmul.f32 $3.200000000e+01, v5;
	v5 =	vld.idx.msk [tilespmem:v3+s13+$0x10440 ss:$0x1], $0xffff  }
0x691: {  	v17 =	vmul.f32 $3.200000000e+01, v6;
	v6 =	vld.idx.msk [tilespmem:v3+s13+$0x10450 ss:$0x1], $0xffff  }
0x692: {  	v19 =	vmul.f32 $3.200000000e+01, v4;
	v4 =	vld.idx.msk [tilespmem:v3+s13+$0x10460 ss:$0x1], $0xffff  }
0x693: {  	v9 =	vmul.f32 $3.200000000e+01, v9;
	v16 =	vld.idx.msk [tilespmem:v3+s13+$0x10000 ss:$0x1], $0xffff  }
0x694: {  	v7 =	vmul.f32 $3.200000000e+01, v7;
	v18 =	vld.idx.msk [tilespmem:v3+s7+$0xFFFFFB90 ss:$0x1], $0xffff  }
0x695: {  	v8 =	vmul.f32 $3.200000000e+01, v8;
	v20 =	vld.idx.msk [tilespmem:v3+s7+$0xFFFFFBA0 ss:$0x1], $0xffff  }
0x696: {  	v5 =	vmul.f32 $3.200000000e+01, v5;
	v21 =	vld.idx.msk [tilespmem:v3+s7+$0xFFFFFBB0 ss:$0x1], $0xffff  }
0x697: {  	v6 =	vmul.f32 $3.200000000e+01, v6;
	v22 =	vld.idx.msk [tilespmem:v3+s7+$0xFFFFFBC0 ss:$0x1], $0xffff  }
0x698: {  	v4 =	vmul.f32 $3.200000000e+01, v4;
	v23 =	vld.idx.msk [tilespmem:v3+s7+$0xFFFFFBD0 ss:$0x1], $0xffff  }
0x699: {  	v16 =	vmul.f32 $3.200000000e+01, v16;
	v24 =	vld.idx.msk [tilespmem:v3+s7+$0xFFFFFBE0 ss:$0x1], $0xffff  }
0x69a: {  	v25 =	vld.idx.msk [tilespmem:v3+s7+$0xFFFFFBF0 ss:$0x1], $0xffff  }
0x69b: {  	v16 =	vadd.f32 v18, v16;
	v18 =	vadd.f32 v20, v10;
	v20 =	vld.idx.msk [tilespmem:v3+s7+$0xFFFFFC00 ss:$0x1], $0xffff  }
0x69c: {  	v12 =	vadd.f32 v21, v12;
	v21 =	vld.idx.msk [tilespmem:v3+s7+$0xFFFFFF90 ss:$0x1], $0xffff  }
0x69d: {  	v13 =	vadd.f32 v22, v13;
	[tilespmem:v3+s13+$0x10000 ss:$0x1] =	vst.idx.msk $0xffff, v16;
	v10 =	vld.idx.msk [tilespmem:v3+s7+$0xFFFFFFA0 ss:$0x1], $0xffff  }
.Ltmp28:
0x69e: {  	[tilespmem:v3+s13+$0x10010 ss:$0x1] =	vst.idx.msk $0xffff, v18;
	v18 =	vadd.f32 v23, v11;
	v11 =	vld.idx.msk [tilespmem:v3+s7+$0xFFFFFFB0 ss:$0x1], $0xffff;
	(pc) =	sbr.rel @p0 .LBB2_59-.Ltmp28, $4  }
0x69f: {  	v22 =	vadd.f32 v24, v14;
	[tilespmem:v3+s13+$0x10020 ss:$0x1] =	vst.idx.msk $0xffff, v12;
	v12 =	vld.idx.msk [tilespmem:v3+s7+$0xFFFFFFC0 ss:$0x1], $0xffff  }
0x6a0: {  	v16 =	vadd.f32 v25, v15;
	[tilespmem:v3+s13+$0x10030 ss:$0x1] =	vst.idx.msk $0xffff, v13;
	v13 =	vld.idx.msk [tilespmem:v3+s7+$0xFFFFFFD0 ss:$0x1], $0xffff  }
0x6a1: {  	[tilespmem:v3+s13+$0x10040 ss:$0x1] =	vst.idx.msk $0xffff, v18;
	v18 =	vadd.f32 v20, v17;
	v14 =	vld.idx.msk [tilespmem:v3+s7+$0xFFFFFFE0 ss:$0x1], $0xffff  }
0x6a2: {  	v17 =	vadd.f32 v21, v19;
	s13 =	sadd.s32 $0x800, s13;
	[tilespmem:v3+s6+$0x10050 ss:$0x1] =	vst.idx.msk $0xffff, v22;
	v15 =	vld.idx.msk [tilespmem:v3+s7+$0xFFFFFFF0 ss:$0x1], $0xffff  }
0x6a3: {  	_ =	sdelay $0x3  }
0x6a4: {  	[tilespmem:v3+s6+$0x10060 ss:$0x1] =	vst.idx.msk $0xffff, v16  }
0x6a5: {  	v9 =	vadd.f32 v10, v9;
	[tilespmem:v3+s6+$0x10070 ss:$0x1] =	vst.idx.msk $0xffff, v18  }
0x6a6: {  	v7 =	vadd.f32 v11, v7;
	s5 =	sadd.s32 $0x1, s5;
	[tilespmem:v3+s6+$0x10400 ss:$0x1] =	vst.idx.msk $0xffff, v17  }
0x6a7: {  	v8 =	vadd.f32 v12, v8;
	p0 =	sne.s32 s5, $0x10;
	[tilespmem:v3+s6+$0x10410 ss:$0x1] =	vst.idx.msk $0xffff, v9  }
.Ltmp29:
0x6a8: {  	v5 =	vadd.f32 v13, v5;
	[tilespmem:v3+s6+$0x10420 ss:$0x1] =	vst.idx.msk $0xffff, v7;
	(pc) =	sbr.rel @p0 .LBB2_58-.Ltmp29, $4  }
0x6a9: {  	v6 =	vadd.f32 v14, v6;
	[tilespmem:v3+s6+$0x10430 ss:$0x1] =	vst.idx.msk $0xffff, v8  }
0x6aa: {  	v4 =	vadd.f32 v15, v4;
	[tilespmem:v3+s6+$0x10440 ss:$0x1] =	vst.idx.msk $0xffff, v5  }
0x6ab: {  	[tilespmem:v3+s6+$0x10450 ss:$0x1] =	vst.idx.msk $0xffff, v6  }
0x6ac: {  	s0 =	sadd.s32 $0x1, s0;
	s18 =	sadd.s32 $0x400, s18;
	[tilespmem:v3+s6+$0x10460 ss:$0x1] =	vst.idx.msk $0xffff, v4  }
0x6ad: {  	s18 =	simm.s32 $0x0;
	s0 =	rddreg [dreg:$0x1a]  }
0x6ae: {  	[hbm4b:s0+s18] =	stream.linear.scatter [tilespmem:s26], [sflag:$0xA], $0x4000, $0x38;
	[tilespmem:$0x1C200] =	vst v63  }
0x6af: {  	_ =	swait.ge [sflag:s25], $0x4000  }
0x6b0: {  	[sflag:s25] =	ssyncset.done $0x0  }
0x6b1: {  	s5 =	simm.s32 $0x0;
	s0 =	simm.s32 $0x0;
	[sflag:s25] =	ssyncadd.s32 $0xFFFFC000  }
.LBB2_62:
0x6b2: {  	s6 =	sand.u32 $0x7, s0  }
0x6b3: {  	s6 =	sshll.u32 s6, $0x9  }
0x6b4: {  	s6 =	sshrl.u32 s6, $0x2  }
0x6b5: {  	v3 =	vmov s6;
	_ =	sdelay $0x2  }
0x6b6: {  	s7 =	sand.u32 $0x3FFFE000, s18  }
0x6b7: {  	s6 =	sor.u32 $0x600, s7  }
0x6b8: {  	v4 =	vld.idx.msk [tilespmem:v3+s6+$0x70 ss:$0x1], $0xffff  }
0x6b9: {  	s7 =	sadd.s32 $0x14200, s7;
	v5 =	vld.idx.msk [tilespmem:v3+s6+$0xFFFFFC10 ss:$0x1], $0xffff  }
0x6ba: {  	v6 =	vld.idx.msk [tilespmem:v3+s7+$0x4470 ss:$0x1], $0xffff  }
0x6bb: {  	v7 =	vld.idx.msk [tilespmem:v3+s6+$0xFFFFFC20 ss:$0x1], $0xffff  }
0x6bc: {  	v8 =	vld.idx.msk [tilespmem:v3+s6+$0xFFFFFC30 ss:$0x1], $0xffff  }
0x6bd: {  	v9 =	vld.idx.msk [tilespmem:v3+s6+$0xFFFFFC40 ss:$0x1], $0xffff  }
0x6be: {  	v10 =	vld.idx.msk [tilespmem:v3+s6+$0xFFFFFC50 ss:$0x1], $0xffff  }
0x6bf: {  	v11 =	vld.idx.msk [tilespmem:v3+s6+$0xFFFFFC60 ss:$0x1], $0xffff  }
0x6c0: {  	v12 =	vld.idx.msk [tilespmem:v3+s6+$0xFFFFFC70 ss:$0x1], $0xffff  }
0x6c1: {  	v13 =	vld.idx.msk [tilespmem:v3+s6+$0x0 ss:$0x1], $0xffff  }
0x6c2: {  	v14 =	vld.idx.msk [tilespmem:v3+s6+$0x10 ss:$0x1], $0xffff  }
0x6c3: {  	v15 =	vld.idx.msk [tilespmem:v3+s6+$0x20 ss:$0x1], $0xffff  }
0x6c4: {  	v16 =	vld.idx.msk [tilespmem:v3+s6+$0x30 ss:$0x1], $0xffff  }
0x6c5: {  	v17 =	vld.idx.msk [tilespmem:v3+s6+$0x40 ss:$0x1], $0xffff  }
0x6c6: {  	v18 =	vld.idx.msk [tilespmem:v3+s6+$0x50 ss:$0x1], $0xffff  }
0x6c7: {  	v19 =	vld.idx.msk [tilespmem:v3+s6+$0x60 ss:$0x1], $0xffff  }
0x6c8: {  	v20 =	vld.idx.msk [tilespmem:v3+s6+$0xFFFFFC00 ss:$0x1], $0xffff  }
0x6c9: {  	v21 =	vld.idx.msk [tilespmem:v3+s7+$0x4000 ss:$0x1], $0xffff  }
0x6ca: {  	v22 =	vld.idx.msk [tilespmem:v3+s7+$0x4010 ss:$0x1], $0xffff  }
0x6cb: {  	v23 =	vld.idx.msk [tilespmem:v3+s7+$0x4020 ss:$0x1], $0xffff  }
0x6cc: {  	v24 =	vld.idx.msk [tilespmem:v3+s7+$0x4030 ss:$0x1], $0xffff  }
0x6cd: {  	v25 =	vld.idx.msk [tilespmem:v3+s7+$0x4040 ss:$0x1], $0xffff  }
0x6ce: {  	v26 =	vld.idx.msk [tilespmem:v3+s7+$0x4050 ss:$0x1], $0xffff;
	v4 =	vmul.f32 $3.200000000e+01, v4  }
0x6cf: {  	v27 =	vld.idx.msk [tilespmem:v3+s7+$0x4060 ss:$0x1], $0xffff;
	v20 =	vmul.f32 $3.200000000e+01, v20  }
0x6d0: {  	v61 =	vld.idx.msk [tilespmem:v3+s7+$0x4400 ss:$0x1], $0xffff;
	v5 =	vmul.f32 $3.200000000e+01, v5;
	v4 =	vadd.f32 v6, v4  }
0x6d1: {  	v62 =	vmul.f32 $3.200000000e+01, v10;
	v10 =	vld.idx.msk [tilespmem:v3+s7+$0x4410 ss:$0x1], $0xffff;
	v6 =	vmul.f32 $3.200000000e+01, v7;
	v7 =	vadd.f32 v21, v20  }
0x6d2: {  	v28 =	vmul.f32 $3.200000000e+01, v11;
	v63 =	vmul.f32 $3.200000000e+01, v12;
	v11 =	vld.idx.msk [tilespmem:v3+s7+$0x4420 ss:$0x1], $0xffff;
	v5 =	vadd.f32 v22, v5;
	[tilespmem:v3+s6+$0x70 ss:$0x1] =	vst.idx.msk $0xffff, v4  }
0x6d3: {  	v29 =	vmul.f32 $3.200000000e+01, v13;
	v20 =	vld.idx.msk [tilespmem:v3+s7+$0x4070 ss:$0x1], $0xffff;
	v4 =	vmul.f32 $3.200000000e+01, v8;
	v6 =	vadd.f32 v23, v6;
	[tilespmem:v3+s6+$0xFFFFFC00 ss:$0x1] =	vst.idx.msk $0xffff, v7  }
0x6d4: {  	v12 =	vld.idx.msk [tilespmem:v3+s7+$0x4430 ss:$0x1], $0xffff;
	v8 =	vmul.f32 $3.200000000e+01, v9;
	[tilespmem:v3+s6+$0xFFFFFC10 ss:$0x1] =	vst.idx.msk $0xffff, v5;
	v7 =	vmul.f32 $3.200000000e+01, v15;
	v15 =	vadd.f32 v26, v62  }
0x6d5: {  	v13 =	vld.idx.msk [tilespmem:v3+s7+$0x4440 ss:$0x1], $0xffff;
	v9 =	vmul.f32 $3.200000000e+01, v14;
	v4 =	vadd.f32 v24, v4;
	[tilespmem:v3+s6+$0xFFFFFC20 ss:$0x1] =	vst.idx.msk $0xffff, v6  }
0x6d6: {  	v5 =	vmul.f32 $3.200000000e+01, v17;
	v17 =	vadd.f32 v61, v29;
	v14 =	vadd.f32 v25, v8;
	[tilespmem:v3+s6+$0xFFFFFC50 ss:$0x1] =	vst.idx.msk $0xffff, v15  }
0x6d7: {  	v8 =	vmul.f32 $3.200000000e+01, v16;
	v16 =	vadd.f32 v27, v28;
	v15 =	vld.idx.msk [tilespmem:v3+s7+$0x4460 ss:$0x1], $0xffff;
	[tilespmem:v3+s6+$0xFFFFFC30 ss:$0x1] =	vst.idx.msk $0xffff, v4  }
0x6d8: {  	s8 =	simm.s32 $0x0;
	s13 =	sadd.s32 $0x800, s6;
	v6 =	vmul.f32 $3.200000000e+01, v18;
	v18 =	vadd.f32 v20, v63;
	v4 =	vmul.f32 $3.200000000e+01, v19;
	[tilespmem:v3+s6+$0xFFFFFC40 ss:$0x1] =	vst.idx.msk $0xffff, v14;
	v14 =	vld.idx.msk [tilespmem:v3+s7+$0x4450 ss:$0x1], $0xffff  }
.LBB2_63:
0x6d9: {  	v19 =	vld.idx.msk [tilespmem:v3+s13+$0x70 ss:$0x1], $0xffff;
	s8 =	sadd.s32 $0x10, s8;
	[tilespmem:v3+s6+$0xFFFFFC60 ss:$0x1] =	vst.idx.msk $0xffff, v16;
	v9 =	vadd.f32 v10, v9  }
0x6da: {  	v7 =	vadd.f32 v11, v7;
	s7 =	sadd.s32 $0x800, s7;
	v10 =	vld.idx.msk [tilespmem:v3+s13+$0xFFFFFC10 ss:$0x1], $0xffff;
	p0 =	slt.u32 s8, $0x30;
	[tilespmem:v3+s6+$0xFFFFFC70 ss:$0x1] =	vst.idx.msk $0xffff, v18  }
0x6db: {  	v8 =	vadd.f32 v12, v8;
	v11 =	vld.idx.msk [tilespmem:v3+s7+$0x4470 ss:$0x1], $0xffff;
	[tilespmem:v3+s6+$0x0 ss:$0x1] =	vst.idx.msk $0xffff, v17  }
0x6dc: {  	v5 =	vadd.f32 v13, v5;
	v12 =	vld.idx.msk [tilespmem:v3+s13+$0xFFFFFC20 ss:$0x1], $0xffff;
	[tilespmem:v3+s6+$0x10 ss:$0x1] =	vst.idx.msk $0xffff, v9  }
0x6dd: {  	v6 =	vadd.f32 v14, v6;
	v9 =	vld.idx.msk [tilespmem:v3+s13+$0xFFFFFC30 ss:$0x1], $0xffff;
	[tilespmem:v3+s6+$0x20 ss:$0x1] =	vst.idx.msk $0xffff, v7  }
0x6de: {  	v4 =	vadd.f32 v15, v4;
	v7 =	vld.idx.msk [tilespmem:v3+s13+$0xFFFFFC40 ss:$0x1], $0xffff;
	[tilespmem:v3+s6+$0x30 ss:$0x1] =	vst.idx.msk $0xffff, v8  }
0x6df: {  	v13 =	vmul.f32 $3.200000000e+01, v19;
	v8 =	vld.idx.msk [tilespmem:v3+s13+$0xFFFFFC50 ss:$0x1], $0xffff;
	[tilespmem:v3+s6+$0x40 ss:$0x1] =	vst.idx.msk $0xffff, v5  }
0x6e0: {  	v10 =	vmul.f32 $3.200000000e+01, v10;
	v5 =	vld.idx.msk [tilespmem:v3+s13+$0xFFFFFC60 ss:$0x1], $0xffff;
	[tilespmem:v3+s6+$0x50 ss:$0x1] =	vst.idx.msk $0xffff, v6  }
0x6e1: {  	v11 =	vadd.f32 v11, v13;
	v6 =	vld.idx.msk [tilespmem:v3+s13+$0xFFFFFC70 ss:$0x1], $0xffff;
	[tilespmem:v3+s6+$0x60 ss:$0x1] =	vst.idx.msk $0xffff, v4;
	s6 =	smov.u32 s13  }
0x6e2: {  	v12 =	vmul.f32 $3.200000000e+01, v12;
	v4 =	vld.idx.msk [tilespmem:v3+s13+$0x0 ss:$0x1], $0xffff  }
0x6e3: {  	v13 =	vmul.f32 $3.200000000e+01, v9;
	v9 =	vld.idx.msk [tilespmem:v3+s13+$0x10 ss:$0x1], $0xffff;
	[tilespmem:v3+s13+$0x70 ss:$0x1] =	vst.idx.msk $0xffff, v11  }
0x6e4: {  	v11 =	vmul.f32 $3.200000000e+01, v7;
	v7 =	vld.idx.msk [tilespmem:v3+s13+$0x20 ss:$0x1], $0xffff  }
0x6e5: {  	v14 =	vmul.f32 $3.200000000e+01, v8;
	v8 =	vld.idx.msk [tilespmem:v3+s13+$0x30 ss:$0x1], $0xffff  }
0x6e6: {  	v15 =	vmul.f32 $3.200000000e+01, v5;
	v5 =	vld.idx.msk [tilespmem:v3+s13+$0x40 ss:$0x1], $0xffff  }
0x6e7: {  	v17 =	vmul.f32 $3.200000000e+01, v6;
	v6 =	vld.idx.msk [tilespmem:v3+s13+$0x50 ss:$0x1], $0xffff  }
0x6e8: {  	v19 =	vmul.f32 $3.200000000e+01, v4;
	v4 =	vld.idx.msk [tilespmem:v3+s13+$0x60 ss:$0x1], $0xffff  }
0x6e9: {  	v9 =	vmul.f32 $3.200000000e+01, v9;
	v16 =	vld.idx.msk [tilespmem:v3+s13+$0xFFFFFC00 ss:$0x1], $0xffff  }
0x6ea: {  	v7 =	vmul.f32 $3.200000000e+01, v7;
	v18 =	vld.idx.msk [tilespmem:v3+s7+$0x4000 ss:$0x1], $0xffff  }
0x6eb: {  	v8 =	vmul.f32 $3.200000000e+01, v8;
	v20 =	vld.idx.msk [tilespmem:v3+s7+$0x4010 ss:$0x1], $0xffff  }
0x6ec: {  	v5 =	vmul.f32 $3.200000000e+01, v5;
	v21 =	vld.idx.msk [tilespmem:v3+s7+$0x4020 ss:$0x1], $0xffff  }
0x6ed: {  	v6 =	vmul.f32 $3.200000000e+01, v6;
	v22 =	vld.idx.msk [tilespmem:v3+s7+$0x4030 ss:$0x1], $0xffff  }
0x6ee: {  	v4 =	vmul.f32 $3.200000000e+01, v4;
	v23 =	vld.idx.msk [tilespmem:v3+s7+$0x4040 ss:$0x1], $0xffff  }
0x6ef: {  	v16 =	vmul.f32 $3.200000000e+01, v16;
	v24 =	vld.idx.msk [tilespmem:v3+s7+$0x4050 ss:$0x1], $0xffff  }
0x6f0: {  	v25 =	vld.idx.msk [tilespmem:v3+s7+$0x4060 ss:$0x1], $0xffff  }
0x6f1: {  	v16 =	vadd.f32 v18, v16;
	v18 =	vadd.f32 v20, v10;
	v20 =	vld.idx.msk [tilespmem:v3+s7+$0x4070 ss:$0x1], $0xffff  }
0x6f2: {  	v12 =	vadd.f32 v21, v12;
	v21 =	vld.idx.msk [tilespmem:v3+s7+$0x4400 ss:$0x1], $0xffff  }
0x6f3: {  	v13 =	vadd.f32 v22, v13;
	[tilespmem:v3+s13+$0xFFFFFC00 ss:$0x1] =	vst.idx.msk $0xffff, v16;
	v10 =	vld.idx.msk [tilespmem:v3+s7+$0x4410 ss:$0x1], $0xffff  }
.Ltmp30:
0x6f4: {  	[tilespmem:v3+s13+$0xFFFFFC10 ss:$0x1] =	vst.idx.msk $0xffff, v18;
	v18 =	vadd.f32 v23, v11;
	v11 =	vld.idx.msk [tilespmem:v3+s7+$0x4420 ss:$0x1], $0xffff;
	(pc) =	sbr.rel @p0 .LBB2_63-.Ltmp30, $4  }
0x6f5: {  	v22 =	vadd.f32 v24, v14;
	[tilespmem:v3+s13+$0xFFFFFC20 ss:$0x1] =	vst.idx.msk $0xffff, v12;
	v12 =	vld.idx.msk [tilespmem:v3+s7+$0x4430 ss:$0x1], $0xffff  }
0x6f6: {  	v16 =	vadd.f32 v25, v15;
	[tilespmem:v3+s13+$0xFFFFFC30 ss:$0x1] =	vst.idx.msk $0xffff, v13;
	v13 =	vld.idx.msk [tilespmem:v3+s7+$0x4440 ss:$0x1], $0xffff  }
0x6f7: {  	[tilespmem:v3+s13+$0xFFFFFC40 ss:$0x1] =	vst.idx.msk $0xffff, v18;
	v18 =	vadd.f32 v20, v17;
	v14 =	vld.idx.msk [tilespmem:v3+s7+$0x4450 ss:$0x1], $0xffff  }
0x6f8: {  	v17 =	vadd.f32 v21, v19;
	s13 =	sadd.s32 $0x800, s13;
	[tilespmem:v3+s6+$0xFFFFFC50 ss:$0x1] =	vst.idx.msk $0xffff, v22;
	v15 =	vld.idx.msk [tilespmem:v3+s7+$0x4460 ss:$0x1], $0xffff  }
0x6f9: {  	_ =	sdelay $0x3  }
0x6fa: {  	[tilespmem:v3+s6+$0xFFFFFC60 ss:$0x1] =	vst.idx.msk $0xffff, v16  }
0x6fb: {  	v9 =	vadd.f32 v10, v9;
	[tilespmem:v3+s6+$0xFFFFFC70 ss:$0x1] =	vst.idx.msk $0xffff, v18  }
0x6fc: {  	v7 =	vadd.f32 v11, v7;
	s5 =	sadd.s32 $0x1, s5;
	[tilespmem:v3+s6+$0x0 ss:$0x1] =	vst.idx.msk $0xffff, v17  }
0x6fd: {  	v8 =	vadd.f32 v12, v8;
	p0 =	sne.s32 s5, $0x10;
	[tilespmem:v3+s6+$0x10 ss:$0x1] =	vst.idx.msk $0xffff, v9  }
.Ltmp31:
0x6fe: {  	v5 =	vadd.f32 v13, v5;
	[tilespmem:v3+s6+$0x20 ss:$0x1] =	vst.idx.msk $0xffff, v7;
	(pc) =	sbr.rel @p0 .LBB2_62-.Ltmp31, $4  }
0x6ff: {  	v6 =	vadd.f32 v14, v6;
	[tilespmem:v3+s6+$0x30 ss:$0x1] =	vst.idx.msk $0xffff, v8  }
0x700: {  	v4 =	vadd.f32 v15, v4;
	[tilespmem:v3+s6+$0x40 ss:$0x1] =	vst.idx.msk $0xffff, v5  }
0x701: {  	[tilespmem:v3+s6+$0x50 ss:$0x1] =	vst.idx.msk $0xffff, v6  }
0x702: {  	s0 =	sadd.s32 $0x1, s0;
	s18 =	sadd.s32 $0x400, s18;
	[tilespmem:v3+s6+$0x60 ss:$0x1] =	vst.idx.msk $0xffff, v4  }
0x703: {  	s0 =	rddreg [dreg:$0x1b]  }
0x704: {  	[hbm4b:s0+s3] =	stream.linear.scatter [tilespmem:s2], [sflag:$0x6], $0x4000, $0x38;
	[tilespmem:$0x1C200] =	vst v63  }
0x705: {  	_ =	swait.ge [sflag:s22], $0x4000  }
0x706: {  	[sflag:s22] =	ssyncset.done $0x0  }
0x707: {  	[sflag:s22] =	ssyncadd.s32 $0xFFFFC000  }
0x708: {  	_ =	swait.ge [sflag:s29], $0x4000  }
0x709: {  	[sflag:s29] =	ssyncset.done $0x0  }
0x70a: {  	[sflag:s29] =	ssyncadd.s32 $0xFFFFC000  }
0x70b: {  	_ =	swait.ge [sflag:s4], $0x4000  }
0x70c: {  	[sflag:s4] =	ssyncset.done $0x0  }
0x70d: {  	[sflag:s4] =	ssyncadd.s32 $0xFFFFC000  }
0x70e: {  	_ =	swait.ge [sflag:s16], $0x4000  }
0x70f: {  	[sflag:s16] =	ssyncset.done $0x0  }
0x710: {  	[sflag:s16] =	ssyncadd.s32 $0xFFFFC000  }
0x711: {  	_ =	swait.ge [sflag:s20], $0x4000  }
0x712: {  	s17 =	sadd.s32 $0x1, s17;
	s18 =	rddreg [dreg:$0x17]  }
0x713: {  	p0 =	sne.s32 s17, s18  }
.Ltmp32:
0x714: {  	_ = 	snop;
	(pc) =	sbr.rel @p0 .LBB2_1-.Ltmp32, $3  }
0x715: {  	_ =	sdelay $0x1  }
0x716: {  	[sflag:s20] =	ssyncset.done $0x0  }
0x717: {  	[sflag:s20] =	ssyncadd.s32 $0xFFFFC000  }
0x718: {  	_ =	sfence.sel $0x180000  }
0x719: {  	[bflag:$0x0] =	sbarrier.arrive $0xFFFF  }
0x71a: {  	_ =	strace $0x90000047  }
0x71b: {  	s0 =	stileid.u32;
	[bflag:$0x2] =	sbarrier.arrive $0xFFFF  }
0x71c: {  	p0 =	sne.s32 s0, $0x0;
	s0 =	rddreg [dreg:$0x4]  }
0x71d: {  	s0 =	sadd.s32 @!p0 $0x100000, s0  }
0x71e: {  	[sflag:s0] =	ssyncadd.tile.s32 @!p0 $0x1;
	_ =	shalt  }
.Lfunc_end2:
_tile_overlayer_lowered:
.L_overlay_start_2:
0x71f: {  	(tag) =	ssettag $0x2  }
0x720: {  	s0 =	rddreg [dreg:$0x0];
	s2 =	stileid.u32  }
0x721: {  	s1 =	rddreg [dreg:$0x1];
	p0 =	sne.s32 s2, $0x0  }
0x722: {  	s3 =	rddreg [dreg:$0x2];
	[bflag:$0x3] =	sbarrier.arrive $0xFFFF;
	s2 =	simm.s32 @!p0 $0x1C0C  }
0x723: {  	[timem:s3], [sflag:s2] =	dma.local @!p0 [hbm:s0], s1  }
0x724: {  	s0 =	simm.s32 @!p0 $0xC  }
0x725: {  	_ =	swait.ge @!p0 [sflag:s0], s1  }
0x726: {  	s1 =	ssub.s32 @!p0 $0x0, s1;
	[sflag:s0] =	ssyncset.done @!p0 $0x0  }
0x727: {  	[sflag:s0] =	ssyncadd.s32 @!p0 s1  }
0x728: {  	[bflag:$0x3] =	sbarrier.arrive $0xFFFF  }
0x729: {  	_ =	shalt  }

</sc_bundles>
